<compile_context>
chip_gen: v7x
topology: tpu7x:2x2x1
jax: 0.10.2.dev20260603
libtpu: 0.0.44.dev20260713+nightly
codegen_flags: <defaults>
</compile_context>

<pallas_src>
import jax
import jax.numpy as jnp
from jax import lax
from jax.experimental import pallas as pl
from jax.experimental.pallas import tpu as pltpu
import jax.experimental.pallas.tpu_sc as plsc

N = 10000
D = 128
E = 320000
NC = 2
NS = 16
NW = NC * NS
EPT = E // NW
C = 128
NWIN = 80
EPTP = NWIN * C
NR = 10240
RPT = NR // NS
ICH = 8
NCHK = NWIN // ICH
RB = 1000


def _mesh():
    return plsc.VectorSubcoreMesh(core_axis_name="c", subcore_axis_name="s")


def _deg_body(src3, dst3, zs2, degp, idx_s, idx_d, ones_v, acc_o, acc_i,
              sem_a, sem_b):
    cid = lax.axis_index("c")
    sid = lax.axis_index("s")
    wid = cid * NS + sid

    for j in range(8):
        ones_v[pl.ds(j * 16, 16)] = jnp.ones((16,), jnp.float32)

    @pl.when(sid == 0)
    def _():
        pltpu.sync_copy(zs2.at[0], acc_o)
        pltpu.sync_copy(zs2.at[1], acc_i)

    pltpu.sync_copy(src3.at[wid], idx_s)
    pltpu.sync_copy(dst3.at[wid], idx_d)
    plsc.subcore_barrier()

    def body(j4, carry):
        ds = []
        for t in range(4):
            j = j4 * 4 + t
            ds.append(pltpu.async_copy(ones_v, acc_o.at[idx_s.at[j]],
                                       sem_a, add=True))
            ds.append(pltpu.async_copy(ones_v, acc_i.at[idx_d.at[j]],
                                       sem_b, add=True))
        for dsc in ds:
            dsc.wait()
        return carry

    lax.fori_loop(0, NWIN // 4, body, 0)
    plsc.subcore_barrier()

    off = sid * RPT
    pltpu.sync_copy(acc_o.at[pl.ds(off, RPT)],
                    degp.at[cid, 0, pl.ds(off, RPT)])
    pltpu.sync_copy(acc_i.at[pl.ds(off, RPT)],
                    degp.at[cid, 1, pl.ds(off, RPT)])


def _deg_call(src3, dst3, zs2):
    f = pl.kernel(
        _deg_body,
        out_type=jax.ShapeDtypeStruct((NC, 2, NR), jnp.float32),
        mesh=_mesh(),
        scratch_types=[
            pltpu.VMEM((NWIN, C), jnp.int32),
            pltpu.VMEM((NWIN, C), jnp.int32),
            pltpu.VMEM((C,), jnp.float32),
            pltpu.MemorySpace.VMEM_SHARED((NR,), jnp.float32),
            pltpu.MemorySpace.VMEM_SHARED((NR,), jnp.float32),
            pltpu.SemaphoreType.DMA,
            pltpu.SemaphoreType.DMA,
        ],
    )
    return f(src3, dst3, zs2)


def _agg_body(m_hbm, src3, dst3, zrows, part, ics, icd, rows, acc,
              sem_g0, sem_g1, sem_s0, sem_s1, sem_i):
    cid = lax.axis_index("c")
    sid = lax.axis_index("s")
    wid = cid * NS + sid

    pltpu.sync_copy(zrows.at[sid], acc.at[pl.ds(sid * RPT, RPT)])

    sem_s = (sem_s0, sem_s1)
    sem_g = (sem_g0, sem_g1)

    Q = C // 4

    def _gather(slot, k, b):
        return [pltpu.async_copy(m_hbm.at[ics.at[slot, k, pl.ds(q * Q, Q)]],
                                 rows.at[b, pl.ds(q * Q, Q)], sem_g[b])
                for q in range(4)]

    pltpu.async_copy(src3.at[wid, pl.ds(0, ICH)], ics.at[0], sem_i)
    pltpu.async_copy(dst3.at[wid, pl.ds(0, ICH)], icd.at[0], sem_i)
    plsc.subcore_barrier()

    def chunk(cix, carry):
        slot = lax.rem(cix, 2)
        nslot = 1 - slot
        pltpu.make_async_copy(src3.at[wid, pl.ds(0, ICH)], ics.at[slot],
                              sem_i).wait()
        pltpu.make_async_copy(dst3.at[wid, pl.ds(0, ICH)], icd.at[slot],
                              sem_i).wait()

        @pl.when(cix > 0)
        def _():
            pltpu.make_async_copy(rows.at[0], acc.at[icd.at[0, 0]],
                                  sem_s0).wait()
            pltpu.make_async_copy(rows.at[1], acc.at[icd.at[1, 0]],
                                  sem_s1).wait()

        @pl.when(cix + 1 < NCHK)
        def _():
            nbase = (cix + 1) * ICH
            pltpu.async_copy(src3.at[wid, pl.ds(nbase, ICH)], ics.at[nslot],
                             sem_i)
            pltpu.async_copy(dst3.at[wid, pl.ds(nbase, ICH)], icd.at[nslot],
                             sem_i)

        g = [_gather(slot, 0, 0), None]
        s = [None, None]
        for k in range(ICH):
            b = k % 2
            nb = 1 - b
            if k + 1 < ICH:
                if s[nb] is not None:
                    s[nb].wait()
                g[nb] = _gather(slot, k + 1, nb)
            for gd in g[b]:
                gd.wait()
            s[b] = pltpu.async_copy(rows.at[b], acc.at[icd.at[slot, k]],
                                    sem_s[b], add=True)
        return carry

    lax.fori_loop(0, NCHK, chunk, 0)
    pltpu.make_async_copy(rows.at[0], acc.at[icd.at[0, 0]], sem_s0).wait()
    pltpu.make_async_copy(rows.at[1], acc.at[icd.at[1, 0]], sem_s1).wait()
    plsc.subcore_barrier()

    pltpu.sync_copy(acc.at[pl.ds(sid * RPT, RPT)],
                    part.at[cid, pl.ds(sid * RPT, RPT)])


def _agg_call(m, src3, dst3, zrows):
    f = pl.kernel(
        _agg_body,
        out_type=jax.ShapeDtypeStruct((NC, NR, D), jnp.float32),
        mesh=_mesh(),
        compiler_params=pltpu.CompilerParams(use_tc_tiling_on_sc=True),
        scratch_types=[
            pltpu.VMEM((2, ICH, C), jnp.int32),
            pltpu.VMEM((2, ICH, C), jnp.int32),
            pltpu.VMEM((2, C, D), jnp.float32),
            pltpu.MemorySpace.VMEM_SHARED((NR, D), jnp.float32),
            pltpu.SemaphoreType.DMA,
            pltpu.SemaphoreType.DMA,
            pltpu.SemaphoreType.DMA,
            pltpu.SemaphoreType.DMA,
            pltpu.SemaphoreType.DMA,
        ],
    )
    return f(m, src3, dst3, zrows)


def _stage_a_body(no_ref, h_ref, w_ref, o_ref):
    o_ref[...] = jnp.dot(h_ref[...] * no_ref[...], w_ref[...],
                         preferred_element_type=jnp.float32)


def _stage_a(norm_out, h, W1):
    return pl.pallas_call(
        _stage_a_body,
        out_shape=jax.ShapeDtypeStruct((NR, D), jnp.float32),
        grid=(N // RB,),
        in_specs=[
            pl.BlockSpec((RB, 1), lambda i: (i, 0)),
            pl.BlockSpec((RB, D), lambda i: (i, 0)),
            pl.BlockSpec((D, D), lambda i: (0, 0)),
        ],
        out_specs=pl.BlockSpec((RB, D), lambda i: (i, 0)),
    )(norm_out, h, W1)


def _stage_b_body(p_ref, ni_ref, b1_ref, g_ref, be_ref, no_ref, w2_ref,
                  m2_ref, x_vmem, s_vmem):
    ph = pl.program_id(0)
    i = pl.program_id(1)

    @pl.when(ph == 0)
    def _():
        x = (p_ref[0] + p_ref[1]) * ni_ref[...] + b1_ref[...]
        x_vmem[i] = x
        s0 = jnp.sum(x, axis=0)[None, :]
        s1 = jnp.sum(x * x, axis=0)[None, :]

        @pl.when(i == 0)
        def _():
            s_vmem[0:1, :] = s0
            s_vmem[1:2, :] = s1

        @pl.when(i > 0)
        def _():
            s_vmem[0:1, :] += s0
            s_vmem[1:2, :] += s1

    @pl.when(ph == 1)
    def _():
        inv_n = jnp.float32(1.0 / N)
        mean = s_vmem[0:1, :] * inv_n
        ex2 = s_vmem[1:2, :] * inv_n
        var = ex2 - mean * mean
        xb = x_vmem[i]
        xn = (xb - mean) * lax.rsqrt(var + 1e-5) * g_ref[...] + be_ref[...]
        r = jnp.maximum(xn, 0.0) * no_ref[...]
        m2_ref[...] = jnp.dot(r, w2_ref[...],
                              preferred_element_type=jnp.float32)


def _stage_b(p1, norm_in, b1, gamma, beta, norm_out, W2):
    return pl.pallas_call(
        _stage_b_body,
        out_shape=jax.ShapeDtypeStruct((NR, D), jnp.float32),
        grid=(2, N // RB),
        in_specs=[
            pl.BlockSpec((2, RB, D), lambda p, i: (0, i * (1 - p), 0)),
            pl.BlockSpec((RB, 1), lambda p, i: (i, 0)),
            pl.BlockSpec((1, D), lambda p, i: (0, 0)),
            pl.BlockSpec((1, D), lambda p, i: (0, 0)),
            pl.BlockSpec((1, D), lambda p, i: (0, 0)),
            pl.BlockSpec((RB, 1), lambda p, i: (i, 0)),
            pl.BlockSpec((D, D), lambda p, i: (0, 0)),
        ],
        out_specs=pl.BlockSpec((RB, D), lambda p, i: (i * p, 0)),
        scratch_shapes=[
            pltpu.VMEM((N // RB, RB, D), jnp.float32),
            pltpu.VMEM((8, D), jnp.float32),
        ],
    )(p1, norm_in, b1, gamma, beta, norm_out, W2)


def _stage_c_body(q_ref, ni_ref, b2_ref, o_ref):
    o_ref[...] = (q_ref[0] + q_ref[1]) * ni_ref[...] + b2_ref[...]


def _stage_c(p2, norm_in, b2):
    return pl.pallas_call(
        _stage_c_body,
        out_shape=jax.ShapeDtypeStruct((N, D), jnp.float32),
        grid=(N // RB,),
        in_specs=[
            pl.BlockSpec((2, RB, D), lambda i: (0, i, 0)),
            pl.BlockSpec((RB, 1), lambda i: (i, 0)),
            pl.BlockSpec((1, D), lambda i: (0, 0)),
        ],
        out_specs=pl.BlockSpec((RB, D), lambda i: (i, 0)),
    )(p2, norm_in, b2)


def kernel(h, edge_index, W1, b1, gamma, beta, W2, b2):
    npad = EPTP - EPT
    padi = (N + jnp.arange(npad, dtype=jnp.int32) % (NR - N))[None, :]
    src2 = edge_index[0].reshape(NW, EPT)
    dst2 = edge_index[1].reshape(NW, EPT)
    pads = jnp.broadcast_to(padi, (NW, npad))
    src3 = jnp.concatenate([src2, pads], axis=1).reshape(NW, NWIN, C)
    dst3 = jnp.concatenate([dst2, pads], axis=1).reshape(NW, NWIN, C)

    zs2 = jnp.zeros((2, NR), jnp.float32)
    zrows = jnp.zeros((NS, RPT, D), jnp.float32)

    degp = _deg_call(src3, dst3, zs2)
    deg_out = degp[0, 0, :N] + degp[1, 0, :N]
    deg_in = degp[0, 1, :N] + degp[1, 1, :N]
    norm_out = jnp.where(deg_out > 0,
                         lax.rsqrt(jnp.maximum(deg_out, 1.0)),
                         0.0).reshape(N, 1)
    norm_in = jnp.where(deg_in > 0,
                        lax.rsqrt(jnp.maximum(deg_in, 1.0)),
                        0.0).reshape(N, 1)

    m1 = _stage_a(norm_out, h, W1)
    p1 = _agg_call(m1, src3, dst3, zrows)
    m2 = _stage_b(p1, norm_in, b1.reshape(1, D), gamma.reshape(1, D),
                  beta.reshape(1, D), norm_out, W2)
    p2 = _agg_call(m2, src3, dst3, zrows)
    return _stage_c(p2, norm_in, b2.reshape(1, D))

# --- scband reference (transcript-rebuilt; emitter-appended) ---
"""Pipeline reference for scband-gcnn-5978594476372 (READ-ONLY COPY).

The authoritative reference and input builder live on the scoring server;
editing this copy changes nothing except your own understanding.
"""

import jax, jax.numpy as jnp
import numpy as np

N = 10000
E = 320000
D = 128


def setup_inputs(seed: int = 0) -> dict:
    key = jax.random.key(seed)
    ks = jax.random.split(key, 8)
    h = jax.random.normal(ks[0], (N, D), dtype=jnp.float32)
    edge_index = jax.random.randint(ks[1], (2, E), 0, N)
    W1 = jax.random.normal(ks[2], (D, D), dtype=jnp.float32) * 0.05
    b1 = jnp.zeros((D,), dtype=jnp.float32)
    gamma = jnp.ones((D,), dtype=jnp.float32)
    beta = jnp.zeros((D,), dtype=jnp.float32)
    W2 = jax.random.normal(ks[3], (D, D), dtype=jnp.float32) * 0.05
    b2 = jnp.zeros((D,), dtype=jnp.float32)
    return {"h": h, "edge_index": edge_index, "W1": W1, "b1": b1,
            "gamma": gamma, "beta": beta, "W2": W2, "b2": b2}


def _gcn_layer(x, src, dst, W, b):
    # DGL GraphConv with norm='both': D_out^{-1/2} A D_in^{-1/2} (x W) + b
    n = x.shape[0]
    deg_out = jnp.bincount(src, length=n).astype(x.dtype)
    deg_in = jnp.bincount(dst, length=n).astype(x.dtype)
    norm_out = jnp.where(deg_out > 0, jax.lax.rsqrt(jnp.maximum(deg_out, 1.0)), 0.0)
    norm_in = jnp.where(deg_in > 0, jax.lax.rsqrt(jnp.maximum(deg_in, 1.0)), 0.0)
    xw = x @ W
    m = xw * norm_out[:, None]
    agg = jax.ops.segment_sum(m[src], dst, num_segments=n)
    return agg * norm_in[:, None] + b


def _batchnorm(x, gamma, beta, eps=1e-5):
    # BatchNorm1d in training mode: batch statistics over the node dimension
    mean = jnp.mean(x, axis=0)
    var = jnp.var(x, axis=0)
    return (x - mean) * jax.lax.rsqrt(var + eps) * gamma + beta


def reference(h, edge_index, W1, b1, gamma, beta, W2, b2):
    src = edge_index[0]
    dst = edge_index[1]
    x = _gcn_layer(h, src, dst, W1, b1)
    x = _batchnorm(x, gamma, beta)
    x = jax.nn.relu(x)
    # dropout p=0.0 -> identity
    out = _gcn_layer(x, src, dst, W2, b2)
    return out

if __name__ == "__main__":
    import jax
    _d = setup_inputs()
    print(jax.jit(kernel)(*tuple(_d.values())))

</pallas_src>

<mosaic_0001>
#map = affine_map<(d0, d1) -> (0, 0, 0)>
#map1 = affine_map<(d0, d1) -> (0, 0)>
module attributes {stable_mosaic.version = 14 : i64} {
  func.func @_deg_body(%arg0: i32, %arg1: i32, %arg2: memref<32x80x128xi32, #tpu.memory_space<hbm>>, %arg3: memref<32x80x128xi32, #tpu.memory_space<hbm>>, %arg4: memref<2x10240xf32, #tpu.memory_space<hbm>>, %arg5: memref<2x2x10240xf32, #tpu.memory_space<hbm>>, %arg6: memref<80x128xi32, #tpu.memory_space<vmem>>, %arg7: memref<80x128xi32, #tpu.memory_space<vmem>>, %arg8: memref<128xf32, #tpu.memory_space<vmem>>, %arg9: memref<10240xf32, #tpu.memory_space<vmem_shared>>, %arg10: memref<10240xf32, #tpu.memory_space<vmem_shared>>, %arg11: memref<!tpu.dma_semaphore, #tpu.memory_space<semaphore_mem>>, %arg12: memref<!tpu.dma_semaphore, #tpu.memory_space<semaphore_mem>>) attributes {dimension_semantics = [#tpu.dimension_semantics<core_parallel>, #tpu.dimension_semantics<subcore_parallel>], iteration_bounds = array<i64: 2, 16>, scalar_prefetch = 0 : i64, scratch_operands = 7 : i64, tpu.core_type = #tpu.core_type<sc_vector_subcore>, window_params = [{transform_indices = #map}, {transform_indices = #map}, {transform_indices = #map1}, {transform_indices = #map}]} {
    %mul3A = arith.constant 16 : i32
    %mul3A_0 = arith.muli %arg0, %mul3A : i32
    %add3A = arith.addi %mul3A_0, %arg1 : i32
    %broadcast_in_dim3A = arith.constant 1.000000e+00 : f32
    %broadcast_in_dim3A_1 = vector.broadcast %broadcast_in_dim3A : f32 to vector<16xf32>
    %swap3A = arith.constant 0 : index
    %swap3A_2 = tpu.vector_load %arg8[%swap3A] {strides = array<i32>} : memref<128xf32, #tpu.memory_space<vmem>>, vector<16xf32>,
    %swap3A_3 = vector.shape_cast %swap3A_2 : vector<16xf32> to vector<16xf32>
    %swap3A_4 = vector.shape_cast %broadcast_in_dim3A_1 : vector<16xf32> to vector<16xf32>
    tpu.vector_store %arg8[%swap3A], %swap3A_4 {strides = array<i32>} : memref<128xf32, #tpu.memory_space<vmem>>, vector<16xf32>,
    %broadcast_in_dim3A_5 = arith.constant 1.000000e+00 : f32
    %broadcast_in_dim3A_6 = vector.broadcast %broadcast_in_dim3A_5 : f32 to vector<16xf32>
    %swap3A_7 = arith.constant 16 : index
    %swap3A_8 = tpu.vector_load %arg8[%swap3A_7] {strides = array<i32>} : memref<128xf32, #tpu.memory_space<vmem>>, vector<16xf32>,
    %swap3A_9 = vector.shape_cast %swap3A_8 : vector<16xf32> to vector<16xf32>
    %swap3A_10 = vector.shape_cast %broadcast_in_dim3A_6 : vector<16xf32> to vector<16xf32>
    tpu.vector_store %arg8[%swap3A_7], %swap3A_10 {strides = array<i32>} : memref<128xf32, #tpu.memory_space<vmem>>, vector<16xf32>,
    %broadcast_in_dim3A_11 = arith.constant 1.000000e+00 : f32
    %broadcast_in_dim3A_12 = vector.broadcast %broadcast_in_dim3A_11 : f32 to vector<16xf32>
    %swap3A_13 = arith.constant 32 : index
    %swap3A_14 = tpu.vector_load %arg8[%swap3A_13] {strides = array<i32>} : memref<128xf32, #tpu.memory_space<vmem>>, vector<16xf32>,
    %swap3A_15 = vector.shape_cast %swap3A_14 : vector<16xf32> to vector<16xf32>
    %swap3A_16 = vector.shape_cast %broadcast_in_dim3A_12 : vector<16xf32> to vector<16xf32>
    tpu.vector_store %arg8[%swap3A_13], %swap3A_16 {strides = array<i32>} : memref<128xf32, #tpu.memory_space<vmem>>, vector<16xf32>,
    %broadcast_in_dim3A_17 = arith.constant 1.000000e+00 : f32
    %broadcast_in_dim3A_18 = vector.broadcast %broadcast_in_dim3A_17 : f32 to vector<16xf32>
    %swap3A_19 = arith.constant 48 : index
    %swap3A_20 = tpu.vector_load %arg8[%swap3A_19] {strides = array<i32>} : memref<128xf32, #tpu.memory_space<vmem>>, vector<16xf32>,
    %swap3A_21 = vector.shape_cast %swap3A_20 : vector<16xf32> to vector<16xf32>
    %swap3A_22 = vector.shape_cast %broadcast_in_dim3A_18 : vector<16xf32> to vector<16xf32>
    tpu.vector_store %arg8[%swap3A_19], %swap3A_22 {strides = array<i32>} : memref<128xf32, #tpu.memory_space<vmem>>, vector<16xf32>,
    %broadcast_in_dim3A_23 = arith.constant 1.000000e+00 : f32
    %broadcast_in_dim3A_24 = vector.broadcast %broadcast_in_dim3A_23 : f32 to vector<16xf32>
    %swap3A_25 = arith.constant 64 : index
    %swap3A_26 = tpu.vector_load %arg8[%swap3A_25] {strides = array<i32>} : memref<128xf32, #tpu.memory_space<vmem>>, vector<16xf32>,
    %swap3A_27 = vector.shape_cast %swap3A_26 : vector<16xf32> to vector<16xf32>
    %swap3A_28 = vector.shape_cast %broadcast_in_dim3A_24 : vector<16xf32> to vector<16xf32>
    tpu.vector_store %arg8[%swap3A_25], %swap3A_28 {strides = array<i32>} : memref<128xf32, #tpu.memory_space<vmem>>, vector<16xf32>,
    %broadcast_in_dim3A_29 = arith.constant 1.000000e+00 : f32
    %broadcast_in_dim3A_30 = vector.broadcast %broadcast_in_dim3A_29 : f32 to vector<16xf32>
    %swap3A_31 = arith.constant 80 : index
    %swap3A_32 = tpu.vector_load %arg8[%swap3A_31] {strides = array<i32>} : memref<128xf32, #tpu.memory_space<vmem>>, vector<16xf32>,
    %swap3A_33 = vector.shape_cast %swap3A_32 : vector<16xf32> to vector<16xf32>
    %swap3A_34 = vector.shape_cast %broadcast_in_dim3A_30 : vector<16xf32> to vector<16xf32>
    tpu.vector_store %arg8[%swap3A_31], %swap3A_34 {strides = array<i32>} : memref<128xf32, #tpu.memory_space<vmem>>, vector<16xf32>,
    %broadcast_in_dim3A_35 = arith.constant 1.000000e+00 : f32
    %broadcast_in_dim3A_36 = vector.broadcast %broadcast_in_dim3A_35 : f32 to vector<16xf32>
    %swap3A_37 = arith.constant 96 : index
    %swap3A_38 = tpu.vector_load %arg8[%swap3A_37] {strides = array<i32>} : memref<128xf32, #tpu.memory_space<vmem>>, vector<16xf32>,
    %swap3A_39 = vector.shape_cast %swap3A_38 : vector<16xf32> to vector<16xf32>
    %swap3A_40 = vector.shape_cast %broadcast_in_dim3A_36 : vector<16xf32> to vector<16xf32>
    tpu.vector_store %arg8[%swap3A_37], %swap3A_40 {strides = array<i32>} : memref<128xf32, #tpu.memory_space<vmem>>, vector<16xf32>,
    %broadcast_in_dim3A_41 = arith.constant 1.000000e+00 : f32
    %broadcast_in_dim3A_42 = vector.broadcast %broadcast_in_dim3A_41 : f32 to vector<16xf32>
    %swap3A_43 = arith.constant 112 : index
    %swap3A_44 = tpu.vector_load %arg8[%swap3A_43] {strides = array<i32>} : memref<128xf32, #tpu.memory_space<vmem>>, vector<16xf32>,
    %swap3A_45 = vector.shape_cast %swap3A_44 : vector<16xf32> to vector<16xf32>
    %swap3A_46 = vector.shape_cast %broadcast_in_dim3A_42 : vector<16xf32> to vector<16xf32>
    tpu.vector_store %arg8[%swap3A_43], %swap3A_46 {strides = array<i32>} : memref<128xf32, #tpu.memory_space<vmem>>, vector<16xf32>,
    %eq3A = arith.constant 0 : i32
    %eq3A_47 = arith.cmpi eq, %arg1, %eq3A : i32
    %convert_element_type3A = arith.extui %eq3A_47 : i1 to i32
    %cond3A = arith.constant 0 : i32
    %cond3A_48 = arith.cmpi ne, %convert_element_type3A, %cond3A : i32
    scf.if %cond3A_48 {
      %run_scoped3A_58 = arith.constant 0 : i32
      "tpu.region"() ({
        %run_scoped3A_60 = tpu.sem_alloc : memref<!tpu.dma_semaphore, #tpu.memory_space<semaphore_mem>>
        %dma_start3A = arith.constant 0 : i32
        %dma_start3A_61 = tpu.memref_slice %arg4[%run_scoped3A_58, %dma_start3A] : memref<2x10240xf32, #tpu.memory_space<hbm>> -> memref<1x10240xf32, #tpu.memory_space<hbm>>
        %dma_start3A_62 = tpu.memref_squeeze %dma_start3A_61 : memref<1x10240xf32, #tpu.memory_space<hbm>> -> memref<10240xf32, #tpu.memory_space<hbm>>
        tpu.enqueue_dma source(%dma_start3A_62 : memref<10240xf32, #tpu.memory_space<hbm>>) target(%arg9 : memref<10240xf32, #tpu.memory_space<vmem_shared>>) target_semaphore(%run_scoped3A_60 : memref<!tpu.dma_semaphore, #tpu.memory_space<semaphore_mem>>)
        %dma_wait3A = arith.constant 0 : i32
        %dma_wait3A_63 = tpu.memref_slice %arg4[%run_scoped3A_58, %dma_wait3A] : memref<2x10240xf32, #tpu.memory_space<hbm>> -> memref<1x10240xf32, #tpu.memory_space<hbm>>
        %dma_wait3A_64 = tpu.memref_squeeze %dma_wait3A_63 : memref<1x10240xf32, #tpu.memory_space<hbm>> -> memref<10240xf32, #tpu.memory_space<hbm>>
        tpu.wait_dma2 semaphore(%run_scoped3A_60 : memref<!tpu.dma_semaphore, #tpu.memory_space<semaphore_mem>>) src(%dma_wait3A_64 : memref<10240xf32, #tpu.memory_space<hbm>>) dst(%arg9 : memref<10240xf32, #tpu.memory_space<vmem_shared>>)
        tpu.yield
      }) : () -> ()
      %run_scoped3A_59 = arith.constant 1 : i32
      "tpu.region"() ({
        %run_scoped3A_60 = tpu.sem_alloc : memref<!tpu.dma_semaphore, #tpu.memory_space<semaphore_mem>>
        %dma_start3A = arith.constant 0 : i32
        %dma_start3A_61 = tpu.memref_slice %arg4[%run_scoped3A_59, %dma_start3A] : memref<2x10240xf32, #tpu.memory_space<hbm>> -> memref<1x10240xf32, #tpu.memory_space<hbm>>
        %dma_start3A_62 = tpu.memref_squeeze %dma_start3A_61 : memref<1x10240xf32, #tpu.memory_space<hbm>> -> memref<10240xf32, #tpu.memory_space<hbm>>
        tpu.enqueue_dma source(%dma_start3A_62 : memref<10240xf32, #tpu.memory_space<hbm>>) target(%arg10 : memref<10240xf32, #tpu.memory_space<vmem_shared>>) target_semaphore(%run_scoped3A_60 : memref<!tpu.dma_semaphore, #tpu.memory_space<semaphore_mem>>)
        %dma_wait3A = arith.constant 0 : i32
        %dma_wait3A_63 = tpu.memref_slice %arg4[%run_scoped3A_59, %dma_wait3A] : memref<2x10240xf32, #tpu.memory_space<hbm>> -> memref<1x10240xf32, #tpu.memory_space<hbm>>
        %dma_wait3A_64 = tpu.memref_squeeze %dma_wait3A_63 : memref<1x10240xf32, #tpu.memory_space<hbm>> -> memref<10240xf32, #tpu.memory_space<hbm>>
        tpu.wait_dma2 semaphore(%run_scoped3A_60 : memref<!tpu.dma_semaphore, #tpu.memory_space<semaphore_mem>>) src(%dma_wait3A_64 : memref<10240xf32, #tpu.memory_space<hbm>>) dst(%arg10 : memref<10240xf32, #tpu.memory_space<vmem_shared>>)
        tpu.yield
      }) : () -> ()
    } else {
    }
    "tpu.region"() ({
      %run_scoped3A_58 = tpu.sem_alloc : memref<!tpu.dma_semaphore, #tpu.memory_space<semaphore_mem>>
      %dma_start3A = arith.constant 0 : i32
      %dma_start3A_59 = arith.constant 0 : i32
      %dma_start3A_60 = tpu.memref_slice %arg2[%add3A, %dma_start3A, %dma_start3A_59] : memref<32x80x128xi32, #tpu.memory_space<hbm>> -> memref<1x80x128xi32, #tpu.memory_space<hbm>>
      %dma_start3A_61 = tpu.memref_squeeze %dma_start3A_60 : memref<1x80x128xi32, #tpu.memory_space<hbm>> -> memref<80x128xi32, #tpu.memory_space<hbm>>
      %dma_start3A_62 = arith.constant 0 : i32
      %dma_start3A_63 = arith.constant 0 : i32
      %dma_start3A_64 = tpu.memref_slice %arg2[%add3A, %dma_start3A_62, %dma_start3A_63] : memref<32x80x128xi32, #tpu.memory_space<hbm>> -> memref<1x80x128xi32, #tpu.memory_space<hbm>>
      %dma_start3A_65 = tpu.memref_squeeze %dma_start3A_64 : memref<1x80x128xi32, #tpu.memory_space<hbm>> -> memref<80x128xi32, #tpu.memory_space<hbm>>
      tpu.enqueue_dma source(%dma_start3A_65 : memref<80x128xi32, #tpu.memory_space<hbm>>) target(%arg6 : memref<80x128xi32, #tpu.memory_space<vmem>>) target_semaphore(%run_scoped3A_58 : memref<!tpu.dma_semaphore, #tpu.memory_space<semaphore_mem>>)
      %dma_wait3A = arith.constant 0 : i32
      %dma_wait3A_66 = arith.constant 0 : i32
      %dma_wait3A_67 = tpu.memref_slice %arg2[%add3A, %dma_wait3A, %dma_wait3A_66] : memref<32x80x128xi32, #tpu.memory_space<hbm>> -> memref<1x80x128xi32, #tpu.memory_space<hbm>>
      %dma_wait3A_68 = tpu.memref_squeeze %dma_wait3A_67 : memref<1x80x128xi32, #tpu.memory_space<hbm>> -> memref<80x128xi32, #tpu.memory_space<hbm>>
      %dma_wait3A_69 = arith.constant 0 : i32
      %dma_wait3A_70 = arith.constant 0 : i32
      %dma_wait3A_71 = tpu.memref_slice %arg2[%add3A, %dma_wait3A_69, %dma_wait3A_70] : memref<32x80x128xi32, #tpu.memory_space<hbm>> -> memref<1x80x128xi32, #tpu.memory_space<hbm>>
      %dma_wait3A_72 = tpu.memref_squeeze %dma_wait3A_71 : memref<1x80x128xi32, #tpu.memory_space<hbm>> -> memref<80x128xi32, #tpu.memory_space<hbm>>
      tpu.wait_dma2 semaphore(%run_scoped3A_58 : memref<!tpu.dma_semaphore, #tpu.memory_space<semaphore_mem>>) src(%dma_wait3A_72 : memref<80x128xi32, #tpu.memory_space<hbm>>) dst(%arg6 : memref<80x128xi32, #tpu.memory_space<vmem>>)
      tpu.yield
    }) : () -> ()
    "tpu.region"() ({
      %run_scoped3A_58 = tpu.sem_alloc : memref<!tpu.dma_semaphore, #tpu.memory_space<semaphore_mem>>
      %dma_start3A = arith.constant 0 : i32
      %dma_start3A_59 = arith.constant 0 : i32
      %dma_start3A_60 = tpu.memref_slice %arg3[%add3A, %dma_start3A, %dma_start3A_59] : memref<32x80x128xi32, #tpu.memory_space<hbm>> -> memref<1x80x128xi32, #tpu.memory_space<hbm>>
      %dma_start3A_61 = tpu.memref_squeeze %dma_start3A_60 : memref<1x80x128xi32, #tpu.memory_space<hbm>> -> memref<80x128xi32, #tpu.memory_space<hbm>>
      %dma_start3A_62 = arith.constant 0 : i32
      %dma_start3A_63 = arith.constant 0 : i32
      %dma_start3A_64 = tpu.memref_slice %arg3[%add3A, %dma_start3A_62, %dma_start3A_63] : memref<32x80x128xi32, #tpu.memory_space<hbm>> -> memref<1x80x128xi32, #tpu.memory_space<hbm>>
      %dma_start3A_65 = tpu.memref_squeeze %dma_start3A_64 : memref<1x80x128xi32, #tpu.memory_space<hbm>> -> memref<80x128xi32, #tpu.memory_space<hbm>>
      tpu.enqueue_dma source(%dma_start3A_65 : memref<80x128xi32, #tpu.memory_space<hbm>>) target(%arg7 : memref<80x128xi32, #tpu.memory_space<vmem>>) target_semaphore(%run_scoped3A_58 : memref<!tpu.dma_semaphore, #tpu.memory_space<semaphore_mem>>)
      %dma_wait3A = arith.constant 0 : i32
      %dma_wait3A_66 = arith.constant 0 : i32
      %dma_wait3A_67 = tpu.memref_slice %arg3[%add3A, %dma_wait3A, %dma_wait3A_66] : memref<32x80x128xi32, #tpu.memory_space<hbm>> -> memref<1x80x128xi32, #tpu.memory_space<hbm>>
      %dma_wait3A_68 = tpu.memref_squeeze %dma_wait3A_67 : memref<1x80x128xi32, #tpu.memory_space<hbm>> -> memref<80x128xi32, #tpu.memory_space<hbm>>
      %dma_wait3A_69 = arith.constant 0 : i32
      %dma_wait3A_70 = arith.constant 0 : i32
      %dma_wait3A_71 = tpu.memref_slice %arg3[%add3A, %dma_wait3A_69, %dma_wait3A_70] : memref<32x80x128xi32, #tpu.memory_space<hbm>> -> memref<1x80x128xi32, #tpu.memory_space<hbm>>
      %dma_wait3A_72 = tpu.memref_squeeze %dma_wait3A_71 : memref<1x80x128xi32, #tpu.memory_space<hbm>> -> memref<80x128xi32, #tpu.memory_space<hbm>>
      tpu.wait_dma2 semaphore(%run_scoped3A_58 : memref<!tpu.dma_semaphore, #tpu.memory_space<semaphore_mem>>) src(%dma_wait3A_72 : memref<80x128xi32, #tpu.memory_space<hbm>>) dst(%arg7 : memref<80x128xi32, #tpu.memory_space<vmem>>)
      tpu.yield
    }) : () -> ()
    %barrier3A = arith.constant 0 : index
    tpu.barrier barrier_id(%barrier3A)
    %scan3A = arith.constant 0 : i32
    %scan3A_49 = arith.constant 0 : i32
    %scan3A_50 = arith.constant 20 : i32
    %scan3A_51 = arith.addi %scan3A_49, %scan3A_50 : i32
    %scan3A_52 = arith.constant 1 : i32
    scf.for %scan3A_58 = %scan3A_49 to %scan3A_51 step %scan3A_52  : i32 {
      %mul3A_59 = arith.constant 4 : i32
      %mul3A_60 = arith.muli %scan3A_58, %mul3A_59 : i32
      %add3A_61 = arith.constant 0 : i32
      %add3A_62 = arith.addi %mul3A_60, %add3A_61 : i32
      %dma_start3A = arith.constant 0 : i32
      %dma_start3A_63 = tpu.memref_slice %arg6[%add3A_62, %dma_start3A] : memref<80x128xi32, #tpu.memory_space<vmem>> -> memref<1x128xi32, #tpu.memory_space<vmem>>
      %dma_start3A_64 = tpu.memref_squeeze %dma_start3A_63 : memref<1x128xi32, #tpu.memory_space<vmem>> -> memref<128xi32, #tpu.memory_space<vmem>>
      %dma_start3A_65 = arith.constant 0 : i32
      %dma_start3A_66 = tpu.memref_slice %arg9[%dma_start3A_65] : memref<10240xf32, #tpu.memory_space<vmem_shared>> -> memref<10240xf32, #tpu.memory_space<vmem_shared>>
      tpu.enqueue_indirect_dma source(%arg8 : memref<128xf32, #tpu.memory_space<vmem>>) target(%dma_start3A_66 : memref<10240xf32, #tpu.memory_space<vmem_shared>>) offsets(%dma_start3A_64 : memref<128xi32, #tpu.memory_space<vmem>>) semaphore(%arg11 : memref<!tpu.dma_semaphore, #tpu.memory_space<semaphore_mem>>) {add = true}
      %dma_start3A_67 = arith.constant 0 : i32
      %dma_start3A_68 = tpu.memref_slice %arg7[%add3A_62, %dma_start3A_67] : memref<80x128xi32, #tpu.memory_space<vmem>> -> memref<1x128xi32, #tpu.memory_space<vmem>>
      %dma_start3A_69 = tpu.memref_squeeze %dma_start3A_68 : memref<1x128xi32, #tpu.memory_space<vmem>> -> memref<128xi32, #tpu.memory_space<vmem>>
      %dma_start3A_70 = arith.constant 0 : i32
      %dma_start3A_71 = tpu.memref_slice %arg10[%dma_start3A_70] : memref<10240xf32, #tpu.memory_space<vmem_shared>> -> memref<10240xf32, #tpu.memory_space<vmem_shared>>
      tpu.enqueue_indirect_dma source(%arg8 : memref<128xf32, #tpu.memory_space<vmem>>) target(%dma_start3A_71 : memref<10240xf32, #tpu.memory_space<vmem_shared>>) offsets(%dma_start3A_69 : memref<128xi32, #tpu.memory_space<vmem>>) semaphore(%arg12 : memref<!tpu.dma_semaphore, #tpu.memory_space<semaphore_mem>>) {add = true}
      %mul3A_72 = arith.constant 4 : i32
      %mul3A_73 = arith.muli %scan3A_58, %mul3A_72 : i32
      %add3A_74 = arith.constant 1 : i32
      %add3A_75 = arith.addi %mul3A_73, %add3A_74 : i32
      %dma_start3A_76 = arith.constant 0 : i32
      %dma_start3A_77 = tpu.memref_slice %arg6[%add3A_75, %dma_start3A_76] : memref<80x128xi32, #tpu.memory_space<vmem>> -> memref<1x128xi32, #tpu.memory_space<vmem>>
      %dma_start3A_78 = tpu.memref_squeeze %dma_start3A_77 : memref<1x128xi32, #tpu.memory_space<vmem>> -> memref<128xi32, #tpu.memory_space<vmem>>
      %dma_start3A_79 = arith.constant 0 : i32
      %dma_start3A_80 = tpu.memref_slice %arg9[%dma_start3A_79] : memref<10240xf32, #tpu.memory_space<vmem_shared>> -> memref<10240xf32, #tpu.memory_space<vmem_shared>>
      tpu.enqueue_indirect_dma source(%arg8 : memref<128xf32, #tpu.memory_space<vmem>>) target(%dma_start3A_80 : memref<10240xf32, #tpu.memory_space<vmem_shared>>) offsets(%dma_start3A_78 : memref<128xi32, #tpu.memory_space<vmem>>) semaphore(%arg11 : memref<!tpu.dma_semaphore, #tpu.memory_space<semaphore_mem>>) {add = true}
      %dma_start3A_81 = arith.constant 0 : i32
      %dma_start3A_82 = tpu.memref_slice %arg7[%add3A_75, %dma_start3A_81] : memref<80x128xi32, #tpu.memory_space<vmem>> -> memref<1x128xi32, #tpu.memory_space<vmem>>
      %dma_start3A_83 = tpu.memref_squeeze %dma_start3A_82 : memref<1x128xi32, #tpu.memory_space<vmem>> -> memref<128xi32, #tpu.memory_space<vmem>>
      %dma_start3A_84 = arith.constant 0 : i32
      %dma_start3A_85 = tpu.memref_slice %arg10[%dma_start3A_84] : memref<10240xf32, #tpu.memory_space<vmem_shared>> -> memref<10240xf32, #tpu.memory_space<vmem_shared>>
      tpu.enqueue_indirect_dma source(%arg8 : memref<128xf32, #tpu.memory_space<vmem>>) target(%dma_start3A_85 : memref<10240xf32, #tpu.memory_space<vmem_shared>>) offsets(%dma_start3A_83 : memref<128xi32, #tpu.memory_space<vmem>>) semaphore(%arg12 : memref<!tpu.dma_semaphore, #tpu.memory_space<semaphore_mem>>) {add = true}
      %mul3A_86 = arith.constant 4 : i32
      %mul3A_87 = arith.muli %scan3A_58, %mul3A_86 : i32
      %add3A_88 = arith.constant 2 : i32
      %add3A_89 = arith.addi %mul3A_87, %add3A_88 : i32
      %dma_start3A_90 = arith.constant 0 : i32
      %dma_start3A_91 = tpu.memref_slice %arg6[%add3A_89, %dma_start3A_90] : memref<80x128xi32, #tpu.memory_space<vmem>> -> memref<1x128xi32, #tpu.memory_space<vmem>>
      %dma_start3A_92 = tpu.memref_squeeze %dma_start3A_91 : memref<1x128xi32, #tpu.memory_space<vmem>> -> memref<128xi32, #tpu.memory_space<vmem>>
      %dma_start3A_93 = arith.constant 0 : i32
      %dma_start3A_94 = tpu.memref_slice %arg9[%dma_start3A_93] : memref<10240xf32, #tpu.memory_space<vmem_shared>> -> memref<10240xf32, #tpu.memory_space<vmem_shared>>
      tpu.enqueue_indirect_dma source(%arg8 : memref<128xf32, #tpu.memory_space<vmem>>) target(%dma_start3A_94 : memref<10240xf32, #tpu.memory_space<vmem_shared>>) offsets(%dma_start3A_92 : memref<128xi32, #tpu.memory_space<vmem>>) semaphore(%arg11 : memref<!tpu.dma_semaphore, #tpu.memory_space<semaphore_mem>>) {add = true}
      %dma_start3A_95 = arith.constant 0 : i32
      %dma_start3A_96 = tpu.memref_slice %arg7[%add3A_89, %dma_start3A_95] : memref<80x128xi32, #tpu.memory_space<vmem>> -> memref<1x128xi32, #tpu.memory_space<vmem>>
      %dma_start3A_97 = tpu.memref_squeeze %dma_start3A_96 : memref<1x128xi32, #tpu.memory_space<vmem>> -> memref<128xi32, #tpu.memory_space<vmem>>
      %dma_start3A_98 = arith.constant 0 : i32
      %dma_start3A_99 = tpu.memref_slice %arg10[%dma_start3A_98] : memref<10240xf32, #tpu.memory_space<vmem_shared>> -> memref<10240xf32, #tpu.memory_space<vmem_shared>>
      tpu.enqueue_indirect_dma source(%arg8 : memref<128xf32, #tpu.memory_space<vmem>>) target(%dma_start3A_99 : memref<10240xf32, #tpu.memory_space<vmem_shared>>) offsets(%dma_start3A_97 : memref<128xi32, #tpu.memory_space<vmem>>) semaphore(%arg12 : memref<!tpu.dma_semaphore, #tpu.memory_space<semaphore_mem>>) {add = true}
      %mul3A_100 = arith.constant 4 : i32
      %mul3A_101 = arith.muli %scan3A_58, %mul3A_100 : i32
      %add3A_102 = arith.constant 3 : i32
      %add3A_103 = arith.addi %mul3A_101, %add3A_102 : i32
      %dma_start3A_104 = arith.constant 0 : i32
      %dma_start3A_105 = tpu.memref_slice %arg6[%add3A_103, %dma_start3A_104] : memref<80x128xi32, #tpu.memory_space<vmem>> -> memref<1x128xi32, #tpu.memory_space<vmem>>
      %dma_start3A_106 = tpu.memref_squeeze %dma_start3A_105 : memref<1x128xi32, #tpu.memory_space<vmem>> -> memref<128xi32, #tpu.memory_space<vmem>>
      %dma_start3A_107 = arith.constant 0 : i32
      %dma_start3A_108 = tpu.memref_slice %arg9[%dma_start3A_107] : memref<10240xf32, #tpu.memory_space<vmem_shared>> -> memref<10240xf32, #tpu.memory_space<vmem_shared>>
      tpu.enqueue_indirect_dma source(%arg8 : memref<128xf32, #tpu.memory_space<vmem>>) target(%dma_start3A_108 : memref<10240xf32, #tpu.memory_space<vmem_shared>>) offsets(%dma_start3A_106 : memref<128xi32, #tpu.memory_space<vmem>>) semaphore(%arg11 : memref<!tpu.dma_semaphore, #tpu.memory_space<semaphore_mem>>) {add = true}
      %dma_start3A_109 = arith.constant 0 : i32
      %dma_start3A_110 = tpu.memref_slice %arg7[%add3A_103, %dma_start3A_109] : memref<80x128xi32, #tpu.memory_space<vmem>> -> memref<1x128xi32, #tpu.memory_space<vmem>>
      %dma_start3A_111 = tpu.memref_squeeze %dma_start3A_110 : memref<1x128xi32, #tpu.memory_space<vmem>> -> memref<128xi32, #tpu.memory_space<vmem>>
      %dma_start3A_112 = arith.constant 0 : i32
      %dma_start3A_113 = tpu.memref_slice %arg10[%dma_start3A_112] : memref<10240xf32, #tpu.memory_space<vmem_shared>> -> memref<10240xf32, #tpu.memory_space<vmem_shared>>
      tpu.enqueue_indirect_dma source(%arg8 : memref<128xf32, #tpu.memory_space<vmem>>) target(%dma_start3A_113 : memref<10240xf32, #tpu.memory_space<vmem_shared>>) offsets(%dma_start3A_111 : memref<128xi32, #tpu.memory_space<vmem>>) semaphore(%arg12 : memref<!tpu.dma_semaphore, #tpu.memory_space<semaphore_mem>>) {add = true}
      %dma_wait3A = arith.constant 0 : i32
      %dma_wait3A_114 = tpu.memref_slice %arg6[%add3A_62, %dma_wait3A] : memref<80x128xi32, #tpu.memory_space<vmem>> -> memref<1x128xi32, #tpu.memory_space<vmem>>
      %dma_wait3A_115 = tpu.memref_squeeze %dma_wait3A_114 : memref<1x128xi32, #tpu.memory_space<vmem>> -> memref<128xi32, #tpu.memory_space<vmem>>
      %dma_wait3A_116 = arith.constant 0 : i32
      %dma_wait3A_117 = tpu.memref_slice %arg9[%dma_wait3A_116] : memref<10240xf32, #tpu.memory_space<vmem_shared>> -> memref<10240xf32, #tpu.memory_space<vmem_shared>>
      tpu.wait_indirect_dma semaphore(%arg11 : memref<!tpu.dma_semaphore, #tpu.memory_space<semaphore_mem>>) src(%arg8 : memref<128xf32, #tpu.memory_space<vmem>>) dst(%dma_wait3A_117 : memref<10240xf32, #tpu.memory_space<vmem_shared>>)
      %dma_wait3A_118 = arith.constant 0 : i32
      %dma_wait3A_119 = tpu.memref_slice %arg7[%add3A_62, %dma_wait3A_118] : memref<80x128xi32, #tpu.memory_space<vmem>> -> memref<1x128xi32, #tpu.memory_space<vmem>>
      %dma_wait3A_120 = tpu.memref_squeeze %dma_wait3A_119 : memref<1x128xi32, #tpu.memory_space<vmem>> -> memref<128xi32, #tpu.memory_space<vmem>>
      %dma_wait3A_121 = arith.constant 0 : i32
      %dma_wait3A_122 = tpu.memref_slice %arg10[%dma_wait3A_121] : memref<10240xf32, #tpu.memory_space<vmem_shared>> -> memref<10240xf32, #tpu.memory_space<vmem_shared>>
      tpu.wait_indirect_dma semaphore(%arg12 : memref<!tpu.dma_semaphore, #tpu.memory_space<semaphore_mem>>) src(%arg8 : memref<128xf32, #tpu.memory_space<vmem>>) dst(%dma_wait3A_122 : memref<10240xf32, #tpu.memory_space<vmem_shared>>)
      %dma_wait3A_123 = arith.constant 0 : i32
      %dma_wait3A_124 = tpu.memref_slice %arg6[%add3A_75, %dma_wait3A_123] : memref<80x128xi32, #tpu.memory_space<vmem>> -> memref<1x128xi32, #tpu.memory_space<vmem>>
      %dma_wait3A_125 = tpu.memref_squeeze %dma_wait3A_124 : memref<1x128xi32, #tpu.memory_space<vmem>> -> memref<128xi32, #tpu.memory_space<vmem>>
      %dma_wait3A_126 = arith.constant 0 : i32
      %dma_wait3A_127 = tpu.memref_slice %arg9[%dma_wait3A_126] : memref<10240xf32, #tpu.memory_space<vmem_shared>> -> memref<10240xf32, #tpu.memory_space<vmem_shared>>
      tpu.wait_indirect_dma semaphore(%arg11 : memref<!tpu.dma_semaphore, #tpu.memory_space<semaphore_mem>>) src(%arg8 : memref<128xf32, #tpu.memory_space<vmem>>) dst(%dma_wait3A_127 : memref<10240xf32, #tpu.memory_space<vmem_shared>>)
      %dma_wait3A_128 = arith.constant 0 : i32
      %dma_wait3A_129 = tpu.memref_slice %arg7[%add3A_75, %dma_wait3A_128] : memref<80x128xi32, #tpu.memory_space<vmem>> -> memref<1x128xi32, #tpu.memory_space<vmem>>
      %dma_wait3A_130 = tpu.memref_squeeze %dma_wait3A_129 : memref<1x128xi32, #tpu.memory_space<vmem>> -> memref<128xi32, #tpu.memory_space<vmem>>
      %dma_wait3A_131 = arith.constant 0 : i32
      %dma_wait3A_132 = tpu.memref_slice %arg10[%dma_wait3A_131] : memref<10240xf32, #tpu.memory_space<vmem_shared>> -> memref<10240xf32, #tpu.memory_space<vmem_shared>>
      tpu.wait_indirect_dma semaphore(%arg12 : memref<!tpu.dma_semaphore, #tpu.memory_space<semaphore_mem>>) src(%arg8 : memref<128xf32, #tpu.memory_space<vmem>>) dst(%dma_wait3A_132 : memref<10240xf32, #tpu.memory_space<vmem_shared>>)
      %dma_wait3A_133 = arith.constant 0 : i32
      %dma_wait3A_134 = tpu.memref_slice %arg6[%add3A_89, %dma_wait3A_133] : memref<80x128xi32, #tpu.memory_space<vmem>> -> memref<1x128xi32, #tpu.memory_space<vmem>>
      %dma_wait3A_135 = tpu.memref_squeeze %dma_wait3A_134 : memref<1x128xi32, #tpu.memory_space<vmem>> -> memref<128xi32, #tpu.memory_space<vmem>>
      %dma_wait3A_136 = arith.constant 0 : i32
      %dma_wait3A_137 = tpu.memref_slice %arg9[%dma_wait3A_136] : memref<10240xf32, #tpu.memory_space<vmem_shared>> -> memref<10240xf32, #tpu.memory_space<vmem_shared>>
      tpu.wait_indirect_dma semaphore(%arg11 : memref<!tpu.dma_semaphore, #tpu.memory_space<semaphore_mem>>) src(%arg8 : memref<128xf32, #tpu.memory_space<vmem>>) dst(%dma_wait3A_137 : memref<10240xf32, #tpu.memory_space<vmem_shared>>)
      %dma_wait3A_138 = arith.constant 0 : i32
      %dma_wait3A_139 = tpu.memref_slice %arg7[%add3A_89, %dma_wait3A_138] : memref<80x128xi32, #tpu.memory_space<vmem>> -> memref<1x128xi32, #tpu.memory_space<vmem>>
      %dma_wait3A_140 = tpu.memref_squeeze %dma_wait3A_139 : memref<1x128xi32, #tpu.memory_space<vmem>> -> memref<128xi32, #tpu.memory_space<vmem>>
      %dma_wait3A_141 = arith.constant 0 : i32
      %dma_wait3A_142 = tpu.memref_slice %arg10[%dma_wait3A_141] : memref<10240xf32, #tpu.memory_space<vmem_shared>> -> memref<10240xf32, #tpu.memory_space<vmem_shared>>
      tpu.wait_indirect_dma semaphore(%arg12 : memref<!tpu.dma_semaphore, #tpu.memory_space<semaphore_mem>>) src(%arg8 : memref<128xf32, #tpu.memory_space<vmem>>) dst(%dma_wait3A_142 : memref<10240xf32, #tpu.memory_space<vmem_shared>>)
      %dma_wait3A_143 = arith.constant 0 : i32
      %dma_wait3A_144 = tpu.memref_slice %arg6[%add3A_103, %dma_wait3A_143] : memref<80x128xi32, #tpu.memory_space<vmem>> -> memref<1x128xi32, #tpu.memory_space<vmem>>
      %dma_wait3A_145 = tpu.memref_squeeze %dma_wait3A_144 : memref<1x128xi32, #tpu.memory_space<vmem>> -> memref<128xi32, #tpu.memory_space<vmem>>
      %dma_wait3A_146 = arith.constant 0 : i32
      %dma_wait3A_147 = tpu.memref_slice %arg9[%dma_wait3A_146] : memref<10240xf32, #tpu.memory_space<vmem_shared>> -> memref<10240xf32, #tpu.memory_space<vmem_shared>>
      tpu.wait_indirect_dma semaphore(%arg11 : memref<!tpu.dma_semaphore, #tpu.memory_space<semaphore_mem>>) src(%arg8 : memref<128xf32, #tpu.memory_space<vmem>>) dst(%dma_wait3A_147 : memref<10240xf32, #tpu.memory_space<vmem_shared>>)
      %dma_wait3A_148 = arith.constant 0 : i32
      %dma_wait3A_149 = tpu.memref_slice %arg7[%add3A_103, %dma_wait3A_148] : memref<80x128xi32, #tpu.memory_space<vmem>> -> memref<1x128xi32, #tpu.memory_space<vmem>>
      %dma_wait3A_150 = tpu.memref_squeeze %dma_wait3A_149 : memref<1x128xi32, #tpu.memory_space<vmem>> -> memref<128xi32, #tpu.memory_space<vmem>>
      %dma_wait3A_151 = arith.constant 0 : i32
      %dma_wait3A_152 = tpu.memref_slice %arg10[%dma_wait3A_151] : memref<10240xf32, #tpu.memory_space<vmem_shared>> -> memref<10240xf32, #tpu.memory_space<vmem_shared>>
      tpu.wait_indirect_dma semaphore(%arg12 : memref<!tpu.dma_semaphore, #tpu.memory_space<semaphore_mem>>) src(%arg8 : memref<128xf32, #tpu.memory_space<vmem>>) dst(%dma_wait3A_152 : memref<10240xf32, #tpu.memory_space<vmem_shared>>)
    }
    %scan3A_53 = arith.constant 20 : i32
    %barrier3A_54 = arith.constant 0 : index
    tpu.barrier barrier_id(%barrier3A_54)
    %mul3A_55 = arith.constant 640 : i32
    %mul3A_56 = arith.muli %arg1, %mul3A_55 : i32
    %run_scoped3A = arith.constant 0 : i32
    "tpu.region"() ({
      %run_scoped3A_58 = tpu.sem_alloc : memref<!tpu.dma_semaphore, #tpu.memory_space<semaphore_mem>>
      %dma_start3A = tpu.memref_slice %arg5[%arg0, %run_scoped3A, %mul3A_56] : memref<2x2x10240xf32, #tpu.memory_space<hbm>> -> memref<1x1x640xf32, #tpu.memory_space<hbm>>
      %dma_start3A_59 = tpu.memref_squeeze %dma_start3A : memref<1x1x640xf32, #tpu.memory_space<hbm>> -> memref<640xf32, #tpu.memory_space<hbm>>
      %dma_start3A_60 = tpu.memref_slice %arg9[%mul3A_56] : memref<10240xf32, #tpu.memory_space<vmem_shared>> -> memref<640xf32, #tpu.memory_space<vmem_shared>>
      tpu.enqueue_dma source(%dma_start3A_60 : memref<640xf32, #tpu.memory_space<vmem_shared>>) target(%dma_start3A_59 : memref<640xf32, #tpu.memory_space<hbm>>) target_semaphore(%run_scoped3A_58 : memref<!tpu.dma_semaphore, #tpu.memory_space<semaphore_mem>>)
      %dma_wait3A = tpu.memref_slice %arg5[%arg0, %run_scoped3A, %mul3A_56] : memref<2x2x10240xf32, #tpu.memory_space<hbm>> -> memref<1x1x640xf32, #tpu.memory_space<hbm>>
      %dma_wait3A_61 = tpu.memref_squeeze %dma_wait3A : memref<1x1x640xf32, #tpu.memory_space<hbm>> -> memref<640xf32, #tpu.memory_space<hbm>>
      %dma_wait3A_62 = tpu.memref_slice %arg9[%mul3A_56] : memref<10240xf32, #tpu.memory_space<vmem_shared>> -> memref<640xf32, #tpu.memory_space<vmem_shared>>
      tpu.wait_dma2 semaphore(%run_scoped3A_58 : memref<!tpu.dma_semaphore, #tpu.memory_space<semaphore_mem>>) src(%dma_wait3A_62 : memref<640xf32, #tpu.memory_space<vmem_shared>>) dst(%dma_wait3A_61 : memref<640xf32, #tpu.memory_space<hbm>>)
      tpu.yield
    }) : () -> ()
    %run_scoped3A_57 = arith.constant 1 : i32
    "tpu.region"() ({
      %run_scoped3A_58 = tpu.sem_alloc : memref<!tpu.dma_semaphore, #tpu.memory_space<semaphore_mem>>
      %dma_start3A = tpu.memref_slice %arg5[%arg0, %run_scoped3A_57, %mul3A_56] : memref<2x2x10240xf32, #tpu.memory_space<hbm>> -> memref<1x1x640xf32, #tpu.memory_space<hbm>>
      %dma_start3A_59 = tpu.memref_squeeze %dma_start3A : memref<1x1x640xf32, #tpu.memory_space<hbm>> -> memref<640xf32, #tpu.memory_space<hbm>>
      %dma_start3A_60 = tpu.memref_slice %arg10[%mul3A_56] : memref<10240xf32, #tpu.memory_space<vmem_shared>> -> memref<640xf32, #tpu.memory_space<vmem_shared>>
      tpu.enqueue_dma source(%dma_start3A_60 : memref<640xf32, #tpu.memory_space<vmem_shared>>) target(%dma_start3A_59 : memref<640xf32, #tpu.memory_space<hbm>>) target_semaphore(%run_scoped3A_58 : memref<!tpu.dma_semaphore, #tpu.memory_space<semaphore_mem>>)
      %dma_wait3A = tpu.memref_slice %arg5[%arg0, %run_scoped3A_57, %mul3A_56] : memref<2x2x10240xf32, #tpu.memory_space<hbm>> -> memref<1x1x640xf32, #tpu.memory_space<hbm>>
      %dma_wait3A_61 = tpu.memref_squeeze %dma_wait3A : memref<1x1x640xf32, #tpu.memory_space<hbm>> -> memref<640xf32, #tpu.memory_space<hbm>>
      %dma_wait3A_62 = tpu.memref_slice %arg10[%mul3A_56] : memref<10240xf32, #tpu.memory_space<vmem_shared>> -> memref<640xf32, #tpu.memory_space<vmem_shared>>
      tpu.wait_dma2 semaphore(%run_scoped3A_58 : memref<!tpu.dma_semaphore, #tpu.memory_space<semaphore_mem>>) src(%dma_wait3A_62 : memref<640xf32, #tpu.memory_space<vmem_shared>>) dst(%dma_wait3A_61 : memref<640xf32, #tpu.memory_space<hbm>>)
      tpu.yield
    }) : () -> ()
    return
  }
}

#map = affine_map<(d0, d1) -> (0, 0)>
#map1 = affine_map<(d0, d1) -> (0, 0, 0)>
module attributes {stable_mosaic.version = 14 : i64} {
  func.func @_agg_body(%arg0: i32, %arg1: i32, %arg2: memref<10240x128xf32, #tpu.memory_space<hbm>>, %arg3: memref<32x80x128xi32, #tpu.memory_space<hbm>>, %arg4: memref<32x80x128xi32, #tpu.memory_space<hbm>>, %arg5: memref<16x640x128xf32, #tpu.memory_space<hbm>>, %arg6: memref<2x10240x128xf32, #tpu.memory_space<hbm>>, %arg7: memref<2x8x128xi32, #tpu.memory_space<vmem>>, %arg8: memref<2x8x128xi32, #tpu.memory_space<vmem>>, %arg9: memref<2x128x128xf32, #tpu.memory_space<vmem>>, %arg10: memref<10240x128xf32, #tpu.memory_space<vmem_shared>>, %arg11: memref<!tpu.dma_semaphore, #tpu.memory_space<semaphore_mem>>, %arg12: memref<!tpu.dma_semaphore, #tpu.memory_space<semaphore_mem>>, %arg13: memref<!tpu.dma_semaphore, #tpu.memory_space<semaphore_mem>>, %arg14: memref<!tpu.dma_semaphore, #tpu.memory_space<semaphore_mem>>, %arg15: memref<!tpu.dma_semaphore, #tpu.memory_space<semaphore_mem>>) attributes {dimension_semantics = [#tpu.dimension_semantics<core_parallel>, #tpu.dimension_semantics<subcore_parallel>], iteration_bounds = array<i64: 2, 16>, scalar_prefetch = 0 : i64, scratch_operands = 9 : i64, tpu.core_type = #tpu.core_type<sc_vector_subcore>, window_params = [{transform_indices = #map}, {transform_indices = #map1}, {transform_indices = #map1}, {transform_indices = #map1}, {transform_indices = #map1}]} {
    %mul3A = arith.constant 16 : i32
    %mul3A_0 = arith.muli %arg0, %mul3A : i32
    %add3A = arith.addi %mul3A_0, %arg1 : i32
    %mul3A_1 = arith.constant 640 : i32
    %mul3A_2 = arith.muli %arg1, %mul3A_1 : i32
    "tpu.region"() ({
      %run_scoped3A = tpu.sem_alloc : memref<!tpu.dma_semaphore, #tpu.memory_space<semaphore_mem>>
      %dma_start3A_71 = arith.constant 0 : i32
      %dma_start3A_72 = tpu.memref_slice %arg10[%mul3A_2, %dma_start3A_71] : memref<10240x128xf32, #tpu.memory_space<vmem_shared>> -> memref<640x128xf32, #tpu.memory_space<vmem_shared>>
      %dma_start3A_73 = arith.constant 0 : i32
      %dma_start3A_74 = arith.constant 0 : i32
      %dma_start3A_75 = tpu.memref_slice %arg5[%arg1, %dma_start3A_73, %dma_start3A_74] : memref<16x640x128xf32, #tpu.memory_space<hbm>> -> memref<1x640x128xf32, #tpu.memory_space<hbm>>
      %dma_start3A_76 = tpu.memref_squeeze %dma_start3A_75 : memref<1x640x128xf32, #tpu.memory_space<hbm>> -> memref<640x128xf32, #tpu.memory_space<hbm>>
      tpu.enqueue_dma source(%dma_start3A_76 : memref<640x128xf32, #tpu.memory_space<hbm>>) target(%dma_start3A_72 : memref<640x128xf32, #tpu.memory_space<vmem_shared>>) target_semaphore(%run_scoped3A : memref<!tpu.dma_semaphore, #tpu.memory_space<semaphore_mem>>)
      %dma_wait3A_77 = arith.constant 0 : i32
      %dma_wait3A_78 = tpu.memref_slice %arg10[%mul3A_2, %dma_wait3A_77] : memref<10240x128xf32, #tpu.memory_space<vmem_shared>> -> memref<640x128xf32, #tpu.memory_space<vmem_shared>>
      %dma_wait3A_79 = arith.constant 0 : i32
      %dma_wait3A_80 = arith.constant 0 : i32
      %dma_wait3A_81 = tpu.memref_slice %arg5[%arg1, %dma_wait3A_79, %dma_wait3A_80] : memref<16x640x128xf32, #tpu.memory_space<hbm>> -> memref<1x640x128xf32, #tpu.memory_space<hbm>>
      %dma_wait3A_82 = tpu.memref_squeeze %dma_wait3A_81 : memref<1x640x128xf32, #tpu.memory_space<hbm>> -> memref<640x128xf32, #tpu.memory_space<hbm>>
      tpu.wait_dma2 semaphore(%run_scoped3A : memref<!tpu.dma_semaphore, #tpu.memory_space<semaphore_mem>>) src(%dma_wait3A_82 : memref<640x128xf32, #tpu.memory_space<hbm>>) dst(%dma_wait3A_78 : memref<640x128xf32, #tpu.memory_space<vmem_shared>>)
      tpu.yield
    }) : () -> ()
    %dma_start3A = arith.constant 0 : i32
    %dma_start3A_3 = arith.constant 0 : i32
    %dma_start3A_4 = arith.constant 0 : i32
    %dma_start3A_5 = tpu.memref_slice %arg7[%dma_start3A, %dma_start3A_3, %dma_start3A_4] : memref<2x8x128xi32, #tpu.memory_space<vmem>> -> memref<1x8x128xi32, #tpu.memory_space<vmem>>
    %dma_start3A_6 = tpu.memref_squeeze %dma_start3A_5 : memref<1x8x128xi32, #tpu.memory_space<vmem>> -> memref<8x128xi32, #tpu.memory_space<vmem>>
    %dma_start3A_7 = arith.constant 0 : i32
    %dma_start3A_8 = arith.constant 0 : i32
    %dma_start3A_9 = tpu.memref_slice %arg3[%add3A, %dma_start3A_7, %dma_start3A_8] : memref<32x80x128xi32, #tpu.memory_space<hbm>> -> memref<1x8x128xi32, #tpu.memory_space<hbm>>
    %dma_start3A_10 = tpu.memref_squeeze %dma_start3A_9 : memref<1x8x128xi32, #tpu.memory_space<hbm>> -> memref<8x128xi32, #tpu.memory_space<hbm>>
    %dma_start3A_11 = arith.constant 0 : i32
    %dma_start3A_12 = arith.constant 0 : i32
    %dma_start3A_13 = tpu.memref_slice %arg7[%dma_start3A, %dma_start3A_11, %dma_start3A_12] : memref<2x8x128xi32, #tpu.memory_space<vmem>> -> memref<1x8x128xi32, #tpu.memory_space<vmem>>
    %dma_start3A_14 = tpu.memref_squeeze %dma_start3A_13 : memref<1x8x128xi32, #tpu.memory_space<vmem>> -> memref<8x128xi32, #tpu.memory_space<vmem>>
    %dma_start3A_15 = arith.constant 0 : i32
    %dma_start3A_16 = arith.constant 0 : i32
    %dma_start3A_17 = tpu.memref_slice %arg3[%add3A, %dma_start3A_15, %dma_start3A_16] : memref<32x80x128xi32, #tpu.memory_space<hbm>> -> memref<1x8x128xi32, #tpu.memory_space<hbm>>
    %dma_start3A_18 = tpu.memref_squeeze %dma_start3A_17 : memref<1x8x128xi32, #tpu.memory_space<hbm>> -> memref<8x128xi32, #tpu.memory_space<hbm>>
    tpu.enqueue_dma source(%dma_start3A_18 : memref<8x128xi32, #tpu.memory_space<hbm>>) target(%dma_start3A_14 : memref<8x128xi32, #tpu.memory_space<vmem>>) target_semaphore(%arg15 : memref<!tpu.dma_semaphore, #tpu.memory_space<semaphore_mem>>)
    %dma_start3A_19 = arith.constant 0 : i32
    %dma_start3A_20 = arith.constant 0 : i32
    %dma_start3A_21 = arith.constant 0 : i32
    %dma_start3A_22 = tpu.memref_slice %arg8[%dma_start3A_19, %dma_start3A_20, %dma_start3A_21] : memref<2x8x128xi32, #tpu.memory_space<vmem>> -> memref<1x8x128xi32, #tpu.memory_space<vmem>>
    %dma_start3A_23 = tpu.memref_squeeze %dma_start3A_22 : memref<1x8x128xi32, #tpu.memory_space<vmem>> -> memref<8x128xi32, #tpu.memory_space<vmem>>
    %dma_start3A_24 = arith.constant 0 : i32
    %dma_start3A_25 = arith.constant 0 : i32
    %dma_start3A_26 = tpu.memref_slice %arg4[%add3A, %dma_start3A_24, %dma_start3A_25] : memref<32x80x128xi32, #tpu.memory_space<hbm>> -> memref<1x8x128xi32, #tpu.memory_space<hbm>>
    %dma_start3A_27 = tpu.memref_squeeze %dma_start3A_26 : memref<1x8x128xi32, #tpu.memory_space<hbm>> -> memref<8x128xi32, #tpu.memory_space<hbm>>
    %dma_start3A_28 = arith.constant 0 : i32
    %dma_start3A_29 = arith.constant 0 : i32
    %dma_start3A_30 = tpu.memref_slice %arg8[%dma_start3A_19, %dma_start3A_28, %dma_start3A_29] : memref<2x8x128xi32, #tpu.memory_space<vmem>> -> memref<1x8x128xi32, #tpu.memory_space<vmem>>
    %dma_start3A_31 = tpu.memref_squeeze %dma_start3A_30 : memref<1x8x128xi32, #tpu.memory_space<vmem>> -> memref<8x128xi32, #tpu.memory_space<vmem>>
    %dma_start3A_32 = arith.constant 0 : i32
    %dma_start3A_33 = arith.constant 0 : i32
    %dma_start3A_34 = tpu.memref_slice %arg4[%add3A, %dma_start3A_32, %dma_start3A_33] : memref<32x80x128xi32, #tpu.memory_space<hbm>> -> memref<1x8x128xi32, #tpu.memory_space<hbm>>
    %dma_start3A_35 = tpu.memref_squeeze %dma_start3A_34 : memref<1x8x128xi32, #tpu.memory_space<hbm>> -> memref<8x128xi32, #tpu.memory_space<hbm>>
    tpu.enqueue_dma source(%dma_start3A_35 : memref<8x128xi32, #tpu.memory_space<hbm>>) target(%dma_start3A_31 : memref<8x128xi32, #tpu.memory_space<vmem>>) target_semaphore(%arg15 : memref<!tpu.dma_semaphore, #tpu.memory_space<semaphore_mem>>)
    %barrier3A = arith.constant 0 : index
    tpu.barrier barrier_id(%barrier3A)
    %scan3A = arith.constant 0 : i32
    %scan3A_36 = arith.constant 0 : i32
    %scan3A_37 = arith.constant 10 : i32
    %scan3A_38 = arith.addi %scan3A_36, %scan3A_37 : i32
    %scan3A_39 = arith.constant 1 : i32
    scf.for %scan3A_71 = %scan3A_36 to %scan3A_38 step %scan3A_39  : i32 {
      %rem3A = arith.constant 2 : i32
      %rem3A_72 = arith.remsi %scan3A_71, %rem3A : i32
      %sub3A = arith.constant 1 : i32
      %sub3A_73 = arith.subi %sub3A, %rem3A_72 : i32
      %dma_wait3A_74 = arith.constant 0 : i32
      %dma_wait3A_75 = arith.constant 0 : i32
      %dma_wait3A_76 = tpu.memref_slice %arg7[%rem3A_72, %dma_wait3A_74, %dma_wait3A_75] : memref<2x8x128xi32, #tpu.memory_space<vmem>> -> memref<1x8x128xi32, #tpu.memory_space<vmem>>
      %dma_wait3A_77 = tpu.memref_squeeze %dma_wait3A_76 : memref<1x8x128xi32, #tpu.memory_space<vmem>> -> memref<8x128xi32, #tpu.memory_space<vmem>>
      %dma_wait3A_78 = arith.constant 0 : i32
      %dma_wait3A_79 = arith.constant 0 : i32
      %dma_wait3A_80 = tpu.memref_slice %arg3[%add3A, %dma_wait3A_78, %dma_wait3A_79] : memref<32x80x128xi32, #tpu.memory_space<hbm>> -> memref<1x8x128xi32, #tpu.memory_space<hbm>>
      %dma_wait3A_81 = tpu.memref_squeeze %dma_wait3A_80 : memref<1x8x128xi32, #tpu.memory_space<hbm>> -> memref<8x128xi32, #tpu.memory_space<hbm>>
      %dma_wait3A_82 = arith.constant 0 : i32
      %dma_wait3A_83 = arith.constant 0 : i32
      %dma_wait3A_84 = tpu.memref_slice %arg7[%rem3A_72, %dma_wait3A_82, %dma_wait3A_83] : memref<2x8x128xi32, #tpu.memory_space<vmem>> -> memref<1x8x128xi32, #tpu.memory_space<vmem>>
      %dma_wait3A_85 = tpu.memref_squeeze %dma_wait3A_84 : memref<1x8x128xi32, #tpu.memory_space<vmem>> -> memref<8x128xi32, #tpu.memory_space<vmem>>
      %dma_wait3A_86 = arith.constant 0 : i32
      %dma_wait3A_87 = arith.constant 0 : i32
      %dma_wait3A_88 = tpu.memref_slice %arg3[%add3A, %dma_wait3A_86, %dma_wait3A_87] : memref<32x80x128xi32, #tpu.memory_space<hbm>> -> memref<1x8x128xi32, #tpu.memory_space<hbm>>
      %dma_wait3A_89 = tpu.memref_squeeze %dma_wait3A_88 : memref<1x8x128xi32, #tpu.memory_space<hbm>> -> memref<8x128xi32, #tpu.memory_space<hbm>>
      tpu.wait_dma2 semaphore(%arg15 : memref<!tpu.dma_semaphore, #tpu.memory_space<semaphore_mem>>) src(%dma_wait3A_89 : memref<8x128xi32, #tpu.memory_space<hbm>>) dst(%dma_wait3A_85 : memref<8x128xi32, #tpu.memory_space<vmem>>)
      %dma_wait3A_90 = arith.constant 0 : i32
      %dma_wait3A_91 = arith.constant 0 : i32
      %dma_wait3A_92 = tpu.memref_slice %arg8[%rem3A_72, %dma_wait3A_90, %dma_wait3A_91] : memref<2x8x128xi32, #tpu.memory_space<vmem>> -> memref<1x8x128xi32, #tpu.memory_space<vmem>>
      %dma_wait3A_93 = tpu.memref_squeeze %dma_wait3A_92 : memref<1x8x128xi32, #tpu.memory_space<vmem>> -> memref<8x128xi32, #tpu.memory_space<vmem>>
      %dma_wait3A_94 = arith.constant 0 : i32
      %dma_wait3A_95 = arith.constant 0 : i32
      %dma_wait3A_96 = tpu.memref_slice %arg4[%add3A, %dma_wait3A_94, %dma_wait3A_95] : memref<32x80x128xi32, #tpu.memory_space<hbm>> -> memref<1x8x128xi32, #tpu.memory_space<hbm>>
      %dma_wait3A_97 = tpu.memref_squeeze %dma_wait3A_96 : memref<1x8x128xi32, #tpu.memory_space<hbm>> -> memref<8x128xi32, #tpu.memory_space<hbm>>
      %dma_wait3A_98 = arith.constant 0 : i32
      %dma_wait3A_99 = arith.constant 0 : i32
      %dma_wait3A_100 = tpu.memref_slice %arg8[%rem3A_72, %dma_wait3A_98, %dma_wait3A_99] : memref<2x8x128xi32, #tpu.memory_space<vmem>> -> memref<1x8x128xi32, #tpu.memory_space<vmem>>
      %dma_wait3A_101 = tpu.memref_squeeze %dma_wait3A_100 : memref<1x8x128xi32, #tpu.memory_space<vmem>> -> memref<8x128xi32, #tpu.memory_space<vmem>>
      %dma_wait3A_102 = arith.constant 0 : i32
      %dma_wait3A_103 = arith.constant 0 : i32
      %dma_wait3A_104 = tpu.memref_slice %arg4[%add3A, %dma_wait3A_102, %dma_wait3A_103] : memref<32x80x128xi32, #tpu.memory_space<hbm>> -> memref<1x8x128xi32, #tpu.memory_space<hbm>>
      %dma_wait3A_105 = tpu.memref_squeeze %dma_wait3A_104 : memref<1x8x128xi32, #tpu.memory_space<hbm>> -> memref<8x128xi32, #tpu.memory_space<hbm>>
      tpu.wait_dma2 semaphore(%arg15 : memref<!tpu.dma_semaphore, #tpu.memory_space<semaphore_mem>>) src(%dma_wait3A_105 : memref<8x128xi32, #tpu.memory_space<hbm>>) dst(%dma_wait3A_101 : memref<8x128xi32, #tpu.memory_space<vmem>>)
      %gt3A = arith.constant 0 : i32
      %gt3A_106 = arith.cmpi sgt, %scan3A_71, %gt3A : i32
      %convert_element_type3A = arith.extui %gt3A_106 : i1 to i32
      %cond3A = arith.constant 0 : i32
      %cond3A_107 = arith.cmpi ne, %convert_element_type3A, %cond3A : i32
      scf.if %cond3A_107 {
        %dma_wait3A_1050 = arith.constant 0 : i32
        %dma_wait3A_1051 = arith.constant 0 : i32
        %dma_wait3A_1052 = arith.constant 0 : i32
        %dma_wait3A_1053 = arith.constant 0 : i32
        %dma_wait3A_1054 = arith.constant 0 : i32
        %dma_wait3A_1055 = tpu.memref_slice %arg9[%dma_wait3A_1050, %dma_wait3A_1053, %dma_wait3A_1054] : memref<2x128x128xf32, #tpu.memory_space<vmem>> -> memref<1x128x128xf32, #tpu.memory_space<vmem>>
        %dma_wait3A_1056 = tpu.memref_squeeze %dma_wait3A_1055 : memref<1x128x128xf32, #tpu.memory_space<vmem>> -> memref<128x128xf32, #tpu.memory_space<vmem>>
        %dma_wait3A_1057 = arith.constant 0 : i32
        %dma_wait3A_1058 = tpu.memref_slice %arg8[%dma_wait3A_1051, %dma_wait3A_1052, %dma_wait3A_1057] : memref<2x8x128xi32, #tpu.memory_space<vmem>> -> memref<1x1x128xi32, #tpu.memory_space<vmem>>
        %dma_wait3A_1059 = tpu.memref_squeeze %dma_wait3A_1058 : memref<1x1x128xi32, #tpu.memory_space<vmem>> -> memref<128xi32, #tpu.memory_space<vmem>>
        %dma_wait3A_1060 = arith.constant 0 : i32
        %dma_wait3A_1061 = arith.constant 0 : i32
        %dma_wait3A_1062 = tpu.memref_slice %arg10[%dma_wait3A_1060, %dma_wait3A_1061] : memref<10240x128xf32, #tpu.memory_space<vmem_shared>> -> memref<10240x128xf32, #tpu.memory_space<vmem_shared>>
        tpu.wait_indirect_dma semaphore(%arg13 : memref<!tpu.dma_semaphore, #tpu.memory_space<semaphore_mem>>) src(%dma_wait3A_1056 : memref<128x128xf32, #tpu.memory_space<vmem>>) dst(%dma_wait3A_1062 : memref<10240x128xf32, #tpu.memory_space<vmem_shared>>)
        %dma_wait3A_1063 = arith.constant 1 : i32
        %dma_wait3A_1064 = arith.constant 1 : i32
        %dma_wait3A_1065 = arith.constant 0 : i32
        %dma_wait3A_1066 = arith.constant 0 : i32
        %dma_wait3A_1067 = arith.constant 0 : i32
        %dma_wait3A_1068 = tpu.memref_slice %arg9[%dma_wait3A_1063, %dma_wait3A_1066, %dma_wait3A_1067] : memref<2x128x128xf32, #tpu.memory_space<vmem>> -> memref<1x128x128xf32, #tpu.memory_space<vmem>>
        %dma_wait3A_1069 = tpu.memref_squeeze %dma_wait3A_1068 : memref<1x128x128xf32, #tpu.memory_space<vmem>> -> memref<128x128xf32, #tpu.memory_space<vmem>>
        %dma_wait3A_1070 = arith.constant 0 : i32
        %dma_wait3A_1071 = tpu.memref_slice %arg8[%dma_wait3A_1064, %dma_wait3A_1065, %dma_wait3A_1070] : memref<2x8x128xi32, #tpu.memory_space<vmem>> -> memref<1x1x128xi32, #tpu.memory_space<vmem>>
        %dma_wait3A_1072 = tpu.memref_squeeze %dma_wait3A_1071 : memref<1x1x128xi32, #tpu.memory_space<vmem>> -> memref<128xi32, #tpu.memory_space<vmem>>
        %dma_wait3A_1073 = arith.constant 0 : i32
        %dma_wait3A_1074 = arith.constant 0 : i32
        %dma_wait3A_1075 = tpu.memref_slice %arg10[%dma_wait3A_1073, %dma_wait3A_1074] : memref<10240x128xf32, #tpu.memory_space<vmem_shared>> -> memref<10240x128xf32, #tpu.memory_space<vmem_shared>>
        tpu.wait_indirect_dma semaphore(%arg14 : memref<!tpu.dma_semaphore, #tpu.memory_space<semaphore_mem>>) src(%dma_wait3A_1069 : memref<128x128xf32, #tpu.memory_space<vmem>>) dst(%dma_wait3A_1075 : memref<10240x128xf32, #tpu.memory_space<vmem_shared>>)
      } else {
      }
      %add3A_108 = arith.constant 1 : i32
      %add3A_109 = arith.addi %scan3A_71, %add3A_108 : i32
      %lt3A = arith.constant 10 : i32
      %lt3A_110 = arith.cmpi slt, %add3A_109, %lt3A : i32
      %convert_element_type3A_111 = arith.extui %lt3A_110 : i1 to i32
      %cond3A_112 = arith.constant 0 : i32
      %cond3A_113 = arith.cmpi ne, %convert_element_type3A_111, %cond3A_112 : i32
      scf.if %cond3A_113 {
        %add3A_1050 = arith.constant 1 : i32
        %add3A_1051 = arith.addi %scan3A_71, %add3A_1050 : i32
        %mul3A_1052 = arith.constant 8 : i32
        %mul3A_1053 = arith.muli %add3A_1051, %mul3A_1052 : i32
        %dma_start3A_1054 = arith.constant 0 : i32
        %dma_start3A_1055 = arith.constant 0 : i32
        %dma_start3A_1056 = tpu.memref_slice %arg7[%sub3A_73, %dma_start3A_1054, %dma_start3A_1055] : memref<2x8x128xi32, #tpu.memory_space<vmem>> -> memref<1x8x128xi32, #tpu.memory_space<vmem>>
        %dma_start3A_1057 = tpu.memref_squeeze %dma_start3A_1056 : memref<1x8x128xi32, #tpu.memory_space<vmem>> -> memref<8x128xi32, #tpu.memory_space<vmem>>
        %dma_start3A_1058 = arith.constant 0 : i32
        %dma_start3A_1059 = tpu.memref_slice %arg3[%add3A, %mul3A_1053, %dma_start3A_1058] : memref<32x80x128xi32, #tpu.memory_space<hbm>> -> memref<1x8x128xi32, #tpu.memory_space<hbm>>
        %dma_start3A_1060 = tpu.memref_squeeze %dma_start3A_1059 : memref<1x8x128xi32, #tpu.memory_space<hbm>> -> memref<8x128xi32, #tpu.memory_space<hbm>>
        %dma_start3A_1061 = arith.constant 0 : i32
        %dma_start3A_1062 = arith.constant 0 : i32
        %dma_start3A_1063 = tpu.memref_slice %arg7[%sub3A_73, %dma_start3A_1061, %dma_start3A_1062] : memref<2x8x128xi32, #tpu.memory_space<vmem>> -> memref<1x8x128xi32, #tpu.memory_space<vmem>>
        %dma_start3A_1064 = tpu.memref_squeeze %dma_start3A_1063 : memref<1x8x128xi32, #tpu.memory_space<vmem>> -> memref<8x128xi32, #tpu.memory_space<vmem>>
        %dma_start3A_1065 = arith.constant 0 : i32
        %dma_start3A_1066 = tpu.memref_slice %arg3[%add3A, %mul3A_1053, %dma_start3A_1065] : memref<32x80x128xi32, #tpu.memory_space<hbm>> -> memref<1x8x128xi32, #tpu.memory_space<hbm>>
        %dma_start3A_1067 = tpu.memref_squeeze %dma_start3A_1066 : memref<1x8x128xi32, #tpu.memory_space<hbm>> -> memref<8x128xi32, #tpu.memory_space<hbm>>
        tpu.enqueue_dma source(%dma_start3A_1067 : memref<8x128xi32, #tpu.memory_space<hbm>>) target(%dma_start3A_1064 : memref<8x128xi32, #tpu.memory_space<vmem>>) target_semaphore(%arg15 : memref<!tpu.dma_semaphore, #tpu.memory_space<semaphore_mem>>)
        %dma_start3A_1068 = arith.constant 0 : i32
        %dma_start3A_1069 = arith.constant 0 : i32
        %dma_start3A_1070 = tpu.memref_slice %arg8[%sub3A_73, %dma_start3A_1068, %dma_start3A_1069] : memref<2x8x128xi32, #tpu.memory_space<vmem>> -> memref<1x8x128xi32, #tpu.memory_space<vmem>>
        %dma_start3A_1071 = tpu.memref_squeeze %dma_start3A_1070 : memref<1x8x128xi32, #tpu.memory_space<vmem>> -> memref<8x128xi32, #tpu.memory_space<vmem>>
        %dma_start3A_1072 = arith.constant 0 : i32
        %dma_start3A_1073 = tpu.memref_slice %arg4[%add3A, %mul3A_1053, %dma_start3A_1072] : memref<32x80x128xi32, #tpu.memory_space<hbm>> -> memref<1x8x128xi32, #tpu.memory_space<hbm>>
        %dma_start3A_1074 = tpu.memref_squeeze %dma_start3A_1073 : memref<1x8x128xi32, #tpu.memory_space<hbm>> -> memref<8x128xi32, #tpu.memory_space<hbm>>
        %dma_start3A_1075 = arith.constant 0 : i32
        %dma_start3A_1076 = arith.constant 0 : i32
        %dma_start3A_1077 = tpu.memref_slice %arg8[%sub3A_73, %dma_start3A_1075, %dma_start3A_1076] : memref<2x8x128xi32, #tpu.memory_space<vmem>> -> memref<1x8x128xi32, #tpu.memory_space<vmem>>
        %dma_start3A_1078 = tpu.memref_squeeze %dma_start3A_1077 : memref<1x8x128xi32, #tpu.memory_space<vmem>> -> memref<8x128xi32, #tpu.memory_space<vmem>>
        %dma_start3A_1079 = arith.constant 0 : i32
        %dma_start3A_1080 = tpu.memref_slice %arg4[%add3A, %mul3A_1053, %dma_start3A_1079] : memref<32x80x128xi32, #tpu.memory_space<hbm>> -> memref<1x8x128xi32, #tpu.memory_space<hbm>>
        %dma_start3A_1081 = tpu.memref_squeeze %dma_start3A_1080 : memref<1x8x128xi32, #tpu.memory_space<hbm>> -> memref<8x128xi32, #tpu.memory_space<hbm>>
        tpu.enqueue_dma source(%dma_start3A_1081 : memref<8x128xi32, #tpu.memory_space<hbm>>) target(%dma_start3A_1078 : memref<8x128xi32, #tpu.memory_space<vmem>>) target_semaphore(%arg15 : memref<!tpu.dma_semaphore, #tpu.memory_space<semaphore_mem>>)
      } else {
      }
      %dma_start3A_114 = arith.constant 0 : i32
      %dma_start3A_115 = arith.constant 0 : i32
      %dma_start3A_116 = arith.constant 0 : i32
      %dma_start3A_117 = arith.constant 0 : i32
      %dma_start3A_118 = tpu.memref_slice %arg9[%dma_start3A_115, %dma_start3A_116, %dma_start3A_117] : memref<2x128x128xf32, #tpu.memory_space<vmem>> -> memref<1x32x128xf32, #tpu.memory_space<vmem>>
      %dma_start3A_119 = tpu.memref_squeeze %dma_start3A_118 : memref<1x32x128xf32, #tpu.memory_space<vmem>> -> memref<32x128xf32, #tpu.memory_space<vmem>>
      %dma_start3A_120 = arith.constant 0 : i32
      %dma_start3A_121 = tpu.memref_slice %arg7[%rem3A_72, %dma_start3A_114, %dma_start3A_120] : memref<2x8x128xi32, #tpu.memory_space<vmem>> -> memref<1x1x32xi32, #tpu.memory_space<vmem>>
      %dma_start3A_122 = tpu.memref_squeeze %dma_start3A_121 : memref<1x1x32xi32, #tpu.memory_space<vmem>> -> memref<32xi32, #tpu.memory_space<vmem>>
      %dma_start3A_123 = arith.constant 0 : i32
      %dma_start3A_124 = arith.constant 0 : i32
      %dma_start3A_125 = tpu.memref_slice %arg2[%dma_start3A_123, %dma_start3A_124] : memref<10240x128xf32, #tpu.memory_space<hbm>> -> memref<10240x128xf32, #tpu.memory_space<hbm>>
      tpu.enqueue_indirect_dma source(%dma_start3A_125 : memref<10240x128xf32, #tpu.memory_space<hbm>>) target(%dma_start3A_119 : memref<32x128xf32, #tpu.memory_space<vmem>>) offsets(%dma_start3A_122 : memref<32xi32, #tpu.memory_space<vmem>>) semaphore(%arg11 : memref<!tpu.dma_semaphore, #tpu.memory_space<semaphore_mem>>)
      %dma_start3A_126 = arith.constant 0 : i32
      %dma_start3A_127 = arith.constant 0 : i32
      %dma_start3A_128 = arith.constant 32 : i32
      %dma_start3A_129 = arith.constant 0 : i32
      %dma_start3A_130 = tpu.memref_slice %arg9[%dma_start3A_127, %dma_start3A_128, %dma_start3A_129] : memref<2x128x128xf32, #tpu.memory_space<vmem>> -> memref<1x32x128xf32, #tpu.memory_space<vmem>>
      %dma_start3A_131 = tpu.memref_squeeze %dma_start3A_130 : memref<1x32x128xf32, #tpu.memory_space<vmem>> -> memref<32x128xf32, #tpu.memory_space<vmem>>
      %dma_start3A_132 = arith.constant 32 : i32
      %dma_start3A_133 = tpu.memref_slice %arg7[%rem3A_72, %dma_start3A_126, %dma_start3A_132] : memref<2x8x128xi32, #tpu.memory_space<vmem>> -> memref<1x1x32xi32, #tpu.memory_space<vmem>>
      %dma_start3A_134 = tpu.memref_squeeze %dma_start3A_133 : memref<1x1x32xi32, #tpu.memory_space<vmem>> -> memref<32xi32, #tpu.memory_space<vmem>>
      %dma_start3A_135 = arith.constant 0 : i32
      %dma_start3A_136 = arith.constant 0 : i32
      %dma_start3A_137 = tpu.memref_slice %arg2[%dma_start3A_135, %dma_start3A_136] : memref<10240x128xf32, #tpu.memory_space<hbm>> -> memref<10240x128xf32, #tpu.memory_space<hbm>>
      tpu.enqueue_indirect_dma source(%dma_start3A_137 : memref<10240x128xf32, #tpu.memory_space<hbm>>) target(%dma_start3A_131 : memref<32x128xf32, #tpu.memory_space<vmem>>) offsets(%dma_start3A_134 : memref<32xi32, #tpu.memory_space<vmem>>) semaphore(%arg11 : memref<!tpu.dma_semaphore, #tpu.memory_space<semaphore_mem>>)
      %dma_start3A_138 = arith.constant 0 : i32
      %dma_start3A_139 = arith.constant 0 : i32
      %dma_start3A_140 = arith.constant 64 : i32
      %dma_start3A_141 = arith.constant 0 : i32
      %dma_start3A_142 = tpu.memref_slice %arg9[%dma_start3A_139, %dma_start3A_140, %dma_start3A_141] : memref<2x128x128xf32, #tpu.memory_space<vmem>> -> memref<1x32x128xf32, #tpu.memory_space<vmem>>
      %dma_start3A_143 = tpu.memref_squeeze %dma_start3A_142 : memref<1x32x128xf32, #tpu.memory_space<vmem>> -> memref<32x128xf32, #tpu.memory_space<vmem>>
      %dma_start3A_144 = arith.constant 64 : i32
      %dma_start3A_145 = tpu.memref_slice %arg7[%rem3A_72, %dma_start3A_138, %dma_start3A_144] : memref<2x8x128xi32, #tpu.memory_space<vmem>> -> memref<1x1x32xi32, #tpu.memory_space<vmem>>
      %dma_start3A_146 = tpu.memref_squeeze %dma_start3A_145 : memref<1x1x32xi32, #tpu.memory_space<vmem>> -> memref<32xi32, #tpu.memory_space<vmem>>
      %dma_start3A_147 = arith.constant 0 : i32
      %dma_start3A_148 = arith.constant 0 : i32
      %dma_start3A_149 = tpu.memref_slice %arg2[%dma_start3A_147, %dma_start3A_148] : memref<10240x128xf32, #tpu.memory_space<hbm>> -> memref<10240x128xf32, #tpu.memory_space<hbm>>
      tpu.enqueue_indirect_dma source(%dma_start3A_149 : memref<10240x128xf32, #tpu.memory_space<hbm>>) target(%dma_start3A_143 : memref<32x128xf32, #tpu.memory_space<vmem>>) offsets(%dma_start3A_146 : memref<32xi32, #tpu.memory_space<vmem>>) semaphore(%arg11 : memref<!tpu.dma_semaphore, #tpu.memory_space<semaphore_mem>>)
      %dma_start3A_150 = arith.constant 0 : i32
      %dma_start3A_151 = arith.constant 0 : i32
      %dma_start3A_152 = arith.constant 96 : i32
      %dma_start3A_153 = arith.constant 0 : i32
      %dma_start3A_154 = tpu.memref_slice %arg9[%dma_start3A_151, %dma_start3A_152, %dma_start3A_153] : memref<2x128x128xf32, #tpu.memory_space<vmem>> -> memref<1x32x128xf32, #tpu.memory_space<vmem>>
      %dma_start3A_155 = tpu.memref_squeeze %dma_start3A_154 : memref<1x32x128xf32, #tpu.memory_space<vmem>> -> memref<32x128xf32, #tpu.memory_space<vmem>>
      %dma_start3A_156 = arith.constant 96 : i32
      %dma_start3A_157 = tpu.memref_slice %arg7[%rem3A_72, %dma_start3A_150, %dma_start3A_156] : memref<2x8x128xi32, #tpu.memory_space<vmem>> -> memref<1x1x32xi32, #tpu.memory_space<vmem>>
      %dma_start3A_158 = tpu.memref_squeeze %dma_start3A_157 : memref<1x1x32xi32, #tpu.memory_space<vmem>> -> memref<32xi32, #tpu.memory_space<vmem>>
      %dma_start3A_159 = arith.constant 0 : i32
      %dma_start3A_160 = arith.constant 0 : i32
      %dma_start3A_161 = tpu.memref_slice %arg2[%dma_start3A_159, %dma_start3A_160] : memref<10240x128xf32, #tpu.memory_space<hbm>> -> memref<10240x128xf32, #tpu.memory_space<hbm>>
      tpu.enqueue_indirect_dma source(%dma_start3A_161 : memref<10240x128xf32, #tpu.memory_space<hbm>>) target(%dma_start3A_155 : memref<32x128xf32, #tpu.memory_space<vmem>>) offsets(%dma_start3A_158 : memref<32xi32, #tpu.memory_space<vmem>>) semaphore(%arg11 : memref<!tpu.dma_semaphore, #tpu.memory_space<semaphore_mem>>)
      %dma_start3A_162 = arith.constant 1 : i32
      %dma_start3A_163 = arith.constant 1 : i32
      %dma_start3A_164 = arith.constant 0 : i32
      %dma_start3A_165 = arith.constant 0 : i32
      %dma_start3A_166 = tpu.memref_slice %arg9[%dma_start3A_163, %dma_start3A_164, %dma_start3A_165] : memref<2x128x128xf32, #tpu.memory_space<vmem>> -> memref<1x32x128xf32, #tpu.memory_space<vmem>>
      %dma_start3A_167 = tpu.memref_squeeze %dma_start3A_166 : memref<1x32x128xf32, #tpu.memory_space<vmem>> -> memref<32x128xf32, #tpu.memory_space<vmem>>
      %dma_start3A_168 = arith.constant 0 : i32
      %dma_start3A_169 = tpu.memref_slice %arg7[%rem3A_72, %dma_start3A_162, %dma_start3A_168] : memref<2x8x128xi32, #tpu.memory_space<vmem>> -> memref<1x1x32xi32, #tpu.memory_space<vmem>>
      %dma_start3A_170 = tpu.memref_squeeze %dma_start3A_169 : memref<1x1x32xi32, #tpu.memory_space<vmem>> -> memref<32xi32, #tpu.memory_space<vmem>>
      %dma_start3A_171 = arith.constant 0 : i32
      %dma_start3A_172 = arith.constant 0 : i32
      %dma_start3A_173 = tpu.memref_slice %arg2[%dma_start3A_171, %dma_start3A_172] : memref<10240x128xf32, #tpu.memory_space<hbm>> -> memref<10240x128xf32, #tpu.memory_space<hbm>>
      tpu.enqueue_indirect_dma source(%dma_start3A_173 : memref<10240x128xf32, #tpu.memory_space<hbm>>) target(%dma_start3A_167 : memref<32x128xf32, #tpu.memory_space<vmem>>) offsets(%dma_start3A_170 : memref<32xi32, #tpu.memory_space<vmem>>) semaphore(%arg12 : memref<!tpu.dma_semaphore, #tpu.memory_space<semaphore_mem>>)
      %dma_start3A_174 = arith.constant 1 : i32
      %dma_start3A_175 = arith.constant 1 : i32
      %dma_start3A_176 = arith.constant 32 : i32
      %dma_start3A_177 = arith.constant 0 : i32
      %dma_start3A_178 = tpu.memref_slice %arg9[%dma_start3A_175, %dma_start3A_176, %dma_start3A_177] : memref<2x128x128xf32, #tpu.memory_space<vmem>> -> memref<1x32x128xf32, #tpu.memory_space<vmem>>
      %dma_start3A_179 = tpu.memref_squeeze %dma_start3A_178 : memref<1x32x128xf32, #tpu.memory_space<vmem>> -> memref<32x128xf32, #tpu.memory_space<vmem>>
      %dma_start3A_180 = arith.constant 32 : i32
      %dma_start3A_181 = tpu.memref_slice %arg7[%rem3A_72, %dma_start3A_174, %dma_start3A_180] : memref<2x8x128xi32, #tpu.memory_space<vmem>> -> memref<1x1x32xi32, #tpu.memory_space<vmem>>
      %dma_start3A_182 = tpu.memref_squeeze %dma_start3A_181 : memref<1x1x32xi32, #tpu.memory_space<vmem>> -> memref<32xi32, #tpu.memory_space<vmem>>
      %dma_start3A_183 = arith.constant 0 : i32
      %dma_start3A_184 = arith.constant 0 : i32
      %dma_start3A_185 = tpu.memref_slice %arg2[%dma_start3A_183, %dma_start3A_184] : memref<10240x128xf32, #tpu.memory_space<hbm>> -> memref<10240x128xf32, #tpu.memory_space<hbm>>
      tpu.enqueue_indirect_dma source(%dma_start3A_185 : memref<10240x128xf32, #tpu.memory_space<hbm>>) target(%dma_start3A_179 : memref<32x128xf32, #tpu.memory_space<vmem>>) offsets(%dma_start3A_182 : memref<32xi32, #tpu.memory_space<vmem>>) semaphore(%arg12 : memref<!tpu.dma_semaphore, #tpu.memory_space<semaphore_mem>>)
      %dma_start3A_186 = arith.constant 1 : i32
      %dma_start3A_187 = arith.constant 1 : i32
      %dma_start3A_188 = arith.constant 64 : i32
      %dma_start3A_189 = arith.constant 0 : i32
      %dma_start3A_190 = tpu.memref_slice %arg9[%dma_start3A_187, %dma_start3A_188, %dma_start3A_189] : memref<2x128x128xf32, #tpu.memory_space<vmem>> -> memref<1x32x128xf32, #tpu.memory_space<vmem>>
      %dma_start3A_191 = tpu.memref_squeeze %dma_start3A_190 : memref<1x32x128xf32, #tpu.memory_space<vmem>> -> memref<32x128xf32, #tpu.memory_space<vmem>>
      %dma_start3A_192 = arith.constant 64 : i32
      %dma_start3A_193 = tpu.memref_slice %arg7[%rem3A_72, %dma_start3A_186, %dma_start3A_192] : memref<2x8x128xi32, #tpu.memory_space<vmem>> -> memref<1x1x32xi32, #tpu.memory_space<vmem>>
      %dma_start3A_194 = tpu.memref_squeeze %dma_start3A_193 : memref<1x1x32xi32, #tpu.memory_space<vmem>> -> memref<32xi32, #tpu.memory_space<vmem>>
      %dma_start3A_195 = arith.constant 0 : i32
      %dma_start3A_196 = arith.constant 0 : i32
      %dma_start3A_197 = tpu.memref_slice %arg2[%dma_start3A_195, %dma_start3A_196] : memref<10240x128xf32, #tpu.memory_space<hbm>> -> memref<10240x128xf32, #tpu.memory_space<hbm>>
      tpu.enqueue_indirect_dma source(%dma_start3A_197 : memref<10240x128xf32, #tpu.memory_space<hbm>>) target(%dma_start3A_191 : memref<32x128xf32, #tpu.memory_space<vmem>>) offsets(%dma_start3A_194 : memref<32xi32, #tpu.memory_space<vmem>>) semaphore(%arg12 : memref<!tpu.dma_semaphore, #tpu.memory_space<semaphore_mem>>)
      %dma_start3A_198 = arith.constant 1 : i32
      %dma_start3A_199 = arith.constant 1 : i32
      %dma_start3A_200 = arith.constant 96 : i32
      %dma_start3A_201 = arith.constant 0 : i32
      %dma_start3A_202 = tpu.memref_slice %arg9[%dma_start3A_199, %dma_start3A_200, %dma_start3A_201] : memref<2x128x128xf32, #tpu.memory_space<vmem>> -> memref<1x32x128xf32, #tpu.memory_space<vmem>>
      %dma_start3A_203 = tpu.memref_squeeze %dma_start3A_202 : memref<1x32x128xf32, #tpu.memory_space<vmem>> -> memref<32x128xf32, #tpu.memory_space<vmem>>
      %dma_start3A_204 = arith.constant 96 : i32
      %dma_start3A_205 = tpu.memref_slice %arg7[%rem3A_72, %dma_start3A_198, %dma_start3A_204] : memref<2x8x128xi32, #tpu.memory_space<vmem>> -> memref<1x1x32xi32, #tpu.memory_space<vmem>>
      %dma_start3A_206 = tpu.memref_squeeze %dma_start3A_205 : memref<1x1x32xi32, #tpu.memory_space<vmem>> -> memref<32xi32, #tpu.memory_space<vmem>>
      %dma_start3A_207 = arith.constant 0 : i32
      %dma_start3A_208 = arith.constant 0 : i32
      %dma_start3A_209 = tpu.memref_slice %arg2[%dma_start3A_207, %dma_start3A_208] : memref<10240x128xf32, #tpu.memory_space<hbm>> -> memref<10240x128xf32, #tpu.memory_space<hbm>>
      tpu.enqueue_indirect_dma source(%dma_start3A_209 : memref<10240x128xf32, #tpu.memory_space<hbm>>) target(%dma_start3A_203 : memref<32x128xf32, #tpu.memory_space<vmem>>) offsets(%dma_start3A_206 : memref<32xi32, #tpu.memory_space<vmem>>) semaphore(%arg12 : memref<!tpu.dma_semaphore, #tpu.memory_space<semaphore_mem>>)
      %dma_wait3A_210 = arith.constant 0 : i32
      %dma_wait3A_211 = arith.constant 0 : i32
      %dma_wait3A_212 = arith.constant 0 : i32
      %dma_wait3A_213 = arith.constant 0 : i32
      %dma_wait3A_214 = tpu.memref_slice %arg9[%dma_wait3A_211, %dma_wait3A_212, %dma_wait3A_213] : memref<2x128x128xf32, #tpu.memory_space<vmem>> -> memref<1x32x128xf32, #tpu.memory_space<vmem>>
      %dma_wait3A_215 = tpu.memref_squeeze %dma_wait3A_214 : memref<1x32x128xf32, #tpu.memory_space<vmem>> -> memref<32x128xf32, #tpu.memory_space<vmem>>
      %dma_wait3A_216 = arith.constant 0 : i32
      %dma_wait3A_217 = tpu.memref_slice %arg7[%rem3A_72, %dma_wait3A_210, %dma_wait3A_216] : memref<2x8x128xi32, #tpu.memory_space<vmem>> -> memref<1x1x32xi32, #tpu.memory_space<vmem>>
      %dma_wait3A_218 = tpu.memref_squeeze %dma_wait3A_217 : memref<1x1x32xi32, #tpu.memory_space<vmem>> -> memref<32xi32, #tpu.memory_space<vmem>>
      %dma_wait3A_219 = arith.constant 0 : i32
      %dma_wait3A_220 = arith.constant 0 : i32
      %dma_wait3A_221 = tpu.memref_slice %arg2[%dma_wait3A_219, %dma_wait3A_220] : memref<10240x128xf32, #tpu.memory_space<hbm>> -> memref<10240x128xf32, #tpu.memory_space<hbm>>
      tpu.wait_indirect_dma semaphore(%arg11 : memref<!tpu.dma_semaphore, #tpu.memory_space<semaphore_mem>>) src(%dma_wait3A_221 : memref<10240x128xf32, #tpu.memory_space<hbm>>) dst(%dma_wait3A_215 : memref<32x128xf32, #tpu.memory_space<vmem>>)
      %dma_wait3A_222 = arith.constant 0 : i32
      %dma_wait3A_223 = arith.constant 0 : i32
      %dma_wait3A_224 = arith.constant 32 : i32
      %dma_wait3A_225 = arith.constant 0 : i32
      %dma_wait3A_226 = tpu.memref_slice %arg9[%dma_wait3A_223, %dma_wait3A_224, %dma_wait3A_225] : memref<2x128x128xf32, #tpu.memory_space<vmem>> -> memref<1x32x128xf32, #tpu.memory_space<vmem>>
      %dma_wait3A_227 = tpu.memref_squeeze %dma_wait3A_226 : memref<1x32x128xf32, #tpu.memory_space<vmem>> -> memref<32x128xf32, #tpu.memory_space<vmem>>
      %dma_wait3A_228 = arith.constant 32 : i32
      %dma_wait3A_229 = tpu.memref_slice %arg7[%rem3A_72, %dma_wait3A_222, %dma_wait3A_228] : memref<2x8x128xi32, #tpu.memory_space<vmem>> -> memref<1x1x32xi32, #tpu.memory_space<vmem>>
      %dma_wait3A_230 = tpu.memref_squeeze %dma_wait3A_229 : memref<1x1x32xi32, #tpu.memory_space<vmem>> -> memref<32xi32, #tpu.memory_space<vmem>>
      %dma_wait3A_231 = arith.constant 0 : i32
      %dma_wait3A_232 = arith.constant 0 : i32
      %dma_wait3A_233 = tpu.memref_slice %arg2[%dma_wait3A_231, %dma_wait3A_232] : memref<10240x128xf32, #tpu.memory_space<hbm>> -> memref<10240x128xf32, #tpu.memory_space<hbm>>
      tpu.wait_indirect_dma semaphore(%arg11 : memref<!tpu.dma_semaphore, #tpu.memory_space<semaphore_mem>>) src(%dma_wait3A_233 : memref<10240x128xf32, #tpu.memory_space<hbm>>) dst(%dma_wait3A_227 : memref<32x128xf32, #tpu.memory_space<vmem>>)
      %dma_wait3A_234 = arith.constant 0 : i32
      %dma_wait3A_235 = arith.constant 0 : i32
      %dma_wait3A_236 = arith.constant 64 : i32
      %dma_wait3A_237 = arith.constant 0 : i32
      %dma_wait3A_238 = tpu.memref_slice %arg9[%dma_wait3A_235, %dma_wait3A_236, %dma_wait3A_237] : memref<2x128x128xf32, #tpu.memory_space<vmem>> -> memref<1x32x128xf32, #tpu.memory_space<vmem>>
      %dma_wait3A_239 = tpu.memref_squeeze %dma_wait3A_238 : memref<1x32x128xf32, #tpu.memory_space<vmem>> -> memref<32x128xf32, #tpu.memory_space<vmem>>
      %dma_wait3A_240 = arith.constant 64 : i32
      %dma_wait3A_241 = tpu.memref_slice %arg7[%rem3A_72, %dma_wait3A_234, %dma_wait3A_240] : memref<2x8x128xi32, #tpu.memory_space<vmem>> -> memref<1x1x32xi32, #tpu.memory_space<vmem>>
      %dma_wait3A_242 = tpu.memref_squeeze %dma_wait3A_241 : memref<1x1x32xi32, #tpu.memory_space<vmem>> -> memref<32xi32, #tpu.memory_space<vmem>>
      %dma_wait3A_243 = arith.constant 0 : i32
      %dma_wait3A_244 = arith.constant 0 : i32
      %dma_wait3A_245 = tpu.memref_slice %arg2[%dma_wait3A_243, %dma_wait3A_244] : memref<10240x128xf32, #tpu.memory_space<hbm>> -> memref<10240x128xf32, #tpu.memory_space<hbm>>
      tpu.wait_indirect_dma semaphore(%arg11 : memref<!tpu.dma_semaphore, #tpu.memory_space<semaphore_mem>>) src(%dma_wait3A_245 : memref<10240x128xf32, #tpu.memory_space<hbm>>) dst(%dma_wait3A_239 : memref<32x128xf32, #tpu.memory_space<vmem>>)
      %dma_wait3A_246 = arith.constant 0 : i32
      %dma_wait3A_247 = arith.constant 0 : i32
      %dma_wait3A_248 = arith.constant 96 : i32
      %dma_wait3A_249 = arith.constant 0 : i32
      %dma_wait3A_250 = tpu.memref_slice %arg9[%dma_wait3A_247, %dma_wait3A_248, %dma_wait3A_249] : memref<2x128x128xf32, #tpu.memory_space<vmem>> -> memref<1x32x128xf32, #tpu.memory_space<vmem>>
      %dma_wait3A_251 = tpu.memref_squeeze %dma_wait3A_250 : memref<1x32x128xf32, #tpu.memory_space<vmem>> -> memref<32x128xf32, #tpu.memory_space<vmem>>
      %dma_wait3A_252 = arith.constant 96 : i32
      %dma_wait3A_253 = tpu.memref_slice %arg7[%rem3A_72, %dma_wait3A_246, %dma_wait3A_252] : memref<2x8x128xi32, #tpu.memory_space<vmem>> -> memref<1x1x32xi32, #tpu.memory_space<vmem>>
      %dma_wait3A_254 = tpu.memref_squeeze %dma_wait3A_253 : memref<1x1x32xi32, #tpu.memory_space<vmem>> -> memref<32xi32, #tpu.memory_space<vmem>>
      %dma_wait3A_255 = arith.constant 0 : i32
      %dma_wait3A_256 = arith.constant 0 : i32
      %dma_wait3A_257 = tpu.memref_slice %arg2[%dma_wait3A_255, %dma_wait3A_256] : memref<10240x128xf32, #tpu.memory_space<hbm>> -> memref<10240x128xf32, #tpu.memory_space<hbm>>
      tpu.wait_indirect_dma semaphore(%arg11 : memref<!tpu.dma_semaphore, #tpu.memory_space<semaphore_mem>>) src(%dma_wait3A_257 : memref<10240x128xf32, #tpu.memory_space<hbm>>) dst(%dma_wait3A_251 : memref<32x128xf32, #tpu.memory_space<vmem>>)
      %dma_start3A_258 = arith.constant 0 : i32
      %dma_start3A_259 = arith.constant 0 : i32
      %dma_start3A_260 = arith.constant 0 : i32
      %dma_start3A_261 = arith.constant 0 : i32
      %dma_start3A_262 = tpu.memref_slice %arg9[%dma_start3A_258, %dma_start3A_260, %dma_start3A_261] : memref<2x128x128xf32, #tpu.memory_space<vmem>> -> memref<1x128x128xf32, #tpu.memory_space<vmem>>
      %dma_start3A_263 = tpu.memref_squeeze %dma_start3A_262 : memref<1x128x128xf32, #tpu.memory_space<vmem>> -> memref<128x128xf32, #tpu.memory_space<vmem>>
      %dma_start3A_264 = arith.constant 0 : i32
      %dma_start3A_265 = tpu.memref_slice %arg8[%rem3A_72, %dma_start3A_259, %dma_start3A_264] : memref<2x8x128xi32, #tpu.memory_space<vmem>> -> memref<1x1x128xi32, #tpu.memory_space<vmem>>
      %dma_start3A_266 = tpu.memref_squeeze %dma_start3A_265 : memref<1x1x128xi32, #tpu.memory_space<vmem>> -> memref<128xi32, #tpu.memory_space<vmem>>
      %dma_start3A_267 = arith.constant 0 : i32
      %dma_start3A_268 = arith.constant 0 : i32
      %dma_start3A_269 = tpu.memref_slice %arg10[%dma_start3A_267, %dma_start3A_268] : memref<10240x128xf32, #tpu.memory_space<vmem_shared>> -> memref<10240x128xf32, #tpu.memory_space<vmem_shared>>
      tpu.enqueue_indirect_dma source(%dma_start3A_263 : memref<128x128xf32, #tpu.memory_space<vmem>>) target(%dma_start3A_269 : memref<10240x128xf32, #tpu.memory_space<vmem_shared>>) offsets(%dma_start3A_266 : memref<128xi32, #tpu.memory_space<vmem>>) semaphore(%arg13 : memref<!tpu.dma_semaphore, #tpu.memory_space<semaphore_mem>>) {add = true}
      %dma_wait3A_270 = arith.constant 0 : i32
      %dma_wait3A_271 = arith.constant 0 : i32
      %dma_wait3A_272 = arith.constant 0 : i32
      %dma_wait3A_273 = arith.constant 0 : i32
      %dma_wait3A_274 = tpu.memref_slice %arg9[%dma_wait3A_270, %dma_wait3A_272, %dma_wait3A_273] : memref<2x128x128xf32, #tpu.memory_space<vmem>> -> memref<1x128x128xf32, #tpu.memory_space<vmem>>
      %dma_wait3A_275 = tpu.memref_squeeze %dma_wait3A_274 : memref<1x128x128xf32, #tpu.memory_space<vmem>> -> memref<128x128xf32, #tpu.memory_space<vmem>>
      %dma_wait3A_276 = arith.constant 0 : i32
      %dma_wait3A_277 = tpu.memref_slice %arg8[%rem3A_72, %dma_wait3A_271, %dma_wait3A_276] : memref<2x8x128xi32, #tpu.memory_space<vmem>> -> memref<1x1x128xi32, #tpu.memory_space<vmem>>
      %dma_wait3A_278 = tpu.memref_squeeze %dma_wait3A_277 : memref<1x1x128xi32, #tpu.memory_space<vmem>> -> memref<128xi32, #tpu.memory_space<vmem>>
      %dma_wait3A_279 = arith.constant 0 : i32
      %dma_wait3A_280 = arith.constant 0 : i32
      %dma_wait3A_281 = tpu.memref_slice %arg10[%dma_wait3A_279, %dma_wait3A_280] : memref<10240x128xf32, #tpu.memory_space<vmem_shared>> -> memref<10240x128xf32, #tpu.memory_space<vmem_shared>>
      tpu.wait_indirect_dma semaphore(%arg13 : memref<!tpu.dma_semaphore, #tpu.memory_space<semaphore_mem>>) src(%dma_wait3A_275 : memref<128x128xf32, #tpu.memory_space<vmem>>) dst(%dma_wait3A_281 : memref<10240x128xf32, #tpu.memory_space<vmem_shared>>)
      %dma_start3A_282 = arith.constant 2 : i32
      %dma_start3A_283 = arith.constant 0 : i32
      %dma_start3A_284 = arith.constant 0 : i32
      %dma_start3A_285 = arith.constant 0 : i32
      %dma_start3A_286 = tpu.memref_slice %arg9[%dma_start3A_283, %dma_start3A_284, %dma_start3A_285] : memref<2x128x128xf32, #tpu.memory_space<vmem>> -> memref<1x32x128xf32, #tpu.memory_space<vmem>>
      %dma_start3A_287 = tpu.memref_squeeze %dma_start3A_286 : memref<1x32x128xf32, #tpu.memory_space<vmem>> -> memref<32x128xf32, #tpu.memory_space<vmem>>
      %dma_start3A_288 = arith.constant 0 : i32
      %dma_start3A_289 = tpu.memref_slice %arg7[%rem3A_72, %dma_start3A_282, %dma_start3A_288] : memref<2x8x128xi32, #tpu.memory_space<vmem>> -> memref<1x1x32xi32, #tpu.memory_space<vmem>>
      %dma_start3A_290 = tpu.memref_squeeze %dma_start3A_289 : memref<1x1x32xi32, #tpu.memory_space<vmem>> -> memref<32xi32, #tpu.memory_space<vmem>>
      %dma_start3A_291 = arith.constant 0 : i32
      %dma_start3A_292 = arith.constant 0 : i32
      %dma_start3A_293 = tpu.memref_slice %arg2[%dma_start3A_291, %dma_start3A_292] : memref<10240x128xf32, #tpu.memory_space<hbm>> -> memref<10240x128xf32, #tpu.memory_space<hbm>>
      tpu.enqueue_indirect_dma source(%dma_start3A_293 : memref<10240x128xf32, #tpu.memory_space<hbm>>) target(%dma_start3A_287 : memref<32x128xf32, #tpu.memory_space<vmem>>) offsets(%dma_start3A_290 : memref<32xi32, #tpu.memory_space<vmem>>) semaphore(%arg11 : memref<!tpu.dma_semaphore, #tpu.memory_space<semaphore_mem>>)
      %dma_start3A_294 = arith.constant 2 : i32
      %dma_start3A_295 = arith.constant 0 : i32
      %dma_start3A_296 = arith.constant 32 : i32
      %dma_start3A_297 = arith.constant 0 : i32
      %dma_start3A_298 = tpu.memref_slice %arg9[%dma_start3A_295, %dma_start3A_296, %dma_start3A_297] : memref<2x128x128xf32, #tpu.memory_space<vmem>> -> memref<1x32x128xf32, #tpu.memory_space<vmem>>
      %dma_start3A_299 = tpu.memref_squeeze %dma_start3A_298 : memref<1x32x128xf32, #tpu.memory_space<vmem>> -> memref<32x128xf32, #tpu.memory_space<vmem>>
      %dma_start3A_300 = arith.constant 32 : i32
      %dma_start3A_301 = tpu.memref_slice %arg7[%rem3A_72, %dma_start3A_294, %dma_start3A_300] : memref<2x8x128xi32, #tpu.memory_space<vmem>> -> memref<1x1x32xi32, #tpu.memory_space<vmem>>
      %dma_start3A_302 = tpu.memref_squeeze %dma_start3A_301 : memref<1x1x32xi32, #tpu.memory_space<vmem>> -> memref<32xi32, #tpu.memory_space<vmem>>
      %dma_start3A_303 = arith.constant 0 : i32
      %dma_start3A_304 = arith.constant 0 : i32
      %dma_start3A_305 = tpu.memref_slice %arg2[%dma_start3A_303, %dma_start3A_304] : memref<10240x128xf32, #tpu.memory_space<hbm>> -> memref<10240x128xf32, #tpu.memory_space<hbm>>
      tpu.enqueue_indirect_dma source(%dma_start3A_305 : memref<10240x128xf32, #tpu.memory_space<hbm>>) target(%dma_start3A_299 : memref<32x128xf32, #tpu.memory_space<vmem>>) offsets(%dma_start3A_302 : memref<32xi32, #tpu.memory_space<vmem>>) semaphore(%arg11 : memref<!tpu.dma_semaphore, #tpu.memory_space<semaphore_mem>>)
      %dma_start3A_306 = arith.constant 2 : i32
      %dma_start3A_307 = arith.constant 0 : i32
      %dma_start3A_308 = arith.constant 64 : i32
      %dma_start3A_309 = arith.constant 0 : i32
      %dma_start3A_310 = tpu.memref_slice %arg9[%dma_start3A_307, %dma_start3A_308, %dma_start3A_309] : memref<2x128x128xf32, #tpu.memory_space<vmem>> -> memref<1x32x128xf32, #tpu.memory_space<vmem>>
      %dma_start3A_311 = tpu.memref_squeeze %dma_start3A_310 : memref<1x32x128xf32, #tpu.memory_space<vmem>> -> memref<32x128xf32, #tpu.memory_space<vmem>>
      %dma_start3A_312 = arith.constant 64 : i32
      %dma_start3A_313 = tpu.memref_slice %arg7[%rem3A_72, %dma_start3A_306, %dma_start3A_312] : memref<2x8x128xi32, #tpu.memory_space<vmem>> -> memref<1x1x32xi32, #tpu.memory_space<vmem>>
      %dma_start3A_314 = tpu.memref_squeeze %dma_start3A_313 : memref<1x1x32xi32, #tpu.memory_space<vmem>> -> memref<32xi32, #tpu.memory_space<vmem>>
      %dma_start3A_315 = arith.constant 0 : i32
      %dma_start3A_316 = arith.constant 0 : i32
      %dma_start3A_317 = tpu.memref_slice %arg2[%dma_start3A_315, %dma_start3A_316] : memref<10240x128xf32, #tpu.memory_space<hbm>> -> memref<10240x128xf32, #tpu.memory_space<hbm>>
      tpu.enqueue_indirect_dma source(%dma_start3A_317 : memref<10240x128xf32, #tpu.memory_space<hbm>>) target(%dma_start3A_311 : memref<32x128xf32, #tpu.memory_space<vmem>>) offsets(%dma_start3A_314 : memref<32xi32, #tpu.memory_space<vmem>>) semaphore(%arg11 : memref<!tpu.dma_semaphore, #tpu.memory_space<semaphore_mem>>)
      %dma_start3A_318 = arith.constant 2 : i32
      %dma_start3A_319 = arith.constant 0 : i32
      %dma_start3A_320 = arith.constant 96 : i32
      %dma_start3A_321 = arith.constant 0 : i32
      %dma_start3A_322 = tpu.memref_slice %arg9[%dma_start3A_319, %dma_start3A_320, %dma_start3A_321] : memref<2x128x128xf32, #tpu.memory_space<vmem>> -> memref<1x32x128xf32, #tpu.memory_space<vmem>>
      %dma_start3A_323 = tpu.memref_squeeze %dma_start3A_322 : memref<1x32x128xf32, #tpu.memory_space<vmem>> -> memref<32x128xf32, #tpu.memory_space<vmem>>
      %dma_start3A_324 = arith.constant 96 : i32
      %dma_start3A_325 = tpu.memref_slice %arg7[%rem3A_72, %dma_start3A_318, %dma_start3A_324] : memref<2x8x128xi32, #tpu.memory_space<vmem>> -> memref<1x1x32xi32, #tpu.memory_space<vmem>>
      %dma_start3A_326 = tpu.memref_squeeze %dma_start3A_325 : memref<1x1x32xi32, #tpu.memory_space<vmem>> -> memref<32xi32, #tpu.memory_space<vmem>>
      %dma_start3A_327 = arith.constant 0 : i32
      %dma_start3A_328 = arith.constant 0 : i32
      %dma_start3A_329 = tpu.memref_slice %arg2[%dma_start3A_327, %dma_start3A_328] : memref<10240x128xf32, #tpu.memory_space<hbm>> -> memref<10240x128xf32, #tpu.memory_space<hbm>>
      tpu.enqueue_indirect_dma source(%dma_start3A_329 : memref<10240x128xf32, #tpu.memory_space<hbm>>) target(%dma_start3A_323 : memref<32x128xf32, #tpu.memory_space<vmem>>) offsets(%dma_start3A_326 : memref<32xi32, #tpu.memory_space<vmem>>) semaphore(%arg11 : memref<!tpu.dma_semaphore, #tpu.memory_space<semaphore_mem>>)
      %dma_wait3A_330 = arith.constant 1 : i32
      %dma_wait3A_331 = arith.constant 1 : i32
      %dma_wait3A_332 = arith.constant 0 : i32
      %dma_wait3A_333 = arith.constant 0 : i32
      %dma_wait3A_334 = tpu.memref_slice %arg9[%dma_wait3A_331, %dma_wait3A_332, %dma_wait3A_333] : memref<2x128x128xf32, #tpu.memory_space<vmem>> -> memref<1x32x128xf32, #tpu.memory_space<vmem>>
      %dma_wait3A_335 = tpu.memref_squeeze %dma_wait3A_334 : memref<1x32x128xf32, #tpu.memory_space<vmem>> -> memref<32x128xf32, #tpu.memory_space<vmem>>
      %dma_wait3A_336 = arith.constant 0 : i32
      %dma_wait3A_337 = tpu.memref_slice %arg7[%rem3A_72, %dma_wait3A_330, %dma_wait3A_336] : memref<2x8x128xi32, #tpu.memory_space<vmem>> -> memref<1x1x32xi32, #tpu.memory_space<vmem>>
      %dma_wait3A_338 = tpu.memref_squeeze %dma_wait3A_337 : memref<1x1x32xi32, #tpu.memory_space<vmem>> -> memref<32xi32, #tpu.memory_space<vmem>>
      %dma_wait3A_339 = arith.constant 0 : i32
      %dma_wait3A_340 = arith.constant 0 : i32
      %dma_wait3A_341 = tpu.memref_slice %arg2[%dma_wait3A_339, %dma_wait3A_340] : memref<10240x128xf32, #tpu.memory_space<hbm>> -> memref<10240x128xf32, #tpu.memory_space<hbm>>
      tpu.wait_indirect_dma semaphore(%arg12 : memref<!tpu.dma_semaphore, #tpu.memory_space<semaphore_mem>>) src(%dma_wait3A_341 : memref<10240x128xf32, #tpu.memory_space<hbm>>) dst(%dma_wait3A_335 : memref<32x128xf32, #tpu.memory_space<vmem>>)
      %dma_wait3A_342 = arith.constant 1 : i32
      %dma_wait3A_343 = arith.constant 1 : i32
      %dma_wait3A_344 = arith.constant 32 : i32
      %dma_wait3A_345 = arith.constant 0 : i32
      %dma_wait3A_346 = tpu.memref_slice %arg9[%dma_wait3A_343, %dma_wait3A_344, %dma_wait3A_345] : memref<2x128x128xf32, #tpu.memory_space<vmem>> -> memref<1x32x128xf32, #tpu.memory_space<vmem>>
      %dma_wait3A_347 = tpu.memref_squeeze %dma_wait3A_346 : memref<1x32x128xf32, #tpu.memory_space<vmem>> -> memref<32x128xf32, #tpu.memory_space<vmem>>
      %dma_wait3A_348 = arith.constant 32 : i32
      %dma_wait3A_349 = tpu.memref_slice %arg7[%rem3A_72, %dma_wait3A_342, %dma_wait3A_348] : memref<2x8x128xi32, #tpu.memory_space<vmem>> -> memref<1x1x32xi32, #tpu.memory_space<vmem>>
      %dma_wait3A_350 = tpu.memref_squeeze %dma_wait3A_349 : memref<1x1x32xi32, #tpu.memory_space<vmem>> -> memref<32xi32, #tpu.memory_space<vmem>>
      %dma_wait3A_351 = arith.constant 0 : i32
      %dma_wait3A_352 = arith.constant 0 : i32
      %dma_wait3A_353 = tpu.memref_slice %arg2[%dma_wait3A_351, %dma_wait3A_352] : memref<10240x128xf32, #tpu.memory_space<hbm>> -> memref<10240x128xf32, #tpu.memory_space<hbm>>
      tpu.wait_indirect_dma semaphore(%arg12 : memref<!tpu.dma_semaphore, #tpu.memory_space<semaphore_mem>>) src(%dma_wait3A_353 : memref<10240x128xf32, #tpu.memory_space<hbm>>) dst(%dma_wait3A_347 : memref<32x128xf32, #tpu.memory_space<vmem>>)
      %dma_wait3A_354 = arith.constant 1 : i32
      %dma_wait3A_355 = arith.constant 1 : i32
      %dma_wait3A_356 = arith.constant 64 : i32
      %dma_wait3A_357 = arith.constant 0 : i32
      %dma_wait3A_358 = tpu.memref_slice %arg9[%dma_wait3A_355, %dma_wait3A_356, %dma_wait3A_357] : memref<2x128x128xf32, #tpu.memory_space<vmem>> -> memref<1x32x128xf32, #tpu.memory_space<vmem>>
      %dma_wait3A_359 = tpu.memref_squeeze %dma_wait3A_358 : memref<1x32x128xf32, #tpu.memory_space<vmem>> -> memref<32x128xf32, #tpu.memory_space<vmem>>
      %dma_wait3A_360 = arith.constant 64 : i32
      %dma_wait3A_361 = tpu.memref_slice %arg7[%rem3A_72, %dma_wait3A_354, %dma_wait3A_360] : memref<2x8x128xi32, #tpu.memory_space<vmem>> -> memref<1x1x32xi32, #tpu.memory_space<vmem>>
      %dma_wait3A_362 = tpu.memref_squeeze %dma_wait3A_361 : memref<1x1x32xi32, #tpu.memory_space<vmem>> -> memref<32xi32, #tpu.memory_space<vmem>>
      %dma_wait3A_363 = arith.constant 0 : i32
      %dma_wait3A_364 = arith.constant 0 : i32
      %dma_wait3A_365 = tpu.memref_slice %arg2[%dma_wait3A_363, %dma_wait3A_364] : memref<10240x128xf32, #tpu.memory_space<hbm>> -> memref<10240x128xf32, #tpu.memory_space<hbm>>
      tpu.wait_indirect_dma semaphore(%arg12 : memref<!tpu.dma_semaphore, #tpu.memory_space<semaphore_mem>>) src(%dma_wait3A_365 : memref<10240x128xf32, #tpu.memory_space<hbm>>) dst(%dma_wait3A_359 : memref<32x128xf32, #tpu.memory_space<vmem>>)
      %dma_wait3A_366 = arith.constant 1 : i32
      %dma_wait3A_367 = arith.constant 1 : i32
      %dma_wait3A_368 = arith.constant 96 : i32
      %dma_wait3A_369 = arith.constant 0 : i32
      %dma_wait3A_370 = tpu.memref_slice %arg9[%dma_wait3A_367, %dma_wait3A_368, %dma_wait3A_369] : memref<2x128x128xf32, #tpu.memory_space<vmem>> -> memref<1x32x128xf32, #tpu.memory_space<vmem>>
      %dma_wait3A_371 = tpu.memref_squeeze %dma_wait3A_370 : memref<1x32x128xf32, #tpu.memory_space<vmem>> -> memref<32x128xf32, #tpu.memory_space<vmem>>
      %dma_wait3A_372 = arith.constant 96 : i32
      %dma_wait3A_373 = tpu.memref_slice %arg7[%rem3A_72, %dma_wait3A_366, %dma_wait3A_372] : memref<2x8x128xi32, #tpu.memory_space<vmem>> -> memref<1x1x32xi32, #tpu.memory_space<vmem>>
      %dma_wait3A_374 = tpu.memref_squeeze %dma_wait3A_373 : memref<1x1x32xi32, #tpu.memory_space<vmem>> -> memref<32xi32, #tpu.memory_space<vmem>>
      %dma_wait3A_375 = arith.constant 0 : i32
      %dma_wait3A_376 = arith.constant 0 : i32
      %dma_wait3A_377 = tpu.memref_slice %arg2[%dma_wait3A_375, %dma_wait3A_376] : memref<10240x128xf32, #tpu.memory_space<hbm>> -> memref<10240x128xf32, #tpu.memory_space<hbm>>
      tpu.wait_indirect_dma semaphore(%arg12 : memref<!tpu.dma_semaphore, #tpu.memory_space<semaphore_mem>>) src(%dma_wait3A_377 : memref<10240x128xf32, #tpu.memory_space<hbm>>) dst(%dma_wait3A_371 : memref<32x128xf32, #tpu.memory_space<vmem>>)
      %dma_start3A_378 = arith.constant 1 : i32
      %dma_start3A_379 = arith.constant 1 : i32
      %dma_start3A_380 = arith.constant 0 : i32
      %dma_start3A_381 = arith.constant 0 : i32
      %dma_start3A_382 = tpu.memref_slice %arg9[%dma_start3A_378, %dma_start3A_380, %dma_start3A_381] : memref<2x128x128xf32, #tpu.memory_space<vmem>> -> memref<1x128x128xf32, #tpu.memory_space<vmem>>
      %dma_start3A_383 = tpu.memref_squeeze %dma_start3A_382 : memref<1x128x128xf32, #tpu.memory_space<vmem>> -> memref<128x128xf32, #tpu.memory_space<vmem>>
      %dma_start3A_384 = arith.constant 0 : i32
      %dma_start3A_385 = tpu.memref_slice %arg8[%rem3A_72, %dma_start3A_379, %dma_start3A_384] : memref<2x8x128xi32, #tpu.memory_space<vmem>> -> memref<1x1x128xi32, #tpu.memory_space<vmem>>
      %dma_start3A_386 = tpu.memref_squeeze %dma_start3A_385 : memref<1x1x128xi32, #tpu.memory_space<vmem>> -> memref<128xi32, #tpu.memory_space<vmem>>
      %dma_start3A_387 = arith.constant 0 : i32
      %dma_start3A_388 = arith.constant 0 : i32
      %dma_start3A_389 = tpu.memref_slice %arg10[%dma_start3A_387, %dma_start3A_388] : memref<10240x128xf32, #tpu.memory_space<vmem_shared>> -> memref<10240x128xf32, #tpu.memory_space<vmem_shared>>
      tpu.enqueue_indirect_dma source(%dma_start3A_383 : memref<128x128xf32, #tpu.memory_space<vmem>>) target(%dma_start3A_389 : memref<10240x128xf32, #tpu.memory_space<vmem_shared>>) offsets(%dma_start3A_386 : memref<128xi32, #tpu.memory_space<vmem>>) semaphore(%arg14 : memref<!tpu.dma_semaphore, #tpu.memory_space<semaphore_mem>>) {add = true}
      %dma_wait3A_390 = arith.constant 1 : i32
      %dma_wait3A_391 = arith.constant 1 : i32
      %dma_wait3A_392 = arith.constant 0 : i32
      %dma_wait3A_393 = arith.constant 0 : i32
      %dma_wait3A_394 = tpu.memref_slice %arg9[%dma_wait3A_390, %dma_wait3A_392, %dma_wait3A_393] : memref<2x128x128xf32, #tpu.memory_space<vmem>> -> memref<1x128x128xf32, #tpu.memory_space<vmem>>
      %dma_wait3A_395 = tpu.memref_squeeze %dma_wait3A_394 : memref<1x128x128xf32, #tpu.memory_space<vmem>> -> memref<128x128xf32, #tpu.memory_space<vmem>>
      %dma_wait3A_396 = arith.constant 0 : i32
      %dma_wait3A_397 = tpu.memref_slice %arg8[%rem3A_72, %dma_wait3A_391, %dma_wait3A_396] : memref<2x8x128xi32, #tpu.memory_space<vmem>> -> memref<1x1x128xi32, #tpu.memory_space<vmem>>
      %dma_wait3A_398 = tpu.memref_squeeze %dma_wait3A_397 : memref<1x1x128xi32, #tpu.memory_space<vmem>> -> memref<128xi32, #tpu.memory_space<vmem>>
      %dma_wait3A_399 = arith.constant 0 : i32
      %dma_wait3A_400 = arith.constant 0 : i32
      %dma_wait3A_401 = tpu.memref_slice %arg10[%dma_wait3A_399, %dma_wait3A_400] : memref<10240x128xf32, #tpu.memory_space<vmem_shared>> -> memref<10240x128xf32, #tpu.memory_space<vmem_shared>>
      tpu.wait_indirect_dma semaphore(%arg14 : memref<!tpu.dma_semaphore, #tpu.memory_space<semaphore_mem>>) src(%dma_wait3A_395 : memref<128x128xf32, #tpu.memory_space<vmem>>) dst(%dma_wait3A_401 : memref<10240x128xf32, #tpu.memory_space<vmem_shared>>)
      %dma_start3A_402 = arith.constant 3 : i32
      %dma_start3A_403 = arith.constant 1 : i32
      %dma_start3A_404 = arith.constant 0 : i32
      %dma_start3A_405 = arith.constant 0 : i32
      %dma_start3A_406 = tpu.memref_slice %arg9[%dma_start3A_403, %dma_start3A_404, %dma_start3A_405] : memref<2x128x128xf32, #tpu.memory_space<vmem>> -> memref<1x32x128xf32, #tpu.memory_space<vmem>>
      %dma_start3A_407 = tpu.memref_squeeze %dma_start3A_406 : memref<1x32x128xf32, #tpu.memory_space<vmem>> -> memref<32x128xf32, #tpu.memory_space<vmem>>
      %dma_start3A_408 = arith.constant 0 : i32
      %dma_start3A_409 = tpu.memref_slice %arg7[%rem3A_72, %dma_start3A_402, %dma_start3A_408] : memref<2x8x128xi32, #tpu.memory_space<vmem>> -> memref<1x1x32xi32, #tpu.memory_space<vmem>>
      %dma_start3A_410 = tpu.memref_squeeze %dma_start3A_409 : memref<1x1x32xi32, #tpu.memory_space<vmem>> -> memref<32xi32, #tpu.memory_space<vmem>>
      %dma_start3A_411 = arith.constant 0 : i32
      %dma_start3A_412 = arith.constant 0 : i32
      %dma_start3A_413 = tpu.memref_slice %arg2[%dma_start3A_411, %dma_start3A_412] : memref<10240x128xf32, #tpu.memory_space<hbm>> -> memref<10240x128xf32, #tpu.memory_space<hbm>>
      tpu.enqueue_indirect_dma source(%dma_start3A_413 : memref<10240x128xf32, #tpu.memory_space<hbm>>) target(%dma_start3A_407 : memref<32x128xf32, #tpu.memory_space<vmem>>) offsets(%dma_start3A_410 : memref<32xi32, #tpu.memory_space<vmem>>) semaphore(%arg12 : memref<!tpu.dma_semaphore, #tpu.memory_space<semaphore_mem>>)
      %dma_start3A_414 = arith.constant 3 : i32
      %dma_start3A_415 = arith.constant 1 : i32
      %dma_start3A_416 = arith.constant 32 : i32
      %dma_start3A_417 = arith.constant 0 : i32
      %dma_start3A_418 = tpu.memref_slice %arg9[%dma_start3A_415, %dma_start3A_416, %dma_start3A_417] : memref<2x128x128xf32, #tpu.memory_space<vmem>> -> memref<1x32x128xf32, #tpu.memory_space<vmem>>
      %dma_start3A_419 = tpu.memref_squeeze %dma_start3A_418 : memref<1x32x128xf32, #tpu.memory_space<vmem>> -> memref<32x128xf32, #tpu.memory_space<vmem>>
      %dma_start3A_420 = arith.constant 32 : i32
      %dma_start3A_421 = tpu.memref_slice %arg7[%rem3A_72, %dma_start3A_414, %dma_start3A_420] : memref<2x8x128xi32, #tpu.memory_space<vmem>> -> memref<1x1x32xi32, #tpu.memory_space<vmem>>
      %dma_start3A_422 = tpu.memref_squeeze %dma_start3A_421 : memref<1x1x32xi32, #tpu.memory_space<vmem>> -> memref<32xi32, #tpu.memory_space<vmem>>
      %dma_start3A_423 = arith.constant 0 : i32
      %dma_start3A_424 = arith.constant 0 : i32
      %dma_start3A_425 = tpu.memref_slice %arg2[%dma_start3A_423, %dma_start3A_424] : memref<10240x128xf32, #tpu.memory_space<hbm>> -> memref<10240x128xf32, #tpu.memory_space<hbm>>
      tpu.enqueue_indirect_dma source(%dma_start3A_425 : memref<10240x128xf32, #tpu.memory_space<hbm>>) target(%dma_start3A_419 : memref<32x128xf32, #tpu.memory_space<vmem>>) offsets(%dma_start3A_422 : memref<32xi32, #tpu.memory_space<vmem>>) semaphore(%arg12 : memref<!tpu.dma_semaphore, #tpu.memory_space<semaphore_mem>>)
      %dma_start3A_426 = arith.constant 3 : i32
      %dma_start3A_427 = arith.constant 1 : i32
      %dma_start3A_428 = arith.constant 64 : i32
      %dma_start3A_429 = arith.constant 0 : i32
      %dma_start3A_430 = tpu.memref_slice %arg9[%dma_start3A_427, %dma_start3A_428, %dma_start3A_429] : memref<2x128x128xf32, #tpu.memory_space<vmem>> -> memref<1x32x128xf32, #tpu.memory_space<vmem>>
      %dma_start3A_431 = tpu.memref_squeeze %dma_start3A_430 : memref<1x32x128xf32, #tpu.memory_space<vmem>> -> memref<32x128xf32, #tpu.memory_space<vmem>>
      %dma_start3A_432 = arith.constant 64 : i32
      %dma_start3A_433 = tpu.memref_slice %arg7[%rem3A_72, %dma_start3A_426, %dma_start3A_432] : memref<2x8x128xi32, #tpu.memory_space<vmem>> -> memref<1x1x32xi32, #tpu.memory_space<vmem>>
      %dma_start3A_434 = tpu.memref_squeeze %dma_start3A_433 : memref<1x1x32xi32, #tpu.memory_space<vmem>> -> memref<32xi32, #tpu.memory_space<vmem>>
      %dma_start3A_435 = arith.constant 0 : i32
      %dma_start3A_436 = arith.constant 0 : i32
      %dma_start3A_437 = tpu.memref_slice %arg2[%dma_start3A_435, %dma_start3A_436] : memref<10240x128xf32, #tpu.memory_space<hbm>> -> memref<10240x128xf32, #tpu.memory_space<hbm>>
      tpu.enqueue_indirect_dma source(%dma_start3A_437 : memref<10240x128xf32, #tpu.memory_space<hbm>>) target(%dma_start3A_431 : memref<32x128xf32, #tpu.memory_space<vmem>>) offsets(%dma_start3A_434 : memref<32xi32, #tpu.memory_space<vmem>>) semaphore(%arg12 : memref<!tpu.dma_semaphore, #tpu.memory_space<semaphore_mem>>)
      %dma_start3A_438 = arith.constant 3 : i32
      %dma_start3A_439 = arith.constant 1 : i32
      %dma_start3A_440 = arith.constant 96 : i32
      %dma_start3A_441 = arith.constant 0 : i32
      %dma_start3A_442 = tpu.memref_slice %arg9[%dma_start3A_439, %dma_start3A_440, %dma_start3A_441] : memref<2x128x128xf32, #tpu.memory_space<vmem>> -> memref<1x32x128xf32, #tpu.memory_space<vmem>>
      %dma_start3A_443 = tpu.memref_squeeze %dma_start3A_442 : memref<1x32x128xf32, #tpu.memory_space<vmem>> -> memref<32x128xf32, #tpu.memory_space<vmem>>
      %dma_start3A_444 = arith.constant 96 : i32
      %dma_start3A_445 = tpu.memref_slice %arg7[%rem3A_72, %dma_start3A_438, %dma_start3A_444] : memref<2x8x128xi32, #tpu.memory_space<vmem>> -> memref<1x1x32xi32, #tpu.memory_space<vmem>>
      %dma_start3A_446 = tpu.memref_squeeze %dma_start3A_445 : memref<1x1x32xi32, #tpu.memory_space<vmem>> -> memref<32xi32, #tpu.memory_space<vmem>>
      %dma_start3A_447 = arith.constant 0 : i32
      %dma_start3A_448 = arith.constant 0 : i32
      %dma_start3A_449 = tpu.memref_slice %arg2[%dma_start3A_447, %dma_start3A_448] : memref<10240x128xf32, #tpu.memory_space<hbm>> -> memref<10240x128xf32, #tpu.memory_space<hbm>>
      tpu.enqueue_indirect_dma source(%dma_start3A_449 : memref<10240x128xf32, #tpu.memory_space<hbm>>) target(%dma_start3A_443 : memref<32x128xf32, #tpu.memory_space<vmem>>) offsets(%dma_start3A_446 : memref<32xi32, #tpu.memory_space<vmem>>) semaphore(%arg12 : memref<!tpu.dma_semaphore, #tpu.memory_space<semaphore_mem>>)
      %dma_wait3A_450 = arith.constant 2 : i32
      %dma_wait3A_451 = arith.constant 0 : i32
      %dma_wait3A_452 = arith.constant 0 : i32
      %dma_wait3A_453 = arith.constant 0 : i32
      %dma_wait3A_454 = tpu.memref_slice %arg9[%dma_wait3A_451, %dma_wait3A_452, %dma_wait3A_453] : memref<2x128x128xf32, #tpu.memory_space<vmem>> -> memref<1x32x128xf32, #tpu.memory_space<vmem>>
      %dma_wait3A_455 = tpu.memref_squeeze %dma_wait3A_454 : memref<1x32x128xf32, #tpu.memory_space<vmem>> -> memref<32x128xf32, #tpu.memory_space<vmem>>
      %dma_wait3A_456 = arith.constant 0 : i32
      %dma_wait3A_457 = tpu.memref_slice %arg7[%rem3A_72, %dma_wait3A_450, %dma_wait3A_456] : memref<2x8x128xi32, #tpu.memory_space<vmem>> -> memref<1x1x32xi32, #tpu.memory_space<vmem>>
      %dma_wait3A_458 = tpu.memref_squeeze %dma_wait3A_457 : memref<1x1x32xi32, #tpu.memory_space<vmem>> -> memref<32xi32, #tpu.memory_space<vmem>>
      %dma_wait3A_459 = arith.constant 0 : i32
      %dma_wait3A_460 = arith.constant 0 : i32
      %dma_wait3A_461 = tpu.memref_slice %arg2[%dma_wait3A_459, %dma_wait3A_460] : memref<10240x128xf32, #tpu.memory_space<hbm>> -> memref<10240x128xf32, #tpu.memory_space<hbm>>
      tpu.wait_indirect_dma semaphore(%arg11 : memref<!tpu.dma_semaphore, #tpu.memory_space<semaphore_mem>>) src(%dma_wait3A_461 : memref<10240x128xf32, #tpu.memory_space<hbm>>) dst(%dma_wait3A_455 : memref<32x128xf32, #tpu.memory_space<vmem>>)
      %dma_wait3A_462 = arith.constant 2 : i32
      %dma_wait3A_463 = arith.constant 0 : i32
      %dma_wait3A_464 = arith.constant 32 : i32
      %dma_wait3A_465 = arith.constant 0 : i32
      %dma_wait3A_466 = tpu.memref_slice %arg9[%dma_wait3A_463, %dma_wait3A_464, %dma_wait3A_465] : memref<2x128x128xf32, #tpu.memory_space<vmem>> -> memref<1x32x128xf32, #tpu.memory_space<vmem>>
      %dma_wait3A_467 = tpu.memref_squeeze %dma_wait3A_466 : memref<1x32x128xf32, #tpu.memory_space<vmem>> -> memref<32x128xf32, #tpu.memory_space<vmem>>
      %dma_wait3A_468 = arith.constant 32 : i32
      %dma_wait3A_469 = tpu.memref_slice %arg7[%rem3A_72, %dma_wait3A_462, %dma_wait3A_468] : memref<2x8x128xi32, #tpu.memory_space<vmem>> -> memref<1x1x32xi32, #tpu.memory_space<vmem>>
      %dma_wait3A_470 = tpu.memref_squeeze %dma_wait3A_469 : memref<1x1x32xi32, #tpu.memory_space<vmem>> -> memref<32xi32, #tpu.memory_space<vmem>>
      %dma_wait3A_471 = arith.constant 0 : i32
      %dma_wait3A_472 = arith.constant 0 : i32
      %dma_wait3A_473 = tpu.memref_slice %arg2[%dma_wait3A_471, %dma_wait3A_472] : memref<10240x128xf32, #tpu.memory_space<hbm>> -> memref<10240x128xf32, #tpu.memory_space<hbm>>
      tpu.wait_indirect_dma semaphore(%arg11 : memref<!tpu.dma_semaphore, #tpu.memory_space<semaphore_mem>>) src(%dma_wait3A_473 : memref<10240x128xf32, #tpu.memory_space<hbm>>) dst(%dma_wait3A_467 : memref<32x128xf32, #tpu.memory_space<vmem>>)
      %dma_wait3A_474 = arith.constant 2 : i32
      %dma_wait3A_475 = arith.constant 0 : i32
      %dma_wait3A_476 = arith.constant 64 : i32
      %dma_wait3A_477 = arith.constant 0 : i32
      %dma_wait3A_478 = tpu.memref_slice %arg9[%dma_wait3A_475, %dma_wait3A_476, %dma_wait3A_477] : memref<2x128x128xf32, #tpu.memory_space<vmem>> -> memref<1x32x128xf32, #tpu.memory_space<vmem>>
      %dma_wait3A_479 = tpu.memref_squeeze %dma_wait3A_478 : memref<1x32x128xf32, #tpu.memory_space<vmem>> -> memref<32x128xf32, #tpu.memory_space<vmem>>
      %dma_wait3A_480 = arith.constant 64 : i32
      %dma_wait3A_481 = tpu.memref_slice %arg7[%rem3A_72, %dma_wait3A_474, %dma_wait3A_480] : memref<2x8x128xi32, #tpu.memory_space<vmem>> -> memref<1x1x32xi32, #tpu.memory_space<vmem>>
      %dma_wait3A_482 = tpu.memref_squeeze %dma_wait3A_481 : memref<1x1x32xi32, #tpu.memory_space<vmem>> -> memref<32xi32, #tpu.memory_space<vmem>>
      %dma_wait3A_483 = arith.constant 0 : i32
      %dma_wait3A_484 = arith.constant 0 : i32
      %dma_wait3A_485 = tpu.memref_slice %arg2[%dma_wait3A_483, %dma_wait3A_484] : memref<10240x128xf32, #tpu.memory_space<hbm>> -> memref<10240x128xf32, #tpu.memory_space<hbm>>
      tpu.wait_indirect_dma semaphore(%arg11 : memref<!tpu.dma_semaphore, #tpu.memory_space<semaphore_mem>>) src(%dma_wait3A_485 : memref<10240x128xf32, #tpu.memory_space<hbm>>) dst(%dma_wait3A_479 : memref<32x128xf32, #tpu.memory_space<vmem>>)
      %dma_wait3A_486 = arith.constant 2 : i32
      %dma_wait3A_487 = arith.constant 0 : i32
      %dma_wait3A_488 = arith.constant 96 : i32
      %dma_wait3A_489 = arith.constant 0 : i32
      %dma_wait3A_490 = tpu.memref_slice %arg9[%dma_wait3A_487, %dma_wait3A_488, %dma_wait3A_489] : memref<2x128x128xf32, #tpu.memory_space<vmem>> -> memref<1x32x128xf32, #tpu.memory_space<vmem>>
      %dma_wait3A_491 = tpu.memref_squeeze %dma_wait3A_490 : memref<1x32x128xf32, #tpu.memory_space<vmem>> -> memref<32x128xf32, #tpu.memory_space<vmem>>
      %dma_wait3A_492 = arith.constant 96 : i32
      %dma_wait3A_493 = tpu.memref_slice %arg7[%rem3A_72, %dma_wait3A_486, %dma_wait3A_492] : memref<2x8x128xi32, #tpu.memory_space<vmem>> -> memref<1x1x32xi32, #tpu.memory_space<vmem>>
      %dma_wait3A_494 = tpu.memref_squeeze %dma_wait3A_493 : memref<1x1x32xi32, #tpu.memory_space<vmem>> -> memref<32xi32, #tpu.memory_space<vmem>>
      %dma_wait3A_495 = arith.constant 0 : i32
      %dma_wait3A_496 = arith.constant 0 : i32
      %dma_wait3A_497 = tpu.memref_slice %arg2[%dma_wait3A_495, %dma_wait3A_496] : memref<10240x128xf32, #tpu.memory_space<hbm>> -> memref<10240x128xf32, #tpu.memory_space<hbm>>
      tpu.wait_indirect_dma semaphore(%arg11 : memref<!tpu.dma_semaphore, #tpu.memory_space<semaphore_mem>>) src(%dma_wait3A_497 : memref<10240x128xf32, #tpu.memory_space<hbm>>) dst(%dma_wait3A_491 : memref<32x128xf32, #tpu.memory_space<vmem>>)
      %dma_start3A_498 = arith.constant 0 : i32
      %dma_start3A_499 = arith.constant 2 : i32
      %dma_start3A_500 = arith.constant 0 : i32
      %dma_start3A_501 = arith.constant 0 : i32
      %dma_start3A_502 = tpu.memref_slice %arg9[%dma_start3A_498, %dma_start3A_500, %dma_start3A_501] : memref<2x128x128xf32, #tpu.memory_space<vmem>> -> memref<1x128x128xf32, #tpu.memory_space<vmem>>
      %dma_start3A_503 = tpu.memref_squeeze %dma_start3A_502 : memref<1x128x128xf32, #tpu.memory_space<vmem>> -> memref<128x128xf32, #tpu.memory_space<vmem>>
      %dma_start3A_504 = arith.constant 0 : i32
      %dma_start3A_505 = tpu.memref_slice %arg8[%rem3A_72, %dma_start3A_499, %dma_start3A_504] : memref<2x8x128xi32, #tpu.memory_space<vmem>> -> memref<1x1x128xi32, #tpu.memory_space<vmem>>
      %dma_start3A_506 = tpu.memref_squeeze %dma_start3A_505 : memref<1x1x128xi32, #tpu.memory_space<vmem>> -> memref<128xi32, #tpu.memory_space<vmem>>
      %dma_start3A_507 = arith.constant 0 : i32
      %dma_start3A_508 = arith.constant 0 : i32
      %dma_start3A_509 = tpu.memref_slice %arg10[%dma_start3A_507, %dma_start3A_508] : memref<10240x128xf32, #tpu.memory_space<vmem_shared>> -> memref<10240x128xf32, #tpu.memory_space<vmem_shared>>
      tpu.enqueue_indirect_dma source(%dma_start3A_503 : memref<128x128xf32, #tpu.memory_space<vmem>>) target(%dma_start3A_509 : memref<10240x128xf32, #tpu.memory_space<vmem_shared>>) offsets(%dma_start3A_506 : memref<128xi32, #tpu.memory_space<vmem>>) semaphore(%arg13 : memref<!tpu.dma_semaphore, #tpu.memory_space<semaphore_mem>>) {add = true}
      %dma_wait3A_510 = arith.constant 0 : i32
      %dma_wait3A_511 = arith.constant 2 : i32
      %dma_wait3A_512 = arith.constant 0 : i32
      %dma_wait3A_513 = arith.constant 0 : i32
      %dma_wait3A_514 = tpu.memref_slice %arg9[%dma_wait3A_510, %dma_wait3A_512, %dma_wait3A_513] : memref<2x128x128xf32, #tpu.memory_space<vmem>> -> memref<1x128x128xf32, #tpu.memory_space<vmem>>
      %dma_wait3A_515 = tpu.memref_squeeze %dma_wait3A_514 : memref<1x128x128xf32, #tpu.memory_space<vmem>> -> memref<128x128xf32, #tpu.memory_space<vmem>>
      %dma_wait3A_516 = arith.constant 0 : i32
      %dma_wait3A_517 = tpu.memref_slice %arg8[%rem3A_72, %dma_wait3A_511, %dma_wait3A_516] : memref<2x8x128xi32, #tpu.memory_space<vmem>> -> memref<1x1x128xi32, #tpu.memory_space<vmem>>
      %dma_wait3A_518 = tpu.memref_squeeze %dma_wait3A_517 : memref<1x1x128xi32, #tpu.memory_space<vmem>> -> memref<128xi32, #tpu.memory_space<vmem>>
      %dma_wait3A_519 = arith.constant 0 : i32
      %dma_wait3A_520 = arith.constant 0 : i32
      %dma_wait3A_521 = tpu.memref_slice %arg10[%dma_wait3A_519, %dma_wait3A_520] : memref<10240x128xf32, #tpu.memory_space<vmem_shared>> -> memref<10240x128xf32, #tpu.memory_space<vmem_shared>>
      tpu.wait_indirect_dma semaphore(%arg13 : memref<!tpu.dma_semaphore, #tpu.memory_space<semaphore_mem>>) src(%dma_wait3A_515 : memref<128x128xf32, #tpu.memory_space<vmem>>) dst(%dma_wait3A_521 : memref<10240x128xf32, #tpu.memory_space<vmem_shared>>)
      %dma_start3A_522 = arith.constant 4 : i32
      %dma_start3A_523 = arith.constant 0 : i32
      %dma_start3A_524 = arith.constant 0 : i32
      %dma_start3A_525 = arith.constant 0 : i32
      %dma_start3A_526 = tpu.memref_slice %arg9[%dma_start3A_523, %dma_start3A_524, %dma_start3A_525] : memref<2x128x128xf32, #tpu.memory_space<vmem>> -> memref<1x32x128xf32, #tpu.memory_space<vmem>>
      %dma_start3A_527 = tpu.memref_squeeze %dma_start3A_526 : memref<1x32x128xf32, #tpu.memory_space<vmem>> -> memref<32x128xf32, #tpu.memory_space<vmem>>
      %dma_start3A_528 = arith.constant 0 : i32
      %dma_start3A_529 = tpu.memref_slice %arg7[%rem3A_72, %dma_start3A_522, %dma_start3A_528] : memref<2x8x128xi32, #tpu.memory_space<vmem>> -> memref<1x1x32xi32, #tpu.memory_space<vmem>>
      %dma_start3A_530 = tpu.memref_squeeze %dma_start3A_529 : memref<1x1x32xi32, #tpu.memory_space<vmem>> -> memref<32xi32, #tpu.memory_space<vmem>>
      %dma_start3A_531 = arith.constant 0 : i32
      %dma_start3A_532 = arith.constant 0 : i32
      %dma_start3A_533 = tpu.memref_slice %arg2[%dma_start3A_531, %dma_start3A_532] : memref<10240x128xf32, #tpu.memory_space<hbm>> -> memref<10240x128xf32, #tpu.memory_space<hbm>>
      tpu.enqueue_indirect_dma source(%dma_start3A_533 : memref<10240x128xf32, #tpu.memory_space<hbm>>) target(%dma_start3A_527 : memref<32x128xf32, #tpu.memory_space<vmem>>) offsets(%dma_start3A_530 : memref<32xi32, #tpu.memory_space<vmem>>) semaphore(%arg11 : memref<!tpu.dma_semaphore, #tpu.memory_space<semaphore_mem>>)
      %dma_start3A_534 = arith.constant 4 : i32
      %dma_start3A_535 = arith.constant 0 : i32
      %dma_start3A_536 = arith.constant 32 : i32
      %dma_start3A_537 = arith.constant 0 : i32
      %dma_start3A_538 = tpu.memref_slice %arg9[%dma_start3A_535, %dma_start3A_536, %dma_start3A_537] : memref<2x128x128xf32, #tpu.memory_space<vmem>> -> memref<1x32x128xf32, #tpu.memory_space<vmem>>
      %dma_start3A_539 = tpu.memref_squeeze %dma_start3A_538 : memref<1x32x128xf32, #tpu.memory_space<vmem>> -> memref<32x128xf32, #tpu.memory_space<vmem>>
      %dma_start3A_540 = arith.constant 32 : i32
      %dma_start3A_541 = tpu.memref_slice %arg7[%rem3A_72, %dma_start3A_534, %dma_start3A_540] : memref<2x8x128xi32, #tpu.memory_space<vmem>> -> memref<1x1x32xi32, #tpu.memory_space<vmem>>
      %dma_start3A_542 = tpu.memref_squeeze %dma_start3A_541 : memref<1x1x32xi32, #tpu.memory_space<vmem>> -> memref<32xi32, #tpu.memory_space<vmem>>
      %dma_start3A_543 = arith.constant 0 : i32
      %dma_start3A_544 = arith.constant 0 : i32
      %dma_start3A_545 = tpu.memref_slice %arg2[%dma_start3A_543, %dma_start3A_544] : memref<10240x128xf32, #tpu.memory_space<hbm>> -> memref<10240x128xf32, #tpu.memory_space<hbm>>
      tpu.enqueue_indirect_dma source(%dma_start3A_545 : memref<10240x128xf32, #tpu.memory_space<hbm>>) target(%dma_start3A_539 : memref<32x128xf32, #tpu.memory_space<vmem>>) offsets(%dma_start3A_542 : memref<32xi32, #tpu.memory_space<vmem>>) semaphore(%arg11 : memref<!tpu.dma_semaphore, #tpu.memory_space<semaphore_mem>>)
      %dma_start3A_546 = arith.constant 4 : i32
      %dma_start3A_547 = arith.constant 0 : i32
      %dma_start3A_548 = arith.constant 64 : i32
      %dma_start3A_549 = arith.constant 0 : i32
      %dma_start3A_550 = tpu.memref_slice %arg9[%dma_start3A_547, %dma_start3A_548, %dma_start3A_549] : memref<2x128x128xf32, #tpu.memory_space<vmem>> -> memref<1x32x128xf32, #tpu.memory_space<vmem>>
      %dma_start3A_551 = tpu.memref_squeeze %dma_start3A_550 : memref<1x32x128xf32, #tpu.memory_space<vmem>> -> memref<32x128xf32, #tpu.memory_space<vmem>>
      %dma_start3A_552 = arith.constant 64 : i32
      %dma_start3A_553 = tpu.memref_slice %arg7[%rem3A_72, %dma_start3A_546, %dma_start3A_552] : memref<2x8x128xi32, #tpu.memory_space<vmem>> -> memref<1x1x32xi32, #tpu.memory_space<vmem>>
      %dma_start3A_554 = tpu.memref_squeeze %dma_start3A_553 : memref<1x1x32xi32, #tpu.memory_space<vmem>> -> memref<32xi32, #tpu.memory_space<vmem>>
      %dma_start3A_555 = arith.constant 0 : i32
      %dma_start3A_556 = arith.constant 0 : i32
      %dma_start3A_557 = tpu.memref_slice %arg2[%dma_start3A_555, %dma_start3A_556] : memref<10240x128xf32, #tpu.memory_space<hbm>> -> memref<10240x128xf32, #tpu.memory_space<hbm>>
      tpu.enqueue_indirect_dma source(%dma_start3A_557 : memref<10240x128xf32, #tpu.memory_space<hbm>>) target(%dma_start3A_551 : memref<32x128xf32, #tpu.memory_space<vmem>>) offsets(%dma_start3A_554 : memref<32xi32, #tpu.memory_space<vmem>>) semaphore(%arg11 : memref<!tpu.dma_semaphore, #tpu.memory_space<semaphore_mem>>)
      %dma_start3A_558 = arith.constant 4 : i32
      %dma_start3A_559 = arith.constant 0 : i32
      %dma_start3A_560 = arith.constant 96 : i32
      %dma_start3A_561 = arith.constant 0 : i32
      %dma_start3A_562 = tpu.memref_slice %arg9[%dma_start3A_559, %dma_start3A_560, %dma_start3A_561] : memref<2x128x128xf32, #tpu.memory_space<vmem>> -> memref<1x32x128xf32, #tpu.memory_space<vmem>>
      %dma_start3A_563 = tpu.memref_squeeze %dma_start3A_562 : memref<1x32x128xf32, #tpu.memory_space<vmem>> -> memref<32x128xf32, #tpu.memory_space<vmem>>
      %dma_start3A_564 = arith.constant 96 : i32
      %dma_start3A_565 = tpu.memref_slice %arg7[%rem3A_72, %dma_start3A_558, %dma_start3A_564] : memref<2x8x128xi32, #tpu.memory_space<vmem>> -> memref<1x1x32xi32, #tpu.memory_space<vmem>>
      %dma_start3A_566 = tpu.memref_squeeze %dma_start3A_565 : memref<1x1x32xi32, #tpu.memory_space<vmem>> -> memref<32xi32, #tpu.memory_space<vmem>>
      %dma_start3A_567 = arith.constant 0 : i32
      %dma_start3A_568 = arith.constant 0 : i32
      %dma_start3A_569 = tpu.memref_slice %arg2[%dma_start3A_567, %dma_start3A_568] : memref<10240x128xf32, #tpu.memory_space<hbm>> -> memref<10240x128xf32, #tpu.memory_space<hbm>>
      tpu.enqueue_indirect_dma source(%dma_start3A_569 : memref<10240x128xf32, #tpu.memory_space<hbm>>) target(%dma_start3A_563 : memref<32x128xf32, #tpu.memory_space<vmem>>) offsets(%dma_start3A_566 : memref<32xi32, #tpu.memory_space<vmem>>) semaphore(%arg11 : memref<!tpu.dma_semaphore, #tpu.memory_space<semaphore_mem>>)
      %dma_wait3A_570 = arith.constant 3 : i32
      %dma_wait3A_571 = arith.constant 1 : i32
      %dma_wait3A_572 = arith.constant 0 : i32
      %dma_wait3A_573 = arith.constant 0 : i32
      %dma_wait3A_574 = tpu.memref_slice %arg9[%dma_wait3A_571, %dma_wait3A_572, %dma_wait3A_573] : memref<2x128x128xf32, #tpu.memory_space<vmem>> -> memref<1x32x128xf32, #tpu.memory_space<vmem>>
      %dma_wait3A_575 = tpu.memref_squeeze %dma_wait3A_574 : memref<1x32x128xf32, #tpu.memory_space<vmem>> -> memref<32x128xf32, #tpu.memory_space<vmem>>
      %dma_wait3A_576 = arith.constant 0 : i32
      %dma_wait3A_577 = tpu.memref_slice %arg7[%rem3A_72, %dma_wait3A_570, %dma_wait3A_576] : memref<2x8x128xi32, #tpu.memory_space<vmem>> -> memref<1x1x32xi32, #tpu.memory_space<vmem>>
      %dma_wait3A_578 = tpu.memref_squeeze %dma_wait3A_577 : memref<1x1x32xi32, #tpu.memory_space<vmem>> -> memref<32xi32, #tpu.memory_space<vmem>>
      %dma_wait3A_579 = arith.constant 0 : i32
      %dma_wait3A_580 = arith.constant 0 : i32
      %dma_wait3A_581 = tpu.memref_slice %arg2[%dma_wait3A_579, %dma_wait3A_580] : memref<10240x128xf32, #tpu.memory_space<hbm>> -> memref<10240x128xf32, #tpu.memory_space<hbm>>
      tpu.wait_indirect_dma semaphore(%arg12 : memref<!tpu.dma_semaphore, #tpu.memory_space<semaphore_mem>>) src(%dma_wait3A_581 : memref<10240x128xf32, #tpu.memory_space<hbm>>) dst(%dma_wait3A_575 : memref<32x128xf32, #tpu.memory_space<vmem>>)
      %dma_wait3A_582 = arith.constant 3 : i32
      %dma_wait3A_583 = arith.constant 1 : i32
      %dma_wait3A_584 = arith.constant 32 : i32
      %dma_wait3A_585 = arith.constant 0 : i32
      %dma_wait3A_586 = tpu.memref_slice %arg9[%dma_wait3A_583, %dma_wait3A_584, %dma_wait3A_585] : memref<2x128x128xf32, #tpu.memory_space<vmem>> -> memref<1x32x128xf32, #tpu.memory_space<vmem>>
      %dma_wait3A_587 = tpu.memref_squeeze %dma_wait3A_586 : memref<1x32x128xf32, #tpu.memory_space<vmem>> -> memref<32x128xf32, #tpu.memory_space<vmem>>
      %dma_wait3A_588 = arith.constant 32 : i32
      %dma_wait3A_589 = tpu.memref_slice %arg7[%rem3A_72, %dma_wait3A_582, %dma_wait3A_588] : memref<2x8x128xi32, #tpu.memory_space<vmem>> -> memref<1x1x32xi32, #tpu.memory_space<vmem>>
      %dma_wait3A_590 = tpu.memref_squeeze %dma_wait3A_589 : memref<1x1x32xi32, #tpu.memory_space<vmem>> -> memref<32xi32, #tpu.memory_space<vmem>>
      %dma_wait3A_591 = arith.constant 0 : i32
      %dma_wait3A_592 = arith.constant 0 : i32
      %dma_wait3A_593 = tpu.memref_slice %arg2[%dma_wait3A_591, %dma_wait3A_592] : memref<10240x128xf32, #tpu.memory_space<hbm>> -> memref<10240x128xf32, #tpu.memory_space<hbm>>
      tpu.wait_indirect_dma semaphore(%arg12 : memref<!tpu.dma_semaphore, #tpu.memory_space<semaphore_mem>>) src(%dma_wait3A_593 : memref<10240x128xf32, #tpu.memory_space<hbm>>) dst(%dma_wait3A_587 : memref<32x128xf32, #tpu.memory_space<vmem>>)
      %dma_wait3A_594 = arith.constant 3 : i32
      %dma_wait3A_595 = arith.constant 1 : i32
      %dma_wait3A_596 = arith.constant 64 : i32
      %dma_wait3A_597 = arith.constant 0 : i32
      %dma_wait3A_598 = tpu.memref_slice %arg9[%dma_wait3A_595, %dma_wait3A_596, %dma_wait3A_597] : memref<2x128x128xf32, #tpu.memory_space<vmem>> -> memref<1x32x128xf32, #tpu.memory_space<vmem>>
      %dma_wait3A_599 = tpu.memref_squeeze %dma_wait3A_598 : memref<1x32x128xf32, #tpu.memory_space<vmem>> -> memref<32x128xf32, #tpu.memory_space<vmem>>
      %dma_wait3A_600 = arith.constant 64 : i32
      %dma_wait3A_601 = tpu.memref_slice %arg7[%rem3A_72, %dma_wait3A_594, %dma_wait3A_600] : memref<2x8x128xi32, #tpu.memory_space<vmem>> -> memref<1x1x32xi32, #tpu.memory_space<vmem>>
      %dma_wait3A_602 = tpu.memref_squeeze %dma_wait3A_601 : memref<1x1x32xi32, #tpu.memory_space<vmem>> -> memref<32xi32, #tpu.memory_space<vmem>>
      %dma_wait3A_603 = arith.constant 0 : i32
      %dma_wait3A_604 = arith.constant 0 : i32
      %dma_wait3A_605 = tpu.memref_slice %arg2[%dma_wait3A_603, %dma_wait3A_604] : memref<10240x128xf32, #tpu.memory_space<hbm>> -> memref<10240x128xf32, #tpu.memory_space<hbm>>
      tpu.wait_indirect_dma semaphore(%arg12 : memref<!tpu.dma_semaphore, #tpu.memory_space<semaphore_mem>>) src(%dma_wait3A_605 : memref<10240x128xf32, #tpu.memory_space<hbm>>) dst(%dma_wait3A_599 : memref<32x128xf32, #tpu.memory_space<vmem>>)
      %dma_wait3A_606 = arith.constant 3 : i32
      %dma_wait3A_607 = arith.constant 1 : i32
      %dma_wait3A_608 = arith.constant 96 : i32
      %dma_wait3A_609 = arith.constant 0 : i32
      %dma_wait3A_610 = tpu.memref_slice %arg9[%dma_wait3A_607, %dma_wait3A_608, %dma_wait3A_609] : memref<2x128x128xf32, #tpu.memory_space<vmem>> -> memref<1x32x128xf32, #tpu.memory_space<vmem>>
      %dma_wait3A_611 = tpu.memref_squeeze %dma_wait3A_610 : memref<1x32x128xf32, #tpu.memory_space<vmem>> -> memref<32x128xf32, #tpu.memory_space<vmem>>
      %dma_wait3A_612 = arith.constant 96 : i32
      %dma_wait3A_613 = tpu.memref_slice %arg7[%rem3A_72, %dma_wait3A_606, %dma_wait3A_612] : memref<2x8x128xi32, #tpu.memory_space<vmem>> -> memref<1x1x32xi32, #tpu.memory_space<vmem>>
      %dma_wait3A_614 = tpu.memref_squeeze %dma_wait3A_613 : memref<1x1x32xi32, #tpu.memory_space<vmem>> -> memref<32xi32, #tpu.memory_space<vmem>>
      %dma_wait3A_615 = arith.constant 0 : i32
      %dma_wait3A_616 = arith.constant 0 : i32
      %dma_wait3A_617 = tpu.memref_slice %arg2[%dma_wait3A_615, %dma_wait3A_616] : memref<10240x128xf32, #tpu.memory_space<hbm>> -> memref<10240x128xf32, #tpu.memory_space<hbm>>
      tpu.wait_indirect_dma semaphore(%arg12 : memref<!tpu.dma_semaphore, #tpu.memory_space<semaphore_mem>>) src(%dma_wait3A_617 : memref<10240x128xf32, #tpu.memory_space<hbm>>) dst(%dma_wait3A_611 : memref<32x128xf32, #tpu.memory_space<vmem>>)
      %dma_start3A_618 = arith.constant 1 : i32
      %dma_start3A_619 = arith.constant 3 : i32
      %dma_start3A_620 = arith.constant 0 : i32
      %dma_start3A_621 = arith.constant 0 : i32
      %dma_start3A_622 = tpu.memref_slice %arg9[%dma_start3A_618, %dma_start3A_620, %dma_start3A_621] : memref<2x128x128xf32, #tpu.memory_space<vmem>> -> memref<1x128x128xf32, #tpu.memory_space<vmem>>
      %dma_start3A_623 = tpu.memref_squeeze %dma_start3A_622 : memref<1x128x128xf32, #tpu.memory_space<vmem>> -> memref<128x128xf32, #tpu.memory_space<vmem>>
      %dma_start3A_624 = arith.constant 0 : i32
      %dma_start3A_625 = tpu.memref_slice %arg8[%rem3A_72, %dma_start3A_619, %dma_start3A_624] : memref<2x8x128xi32, #tpu.memory_space<vmem>> -> memref<1x1x128xi32, #tpu.memory_space<vmem>>
      %dma_start3A_626 = tpu.memref_squeeze %dma_start3A_625 : memref<1x1x128xi32, #tpu.memory_space<vmem>> -> memref<128xi32, #tpu.memory_space<vmem>>
      %dma_start3A_627 = arith.constant 0 : i32
      %dma_start3A_628 = arith.constant 0 : i32
      %dma_start3A_629 = tpu.memref_slice %arg10[%dma_start3A_627, %dma_start3A_628] : memref<10240x128xf32, #tpu.memory_space<vmem_shared>> -> memref<10240x128xf32, #tpu.memory_space<vmem_shared>>
      tpu.enqueue_indirect_dma source(%dma_start3A_623 : memref<128x128xf32, #tpu.memory_space<vmem>>) target(%dma_start3A_629 : memref<10240x128xf32, #tpu.memory_space<vmem_shared>>) offsets(%dma_start3A_626 : memref<128xi32, #tpu.memory_space<vmem>>) semaphore(%arg14 : memref<!tpu.dma_semaphore, #tpu.memory_space<semaphore_mem>>) {add = true}
      %dma_wait3A_630 = arith.constant 1 : i32
      %dma_wait3A_631 = arith.constant 3 : i32
      %dma_wait3A_632 = arith.constant 0 : i32
      %dma_wait3A_633 = arith.constant 0 : i32
      %dma_wait3A_634 = tpu.memref_slice %arg9[%dma_wait3A_630, %dma_wait3A_632, %dma_wait3A_633] : memref<2x128x128xf32, #tpu.memory_space<vmem>> -> memref<1x128x128xf32, #tpu.memory_space<vmem>>
      %dma_wait3A_635 = tpu.memref_squeeze %dma_wait3A_634 : memref<1x128x128xf32, #tpu.memory_space<vmem>> -> memref<128x128xf32, #tpu.memory_space<vmem>>
      %dma_wait3A_636 = arith.constant 0 : i32
      %dma_wait3A_637 = tpu.memref_slice %arg8[%rem3A_72, %dma_wait3A_631, %dma_wait3A_636] : memref<2x8x128xi32, #tpu.memory_space<vmem>> -> memref<1x1x128xi32, #tpu.memory_space<vmem>>
      %dma_wait3A_638 = tpu.memref_squeeze %dma_wait3A_637 : memref<1x1x128xi32, #tpu.memory_space<vmem>> -> memref<128xi32, #tpu.memory_space<vmem>>
      %dma_wait3A_639 = arith.constant 0 : i32
      %dma_wait3A_640 = arith.constant 0 : i32
      %dma_wait3A_641 = tpu.memref_slice %arg10[%dma_wait3A_639, %dma_wait3A_640] : memref<10240x128xf32, #tpu.memory_space<vmem_shared>> -> memref<10240x128xf32, #tpu.memory_space<vmem_shared>>
      tpu.wait_indirect_dma semaphore(%arg14 : memref<!tpu.dma_semaphore, #tpu.memory_space<semaphore_mem>>) src(%dma_wait3A_635 : memref<128x128xf32, #tpu.memory_space<vmem>>) dst(%dma_wait3A_641 : memref<10240x128xf32, #tpu.memory_space<vmem_shared>>)
      %dma_start3A_642 = arith.constant 5 : i32
      %dma_start3A_643 = arith.constant 1 : i32
      %dma_start3A_644 = arith.constant 0 : i32
      %dma_start3A_645 = arith.constant 0 : i32
      %dma_start3A_646 = tpu.memref_slice %arg9[%dma_start3A_643, %dma_start3A_644, %dma_start3A_645] : memref<2x128x128xf32, #tpu.memory_space<vmem>> -> memref<1x32x128xf32, #tpu.memory_space<vmem>>
      %dma_start3A_647 = tpu.memref_squeeze %dma_start3A_646 : memref<1x32x128xf32, #tpu.memory_space<vmem>> -> memref<32x128xf32, #tpu.memory_space<vmem>>
      %dma_start3A_648 = arith.constant 0 : i32
      %dma_start3A_649 = tpu.memref_slice %arg7[%rem3A_72, %dma_start3A_642, %dma_start3A_648] : memref<2x8x128xi32, #tpu.memory_space<vmem>> -> memref<1x1x32xi32, #tpu.memory_space<vmem>>
      %dma_start3A_650 = tpu.memref_squeeze %dma_start3A_649 : memref<1x1x32xi32, #tpu.memory_space<vmem>> -> memref<32xi32, #tpu.memory_space<vmem>>
      %dma_start3A_651 = arith.constant 0 : i32
      %dma_start3A_652 = arith.constant 0 : i32
      %dma_start3A_653 = tpu.memref_slice %arg2[%dma_start3A_651, %dma_start3A_652] : memref<10240x128xf32, #tpu.memory_space<hbm>> -> memref<10240x128xf32, #tpu.memory_space<hbm>>
      tpu.enqueue_indirect_dma source(%dma_start3A_653 : memref<10240x128xf32, #tpu.memory_space<hbm>>) target(%dma_start3A_647 : memref<32x128xf32, #tpu.memory_space<vmem>>) offsets(%dma_start3A_650 : memref<32xi32, #tpu.memory_space<vmem>>) semaphore(%arg12 : memref<!tpu.dma_semaphore, #tpu.memory_space<semaphore_mem>>)
      %dma_start3A_654 = arith.constant 5 : i32
      %dma_start3A_655 = arith.constant 1 : i32
      %dma_start3A_656 = arith.constant 32 : i32
      %dma_start3A_657 = arith.constant 0 : i32
      %dma_start3A_658 = tpu.memref_slice %arg9[%dma_start3A_655, %dma_start3A_656, %dma_start3A_657] : memref<2x128x128xf32, #tpu.memory_space<vmem>> -> memref<1x32x128xf32, #tpu.memory_space<vmem>>
      %dma_start3A_659 = tpu.memref_squeeze %dma_start3A_658 : memref<1x32x128xf32, #tpu.memory_space<vmem>> -> memref<32x128xf32, #tpu.memory_space<vmem>>
      %dma_start3A_660 = arith.constant 32 : i32
      %dma_start3A_661 = tpu.memref_slice %arg7[%rem3A_72, %dma_start3A_654, %dma_start3A_660] : memref<2x8x128xi32, #tpu.memory_space<vmem>> -> memref<1x1x32xi32, #tpu.memory_space<vmem>>
      %dma_start3A_662 = tpu.memref_squeeze %dma_start3A_661 : memref<1x1x32xi32, #tpu.memory_space<vmem>> -> memref<32xi32, #tpu.memory_space<vmem>>
      %dma_start3A_663 = arith.constant 0 : i32
      %dma_start3A_664 = arith.constant 0 : i32
      %dma_start3A_665 = tpu.memref_slice %arg2[%dma_start3A_663, %dma_start3A_664] : memref<10240x128xf32, #tpu.memory_space<hbm>> -> memref<10240x128xf32, #tpu.memory_space<hbm>>
      tpu.enqueue_indirect_dma source(%dma_start3A_665 : memref<10240x128xf32, #tpu.memory_space<hbm>>) target(%dma_start3A_659 : memref<32x128xf32, #tpu.memory_space<vmem>>) offsets(%dma_start3A_662 : memref<32xi32, #tpu.memory_space<vmem>>) semaphore(%arg12 : memref<!tpu.dma_semaphore, #tpu.memory_space<semaphore_mem>>)
      %dma_start3A_666 = arith.constant 5 : i32
      %dma_start3A_667 = arith.constant 1 : i32
      %dma_start3A_668 = arith.constant 64 : i32
      %dma_start3A_669 = arith.constant 0 : i32
      %dma_start3A_670 = tpu.memref_slice %arg9[%dma_start3A_667, %dma_start3A_668, %dma_start3A_669] : memref<2x128x128xf32, #tpu.memory_space<vmem>> -> memref<1x32x128xf32, #tpu.memory_space<vmem>>
      %dma_start3A_671 = tpu.memref_squeeze %dma_start3A_670 : memref<1x32x128xf32, #tpu.memory_space<vmem>> -> memref<32x128xf32, #tpu.memory_space<vmem>>
      %dma_start3A_672 = arith.constant 64 : i32
      %dma_start3A_673 = tpu.memref_slice %arg7[%rem3A_72, %dma_start3A_666, %dma_start3A_672] : memref<2x8x128xi32, #tpu.memory_space<vmem>> -> memref<1x1x32xi32, #tpu.memory_space<vmem>>
      %dma_start3A_674 = tpu.memref_squeeze %dma_start3A_673 : memref<1x1x32xi32, #tpu.memory_space<vmem>> -> memref<32xi32, #tpu.memory_space<vmem>>
      %dma_start3A_675 = arith.constant 0 : i32
      %dma_start3A_676 = arith.constant 0 : i32
      %dma_start3A_677 = tpu.memref_slice %arg2[%dma_start3A_675, %dma_start3A_676] : memref<10240x128xf32, #tpu.memory_space<hbm>> -> memref<10240x128xf32, #tpu.memory_space<hbm>>
      tpu.enqueue_indirect_dma source(%dma_start3A_677 : memref<10240x128xf32, #tpu.memory_space<hbm>>) target(%dma_start3A_671 : memref<32x128xf32, #tpu.memory_space<vmem>>) offsets(%dma_start3A_674 : memref<32xi32, #tpu.memory_space<vmem>>) semaphore(%arg12 : memref<!tpu.dma_semaphore, #tpu.memory_space<semaphore_mem>>)
      %dma_start3A_678 = arith.constant 5 : i32
      %dma_start3A_679 = arith.constant 1 : i32
      %dma_start3A_680 = arith.constant 96 : i32
      %dma_start3A_681 = arith.constant 0 : i32
      %dma_start3A_682 = tpu.memref_slice %arg9[%dma_start3A_679, %dma_start3A_680, %dma_start3A_681] : memref<2x128x128xf32, #tpu.memory_space<vmem>> -> memref<1x32x128xf32, #tpu.memory_space<vmem>>
      %dma_start3A_683 = tpu.memref_squeeze %dma_start3A_682 : memref<1x32x128xf32, #tpu.memory_space<vmem>> -> memref<32x128xf32, #tpu.memory_space<vmem>>
      %dma_start3A_684 = arith.constant 96 : i32
      %dma_start3A_685 = tpu.memref_slice %arg7[%rem3A_72, %dma_start3A_678, %dma_start3A_684] : memref<2x8x128xi32, #tpu.memory_space<vmem>> -> memref<1x1x32xi32, #tpu.memory_space<vmem>>
      %dma_start3A_686 = tpu.memref_squeeze %dma_start3A_685 : memref<1x1x32xi32, #tpu.memory_space<vmem>> -> memref<32xi32, #tpu.memory_space<vmem>>
      %dma_start3A_687 = arith.constant 0 : i32
      %dma_start3A_688 = arith.constant 0 : i32
      %dma_start3A_689 = tpu.memref_slice %arg2[%dma_start3A_687, %dma_start3A_688] : memref<10240x128xf32, #tpu.memory_space<hbm>> -> memref<10240x128xf32, #tpu.memory_space<hbm>>
      tpu.enqueue_indirect_dma source(%dma_start3A_689 : memref<10240x128xf32, #tpu.memory_space<hbm>>) target(%dma_start3A_683 : memref<32x128xf32, #tpu.memory_space<vmem>>) offsets(%dma_start3A_686 : memref<32xi32, #tpu.memory_space<vmem>>) semaphore(%arg12 : memref<!tpu.dma_semaphore, #tpu.memory_space<semaphore_mem>>)
      %dma_wait3A_690 = arith.constant 4 : i32
      %dma_wait3A_691 = arith.constant 0 : i32
      %dma_wait3A_692 = arith.constant 0 : i32
      %dma_wait3A_693 = arith.constant 0 : i32
      %dma_wait3A_694 = tpu.memref_slice %arg9[%dma_wait3A_691, %dma_wait3A_692, %dma_wait3A_693] : memref<2x128x128xf32, #tpu.memory_space<vmem>> -> memref<1x32x128xf32, #tpu.memory_space<vmem>>
      %dma_wait3A_695 = tpu.memref_squeeze %dma_wait3A_694 : memref<1x32x128xf32, #tpu.memory_space<vmem>> -> memref<32x128xf32, #tpu.memory_space<vmem>>
      %dma_wait3A_696 = arith.constant 0 : i32
      %dma_wait3A_697 = tpu.memref_slice %arg7[%rem3A_72, %dma_wait3A_690, %dma_wait3A_696] : memref<2x8x128xi32, #tpu.memory_space<vmem>> -> memref<1x1x32xi32, #tpu.memory_space<vmem>>
      %dma_wait3A_698 = tpu.memref_squeeze %dma_wait3A_697 : memref<1x1x32xi32, #tpu.memory_space<vmem>> -> memref<32xi32, #tpu.memory_space<vmem>>
      %dma_wait3A_699 = arith.constant 0 : i32
      %dma_wait3A_700 = arith.constant 0 : i32
      %dma_wait3A_701 = tpu.memref_slice %arg2[%dma_wait3A_699, %dma_wait3A_700] : memref<10240x128xf32, #tpu.memory_space<hbm>> -> memref<10240x128xf32, #tpu.memory_space<hbm>>
      tpu.wait_indirect_dma semaphore(%arg11 : memref<!tpu.dma_semaphore, #tpu.memory_space<semaphore_mem>>) src(%dma_wait3A_701 : memref<10240x128xf32, #tpu.memory_space<hbm>>) dst(%dma_wait3A_695 : memref<32x128xf32, #tpu.memory_space<vmem>>)
      %dma_wait3A_702 = arith.constant 4 : i32
      %dma_wait3A_703 = arith.constant 0 : i32
      %dma_wait3A_704 = arith.constant 32 : i32
      %dma_wait3A_705 = arith.constant 0 : i32
      %dma_wait3A_706 = tpu.memref_slice %arg9[%dma_wait3A_703, %dma_wait3A_704, %dma_wait3A_705] : memref<2x128x128xf32, #tpu.memory_space<vmem>> -> memref<1x32x128xf32, #tpu.memory_space<vmem>>
      %dma_wait3A_707 = tpu.memref_squeeze %dma_wait3A_706 : memref<1x32x128xf32, #tpu.memory_space<vmem>> -> memref<32x128xf32, #tpu.memory_space<vmem>>
      %dma_wait3A_708 = arith.constant 32 : i32
      %dma_wait3A_709 = tpu.memref_slice %arg7[%rem3A_72, %dma_wait3A_702, %dma_wait3A_708] : memref<2x8x128xi32, #tpu.memory_space<vmem>> -> memref<1x1x32xi32, #tpu.memory_space<vmem>>
      %dma_wait3A_710 = tpu.memref_squeeze %dma_wait3A_709 : memref<1x1x32xi32, #tpu.memory_space<vmem>> -> memref<32xi32, #tpu.memory_space<vmem>>
      %dma_wait3A_711 = arith.constant 0 : i32
      %dma_wait3A_712 = arith.constant 0 : i32
      %dma_wait3A_713 = tpu.memref_slice %arg2[%dma_wait3A_711, %dma_wait3A_712] : memref<10240x128xf32, #tpu.memory_space<hbm>> -> memref<10240x128xf32, #tpu.memory_space<hbm>>
      tpu.wait_indirect_dma semaphore(%arg11 : memref<!tpu.dma_semaphore, #tpu.memory_space<semaphore_mem>>) src(%dma_wait3A_713 : memref<10240x128xf32, #tpu.memory_space<hbm>>) dst(%dma_wait3A_707 : memref<32x128xf32, #tpu.memory_space<vmem>>)
      %dma_wait3A_714 = arith.constant 4 : i32
      %dma_wait3A_715 = arith.constant 0 : i32
      %dma_wait3A_716 = arith.constant 64 : i32
      %dma_wait3A_717 = arith.constant 0 : i32
      %dma_wait3A_718 = tpu.memref_slice %arg9[%dma_wait3A_715, %dma_wait3A_716, %dma_wait3A_717] : memref<2x128x128xf32, #tpu.memory_space<vmem>> -> memref<1x32x128xf32, #tpu.memory_space<vmem>>
      %dma_wait3A_719 = tpu.memref_squeeze %dma_wait3A_718 : memref<1x32x128xf32, #tpu.memory_space<vmem>> -> memref<32x128xf32, #tpu.memory_space<vmem>>
      %dma_wait3A_720 = arith.constant 64 : i32
      %dma_wait3A_721 = tpu.memref_slice %arg7[%rem3A_72, %dma_wait3A_714, %dma_wait3A_720] : memref<2x8x128xi32, #tpu.memory_space<vmem>> -> memref<1x1x32xi32, #tpu.memory_space<vmem>>
      %dma_wait3A_722 = tpu.memref_squeeze %dma_wait3A_721 : memref<1x1x32xi32, #tpu.memory_space<vmem>> -> memref<32xi32, #tpu.memory_space<vmem>>
      %dma_wait3A_723 = arith.constant 0 : i32
      %dma_wait3A_724 = arith.constant 0 : i32
      %dma_wait3A_725 = tpu.memref_slice %arg2[%dma_wait3A_723, %dma_wait3A_724] : memref<10240x128xf32, #tpu.memory_space<hbm>> -> memref<10240x128xf32, #tpu.memory_space<hbm>>
      tpu.wait_indirect_dma semaphore(%arg11 : memref<!tpu.dma_semaphore, #tpu.memory_space<semaphore_mem>>) src(%dma_wait3A_725 : memref<10240x128xf32, #tpu.memory_space<hbm>>) dst(%dma_wait3A_719 : memref<32x128xf32, #tpu.memory_space<vmem>>)
      %dma_wait3A_726 = arith.constant 4 : i32
      %dma_wait3A_727 = arith.constant 0 : i32
      %dma_wait3A_728 = arith.constant 96 : i32
      %dma_wait3A_729 = arith.constant 0 : i32
      %dma_wait3A_730 = tpu.memref_slice %arg9[%dma_wait3A_727, %dma_wait3A_728, %dma_wait3A_729] : memref<2x128x128xf32, #tpu.memory_space<vmem>> -> memref<1x32x128xf32, #tpu.memory_space<vmem>>
      %dma_wait3A_731 = tpu.memref_squeeze %dma_wait3A_730 : memref<1x32x128xf32, #tpu.memory_space<vmem>> -> memref<32x128xf32, #tpu.memory_space<vmem>>
      %dma_wait3A_732 = arith.constant 96 : i32
      %dma_wait3A_733 = tpu.memref_slice %arg7[%rem3A_72, %dma_wait3A_726, %dma_wait3A_732] : memref<2x8x128xi32, #tpu.memory_space<vmem>> -> memref<1x1x32xi32, #tpu.memory_space<vmem>>
      %dma_wait3A_734 = tpu.memref_squeeze %dma_wait3A_733 : memref<1x1x32xi32, #tpu.memory_space<vmem>> -> memref<32xi32, #tpu.memory_space<vmem>>
      %dma_wait3A_735 = arith.constant 0 : i32
      %dma_wait3A_736 = arith.constant 0 : i32
      %dma_wait3A_737 = tpu.memref_slice %arg2[%dma_wait3A_735, %dma_wait3A_736] : memref<10240x128xf32, #tpu.memory_space<hbm>> -> memref<10240x128xf32, #tpu.memory_space<hbm>>
      tpu.wait_indirect_dma semaphore(%arg11 : memref<!tpu.dma_semaphore, #tpu.memory_space<semaphore_mem>>) src(%dma_wait3A_737 : memref<10240x128xf32, #tpu.memory_space<hbm>>) dst(%dma_wait3A_731 : memref<32x128xf32, #tpu.memory_space<vmem>>)
      %dma_start3A_738 = arith.constant 0 : i32
      %dma_start3A_739 = arith.constant 4 : i32
      %dma_start3A_740 = arith.constant 0 : i32
      %dma_start3A_741 = arith.constant 0 : i32
      %dma_start3A_742 = tpu.memref_slice %arg9[%dma_start3A_738, %dma_start3A_740, %dma_start3A_741] : memref<2x128x128xf32, #tpu.memory_space<vmem>> -> memref<1x128x128xf32, #tpu.memory_space<vmem>>
      %dma_start3A_743 = tpu.memref_squeeze %dma_start3A_742 : memref<1x128x128xf32, #tpu.memory_space<vmem>> -> memref<128x128xf32, #tpu.memory_space<vmem>>
      %dma_start3A_744 = arith.constant 0 : i32
      %dma_start3A_745 = tpu.memref_slice %arg8[%rem3A_72, %dma_start3A_739, %dma_start3A_744] : memref<2x8x128xi32, #tpu.memory_space<vmem>> -> memref<1x1x128xi32, #tpu.memory_space<vmem>>
      %dma_start3A_746 = tpu.memref_squeeze %dma_start3A_745 : memref<1x1x128xi32, #tpu.memory_space<vmem>> -> memref<128xi32, #tpu.memory_space<vmem>>
      %dma_start3A_747 = arith.constant 0 : i32
      %dma_start3A_748 = arith.constant 0 : i32
      %dma_start3A_749 = tpu.memref_slice %arg10[%dma_start3A_747, %dma_start3A_748] : memref<10240x128xf32, #tpu.memory_space<vmem_shared>> -> memref<10240x128xf32, #tpu.memory_space<vmem_shared>>
      tpu.enqueue_indirect_dma source(%dma_start3A_743 : memref<128x128xf32, #tpu.memory_space<vmem>>) target(%dma_start3A_749 : memref<10240x128xf32, #tpu.memory_space<vmem_shared>>) offsets(%dma_start3A_746 : memref<128xi32, #tpu.memory_space<vmem>>) semaphore(%arg13 : memref<!tpu.dma_semaphore, #tpu.memory_space<semaphore_mem>>) {add = true}
      %dma_wait3A_750 = arith.constant 0 : i32
      %dma_wait3A_751 = arith.constant 4 : i32
      %dma_wait3A_752 = arith.constant 0 : i32
      %dma_wait3A_753 = arith.constant 0 : i32
      %dma_wait3A_754 = tpu.memref_slice %arg9[%dma_wait3A_750, %dma_wait3A_752, %dma_wait3A_753] : memref<2x128x128xf32, #tpu.memory_space<vmem>> -> memref<1x128x128xf32, #tpu.memory_space<vmem>>
      %dma_wait3A_755 = tpu.memref_squeeze %dma_wait3A_754 : memref<1x128x128xf32, #tpu.memory_space<vmem>> -> memref<128x128xf32, #tpu.memory_space<vmem>>
      %dma_wait3A_756 = arith.constant 0 : i32
      %dma_wait3A_757 = tpu.memref_slice %arg8[%rem3A_72, %dma_wait3A_751, %dma_wait3A_756] : memref<2x8x128xi32, #tpu.memory_space<vmem>> -> memref<1x1x128xi32, #tpu.memory_space<vmem>>
      %dma_wait3A_758 = tpu.memref_squeeze %dma_wait3A_757 : memref<1x1x128xi32, #tpu.memory_space<vmem>> -> memref<128xi32, #tpu.memory_space<vmem>>
      %dma_wait3A_759 = arith.constant 0 : i32
      %dma_wait3A_760 = arith.constant 0 : i32
      %dma_wait3A_761 = tpu.memref_slice %arg10[%dma_wait3A_759, %dma_wait3A_760] : memref<10240x128xf32, #tpu.memory_space<vmem_shared>> -> memref<10240x128xf32, #tpu.memory_space<vmem_shared>>
      tpu.wait_indirect_dma semaphore(%arg13 : memref<!tpu.dma_semaphore, #tpu.memory_space<semaphore_mem>>) src(%dma_wait3A_755 : memref<128x128xf32, #tpu.memory_space<vmem>>) dst(%dma_wait3A_761 : memref<10240x128xf32, #tpu.memory_space<vmem_shared>>)
      %dma_start3A_762 = arith.constant 6 : i32
      %dma_start3A_763 = arith.constant 0 : i32
      %dma_start3A_764 = arith.constant 0 : i32
      %dma_start3A_765 = arith.constant 0 : i32
      %dma_start3A_766 = tpu.memref_slice %arg9[%dma_start3A_763, %dma_start3A_764, %dma_start3A_765] : memref<2x128x128xf32, #tpu.memory_space<vmem>> -> memref<1x32x128xf32, #tpu.memory_space<vmem>>
      %dma_start3A_767 = tpu.memref_squeeze %dma_start3A_766 : memref<1x32x128xf32, #tpu.memory_space<vmem>> -> memref<32x128xf32, #tpu.memory_space<vmem>>
      %dma_start3A_768 = arith.constant 0 : i32
      %dma_start3A_769 = tpu.memref_slice %arg7[%rem3A_72, %dma_start3A_762, %dma_start3A_768] : memref<2x8x128xi32, #tpu.memory_space<vmem>> -> memref<1x1x32xi32, #tpu.memory_space<vmem>>
      %dma_start3A_770 = tpu.memref_squeeze %dma_start3A_769 : memref<1x1x32xi32, #tpu.memory_space<vmem>> -> memref<32xi32, #tpu.memory_space<vmem>>
      %dma_start3A_771 = arith.constant 0 : i32
      %dma_start3A_772 = arith.constant 0 : i32
      %dma_start3A_773 = tpu.memref_slice %arg2[%dma_start3A_771, %dma_start3A_772] : memref<10240x128xf32, #tpu.memory_space<hbm>> -> memref<10240x128xf32, #tpu.memory_space<hbm>>
      tpu.enqueue_indirect_dma source(%dma_start3A_773 : memref<10240x128xf32, #tpu.memory_space<hbm>>) target(%dma_start3A_767 : memref<32x128xf32, #tpu.memory_space<vmem>>) offsets(%dma_start3A_770 : memref<32xi32, #tpu.memory_space<vmem>>) semaphore(%arg11 : memref<!tpu.dma_semaphore, #tpu.memory_space<semaphore_mem>>)
      %dma_start3A_774 = arith.constant 6 : i32
      %dma_start3A_775 = arith.constant 0 : i32
      %dma_start3A_776 = arith.constant 32 : i32
      %dma_start3A_777 = arith.constant 0 : i32
      %dma_start3A_778 = tpu.memref_slice %arg9[%dma_start3A_775, %dma_start3A_776, %dma_start3A_777] : memref<2x128x128xf32, #tpu.memory_space<vmem>> -> memref<1x32x128xf32, #tpu.memory_space<vmem>>
      %dma_start3A_779 = tpu.memref_squeeze %dma_start3A_778 : memref<1x32x128xf32, #tpu.memory_space<vmem>> -> memref<32x128xf32, #tpu.memory_space<vmem>>
      %dma_start3A_780 = arith.constant 32 : i32
      %dma_start3A_781 = tpu.memref_slice %arg7[%rem3A_72, %dma_start3A_774, %dma_start3A_780] : memref<2x8x128xi32, #tpu.memory_space<vmem>> -> memref<1x1x32xi32, #tpu.memory_space<vmem>>
      %dma_start3A_782 = tpu.memref_squeeze %dma_start3A_781 : memref<1x1x32xi32, #tpu.memory_space<vmem>> -> memref<32xi32, #tpu.memory_space<vmem>>
      %dma_start3A_783 = arith.constant 0 : i32
      %dma_start3A_784 = arith.constant 0 : i32
      %dma_start3A_785 = tpu.memref_slice %arg2[%dma_start3A_783, %dma_start3A_784] : memref<10240x128xf32, #tpu.memory_space<hbm>> -> memref<10240x128xf32, #tpu.memory_space<hbm>>
      tpu.enqueue_indirect_dma source(%dma_start3A_785 : memref<10240x128xf32, #tpu.memory_space<hbm>>) target(%dma_start3A_779 : memref<32x128xf32, #tpu.memory_space<vmem>>) offsets(%dma_start3A_782 : memref<32xi32, #tpu.memory_space<vmem>>) semaphore(%arg11 : memref<!tpu.dma_semaphore, #tpu.memory_space<semaphore_mem>>)
      %dma_start3A_786 = arith.constant 6 : i32
      %dma_start3A_787 = arith.constant 0 : i32
      %dma_start3A_788 = arith.constant 64 : i32
      %dma_start3A_789 = arith.constant 0 : i32
      %dma_start3A_790 = tpu.memref_slice %arg9[%dma_start3A_787, %dma_start3A_788, %dma_start3A_789] : memref<2x128x128xf32, #tpu.memory_space<vmem>> -> memref<1x32x128xf32, #tpu.memory_space<vmem>>
      %dma_start3A_791 = tpu.memref_squeeze %dma_start3A_790 : memref<1x32x128xf32, #tpu.memory_space<vmem>> -> memref<32x128xf32, #tpu.memory_space<vmem>>
      %dma_start3A_792 = arith.constant 64 : i32
      %dma_start3A_793 = tpu.memref_slice %arg7[%rem3A_72, %dma_start3A_786, %dma_start3A_792] : memref<2x8x128xi32, #tpu.memory_space<vmem>> -> memref<1x1x32xi32, #tpu.memory_space<vmem>>
      %dma_start3A_794 = tpu.memref_squeeze %dma_start3A_793 : memref<1x1x32xi32, #tpu.memory_space<vmem>> -> memref<32xi32, #tpu.memory_space<vmem>>
      %dma_start3A_795 = arith.constant 0 : i32
      %dma_start3A_796 = arith.constant 0 : i32
      %dma_start3A_797 = tpu.memref_slice %arg2[%dma_start3A_795, %dma_start3A_796] : memref<10240x128xf32, #tpu.memory_space<hbm>> -> memref<10240x128xf32, #tpu.memory_space<hbm>>
      tpu.enqueue_indirect_dma source(%dma_start3A_797 : memref<10240x128xf32, #tpu.memory_space<hbm>>) target(%dma_start3A_791 : memref<32x128xf32, #tpu.memory_space<vmem>>) offsets(%dma_start3A_794 : memref<32xi32, #tpu.memory_space<vmem>>) semaphore(%arg11 : memref<!tpu.dma_semaphore, #tpu.memory_space<semaphore_mem>>)
      %dma_start3A_798 = arith.constant 6 : i32
      %dma_start3A_799 = arith.constant 0 : i32
      %dma_start3A_800 = arith.constant 96 : i32
      %dma_start3A_801 = arith.constant 0 : i32
      %dma_start3A_802 = tpu.memref_slice %arg9[%dma_start3A_799, %dma_start3A_800, %dma_start3A_801] : memref<2x128x128xf32, #tpu.memory_space<vmem>> -> memref<1x32x128xf32, #tpu.memory_space<vmem>>
      %dma_start3A_803 = tpu.memref_squeeze %dma_start3A_802 : memref<1x32x128xf32, #tpu.memory_space<vmem>> -> memref<32x128xf32, #tpu.memory_space<vmem>>
      %dma_start3A_804 = arith.constant 96 : i32
      %dma_start3A_805 = tpu.memref_slice %arg7[%rem3A_72, %dma_start3A_798, %dma_start3A_804] : memref<2x8x128xi32, #tpu.memory_space<vmem>> -> memref<1x1x32xi32, #tpu.memory_space<vmem>>
      %dma_start3A_806 = tpu.memref_squeeze %dma_start3A_805 : memref<1x1x32xi32, #tpu.memory_space<vmem>> -> memref<32xi32, #tpu.memory_space<vmem>>
      %dma_start3A_807 = arith.constant 0 : i32
      %dma_start3A_808 = arith.constant 0 : i32
      %dma_start3A_809 = tpu.memref_slice %arg2[%dma_start3A_807, %dma_start3A_808] : memref<10240x128xf32, #tpu.memory_space<hbm>> -> memref<10240x128xf32, #tpu.memory_space<hbm>>
      tpu.enqueue_indirect_dma source(%dma_start3A_809 : memref<10240x128xf32, #tpu.memory_space<hbm>>) target(%dma_start3A_803 : memref<32x128xf32, #tpu.memory_space<vmem>>) offsets(%dma_start3A_806 : memref<32xi32, #tpu.memory_space<vmem>>) semaphore(%arg11 : memref<!tpu.dma_semaphore, #tpu.memory_space<semaphore_mem>>)
      %dma_wait3A_810 = arith.constant 5 : i32
      %dma_wait3A_811 = arith.constant 1 : i32
      %dma_wait3A_812 = arith.constant 0 : i32
      %dma_wait3A_813 = arith.constant 0 : i32
      %dma_wait3A_814 = tpu.memref_slice %arg9[%dma_wait3A_811, %dma_wait3A_812, %dma_wait3A_813] : memref<2x128x128xf32, #tpu.memory_space<vmem>> -> memref<1x32x128xf32, #tpu.memory_space<vmem>>
      %dma_wait3A_815 = tpu.memref_squeeze %dma_wait3A_814 : memref<1x32x128xf32, #tpu.memory_space<vmem>> -> memref<32x128xf32, #tpu.memory_space<vmem>>
      %dma_wait3A_816 = arith.constant 0 : i32
      %dma_wait3A_817 = tpu.memref_slice %arg7[%rem3A_72, %dma_wait3A_810, %dma_wait3A_816] : memref<2x8x128xi32, #tpu.memory_space<vmem>> -> memref<1x1x32xi32, #tpu.memory_space<vmem>>
      %dma_wait3A_818 = tpu.memref_squeeze %dma_wait3A_817 : memref<1x1x32xi32, #tpu.memory_space<vmem>> -> memref<32xi32, #tpu.memory_space<vmem>>
      %dma_wait3A_819 = arith.constant 0 : i32
      %dma_wait3A_820 = arith.constant 0 : i32
      %dma_wait3A_821 = tpu.memref_slice %arg2[%dma_wait3A_819, %dma_wait3A_820] : memref<10240x128xf32, #tpu.memory_space<hbm>> -> memref<10240x128xf32, #tpu.memory_space<hbm>>
      tpu.wait_indirect_dma semaphore(%arg12 : memref<!tpu.dma_semaphore, #tpu.memory_space<semaphore_mem>>) src(%dma_wait3A_821 : memref<10240x128xf32, #tpu.memory_space<hbm>>) dst(%dma_wait3A_815 : memref<32x128xf32, #tpu.memory_space<vmem>>)
      %dma_wait3A_822 = arith.constant 5 : i32
      %dma_wait3A_823 = arith.constant 1 : i32
      %dma_wait3A_824 = arith.constant 32 : i32
      %dma_wait3A_825 = arith.constant 0 : i32
      %dma_wait3A_826 = tpu.memref_slice %arg9[%dma_wait3A_823, %dma_wait3A_824, %dma_wait3A_825] : memref<2x128x128xf32, #tpu.memory_space<vmem>> -> memref<1x32x128xf32, #tpu.memory_space<vmem>>
      %dma_wait3A_827 = tpu.memref_squeeze %dma_wait3A_826 : memref<1x32x128xf32, #tpu.memory_space<vmem>> -> memref<32x128xf32, #tpu.memory_space<vmem>>
      %dma_wait3A_828 = arith.constant 32 : i32
      %dma_wait3A_829 = tpu.memref_slice %arg7[%rem3A_72, %dma_wait3A_822, %dma_wait3A_828] : memref<2x8x128xi32, #tpu.memory_space<vmem>> -> memref<1x1x32xi32, #tpu.memory_space<vmem>>
      %dma_wait3A_830 = tpu.memref_squeeze %dma_wait3A_829 : memref<1x1x32xi32, #tpu.memory_space<vmem>> -> memref<32xi32, #tpu.memory_space<vmem>>
      %dma_wait3A_831 = arith.constant 0 : i32
      %dma_wait3A_832 = arith.constant 0 : i32
      %dma_wait3A_833 = tpu.memref_slice %arg2[%dma_wait3A_831, %dma_wait3A_832] : memref<10240x128xf32, #tpu.memory_space<hbm>> -> memref<10240x128xf32, #tpu.memory_space<hbm>>
      tpu.wait_indirect_dma semaphore(%arg12 : memref<!tpu.dma_semaphore, #tpu.memory_space<semaphore_mem>>) src(%dma_wait3A_833 : memref<10240x128xf32, #tpu.memory_space<hbm>>) dst(%dma_wait3A_827 : memref<32x128xf32, #tpu.memory_space<vmem>>)
      %dma_wait3A_834 = arith.constant 5 : i32
      %dma_wait3A_835 = arith.constant 1 : i32
      %dma_wait3A_836 = arith.constant 64 : i32
      %dma_wait3A_837 = arith.constant 0 : i32
      %dma_wait3A_838 = tpu.memref_slice %arg9[%dma_wait3A_835, %dma_wait3A_836, %dma_wait3A_837] : memref<2x128x128xf32, #tpu.memory_space<vmem>> -> memref<1x32x128xf32, #tpu.memory_space<vmem>>
      %dma_wait3A_839 = tpu.memref_squeeze %dma_wait3A_838 : memref<1x32x128xf32, #tpu.memory_space<vmem>> -> memref<32x128xf32, #tpu.memory_space<vmem>>
      %dma_wait3A_840 = arith.constant 64 : i32
      %dma_wait3A_841 = tpu.memref_slice %arg7[%rem3A_72, %dma_wait3A_834, %dma_wait3A_840] : memref<2x8x128xi32, #tpu.memory_space<vmem>> -> memref<1x1x32xi32, #tpu.memory_space<vmem>>
      %dma_wait3A_842 = tpu.memref_squeeze %dma_wait3A_841 : memref<1x1x32xi32, #tpu.memory_space<vmem>> -> memref<32xi32, #tpu.memory_space<vmem>>
      %dma_wait3A_843 = arith.constant 0 : i32
      %dma_wait3A_844 = arith.constant 0 : i32
      %dma_wait3A_845 = tpu.memref_slice %arg2[%dma_wait3A_843, %dma_wait3A_844] : memref<10240x128xf32, #tpu.memory_space<hbm>> -> memref<10240x128xf32, #tpu.memory_space<hbm>>
      tpu.wait_indirect_dma semaphore(%arg12 : memref<!tpu.dma_semaphore, #tpu.memory_space<semaphore_mem>>) src(%dma_wait3A_845 : memref<10240x128xf32, #tpu.memory_space<hbm>>) dst(%dma_wait3A_839 : memref<32x128xf32, #tpu.memory_space<vmem>>)
      %dma_wait3A_846 = arith.constant 5 : i32
      %dma_wait3A_847 = arith.constant 1 : i32
      %dma_wait3A_848 = arith.constant 96 : i32
      %dma_wait3A_849 = arith.constant 0 : i32
      %dma_wait3A_850 = tpu.memref_slice %arg9[%dma_wait3A_847, %dma_wait3A_848, %dma_wait3A_849] : memref<2x128x128xf32, #tpu.memory_space<vmem>> -> memref<1x32x128xf32, #tpu.memory_space<vmem>>
      %dma_wait3A_851 = tpu.memref_squeeze %dma_wait3A_850 : memref<1x32x128xf32, #tpu.memory_space<vmem>> -> memref<32x128xf32, #tpu.memory_space<vmem>>
      %dma_wait3A_852 = arith.constant 96 : i32
      %dma_wait3A_853 = tpu.memref_slice %arg7[%rem3A_72, %dma_wait3A_846, %dma_wait3A_852] : memref<2x8x128xi32, #tpu.memory_space<vmem>> -> memref<1x1x32xi32, #tpu.memory_space<vmem>>
      %dma_wait3A_854 = tpu.memref_squeeze %dma_wait3A_853 : memref<1x1x32xi32, #tpu.memory_space<vmem>> -> memref<32xi32, #tpu.memory_space<vmem>>
      %dma_wait3A_855 = arith.constant 0 : i32
      %dma_wait3A_856 = arith.constant 0 : i32
      %dma_wait3A_857 = tpu.memref_slice %arg2[%dma_wait3A_855, %dma_wait3A_856] : memref<10240x128xf32, #tpu.memory_space<hbm>> -> memref<10240x128xf32, #tpu.memory_space<hbm>>
      tpu.wait_indirect_dma semaphore(%arg12 : memref<!tpu.dma_semaphore, #tpu.memory_space<semaphore_mem>>) src(%dma_wait3A_857 : memref<10240x128xf32, #tpu.memory_space<hbm>>) dst(%dma_wait3A_851 : memref<32x128xf32, #tpu.memory_space<vmem>>)
      %dma_start3A_858 = arith.constant 1 : i32
      %dma_start3A_859 = arith.constant 5 : i32
      %dma_start3A_860 = arith.constant 0 : i32
      %dma_start3A_861 = arith.constant 0 : i32
      %dma_start3A_862 = tpu.memref_slice %arg9[%dma_start3A_858, %dma_start3A_860, %dma_start3A_861] : memref<2x128x128xf32, #tpu.memory_space<vmem>> -> memref<1x128x128xf32, #tpu.memory_space<vmem>>
      %dma_start3A_863 = tpu.memref_squeeze %dma_start3A_862 : memref<1x128x128xf32, #tpu.memory_space<vmem>> -> memref<128x128xf32, #tpu.memory_space<vmem>>
      %dma_start3A_864 = arith.constant 0 : i32
      %dma_start3A_865 = tpu.memref_slice %arg8[%rem3A_72, %dma_start3A_859, %dma_start3A_864] : memref<2x8x128xi32, #tpu.memory_space<vmem>> -> memref<1x1x128xi32, #tpu.memory_space<vmem>>
      %dma_start3A_866 = tpu.memref_squeeze %dma_start3A_865 : memref<1x1x128xi32, #tpu.memory_space<vmem>> -> memref<128xi32, #tpu.memory_space<vmem>>
      %dma_start3A_867 = arith.constant 0 : i32
      %dma_start3A_868 = arith.constant 0 : i32
      %dma_start3A_869 = tpu.memref_slice %arg10[%dma_start3A_867, %dma_start3A_868] : memref<10240x128xf32, #tpu.memory_space<vmem_shared>> -> memref<10240x128xf32, #tpu.memory_space<vmem_shared>>
      tpu.enqueue_indirect_dma source(%dma_start3A_863 : memref<128x128xf32, #tpu.memory_space<vmem>>) target(%dma_start3A_869 : memref<10240x128xf32, #tpu.memory_space<vmem_shared>>) offsets(%dma_start3A_866 : memref<128xi32, #tpu.memory_space<vmem>>) semaphore(%arg14 : memref<!tpu.dma_semaphore, #tpu.memory_space<semaphore_mem>>) {add = true}
      %dma_wait3A_870 = arith.constant 1 : i32
      %dma_wait3A_871 = arith.constant 5 : i32
      %dma_wait3A_872 = arith.constant 0 : i32
      %dma_wait3A_873 = arith.constant 0 : i32
      %dma_wait3A_874 = tpu.memref_slice %arg9[%dma_wait3A_870, %dma_wait3A_872, %dma_wait3A_873] : memref<2x128x128xf32, #tpu.memory_space<vmem>> -> memref<1x128x128xf32, #tpu.memory_space<vmem>>
      %dma_wait3A_875 = tpu.memref_squeeze %dma_wait3A_874 : memref<1x128x128xf32, #tpu.memory_space<vmem>> -> memref<128x128xf32, #tpu.memory_space<vmem>>
      %dma_wait3A_876 = arith.constant 0 : i32
      %dma_wait3A_877 = tpu.memref_slice %arg8[%rem3A_72, %dma_wait3A_871, %dma_wait3A_876] : memref<2x8x128xi32, #tpu.memory_space<vmem>> -> memref<1x1x128xi32, #tpu.memory_space<vmem>>
      %dma_wait3A_878 = tpu.memref_squeeze %dma_wait3A_877 : memref<1x1x128xi32, #tpu.memory_space<vmem>> -> memref<128xi32, #tpu.memory_space<vmem>>
      %dma_wait3A_879 = arith.constant 0 : i32
      %dma_wait3A_880 = arith.constant 0 : i32
      %dma_wait3A_881 = tpu.memref_slice %arg10[%dma_wait3A_879, %dma_wait3A_880] : memref<10240x128xf32, #tpu.memory_space<vmem_shared>> -> memref<10240x128xf32, #tpu.memory_space<vmem_shared>>
      tpu.wait_indirect_dma semaphore(%arg14 : memref<!tpu.dma_semaphore, #tpu.memory_space<semaphore_mem>>) src(%dma_wait3A_875 : memref<128x128xf32, #tpu.memory_space<vmem>>) dst(%dma_wait3A_881 : memref<10240x128xf32, #tpu.memory_space<vmem_shared>>)
      %dma_start3A_882 = arith.constant 7 : i32
      %dma_start3A_883 = arith.constant 1 : i32
      %dma_start3A_884 = arith.constant 0 : i32
      %dma_start3A_885 = arith.constant 0 : i32
      %dma_start3A_886 = tpu.memref_slice %arg9[%dma_start3A_883, %dma_start3A_884, %dma_start3A_885] : memref<2x128x128xf32, #tpu.memory_space<vmem>> -> memref<1x32x128xf32, #tpu.memory_space<vmem>>
      %dma_start3A_887 = tpu.memref_squeeze %dma_start3A_886 : memref<1x32x128xf32, #tpu.memory_space<vmem>> -> memref<32x128xf32, #tpu.memory_space<vmem>>
      %dma_start3A_888 = arith.constant 0 : i32
      %dma_start3A_889 = tpu.memref_slice %arg7[%rem3A_72, %dma_start3A_882, %dma_start3A_888] : memref<2x8x128xi32, #tpu.memory_space<vmem>> -> memref<1x1x32xi32, #tpu.memory_space<vmem>>
      %dma_start3A_890 = tpu.memref_squeeze %dma_start3A_889 : memref<1x1x32xi32, #tpu.memory_space<vmem>> -> memref<32xi32, #tpu.memory_space<vmem>>
      %dma_start3A_891 = arith.constant 0 : i32
      %dma_start3A_892 = arith.constant 0 : i32
      %dma_start3A_893 = tpu.memref_slice %arg2[%dma_start3A_891, %dma_start3A_892] : memref<10240x128xf32, #tpu.memory_space<hbm>> -> memref<10240x128xf32, #tpu.memory_space<hbm>>
      tpu.enqueue_indirect_dma source(%dma_start3A_893 : memref<10240x128xf32, #tpu.memory_space<hbm>>) target(%dma_start3A_887 : memref<32x128xf32, #tpu.memory_space<vmem>>) offsets(%dma_start3A_890 : memref<32xi32, #tpu.memory_space<vmem>>) semaphore(%arg12 : memref<!tpu.dma_semaphore, #tpu.memory_space<semaphore_mem>>)
      %dma_start3A_894 = arith.constant 7 : i32
      %dma_start3A_895 = arith.constant 1 : i32
      %dma_start3A_896 = arith.constant 32 : i32
      %dma_start3A_897 = arith.constant 0 : i32
      %dma_start3A_898 = tpu.memref_slice %arg9[%dma_start3A_895, %dma_start3A_896, %dma_start3A_897] : memref<2x128x128xf32, #tpu.memory_space<vmem>> -> memref<1x32x128xf32, #tpu.memory_space<vmem>>
      %dma_start3A_899 = tpu.memref_squeeze %dma_start3A_898 : memref<1x32x128xf32, #tpu.memory_space<vmem>> -> memref<32x128xf32, #tpu.memory_space<vmem>>
      %dma_start3A_900 = arith.constant 32 : i32
      %dma_start3A_901 = tpu.memref_slice %arg7[%rem3A_72, %dma_start3A_894, %dma_start3A_900] : memref<2x8x128xi32, #tpu.memory_space<vmem>> -> memref<1x1x32xi32, #tpu.memory_space<vmem>>
      %dma_start3A_902 = tpu.memref_squeeze %dma_start3A_901 : memref<1x1x32xi32, #tpu.memory_space<vmem>> -> memref<32xi32, #tpu.memory_space<vmem>>
      %dma_start3A_903 = arith.constant 0 : i32
      %dma_start3A_904 = arith.constant 0 : i32
      %dma_start3A_905 = tpu.memref_slice %arg2[%dma_start3A_903, %dma_start3A_904] : memref<10240x128xf32, #tpu.memory_space<hbm>> -> memref<10240x128xf32, #tpu.memory_space<hbm>>
      tpu.enqueue_indirect_dma source(%dma_start3A_905 : memref<10240x128xf32, #tpu.memory_space<hbm>>) target(%dma_start3A_899 : memref<32x128xf32, #tpu.memory_space<vmem>>) offsets(%dma_start3A_902 : memref<32xi32, #tpu.memory_space<vmem>>) semaphore(%arg12 : memref<!tpu.dma_semaphore, #tpu.memory_space<semaphore_mem>>)
      %dma_start3A_906 = arith.constant 7 : i32
      %dma_start3A_907 = arith.constant 1 : i32
      %dma_start3A_908 = arith.constant 64 : i32
      %dma_start3A_909 = arith.constant 0 : i32
      %dma_start3A_910 = tpu.memref_slice %arg9[%dma_start3A_907, %dma_start3A_908, %dma_start3A_909] : memref<2x128x128xf32, #tpu.memory_space<vmem>> -> memref<1x32x128xf32, #tpu.memory_space<vmem>>
      %dma_start3A_911 = tpu.memref_squeeze %dma_start3A_910 : memref<1x32x128xf32, #tpu.memory_space<vmem>> -> memref<32x128xf32, #tpu.memory_space<vmem>>
      %dma_start3A_912 = arith.constant 64 : i32
      %dma_start3A_913 = tpu.memref_slice %arg7[%rem3A_72, %dma_start3A_906, %dma_start3A_912] : memref<2x8x128xi32, #tpu.memory_space<vmem>> -> memref<1x1x32xi32, #tpu.memory_space<vmem>>
      %dma_start3A_914 = tpu.memref_squeeze %dma_start3A_913 : memref<1x1x32xi32, #tpu.memory_space<vmem>> -> memref<32xi32, #tpu.memory_space<vmem>>
      %dma_start3A_915 = arith.constant 0 : i32
      %dma_start3A_916 = arith.constant 0 : i32
      %dma_start3A_917 = tpu.memref_slice %arg2[%dma_start3A_915, %dma_start3A_916] : memref<10240x128xf32, #tpu.memory_space<hbm>> -> memref<10240x128xf32, #tpu.memory_space<hbm>>
      tpu.enqueue_indirect_dma source(%dma_start3A_917 : memref<10240x128xf32, #tpu.memory_space<hbm>>) target(%dma_start3A_911 : memref<32x128xf32, #tpu.memory_space<vmem>>) offsets(%dma_start3A_914 : memref<32xi32, #tpu.memory_space<vmem>>) semaphore(%arg12 : memref<!tpu.dma_semaphore, #tpu.memory_space<semaphore_mem>>)
      %dma_start3A_918 = arith.constant 7 : i32
      %dma_start3A_919 = arith.constant 1 : i32
      %dma_start3A_920 = arith.constant 96 : i32
      %dma_start3A_921 = arith.constant 0 : i32
      %dma_start3A_922 = tpu.memref_slice %arg9[%dma_start3A_919, %dma_start3A_920, %dma_start3A_921] : memref<2x128x128xf32, #tpu.memory_space<vmem>> -> memref<1x32x128xf32, #tpu.memory_space<vmem>>
      %dma_start3A_923 = tpu.memref_squeeze %dma_start3A_922 : memref<1x32x128xf32, #tpu.memory_space<vmem>> -> memref<32x128xf32, #tpu.memory_space<vmem>>
      %dma_start3A_924 = arith.constant 96 : i32
      %dma_start3A_925 = tpu.memref_slice %arg7[%rem3A_72, %dma_start3A_918, %dma_start3A_924] : memref<2x8x128xi32, #tpu.memory_space<vmem>> -> memref<1x1x32xi32, #tpu.memory_space<vmem>>
      %dma_start3A_926 = tpu.memref_squeeze %dma_start3A_925 : memref<1x1x32xi32, #tpu.memory_space<vmem>> -> memref<32xi32, #tpu.memory_space<vmem>>
      %dma_start3A_927 = arith.constant 0 : i32
      %dma_start3A_928 = arith.constant 0 : i32
      %dma_start3A_929 = tpu.memref_slice %arg2[%dma_start3A_927, %dma_start3A_928] : memref<10240x128xf32, #tpu.memory_space<hbm>> -> memref<10240x128xf32, #tpu.memory_space<hbm>>
      tpu.enqueue_indirect_dma source(%dma_start3A_929 : memref<10240x128xf32, #tpu.memory_space<hbm>>) target(%dma_start3A_923 : memref<32x128xf32, #tpu.memory_space<vmem>>) offsets(%dma_start3A_926 : memref<32xi32, #tpu.memory_space<vmem>>) semaphore(%arg12 : memref<!tpu.dma_semaphore, #tpu.memory_space<semaphore_mem>>)
      %dma_wait3A_930 = arith.constant 6 : i32
      %dma_wait3A_931 = arith.constant 0 : i32
      %dma_wait3A_932 = arith.constant 0 : i32
      %dma_wait3A_933 = arith.constant 0 : i32
      %dma_wait3A_934 = tpu.memref_slice %arg9[%dma_wait3A_931, %dma_wait3A_932, %dma_wait3A_933] : memref<2x128x128xf32, #tpu.memory_space<vmem>> -> memref<1x32x128xf32, #tpu.memory_space<vmem>>
      %dma_wait3A_935 = tpu.memref_squeeze %dma_wait3A_934 : memref<1x32x128xf32, #tpu.memory_space<vmem>> -> memref<32x128xf32, #tpu.memory_space<vmem>>
      %dma_wait3A_936 = arith.constant 0 : i32
      %dma_wait3A_937 = tpu.memref_slice %arg7[%rem3A_72, %dma_wait3A_930, %dma_wait3A_936] : memref<2x8x128xi32, #tpu.memory_space<vmem>> -> memref<1x1x32xi32, #tpu.memory_space<vmem>>
      %dma_wait3A_938 = tpu.memref_squeeze %dma_wait3A_937 : memref<1x1x32xi32, #tpu.memory_space<vmem>> -> memref<32xi32, #tpu.memory_space<vmem>>
      %dma_wait3A_939 = arith.constant 0 : i32
      %dma_wait3A_940 = arith.constant 0 : i32
      %dma_wait3A_941 = tpu.memref_slice %arg2[%dma_wait3A_939, %dma_wait3A_940] : memref<10240x128xf32, #tpu.memory_space<hbm>> -> memref<10240x128xf32, #tpu.memory_space<hbm>>
      tpu.wait_indirect_dma semaphore(%arg11 : memref<!tpu.dma_semaphore, #tpu.memory_space<semaphore_mem>>) src(%dma_wait3A_941 : memref<10240x128xf32, #tpu.memory_space<hbm>>) dst(%dma_wait3A_935 : memref<32x128xf32, #tpu.memory_space<vmem>>)
      %dma_wait3A_942 = arith.constant 6 : i32
      %dma_wait3A_943 = arith.constant 0 : i32
      %dma_wait3A_944 = arith.constant 32 : i32
      %dma_wait3A_945 = arith.constant 0 : i32
      %dma_wait3A_946 = tpu.memref_slice %arg9[%dma_wait3A_943, %dma_wait3A_944, %dma_wait3A_945] : memref<2x128x128xf32, #tpu.memory_space<vmem>> -> memref<1x32x128xf32, #tpu.memory_space<vmem>>
      %dma_wait3A_947 = tpu.memref_squeeze %dma_wait3A_946 : memref<1x32x128xf32, #tpu.memory_space<vmem>> -> memref<32x128xf32, #tpu.memory_space<vmem>>
      %dma_wait3A_948 = arith.constant 32 : i32
      %dma_wait3A_949 = tpu.memref_slice %arg7[%rem3A_72, %dma_wait3A_942, %dma_wait3A_948] : memref<2x8x128xi32, #tpu.memory_space<vmem>> -> memref<1x1x32xi32, #tpu.memory_space<vmem>>
      %dma_wait3A_950 = tpu.memref_squeeze %dma_wait3A_949 : memref<1x1x32xi32, #tpu.memory_space<vmem>> -> memref<32xi32, #tpu.memory_space<vmem>>
      %dma_wait3A_951 = arith.constant 0 : i32
      %dma_wait3A_952 = arith.constant 0 : i32
      %dma_wait3A_953 = tpu.memref_slice %arg2[%dma_wait3A_951, %dma_wait3A_952] : memref<10240x128xf32, #tpu.memory_space<hbm>> -> memref<10240x128xf32, #tpu.memory_space<hbm>>
      tpu.wait_indirect_dma semaphore(%arg11 : memref<!tpu.dma_semaphore, #tpu.memory_space<semaphore_mem>>) src(%dma_wait3A_953 : memref<10240x128xf32, #tpu.memory_space<hbm>>) dst(%dma_wait3A_947 : memref<32x128xf32, #tpu.memory_space<vmem>>)
      %dma_wait3A_954 = arith.constant 6 : i32
      %dma_wait3A_955 = arith.constant 0 : i32
      %dma_wait3A_956 = arith.constant 64 : i32
      %dma_wait3A_957 = arith.constant 0 : i32
      %dma_wait3A_958 = tpu.memref_slice %arg9[%dma_wait3A_955, %dma_wait3A_956, %dma_wait3A_957] : memref<2x128x128xf32, #tpu.memory_space<vmem>> -> memref<1x32x128xf32, #tpu.memory_space<vmem>>
      %dma_wait3A_959 = tpu.memref_squeeze %dma_wait3A_958 : memref<1x32x128xf32, #tpu.memory_space<vmem>> -> memref<32x128xf32, #tpu.memory_space<vmem>>
      %dma_wait3A_960 = arith.constant 64 : i32
      %dma_wait3A_961 = tpu.memref_slice %arg7[%rem3A_72, %dma_wait3A_954, %dma_wait3A_960] : memref<2x8x128xi32, #tpu.memory_space<vmem>> -> memref<1x1x32xi32, #tpu.memory_space<vmem>>
      %dma_wait3A_962 = tpu.memref_squeeze %dma_wait3A_961 : memref<1x1x32xi32, #tpu.memory_space<vmem>> -> memref<32xi32, #tpu.memory_space<vmem>>
      %dma_wait3A_963 = arith.constant 0 : i32
      %dma_wait3A_964 = arith.constant 0 : i32
      %dma_wait3A_965 = tpu.memref_slice %arg2[%dma_wait3A_963, %dma_wait3A_964] : memref<10240x128xf32, #tpu.memory_space<hbm>> -> memref<10240x128xf32, #tpu.memory_space<hbm>>
      tpu.wait_indirect_dma semaphore(%arg11 : memref<!tpu.dma_semaphore, #tpu.memory_space<semaphore_mem>>) src(%dma_wait3A_965 : memref<10240x128xf32, #tpu.memory_space<hbm>>) dst(%dma_wait3A_959 : memref<32x128xf32, #tpu.memory_space<vmem>>)
      %dma_wait3A_966 = arith.constant 6 : i32
      %dma_wait3A_967 = arith.constant 0 : i32
      %dma_wait3A_968 = arith.constant 96 : i32
      %dma_wait3A_969 = arith.constant 0 : i32
      %dma_wait3A_970 = tpu.memref_slice %arg9[%dma_wait3A_967, %dma_wait3A_968, %dma_wait3A_969] : memref<2x128x128xf32, #tpu.memory_space<vmem>> -> memref<1x32x128xf32, #tpu.memory_space<vmem>>
      %dma_wait3A_971 = tpu.memref_squeeze %dma_wait3A_970 : memref<1x32x128xf32, #tpu.memory_space<vmem>> -> memref<32x128xf32, #tpu.memory_space<vmem>>
      %dma_wait3A_972 = arith.constant 96 : i32
      %dma_wait3A_973 = tpu.memref_slice %arg7[%rem3A_72, %dma_wait3A_966, %dma_wait3A_972] : memref<2x8x128xi32, #tpu.memory_space<vmem>> -> memref<1x1x32xi32, #tpu.memory_space<vmem>>
      %dma_wait3A_974 = tpu.memref_squeeze %dma_wait3A_973 : memref<1x1x32xi32, #tpu.memory_space<vmem>> -> memref<32xi32, #tpu.memory_space<vmem>>
      %dma_wait3A_975 = arith.constant 0 : i32
      %dma_wait3A_976 = arith.constant 0 : i32
      %dma_wait3A_977 = tpu.memref_slice %arg2[%dma_wait3A_975, %dma_wait3A_976] : memref<10240x128xf32, #tpu.memory_space<hbm>> -> memref<10240x128xf32, #tpu.memory_space<hbm>>
      tpu.wait_indirect_dma semaphore(%arg11 : memref<!tpu.dma_semaphore, #tpu.memory_space<semaphore_mem>>) src(%dma_wait3A_977 : memref<10240x128xf32, #tpu.memory_space<hbm>>) dst(%dma_wait3A_971 : memref<32x128xf32, #tpu.memory_space<vmem>>)
      %dma_start3A_978 = arith.constant 0 : i32
      %dma_start3A_979 = arith.constant 6 : i32
      %dma_start3A_980 = arith.constant 0 : i32
      %dma_start3A_981 = arith.constant 0 : i32
      %dma_start3A_982 = tpu.memref_slice %arg9[%dma_start3A_978, %dma_start3A_980, %dma_start3A_981] : memref<2x128x128xf32, #tpu.memory_space<vmem>> -> memref<1x128x128xf32, #tpu.memory_space<vmem>>
      %dma_start3A_983 = tpu.memref_squeeze %dma_start3A_982 : memref<1x128x128xf32, #tpu.memory_space<vmem>> -> memref<128x128xf32, #tpu.memory_space<vmem>>
      %dma_start3A_984 = arith.constant 0 : i32
      %dma_start3A_985 = tpu.memref_slice %arg8[%rem3A_72, %dma_start3A_979, %dma_start3A_984] : memref<2x8x128xi32, #tpu.memory_space<vmem>> -> memref<1x1x128xi32, #tpu.memory_space<vmem>>
      %dma_start3A_986 = tpu.memref_squeeze %dma_start3A_985 : memref<1x1x128xi32, #tpu.memory_space<vmem>> -> memref<128xi32, #tpu.memory_space<vmem>>
      %dma_start3A_987 = arith.constant 0 : i32
      %dma_start3A_988 = arith.constant 0 : i32
      %dma_start3A_989 = tpu.memref_slice %arg10[%dma_start3A_987, %dma_start3A_988] : memref<10240x128xf32, #tpu.memory_space<vmem_shared>> -> memref<10240x128xf32, #tpu.memory_space<vmem_shared>>
      tpu.enqueue_indirect_dma source(%dma_start3A_983 : memref<128x128xf32, #tpu.memory_space<vmem>>) target(%dma_start3A_989 : memref<10240x128xf32, #tpu.memory_space<vmem_shared>>) offsets(%dma_start3A_986 : memref<128xi32, #tpu.memory_space<vmem>>) semaphore(%arg13 : memref<!tpu.dma_semaphore, #tpu.memory_space<semaphore_mem>>) {add = true}
      %dma_wait3A_990 = arith.constant 7 : i32
      %dma_wait3A_991 = arith.constant 1 : i32
      %dma_wait3A_992 = arith.constant 0 : i32
      %dma_wait3A_993 = arith.constant 0 : i32
      %dma_wait3A_994 = tpu.memref_slice %arg9[%dma_wait3A_991, %dma_wait3A_992, %dma_wait3A_993] : memref<2x128x128xf32, #tpu.memory_space<vmem>> -> memref<1x32x128xf32, #tpu.memory_space<vmem>>
      %dma_wait3A_995 = tpu.memref_squeeze %dma_wait3A_994 : memref<1x32x128xf32, #tpu.memory_space<vmem>> -> memref<32x128xf32, #tpu.memory_space<vmem>>
      %dma_wait3A_996 = arith.constant 0 : i32
      %dma_wait3A_997 = tpu.memref_slice %arg7[%rem3A_72, %dma_wait3A_990, %dma_wait3A_996] : memref<2x8x128xi32, #tpu.memory_space<vmem>> -> memref<1x1x32xi32, #tpu.memory_space<vmem>>
      %dma_wait3A_998 = tpu.memref_squeeze %dma_wait3A_997 : memref<1x1x32xi32, #tpu.memory_space<vmem>> -> memref<32xi32, #tpu.memory_space<vmem>>
      %dma_wait3A_999 = arith.constant 0 : i32
      %dma_wait3A_1000 = arith.constant 0 : i32
      %dma_wait3A_1001 = tpu.memref_slice %arg2[%dma_wait3A_999, %dma_wait3A_1000] : memref<10240x128xf32, #tpu.memory_space<hbm>> -> memref<10240x128xf32, #tpu.memory_space<hbm>>
      tpu.wait_indirect_dma semaphore(%arg12 : memref<!tpu.dma_semaphore, #tpu.memory_space<semaphore_mem>>) src(%dma_wait3A_1001 : memref<10240x128xf32, #tpu.memory_space<hbm>>) dst(%dma_wait3A_995 : memref<32x128xf32, #tpu.memory_space<vmem>>)
      %dma_wait3A_1002 = arith.constant 7 : i32
      %dma_wait3A_1003 = arith.constant 1 : i32
      %dma_wait3A_1004 = arith.constant 32 : i32
      %dma_wait3A_1005 = arith.constant 0 : i32
      %dma_wait3A_1006 = tpu.memref_slice %arg9[%dma_wait3A_1003, %dma_wait3A_1004, %dma_wait3A_1005] : memref<2x128x128xf32, #tpu.memory_space<vmem>> -> memref<1x32x128xf32, #tpu.memory_space<vmem>>
      %dma_wait3A_1007 = tpu.memref_squeeze %dma_wait3A_1006 : memref<1x32x128xf32, #tpu.memory_space<vmem>> -> memref<32x128xf32, #tpu.memory_space<vmem>>
      %dma_wait3A_1008 = arith.constant 32 : i32
      %dma_wait3A_1009 = tpu.memref_slice %arg7[%rem3A_72, %dma_wait3A_1002, %dma_wait3A_1008] : memref<2x8x128xi32, #tpu.memory_space<vmem>> -> memref<1x1x32xi32, #tpu.memory_space<vmem>>
      %dma_wait3A_1010 = tpu.memref_squeeze %dma_wait3A_1009 : memref<1x1x32xi32, #tpu.memory_space<vmem>> -> memref<32xi32, #tpu.memory_space<vmem>>
      %dma_wait3A_1011 = arith.constant 0 : i32
      %dma_wait3A_1012 = arith.constant 0 : i32
      %dma_wait3A_1013 = tpu.memref_slice %arg2[%dma_wait3A_1011, %dma_wait3A_1012] : memref<10240x128xf32, #tpu.memory_space<hbm>> -> memref<10240x128xf32, #tpu.memory_space<hbm>>
      tpu.wait_indirect_dma semaphore(%arg12 : memref<!tpu.dma_semaphore, #tpu.memory_space<semaphore_mem>>) src(%dma_wait3A_1013 : memref<10240x128xf32, #tpu.memory_space<hbm>>) dst(%dma_wait3A_1007 : memref<32x128xf32, #tpu.memory_space<vmem>>)
      %dma_wait3A_1014 = arith.constant 7 : i32
      %dma_wait3A_1015 = arith.constant 1 : i32
      %dma_wait3A_1016 = arith.constant 64 : i32
      %dma_wait3A_1017 = arith.constant 0 : i32
      %dma_wait3A_1018 = tpu.memref_slice %arg9[%dma_wait3A_1015, %dma_wait3A_1016, %dma_wait3A_1017] : memref<2x128x128xf32, #tpu.memory_space<vmem>> -> memref<1x32x128xf32, #tpu.memory_space<vmem>>
      %dma_wait3A_1019 = tpu.memref_squeeze %dma_wait3A_1018 : memref<1x32x128xf32, #tpu.memory_space<vmem>> -> memref<32x128xf32, #tpu.memory_space<vmem>>
      %dma_wait3A_1020 = arith.constant 64 : i32
      %dma_wait3A_1021 = tpu.memref_slice %arg7[%rem3A_72, %dma_wait3A_1014, %dma_wait3A_1020] : memref<2x8x128xi32, #tpu.memory_space<vmem>> -> memref<1x1x32xi32, #tpu.memory_space<vmem>>
      %dma_wait3A_1022 = tpu.memref_squeeze %dma_wait3A_1021 : memref<1x1x32xi32, #tpu.memory_space<vmem>> -> memref<32xi32, #tpu.memory_space<vmem>>
      %dma_wait3A_1023 = arith.constant 0 : i32
      %dma_wait3A_1024 = arith.constant 0 : i32
      %dma_wait3A_1025 = tpu.memref_slice %arg2[%dma_wait3A_1023, %dma_wait3A_1024] : memref<10240x128xf32, #tpu.memory_space<hbm>> -> memref<10240x128xf32, #tpu.memory_space<hbm>>
      tpu.wait_indirect_dma semaphore(%arg12 : memref<!tpu.dma_semaphore, #tpu.memory_space<semaphore_mem>>) src(%dma_wait3A_1025 : memref<10240x128xf32, #tpu.memory_space<hbm>>) dst(%dma_wait3A_1019 : memref<32x128xf32, #tpu.memory_space<vmem>>)
      %dma_wait3A_1026 = arith.constant 7 : i32
      %dma_wait3A_1027 = arith.constant 1 : i32
      %dma_wait3A_1028 = arith.constant 96 : i32
      %dma_wait3A_1029 = arith.constant 0 : i32
      %dma_wait3A_1030 = tpu.memref_slice %arg9[%dma_wait3A_1027, %dma_wait3A_1028, %dma_wait3A_1029] : memref<2x128x128xf32, #tpu.memory_space<vmem>> -> memref<1x32x128xf32, #tpu.memory_space<vmem>>
      %dma_wait3A_1031 = tpu.memref_squeeze %dma_wait3A_1030 : memref<1x32x128xf32, #tpu.memory_space<vmem>> -> memref<32x128xf32, #tpu.memory_space<vmem>>
      %dma_wait3A_1032 = arith.constant 96 : i32
      %dma_wait3A_1033 = tpu.memref_slice %arg7[%rem3A_72, %dma_wait3A_1026, %dma_wait3A_1032] : memref<2x8x128xi32, #tpu.memory_space<vmem>> -> memref<1x1x32xi32, #tpu.memory_space<vmem>>
      %dma_wait3A_1034 = tpu.memref_squeeze %dma_wait3A_1033 : memref<1x1x32xi32, #tpu.memory_space<vmem>> -> memref<32xi32, #tpu.memory_space<vmem>>
      %dma_wait3A_1035 = arith.constant 0 : i32
      %dma_wait3A_1036 = arith.constant 0 : i32
      %dma_wait3A_1037 = tpu.memref_slice %arg2[%dma_wait3A_1035, %dma_wait3A_1036] : memref<10240x128xf32, #tpu.memory_space<hbm>> -> memref<10240x128xf32, #tpu.memory_space<hbm>>
      tpu.wait_indirect_dma semaphore(%arg12 : memref<!tpu.dma_semaphore, #tpu.memory_space<semaphore_mem>>) src(%dma_wait3A_1037 : memref<10240x128xf32, #tpu.memory_space<hbm>>) dst(%dma_wait3A_1031 : memref<32x128xf32, #tpu.memory_space<vmem>>)
      %dma_start3A_1038 = arith.constant 1 : i32
      %dma_start3A_1039 = arith.constant 7 : i32
      %dma_start3A_1040 = arith.constant 0 : i32
      %dma_start3A_1041 = arith.constant 0 : i32
      %dma_start3A_1042 = tpu.memref_slice %arg9[%dma_start3A_1038, %dma_start3A_1040, %dma_start3A_1041] : memref<2x128x128xf32, #tpu.memory_space<vmem>> -> memref<1x128x128xf32, #tpu.memory_space<vmem>>
      %dma_start3A_1043 = tpu.memref_squeeze %dma_start3A_1042 : memref<1x128x128xf32, #tpu.memory_space<vmem>> -> memref<128x128xf32, #tpu.memory_space<vmem>>
      %dma_start3A_1044 = arith.constant 0 : i32
      %dma_start3A_1045 = tpu.memref_slice %arg8[%rem3A_72, %dma_start3A_1039, %dma_start3A_1044] : memref<2x8x128xi32, #tpu.memory_space<vmem>> -> memref<1x1x128xi32, #tpu.memory_space<vmem>>
      %dma_start3A_1046 = tpu.memref_squeeze %dma_start3A_1045 : memref<1x1x128xi32, #tpu.memory_space<vmem>> -> memref<128xi32, #tpu.memory_space<vmem>>
      %dma_start3A_1047 = arith.constant 0 : i32
      %dma_start3A_1048 = arith.constant 0 : i32
      %dma_start3A_1049 = tpu.memref_slice %arg10[%dma_start3A_1047, %dma_start3A_1048] : memref<10240x128xf32, #tpu.memory_space<vmem_shared>> -> memref<10240x128xf32, #tpu.memory_space<vmem_shared>>
      tpu.enqueue_indirect_dma source(%dma_start3A_1043 : memref<128x128xf32, #tpu.memory_space<vmem>>) target(%dma_start3A_1049 : memref<10240x128xf32, #tpu.memory_space<vmem_shared>>) offsets(%dma_start3A_1046 : memref<128xi32, #tpu.memory_space<vmem>>) semaphore(%arg14 : memref<!tpu.dma_semaphore, #tpu.memory_space<semaphore_mem>>) {add = true}
    }
    %scan3A_40 = arith.constant 10 : i32
    %dma_wait3A = arith.constant 0 : i32
    %dma_wait3A_41 = arith.constant 0 : i32
    %dma_wait3A_42 = arith.constant 0 : i32
    %dma_wait3A_43 = arith.constant 0 : i32
    %dma_wait3A_44 = arith.constant 0 : i32
    %dma_wait3A_45 = tpu.memref_slice %arg9[%dma_wait3A, %dma_wait3A_43, %dma_wait3A_44] : memref<2x128x128xf32, #tpu.memory_space<vmem>> -> memref<1x128x128xf32, #tpu.memory_space<vmem>>
    %dma_wait3A_46 = tpu.memref_squeeze %dma_wait3A_45 : memref<1x128x128xf32, #tpu.memory_space<vmem>> -> memref<128x128xf32, #tpu.memory_space<vmem>>
    %dma_wait3A_47 = arith.constant 0 : i32
    %dma_wait3A_48 = tpu.memref_slice %arg8[%dma_wait3A_41, %dma_wait3A_42, %dma_wait3A_47] : memref<2x8x128xi32, #tpu.memory_space<vmem>> -> memref<1x1x128xi32, #tpu.memory_space<vmem>>
    %dma_wait3A_49 = tpu.memref_squeeze %dma_wait3A_48 : memref<1x1x128xi32, #tpu.memory_space<vmem>> -> memref<128xi32, #tpu.memory_space<vmem>>
    %dma_wait3A_50 = arith.constant 0 : i32
    %dma_wait3A_51 = arith.constant 0 : i32
    %dma_wait3A_52 = tpu.memref_slice %arg10[%dma_wait3A_50, %dma_wait3A_51] : memref<10240x128xf32, #tpu.memory_space<vmem_shared>> -> memref<10240x128xf32, #tpu.memory_space<vmem_shared>>
    tpu.wait_indirect_dma semaphore(%arg13 : memref<!tpu.dma_semaphore, #tpu.memory_space<semaphore_mem>>) src(%dma_wait3A_46 : memref<128x128xf32, #tpu.memory_space<vmem>>) dst(%dma_wait3A_52 : memref<10240x128xf32, #tpu.memory_space<vmem_shared>>)
    %dma_wait3A_53 = arith.constant 1 : i32
    %dma_wait3A_54 = arith.constant 1 : i32
    %dma_wait3A_55 = arith.constant 0 : i32
    %dma_wait3A_56 = arith.constant 0 : i32
    %dma_wait3A_57 = arith.constant 0 : i32
    %dma_wait3A_58 = tpu.memref_slice %arg9[%dma_wait3A_53, %dma_wait3A_56, %dma_wait3A_57] : memref<2x128x128xf32, #tpu.memory_space<vmem>> -> memref<1x128x128xf32, #tpu.memory_space<vmem>>
    %dma_wait3A_59 = tpu.memref_squeeze %dma_wait3A_58 : memref<1x128x128xf32, #tpu.memory_space<vmem>> -> memref<128x128xf32, #tpu.memory_space<vmem>>
    %dma_wait3A_60 = arith.constant 0 : i32
    %dma_wait3A_61 = tpu.memref_slice %arg8[%dma_wait3A_54, %dma_wait3A_55, %dma_wait3A_60] : memref<2x8x128xi32, #tpu.memory_space<vmem>> -> memref<1x1x128xi32, #tpu.memory_space<vmem>>
    %dma_wait3A_62 = tpu.memref_squeeze %dma_wait3A_61 : memref<1x1x128xi32, #tpu.memory_space<vmem>> -> memref<128xi32, #tpu.memory_space<vmem>>
    %dma_wait3A_63 = arith.constant 0 : i32
    %dma_wait3A_64 = arith.constant 0 : i32
    %dma_wait3A_65 = tpu.memref_slice %arg10[%dma_wait3A_63, %dma_wait3A_64] : memref<10240x128xf32, #tpu.memory_space<vmem_shared>> -> memref<10240x128xf32, #tpu.memory_space<vmem_shared>>
    tpu.wait_indirect_dma semaphore(%arg14 : memref<!tpu.dma_semaphore, #tpu.memory_space<semaphore_mem>>) src(%dma_wait3A_59 : memref<128x128xf32, #tpu.memory_space<vmem>>) dst(%dma_wait3A_65 : memref<10240x128xf32, #tpu.memory_space<vmem_shared>>)
    %barrier3A_66 = arith.constant 0 : index
    tpu.barrier barrier_id(%barrier3A_66)
    %mul3A_67 = arith.constant 640 : i32
    %mul3A_68 = arith.muli %arg1, %mul3A_67 : i32
    %mul3A_69 = arith.constant 640 : i32
    %mul3A_70 = arith.muli %arg1, %mul3A_69 : i32
    "tpu.region"() ({
      %run_scoped3A = tpu.sem_alloc : memref<!tpu.dma_semaphore, #tpu.memory_space<semaphore_mem>>
      %dma_start3A_71 = arith.constant 0 : i32
      %dma_start3A_72 = tpu.memref_slice %arg6[%arg0, %mul3A_70, %dma_start3A_71] : memref<2x10240x128xf32, #tpu.memory_space<hbm>> -> memref<1x640x128xf32, #tpu.memory_space<hbm>>
      %dma_start3A_73 = tpu.memref_squeeze %dma_start3A_72 : memref<1x640x128xf32, #tpu.memory_space<hbm>> -> memref<640x128xf32, #tpu.memory_space<hbm>>
      %dma_start3A_74 = arith.constant 0 : i32
      %dma_start3A_75 = tpu.memref_slice %arg10[%mul3A_68, %dma_start3A_74] : memref<10240x128xf32, #tpu.memory_space<vmem_shared>> -> memref<640x128xf32, #tpu.memory_space<vmem_shared>>
      tpu.enqueue_dma source(%dma_start3A_75 : memref<640x128xf32, #tpu.memory_space<vmem_shared>>) target(%dma_start3A_73 : memref<640x128xf32, #tpu.memory_space<hbm>>) target_semaphore(%run_scoped3A : memref<!tpu.dma_semaphore, #tpu.memory_space<semaphore_mem>>)
      %dma_wait3A_76 = arith.constant 0 : i32
      %dma_wait3A_77 = tpu.memref_slice %arg6[%arg0, %mul3A_70, %dma_wait3A_76] : memref<2x10240x128xf32, #tpu.memory_space<hbm>> -> memref<1x640x128xf32, #tpu.memory_space<hbm>>
      %dma_wait3A_78 = tpu.memref_squeeze %dma_wait3A_77 : memref<1x640x128xf32, #tpu.memory_space<hbm>> -> memref<640x128xf32, #tpu.memory_space<hbm>>
      %dma_wait3A_79 = arith.constant 0 : i32
      %dma_wait3A_80 = tpu.memref_slice %arg10[%mul3A_68, %dma_wait3A_79] : memref<10240x128xf32, #tpu.memory_space<vmem_shared>> -> memref<640x128xf32, #tpu.memory_space<vmem_shared>>
      tpu.wait_dma2 semaphore(%run_scoped3A : memref<!tpu.dma_semaphore, #tpu.memory_space<semaphore_mem>>) src(%dma_wait3A_80 : memref<640x128xf32, #tpu.memory_space<vmem_shared>>) dst(%dma_wait3A_78 : memref<640x128xf32, #tpu.memory_space<hbm>>)
      tpu.yield
    }) : () -> ()
    return
  }
}

#map = affine_map<(d0, d1) -> (0, 0)>
#map1 = affine_map<(d0, d1) -> (0, 0, 0)>
module attributes {stable_mosaic.version = 14 : i64} {
  func.func @_agg_body(%arg0: i32, %arg1: i32, %arg2: memref<10240x128xf32, #tpu.memory_space<hbm>>, %arg3: memref<32x80x128xi32, #tpu.memory_space<hbm>>, %arg4: memref<32x80x128xi32, #tpu.memory_space<hbm>>, %arg5: memref<16x640x128xf32, #tpu.memory_space<hbm>>, %arg6: memref<2x10240x128xf32, #tpu.memory_space<hbm>>, %arg7: memref<2x8x128xi32, #tpu.memory_space<vmem>>, %arg8: memref<2x8x128xi32, #tpu.memory_space<vmem>>, %arg9: memref<2x128x128xf32, #tpu.memory_space<vmem>>, %arg10: memref<10240x128xf32, #tpu.memory_space<vmem_shared>>, %arg11: memref<!tpu.dma_semaphore, #tpu.memory_space<semaphore_mem>>, %arg12: memref<!tpu.dma_semaphore, #tpu.memory_space<semaphore_mem>>, %arg13: memref<!tpu.dma_semaphore, #tpu.memory_space<semaphore_mem>>, %arg14: memref<!tpu.dma_semaphore, #tpu.memory_space<semaphore_mem>>, %arg15: memref<!tpu.dma_semaphore, #tpu.memory_space<semaphore_mem>>) attributes {dimension_semantics = [#tpu.dimension_semantics<core_parallel>, #tpu.dimension_semantics<subcore_parallel>], iteration_bounds = array<i64: 2, 16>, scalar_prefetch = 0 : i64, scratch_operands = 9 : i64, tpu.core_type = #tpu.core_type<sc_vector_subcore>, window_params = [{transform_indices = #map}, {transform_indices = #map1}, {transform_indices = #map1}, {transform_indices = #map1}, {transform_indices = #map1}]} {
    %mul3A = arith.constant 16 : i32
    %mul3A_0 = arith.muli %arg0, %mul3A : i32
    %add3A = arith.addi %mul3A_0, %arg1 : i32
    %mul3A_1 = arith.constant 640 : i32
    %mul3A_2 = arith.muli %arg1, %mul3A_1 : i32
    "tpu.region"() ({
      %run_scoped3A = tpu.sem_alloc : memref<!tpu.dma_semaphore, #tpu.memory_space<semaphore_mem>>
      %dma_start3A_71 = arith.constant 0 : i32
      %dma_start3A_72 = tpu.memref_slice %arg10[%mul3A_2, %dma_start3A_71] : memref<10240x128xf32, #tpu.memory_space<vmem_shared>> -> memref<640x128xf32, #tpu.memory_space<vmem_shared>>
      %dma_start3A_73 = arith.constant 0 : i32
      %dma_start3A_74 = arith.constant 0 : i32
      %dma_start3A_75 = tpu.memref_slice %arg5[%arg1, %dma_start3A_73, %dma_start3A_74] : memref<16x640x128xf32, #tpu.memory_space<hbm>> -> memref<1x640x128xf32, #tpu.memory_space<hbm>>
      %dma_start3A_76 = tpu.memref_squeeze %dma_start3A_75 : memref<1x640x128xf32, #tpu.memory_space<hbm>> -> memref<640x128xf32, #tpu.memory_space<hbm>>
      tpu.enqueue_dma source(%dma_start3A_76 : memref<640x128xf32, #tpu.memory_space<hbm>>) target(%dma_start3A_72 : memref<640x128xf32, #tpu.memory_space<vmem_shared>>) target_semaphore(%run_scoped3A : memref<!tpu.dma_semaphore, #tpu.memory_space<semaphore_mem>>)
      %dma_wait3A_77 = arith.constant 0 : i32
      %dma_wait3A_78 = tpu.memref_slice %arg10[%mul3A_2, %dma_wait3A_77] : memref<10240x128xf32, #tpu.memory_space<vmem_shared>> -> memref<640x128xf32, #tpu.memory_space<vmem_shared>>
      %dma_wait3A_79 = arith.constant 0 : i32
      %dma_wait3A_80 = arith.constant 0 : i32
      %dma_wait3A_81 = tpu.memref_slice %arg5[%arg1, %dma_wait3A_79, %dma_wait3A_80] : memref<16x640x128xf32, #tpu.memory_space<hbm>> -> memref<1x640x128xf32, #tpu.memory_space<hbm>>
      %dma_wait3A_82 = tpu.memref_squeeze %dma_wait3A_81 : memref<1x640x128xf32, #tpu.memory_space<hbm>> -> memref<640x128xf32, #tpu.memory_space<hbm>>
      tpu.wait_dma2 semaphore(%run_scoped3A : memref<!tpu.dma_semaphore, #tpu.memory_space<semaphore_mem>>) src(%dma_wait3A_82 : memref<640x128xf32, #tpu.memory_space<hbm>>) dst(%dma_wait3A_78 : memref<640x128xf32, #tpu.memory_space<vmem_shared>>)
      tpu.yield
    }) : () -> ()
    %dma_start3A = arith.constant 0 : i32
    %dma_start3A_3 = arith.constant 0 : i32
    %dma_start3A_4 = arith.constant 0 : i32
    %dma_start3A_5 = tpu.memref_slice %arg7[%dma_start3A, %dma_start3A_3, %dma_start3A_4] : memref<2x8x128xi32, #tpu.memory_space<vmem>> -> memref<1x8x128xi32, #tpu.memory_space<vmem>>
    %dma_start3A_6 = tpu.memref_squeeze %dma_start3A_5 : memref<1x8x128xi32, #tpu.memory_space<vmem>> -> memref<8x128xi32, #tpu.memory_space<vmem>>
    %dma_start3A_7 = arith.constant 0 : i32
    %dma_start3A_8 = arith.constant 0 : i32
    %dma_start3A_9 = tpu.memref_slice %arg3[%add3A, %dma_start3A_7, %dma_start3A_8] : memref<32x80x128xi32, #tpu.memory_space<hbm>> -> memref<1x8x128xi32, #tpu.memory_space<hbm>>
    %dma_start3A_10 = tpu.memref_squeeze %dma_start3A_9 : memref<1x8x128xi32, #tpu.memory_space<hbm>> -> memref<8x128xi32, #tpu.memory_space<hbm>>
    %dma_start3A_11 = arith.constant 0 : i32
    %dma_start3A_12 = arith.constant 0 : i32
    %dma_start3A_13 = tpu.memref_slice %arg7[%dma_start3A, %dma_start3A_11, %dma_start3A_12] : memref<2x8x128xi32, #tpu.memory_space<vmem>> -> memref<1x8x128xi32, #tpu.memory_space<vmem>>
    %dma_start3A_14 = tpu.memref_squeeze %dma_start3A_13 : memref<1x8x128xi32, #tpu.memory_space<vmem>> -> memref<8x128xi32, #tpu.memory_space<vmem>>
    %dma_start3A_15 = arith.constant 0 : i32
    %dma_start3A_16 = arith.constant 0 : i32
    %dma_start3A_17 = tpu.memref_slice %arg3[%add3A, %dma_start3A_15, %dma_start3A_16] : memref<32x80x128xi32, #tpu.memory_space<hbm>> -> memref<1x8x128xi32, #tpu.memory_space<hbm>>
    %dma_start3A_18 = tpu.memref_squeeze %dma_start3A_17 : memref<1x8x128xi32, #tpu.memory_space<hbm>> -> memref<8x128xi32, #tpu.memory_space<hbm>>
    tpu.enqueue_dma source(%dma_start3A_18 : memref<8x128xi32, #tpu.memory_space<hbm>>) target(%dma_start3A_14 : memref<8x128xi32, #tpu.memory_space<vmem>>) target_semaphore(%arg15 : memref<!tpu.dma_semaphore, #tpu.memory_space<semaphore_mem>>)
    %dma_start3A_19 = arith.constant 0 : i32
    %dma_start3A_20 = arith.constant 0 : i32
    %dma_start3A_21 = arith.constant 0 : i32
    %dma_start3A_22 = tpu.memref_slice %arg8[%dma_start3A_19, %dma_start3A_20, %dma_start3A_21] : memref<2x8x128xi32, #tpu.memory_space<vmem>> -> memref<1x8x128xi32, #tpu.memory_space<vmem>>
    %dma_start3A_23 = tpu.memref_squeeze %dma_start3A_22 : memref<1x8x128xi32, #tpu.memory_space<vmem>> -> memref<8x128xi32, #tpu.memory_space<vmem>>
    %dma_start3A_24 = arith.constant 0 : i32
    %dma_start3A_25 = arith.constant 0 : i32
    %dma_start3A_26 = tpu.memref_slice %arg4[%add3A, %dma_start3A_24, %dma_start3A_25] : memref<32x80x128xi32, #tpu.memory_space<hbm>> -> memref<1x8x128xi32, #tpu.memory_space<hbm>>
    %dma_start3A_27 = tpu.memref_squeeze %dma_start3A_26 : memref<1x8x128xi32, #tpu.memory_space<hbm>> -> memref<8x128xi32, #tpu.memory_space<hbm>>
    %dma_start3A_28 = arith.constant 0 : i32
    %dma_start3A_29 = arith.constant 0 : i32
    %dma_start3A_30 = tpu.memref_slice %arg8[%dma_start3A_19, %dma_start3A_28, %dma_start3A_29] : memref<2x8x128xi32, #tpu.memory_space<vmem>> -> memref<1x8x128xi32, #tpu.memory_space<vmem>>
    %dma_start3A_31 = tpu.memref_squeeze %dma_start3A_30 : memref<1x8x128xi32, #tpu.memory_space<vmem>> -> memref<8x128xi32, #tpu.memory_space<vmem>>
    %dma_start3A_32 = arith.constant 0 : i32
    %dma_start3A_33 = arith.constant 0 : i32
    %dma_start3A_34 = tpu.memref_slice %arg4[%add3A, %dma_start3A_32, %dma_start3A_33] : memref<32x80x128xi32, #tpu.memory_space<hbm>> -> memref<1x8x128xi32, #tpu.memory_space<hbm>>
    %dma_start3A_35 = tpu.memref_squeeze %dma_start3A_34 : memref<1x8x128xi32, #tpu.memory_space<hbm>> -> memref<8x128xi32, #tpu.memory_space<hbm>>
    tpu.enqueue_dma source(%dma_start3A_35 : memref<8x128xi32, #tpu.memory_space<hbm>>) target(%dma_start3A_31 : memref<8x128xi32, #tpu.memory_space<vmem>>) target_semaphore(%arg15 : memref<!tpu.dma_semaphore, #tpu.memory_space<semaphore_mem>>)
    %barrier3A = arith.constant 0 : index
    tpu.barrier barrier_id(%barrier3A)
    %scan3A = arith.constant 0 : i32
    %scan3A_36 = arith.constant 0 : i32
    %scan3A_37 = arith.constant 10 : i32
    %scan3A_38 = arith.addi %scan3A_36, %scan3A_37 : i32
    %scan3A_39 = arith.constant 1 : i32
    scf.for %scan3A_71 = %scan3A_36 to %scan3A_38 step %scan3A_39  : i32 {
      %rem3A = arith.constant 2 : i32
      %rem3A_72 = arith.remsi %scan3A_71, %rem3A : i32
      %sub3A = arith.constant 1 : i32
      %sub3A_73 = arith.subi %sub3A, %rem3A_72 : i32
      %dma_wait3A_74 = arith.constant 0 : i32
      %dma_wait3A_75 = arith.constant 0 : i32
      %dma_wait3A_76 = tpu.memref_slice %arg7[%rem3A_72, %dma_wait3A_74, %dma_wait3A_75] : memref<2x8x128xi32, #tpu.memory_space<vmem>> -> memref<1x8x128xi32, #tpu.memory_space<vmem>>
      %dma_wait3A_77 = tpu.memref_squeeze %dma_wait3A_76 : memref<1x8x128xi32, #tpu.memory_space<vmem>> -> memref<8x128xi32, #tpu.memory_space<vmem>>
      %dma_wait3A_78 = arith.constant 0 : i32
      %dma_wait3A_79 = arith.constant 0 : i32
      %dma_wait3A_80 = tpu.memref_slice %arg3[%add3A, %dma_wait3A_78, %dma_wait3A_79] : memref<32x80x128xi32, #tpu.memory_space<hbm>> -> memref<1x8x128xi32, #tpu.memory_space<hbm>>
      %dma_wait3A_81 = tpu.memref_squeeze %dma_wait3A_80 : memref<1x8x128xi32, #tpu.memory_space<hbm>> -> memref<8x128xi32, #tpu.memory_space<hbm>>
      %dma_wait3A_82 = arith.constant 0 : i32
      %dma_wait3A_83 = arith.constant 0 : i32
      %dma_wait3A_84 = tpu.memref_slice %arg7[%rem3A_72, %dma_wait3A_82, %dma_wait3A_83] : memref<2x8x128xi32, #tpu.memory_space<vmem>> -> memref<1x8x128xi32, #tpu.memory_space<vmem>>
      %dma_wait3A_85 = tpu.memref_squeeze %dma_wait3A_84 : memref<1x8x128xi32, #tpu.memory_space<vmem>> -> memref<8x128xi32, #tpu.memory_space<vmem>>
      %dma_wait3A_86 = arith.constant 0 : i32
      %dma_wait3A_87 = arith.constant 0 : i32
      %dma_wait3A_88 = tpu.memref_slice %arg3[%add3A, %dma_wait3A_86, %dma_wait3A_87] : memref<32x80x128xi32, #tpu.memory_space<hbm>> -> memref<1x8x128xi32, #tpu.memory_space<hbm>>
      %dma_wait3A_89 = tpu.memref_squeeze %dma_wait3A_88 : memref<1x8x128xi32, #tpu.memory_space<hbm>> -> memref<8x128xi32, #tpu.memory_space<hbm>>
      tpu.wait_dma2 semaphore(%arg15 : memref<!tpu.dma_semaphore, #tpu.memory_space<semaphore_mem>>) src(%dma_wait3A_89 : memref<8x128xi32, #tpu.memory_space<hbm>>) dst(%dma_wait3A_85 : memref<8x128xi32, #tpu.memory_space<vmem>>)
      %dma_wait3A_90 = arith.constant 0 : i32
      %dma_wait3A_91 = arith.constant 0 : i32
      %dma_wait3A_92 = tpu.memref_slice %arg8[%rem3A_72, %dma_wait3A_90, %dma_wait3A_91] : memref<2x8x128xi32, #tpu.memory_space<vmem>> -> memref<1x8x128xi32, #tpu.memory_space<vmem>>
      %dma_wait3A_93 = tpu.memref_squeeze %dma_wait3A_92 : memref<1x8x128xi32, #tpu.memory_space<vmem>> -> memref<8x128xi32, #tpu.memory_space<vmem>>
      %dma_wait3A_94 = arith.constant 0 : i32
      %dma_wait3A_95 = arith.constant 0 : i32
      %dma_wait3A_96 = tpu.memref_slice %arg4[%add3A, %dma_wait3A_94, %dma_wait3A_95] : memref<32x80x128xi32, #tpu.memory_space<hbm>> -> memref<1x8x128xi32, #tpu.memory_space<hbm>>
      %dma_wait3A_97 = tpu.memref_squeeze %dma_wait3A_96 : memref<1x8x128xi32, #tpu.memory_space<hbm>> -> memref<8x128xi32, #tpu.memory_space<hbm>>
      %dma_wait3A_98 = arith.constant 0 : i32
      %dma_wait3A_99 = arith.constant 0 : i32
      %dma_wait3A_100 = tpu.memref_slice %arg8[%rem3A_72, %dma_wait3A_98, %dma_wait3A_99] : memref<2x8x128xi32, #tpu.memory_space<vmem>> -> memref<1x8x128xi32, #tpu.memory_space<vmem>>
      %dma_wait3A_101 = tpu.memref_squeeze %dma_wait3A_100 : memref<1x8x128xi32, #tpu.memory_space<vmem>> -> memref<8x128xi32, #tpu.memory_space<vmem>>
      %dma_wait3A_102 = arith.constant 0 : i32
      %dma_wait3A_103 = arith.constant 0 : i32
      %dma_wait3A_104 = tpu.memref_slice %arg4[%add3A, %dma_wait3A_102, %dma_wait3A_103] : memref<32x80x128xi32, #tpu.memory_space<hbm>> -> memref<1x8x128xi32, #tpu.memory_space<hbm>>
      %dma_wait3A_105 = tpu.memref_squeeze %dma_wait3A_104 : memref<1x8x128xi32, #tpu.memory_space<hbm>> -> memref<8x128xi32, #tpu.memory_space<hbm>>
      tpu.wait_dma2 semaphore(%arg15 : memref<!tpu.dma_semaphore, #tpu.memory_space<semaphore_mem>>) src(%dma_wait3A_105 : memref<8x128xi32, #tpu.memory_space<hbm>>) dst(%dma_wait3A_101 : memref<8x128xi32, #tpu.memory_space<vmem>>)
      %gt3A = arith.constant 0 : i32
      %gt3A_106 = arith.cmpi sgt, %scan3A_71, %gt3A : i32
      %convert_element_type3A = arith.extui %gt3A_106 : i1 to i32
      %cond3A = arith.constant 0 : i32
      %cond3A_107 = arith.cmpi ne, %convert_element_type3A, %cond3A : i32
      scf.if %cond3A_107 {
        %dma_wait3A_1050 = arith.constant 0 : i32
        %dma_wait3A_1051 = arith.constant 0 : i32
        %dma_wait3A_1052 = arith.constant 0 : i32
        %dma_wait3A_1053 = arith.constant 0 : i32
        %dma_wait3A_1054 = arith.constant 0 : i32
        %dma_wait3A_1055 = tpu.memref_slice %arg9[%dma_wait3A_1050, %dma_wait3A_1053, %dma_wait3A_1054] : memref<2x128x128xf32, #tpu.memory_space<vmem>> -> memref<1x128x128xf32, #tpu.memory_space<vmem>>
        %dma_wait3A_1056 = tpu.memref_squeeze %dma_wait3A_1055 : memref<1x128x128xf32, #tpu.memory_space<vmem>> -> memref<128x128xf32, #tpu.memory_space<vmem>>
        %dma_wait3A_1057 = arith.constant 0 : i32
        %dma_wait3A_1058 = tpu.memref_slice %arg8[%dma_wait3A_1051, %dma_wait3A_1052, %dma_wait3A_1057] : memref<2x8x128xi32, #tpu.memory_space<vmem>> -> memref<1x1x128xi32, #tpu.memory_space<vmem>>
        %dma_wait3A_1059 = tpu.memref_squeeze %dma_wait3A_1058 : memref<1x1x128xi32, #tpu.memory_space<vmem>> -> memref<128xi32, #tpu.memory_space<vmem>>
        %dma_wait3A_1060 = arith.constant 0 : i32
        %dma_wait3A_1061 = arith.constant 0 : i32
        %dma_wait3A_1062 = tpu.memref_slice %arg10[%dma_wait3A_1060, %dma_wait3A_1061] : memref<10240x128xf32, #tpu.memory_space<vmem_shared>> -> memref<10240x128xf32, #tpu.memory_space<vmem_shared>>
        tpu.wait_indirect_dma semaphore(%arg13 : memref<!tpu.dma_semaphore, #tpu.memory_space<semaphore_mem>>) src(%dma_wait3A_1056 : memref<128x128xf32, #tpu.memory_space<vmem>>) dst(%dma_wait3A_1062 : memref<10240x128xf32, #tpu.memory_space<vmem_shared>>)
        %dma_wait3A_1063 = arith.constant 1 : i32
        %dma_wait3A_1064 = arith.constant 1 : i32
        %dma_wait3A_1065 = arith.constant 0 : i32
        %dma_wait3A_1066 = arith.constant 0 : i32
        %dma_wait3A_1067 = arith.constant 0 : i32
        %dma_wait3A_1068 = tpu.memref_slice %arg9[%dma_wait3A_1063, %dma_wait3A_1066, %dma_wait3A_1067] : memref<2x128x128xf32, #tpu.memory_space<vmem>> -> memref<1x128x128xf32, #tpu.memory_space<vmem>>
        %dma_wait3A_1069 = tpu.memref_squeeze %dma_wait3A_1068 : memref<1x128x128xf32, #tpu.memory_space<vmem>> -> memref<128x128xf32, #tpu.memory_space<vmem>>
        %dma_wait3A_1070 = arith.constant 0 : i32
        %dma_wait3A_1071 = tpu.memref_slice %arg8[%dma_wait3A_1064, %dma_wait3A_1065, %dma_wait3A_1070] : memref<2x8x128xi32, #tpu.memory_space<vmem>> -> memref<1x1x128xi32, #tpu.memory_space<vmem>>
        %dma_wait3A_1072 = tpu.memref_squeeze %dma_wait3A_1071 : memref<1x1x128xi32, #tpu.memory_space<vmem>> -> memref<128xi32, #tpu.memory_space<vmem>>
        %dma_wait3A_1073 = arith.constant 0 : i32
        %dma_wait3A_1074 = arith.constant 0 : i32
        %dma_wait3A_1075 = tpu.memref_slice %arg10[%dma_wait3A_1073, %dma_wait3A_1074] : memref<10240x128xf32, #tpu.memory_space<vmem_shared>> -> memref<10240x128xf32, #tpu.memory_space<vmem_shared>>
        tpu.wait_indirect_dma semaphore(%arg14 : memref<!tpu.dma_semaphore, #tpu.memory_space<semaphore_mem>>) src(%dma_wait3A_1069 : memref<128x128xf32, #tpu.memory_space<vmem>>) dst(%dma_wait3A_1075 : memref<10240x128xf32, #tpu.memory_space<vmem_shared>>)
      } else {
      }
      %add3A_108 = arith.constant 1 : i32
      %add3A_109 = arith.addi %scan3A_71, %add3A_108 : i32
      %lt3A = arith.constant 10 : i32
      %lt3A_110 = arith.cmpi slt, %add3A_109, %lt3A : i32
      %convert_element_type3A_111 = arith.extui %lt3A_110 : i1 to i32
      %cond3A_112 = arith.constant 0 : i32
      %cond3A_113 = arith.cmpi ne, %convert_element_type3A_111, %cond3A_112 : i32
      scf.if %cond3A_113 {
        %add3A_1050 = arith.constant 1 : i32
        %add3A_1051 = arith.addi %scan3A_71, %add3A_1050 : i32
        %mul3A_1052 = arith.constant 8 : i32
        %mul3A_1053 = arith.muli %add3A_1051, %mul3A_1052 : i32
        %dma_start3A_1054 = arith.constant 0 : i32
        %dma_start3A_1055 = arith.constant 0 : i32
        %dma_start3A_1056 = tpu.memref_slice %arg7[%sub3A_73, %dma_start3A_1054, %dma_start3A_1055] : memref<2x8x128xi32, #tpu.memory_space<vmem>> -> memref<1x8x128xi32, #tpu.memory_space<vmem>>
        %dma_start3A_1057 = tpu.memref_squeeze %dma_start3A_1056 : memref<1x8x128xi32, #tpu.memory_space<vmem>> -> memref<8x128xi32, #tpu.memory_space<vmem>>
        %dma_start3A_1058 = arith.constant 0 : i32
        %dma_start3A_1059 = tpu.memref_slice %arg3[%add3A, %mul3A_1053, %dma_start3A_1058] : memref<32x80x128xi32, #tpu.memory_space<hbm>> -> memref<1x8x128xi32, #tpu.memory_space<hbm>>
        %dma_start3A_1060 = tpu.memref_squeeze %dma_start3A_1059 : memref<1x8x128xi32, #tpu.memory_space<hbm>> -> memref<8x128xi32, #tpu.memory_space<hbm>>
        %dma_start3A_1061 = arith.constant 0 : i32
        %dma_start3A_1062 = arith.constant 0 : i32
        %dma_start3A_1063 = tpu.memref_slice %arg7[%sub3A_73, %dma_start3A_1061, %dma_start3A_1062] : memref<2x8x128xi32, #tpu.memory_space<vmem>> -> memref<1x8x128xi32, #tpu.memory_space<vmem>>
        %dma_start3A_1064 = tpu.memref_squeeze %dma_start3A_1063 : memref<1x8x128xi32, #tpu.memory_space<vmem>> -> memref<8x128xi32, #tpu.memory_space<vmem>>
        %dma_start3A_1065 = arith.constant 0 : i32
        %dma_start3A_1066 = tpu.memref_slice %arg3[%add3A, %mul3A_1053, %dma_start3A_1065] : memref<32x80x128xi32, #tpu.memory_space<hbm>> -> memref<1x8x128xi32, #tpu.memory_space<hbm>>
        %dma_start3A_1067 = tpu.memref_squeeze %dma_start3A_1066 : memref<1x8x128xi32, #tpu.memory_space<hbm>> -> memref<8x128xi32, #tpu.memory_space<hbm>>
        tpu.enqueue_dma source(%dma_start3A_1067 : memref<8x128xi32, #tpu.memory_space<hbm>>) target(%dma_start3A_1064 : memref<8x128xi32, #tpu.memory_space<vmem>>) target_semaphore(%arg15 : memref<!tpu.dma_semaphore, #tpu.memory_space<semaphore_mem>>)
        %dma_start3A_1068 = arith.constant 0 : i32
        %dma_start3A_1069 = arith.constant 0 : i32
        %dma_start3A_1070 = tpu.memref_slice %arg8[%sub3A_73, %dma_start3A_1068, %dma_start3A_1069] : memref<2x8x128xi32, #tpu.memory_space<vmem>> -> memref<1x8x128xi32, #tpu.memory_space<vmem>>
        %dma_start3A_1071 = tpu.memref_squeeze %dma_start3A_1070 : memref<1x8x128xi32, #tpu.memory_space<vmem>> -> memref<8x128xi32, #tpu.memory_space<vmem>>
        %dma_start3A_1072 = arith.constant 0 : i32
        %dma_start3A_1073 = tpu.memref_slice %arg4[%add3A, %mul3A_1053, %dma_start3A_1072] : memref<32x80x128xi32, #tpu.memory_space<hbm>> -> memref<1x8x128xi32, #tpu.memory_space<hbm>>
        %dma_start3A_1074 = tpu.memref_squeeze %dma_start3A_1073 : memref<1x8x128xi32, #tpu.memory_space<hbm>> -> memref<8x128xi32, #tpu.memory_space<hbm>>
        %dma_start3A_1075 = arith.constant 0 : i32
        %dma_start3A_1076 = arith.constant 0 : i32
        %dma_start3A_1077 = tpu.memref_slice %arg8[%sub3A_73, %dma_start3A_1075, %dma_start3A_1076] : memref<2x8x128xi32, #tpu.memory_space<vmem>> -> memref<1x8x128xi32, #tpu.memory_space<vmem>>
        %dma_start3A_1078 = tpu.memref_squeeze %dma_start3A_1077 : memref<1x8x128xi32, #tpu.memory_space<vmem>> -> memref<8x128xi32, #tpu.memory_space<vmem>>
        %dma_start3A_1079 = arith.constant 0 : i32
        %dma_start3A_1080 = tpu.memref_slice %arg4[%add3A, %mul3A_1053, %dma_start3A_1079] : memref<32x80x128xi32, #tpu.memory_space<hbm>> -> memref<1x8x128xi32, #tpu.memory_space<hbm>>
        %dma_start3A_1081 = tpu.memref_squeeze %dma_start3A_1080 : memref<1x8x128xi32, #tpu.memory_space<hbm>> -> memref<8x128xi32, #tpu.memory_space<hbm>>
        tpu.enqueue_dma source(%dma_start3A_1081 : memref<8x128xi32, #tpu.memory_space<hbm>>) target(%dma_start3A_1078 : memref<8x128xi32, #tpu.memory_space<vmem>>) target_semaphore(%arg15 : memref<!tpu.dma_semaphore, #tpu.memory_space<semaphore_mem>>)
      } else {
      }
      %dma_start3A_114 = arith.constant 0 : i32
      %dma_start3A_115 = arith.constant 0 : i32
      %dma_start3A_116 = arith.constant 0 : i32
      %dma_start3A_117 = arith.constant 0 : i32
      %dma_start3A_118 = tpu.memref_slice %arg9[%dma_start3A_115, %dma_start3A_116, %dma_start3A_117] : memref<2x128x128xf32, #tpu.memory_space<vmem>> -> memref<1x32x128xf32, #tpu.memory_space<vmem>>
      %dma_start3A_119 = tpu.memref_squeeze %dma_start3A_118 : memref<1x32x128xf32, #tpu.memory_space<vmem>> -> memref<32x128xf32, #tpu.memory_space<vmem>>
      %dma_start3A_120 = arith.constant 0 : i32
      %dma_start3A_121 = tpu.memref_slice %arg7[%rem3A_72, %dma_start3A_114, %dma_start3A_120] : memref<2x8x128xi32, #tpu.memory_space<vmem>> -> memref<1x1x32xi32, #tpu.memory_space<vmem>>
      %dma_start3A_122 = tpu.memref_squeeze %dma_start3A_121 : memref<1x1x32xi32, #tpu.memory_space<vmem>> -> memref<32xi32, #tpu.memory_space<vmem>>
      %dma_start3A_123 = arith.constant 0 : i32
      %dma_start3A_124 = arith.constant 0 : i32
      %dma_start3A_125 = tpu.memref_slice %arg2[%dma_start3A_123, %dma_start3A_124] : memref<10240x128xf32, #tpu.memory_space<hbm>> -> memref<10240x128xf32, #tpu.memory_space<hbm>>
      tpu.enqueue_indirect_dma source(%dma_start3A_125 : memref<10240x128xf32, #tpu.memory_space<hbm>>) target(%dma_start3A_119 : memref<32x128xf32, #tpu.memory_space<vmem>>) offsets(%dma_start3A_122 : memref<32xi32, #tpu.memory_space<vmem>>) semaphore(%arg11 : memref<!tpu.dma_semaphore, #tpu.memory_space<semaphore_mem>>)
      %dma_start3A_126 = arith.constant 0 : i32
      %dma_start3A_127 = arith.constant 0 : i32
      %dma_start3A_128 = arith.constant 32 : i32
      %dma_start3A_129 = arith.constant 0 : i32
      %dma_start3A_130 = tpu.memref_slice %arg9[%dma_start3A_127, %dma_start3A_128, %dma_start3A_129] : memref<2x128x128xf32, #tpu.memory_space<vmem>> -> memref<1x32x128xf32, #tpu.memory_space<vmem>>
      %dma_start3A_131 = tpu.memref_squeeze %dma_start3A_130 : memref<1x32x128xf32, #tpu.memory_space<vmem>> -> memref<32x128xf32, #tpu.memory_space<vmem>>
      %dma_start3A_132 = arith.constant 32 : i32
      %dma_start3A_133 = tpu.memref_slice %arg7[%rem3A_72, %dma_start3A_126, %dma_start3A_132] : memref<2x8x128xi32, #tpu.memory_space<vmem>> -> memref<1x1x32xi32, #tpu.memory_space<vmem>>
      %dma_start3A_134 = tpu.memref_squeeze %dma_start3A_133 : memref<1x1x32xi32, #tpu.memory_space<vmem>> -> memref<32xi32, #tpu.memory_space<vmem>>
      %dma_start3A_135 = arith.constant 0 : i32
      %dma_start3A_136 = arith.constant 0 : i32
      %dma_start3A_137 = tpu.memref_slice %arg2[%dma_start3A_135, %dma_start3A_136] : memref<10240x128xf32, #tpu.memory_space<hbm>> -> memref<10240x128xf32, #tpu.memory_space<hbm>>
      tpu.enqueue_indirect_dma source(%dma_start3A_137 : memref<10240x128xf32, #tpu.memory_space<hbm>>) target(%dma_start3A_131 : memref<32x128xf32, #tpu.memory_space<vmem>>) offsets(%dma_start3A_134 : memref<32xi32, #tpu.memory_space<vmem>>) semaphore(%arg11 : memref<!tpu.dma_semaphore, #tpu.memory_space<semaphore_mem>>)
      %dma_start3A_138 = arith.constant 0 : i32
      %dma_start3A_139 = arith.constant 0 : i32
      %dma_start3A_140 = arith.constant 64 : i32
      %dma_start3A_141 = arith.constant 0 : i32
      %dma_start3A_142 = tpu.memref_slice %arg9[%dma_start3A_139, %dma_start3A_140, %dma_start3A_141] : memref<2x128x128xf32, #tpu.memory_space<vmem>> -> memref<1x32x128xf32, #tpu.memory_space<vmem>>
      %dma_start3A_143 = tpu.memref_squeeze %dma_start3A_142 : memref<1x32x128xf32, #tpu.memory_space<vmem>> -> memref<32x128xf32, #tpu.memory_space<vmem>>
      %dma_start3A_144 = arith.constant 64 : i32
      %dma_start3A_145 = tpu.memref_slice %arg7[%rem3A_72, %dma_start3A_138, %dma_start3A_144] : memref<2x8x128xi32, #tpu.memory_space<vmem>> -> memref<1x1x32xi32, #tpu.memory_space<vmem>>
      %dma_start3A_146 = tpu.memref_squeeze %dma_start3A_145 : memref<1x1x32xi32, #tpu.memory_space<vmem>> -> memref<32xi32, #tpu.memory_space<vmem>>
      %dma_start3A_147 = arith.constant 0 : i32
      %dma_start3A_148 = arith.constant 0 : i32
      %dma_start3A_149 = tpu.memref_slice %arg2[%dma_start3A_147, %dma_start3A_148] : memref<10240x128xf32, #tpu.memory_space<hbm>> -> memref<10240x128xf32, #tpu.memory_space<hbm>>
      tpu.enqueue_indirect_dma source(%dma_start3A_149 : memref<10240x128xf32, #tpu.memory_space<hbm>>) target(%dma_start3A_143 : memref<32x128xf32, #tpu.memory_space<vmem>>) offsets(%dma_start3A_146 : memref<32xi32, #tpu.memory_space<vmem>>) semaphore(%arg11 : memref<!tpu.dma_semaphore, #tpu.memory_space<semaphore_mem>>)
      %dma_start3A_150 = arith.constant 0 : i32
      %dma_start3A_151 = arith.constant 0 : i32
      %dma_start3A_152 = arith.constant 96 : i32
      %dma_start3A_153 = arith.constant 0 : i32
      %dma_start3A_154 = tpu.memref_slice %arg9[%dma_start3A_151, %dma_start3A_152, %dma_start3A_153] : memref<2x128x128xf32, #tpu.memory_space<vmem>> -> memref<1x32x128xf32, #tpu.memory_space<vmem>>
      %dma_start3A_155 = tpu.memref_squeeze %dma_start3A_154 : memref<1x32x128xf32, #tpu.memory_space<vmem>> -> memref<32x128xf32, #tpu.memory_space<vmem>>
      %dma_start3A_156 = arith.constant 96 : i32
      %dma_start3A_157 = tpu.memref_slice %arg7[%rem3A_72, %dma_start3A_150, %dma_start3A_156] : memref<2x8x128xi32, #tpu.memory_space<vmem>> -> memref<1x1x32xi32, #tpu.memory_space<vmem>>
      %dma_start3A_158 = tpu.memref_squeeze %dma_start3A_157 : memref<1x1x32xi32, #tpu.memory_space<vmem>> -> memref<32xi32, #tpu.memory_space<vmem>>
      %dma_start3A_159 = arith.constant 0 : i32
      %dma_start3A_160 = arith.constant 0 : i32
      %dma_start3A_161 = tpu.memref_slice %arg2[%dma_start3A_159, %dma_start3A_160] : memref<10240x128xf32, #tpu.memory_space<hbm>> -> memref<10240x128xf32, #tpu.memory_space<hbm>>
      tpu.enqueue_indirect_dma source(%dma_start3A_161 : memref<10240x128xf32, #tpu.memory_space<hbm>>) target(%dma_start3A_155 : memref<32x128xf32, #tpu.memory_space<vmem>>) offsets(%dma_start3A_158 : memref<32xi32, #tpu.memory_space<vmem>>) semaphore(%arg11 : memref<!tpu.dma_semaphore, #tpu.memory_space<semaphore_mem>>)
      %dma_start3A_162 = arith.constant 1 : i32
      %dma_start3A_163 = arith.constant 1 : i32
      %dma_start3A_164 = arith.constant 0 : i32
      %dma_start3A_165 = arith.constant 0 : i32
      %dma_start3A_166 = tpu.memref_slice %arg9[%dma_start3A_163, %dma_start3A_164, %dma_start3A_165] : memref<2x128x128xf32, #tpu.memory_space<vmem>> -> memref<1x32x128xf32, #tpu.memory_space<vmem>>
      %dma_start3A_167 = tpu.memref_squeeze %dma_start3A_166 : memref<1x32x128xf32, #tpu.memory_space<vmem>> -> memref<32x128xf32, #tpu.memory_space<vmem>>
      %dma_start3A_168 = arith.constant 0 : i32
      %dma_start3A_169 = tpu.memref_slice %arg7[%rem3A_72, %dma_start3A_162, %dma_start3A_168] : memref<2x8x128xi32, #tpu.memory_space<vmem>> -> memref<1x1x32xi32, #tpu.memory_space<vmem>>
      %dma_start3A_170 = tpu.memref_squeeze %dma_start3A_169 : memref<1x1x32xi32, #tpu.memory_space<vmem>> -> memref<32xi32, #tpu.memory_space<vmem>>
      %dma_start3A_171 = arith.constant 0 : i32
      %dma_start3A_172 = arith.constant 0 : i32
      %dma_start3A_173 = tpu.memref_slice %arg2[%dma_start3A_171, %dma_start3A_172] : memref<10240x128xf32, #tpu.memory_space<hbm>> -> memref<10240x128xf32, #tpu.memory_space<hbm>>
      tpu.enqueue_indirect_dma source(%dma_start3A_173 : memref<10240x128xf32, #tpu.memory_space<hbm>>) target(%dma_start3A_167 : memref<32x128xf32, #tpu.memory_space<vmem>>) offsets(%dma_start3A_170 : memref<32xi32, #tpu.memory_space<vmem>>) semaphore(%arg12 : memref<!tpu.dma_semaphore, #tpu.memory_space<semaphore_mem>>)
      %dma_start3A_174 = arith.constant 1 : i32
      %dma_start3A_175 = arith.constant 1 : i32
      %dma_start3A_176 = arith.constant 32 : i32
      %dma_start3A_177 = arith.constant 0 : i32
      %dma_start3A_178 = tpu.memref_slice %arg9[%dma_start3A_175, %dma_start3A_176, %dma_start3A_177] : memref<2x128x128xf32, #tpu.memory_space<vmem>> -> memref<1x32x128xf32, #tpu.memory_space<vmem>>
      %dma_start3A_179 = tpu.memref_squeeze %dma_start3A_178 : memref<1x32x128xf32, #tpu.memory_space<vmem>> -> memref<32x128xf32, #tpu.memory_space<vmem>>
      %dma_start3A_180 = arith.constant 32 : i32
      %dma_start3A_181 = tpu.memref_slice %arg7[%rem3A_72, %dma_start3A_174, %dma_start3A_180] : memref<2x8x128xi32, #tpu.memory_space<vmem>> -> memref<1x1x32xi32, #tpu.memory_space<vmem>>
      %dma_start3A_182 = tpu.memref_squeeze %dma_start3A_181 : memref<1x1x32xi32, #tpu.memory_space<vmem>> -> memref<32xi32, #tpu.memory_space<vmem>>
      %dma_start3A_183 = arith.constant 0 : i32
      %dma_start3A_184 = arith.constant 0 : i32
      %dma_start3A_185 = tpu.memref_slice %arg2[%dma_start3A_183, %dma_start3A_184] : memref<10240x128xf32, #tpu.memory_space<hbm>> -> memref<10240x128xf32, #tpu.memory_space<hbm>>
      tpu.enqueue_indirect_dma source(%dma_start3A_185 : memref<10240x128xf32, #tpu.memory_space<hbm>>) target(%dma_start3A_179 : memref<32x128xf32, #tpu.memory_space<vmem>>) offsets(%dma_start3A_182 : memref<32xi32, #tpu.memory_space<vmem>>) semaphore(%arg12 : memref<!tpu.dma_semaphore, #tpu.memory_space<semaphore_mem>>)
      %dma_start3A_186 = arith.constant 1 : i32
      %dma_start3A_187 = arith.constant 1 : i32
      %dma_start3A_188 = arith.constant 64 : i32
      %dma_start3A_189 = arith.constant 0 : i32
      %dma_start3A_190 = tpu.memref_slice %arg9[%dma_start3A_187, %dma_start3A_188, %dma_start3A_189] : memref<2x128x128xf32, #tpu.memory_space<vmem>> -> memref<1x32x128xf32, #tpu.memory_space<vmem>>
      %dma_start3A_191 = tpu.memref_squeeze %dma_start3A_190 : memref<1x32x128xf32, #tpu.memory_space<vmem>> -> memref<32x128xf32, #tpu.memory_space<vmem>>
      %dma_start3A_192 = arith.constant 64 : i32
      %dma_start3A_193 = tpu.memref_slice %arg7[%rem3A_72, %dma_start3A_186, %dma_start3A_192] : memref<2x8x128xi32, #tpu.memory_space<vmem>> -> memref<1x1x32xi32, #tpu.memory_space<vmem>>
      %dma_start3A_194 = tpu.memref_squeeze %dma_start3A_193 : memref<1x1x32xi32, #tpu.memory_space<vmem>> -> memref<32xi32, #tpu.memory_space<vmem>>
      %dma_start3A_195 = arith.constant 0 : i32
      %dma_start3A_196 = arith.constant 0 : i32
      %dma_start3A_197 = tpu.memref_slice %arg2[%dma_start3A_195, %dma_start3A_196] : memref<10240x128xf32, #tpu.memory_space<hbm>> -> memref<10240x128xf32, #tpu.memory_space<hbm>>
      tpu.enqueue_indirect_dma source(%dma_start3A_197 : memref<10240x128xf32, #tpu.memory_space<hbm>>) target(%dma_start3A_191 : memref<32x128xf32, #tpu.memory_space<vmem>>) offsets(%dma_start3A_194 : memref<32xi32, #tpu.memory_space<vmem>>) semaphore(%arg12 : memref<!tpu.dma_semaphore, #tpu.memory_space<semaphore_mem>>)
      %dma_start3A_198 = arith.constant 1 : i32
      %dma_start3A_199 = arith.constant 1 : i32
      %dma_start3A_200 = arith.constant 96 : i32
      %dma_start3A_201 = arith.constant 0 : i32
      %dma_start3A_202 = tpu.memref_slice %arg9[%dma_start3A_199, %dma_start3A_200, %dma_start3A_201] : memref<2x128x128xf32, #tpu.memory_space<vmem>> -> memref<1x32x128xf32, #tpu.memory_space<vmem>>
      %dma_start3A_203 = tpu.memref_squeeze %dma_start3A_202 : memref<1x32x128xf32, #tpu.memory_space<vmem>> -> memref<32x128xf32, #tpu.memory_space<vmem>>
      %dma_start3A_204 = arith.constant 96 : i32
      %dma_start3A_205 = tpu.memref_slice %arg7[%rem3A_72, %dma_start3A_198, %dma_start3A_204] : memref<2x8x128xi32, #tpu.memory_space<vmem>> -> memref<1x1x32xi32, #tpu.memory_space<vmem>>
      %dma_start3A_206 = tpu.memref_squeeze %dma_start3A_205 : memref<1x1x32xi32, #tpu.memory_space<vmem>> -> memref<32xi32, #tpu.memory_space<vmem>>
      %dma_start3A_207 = arith.constant 0 : i32
      %dma_start3A_208 = arith.constant 0 : i32
      %dma_start3A_209 = tpu.memref_slice %arg2[%dma_start3A_207, %dma_start3A_208] : memref<10240x128xf32, #tpu.memory_space<hbm>> -> memref<10240x128xf32, #tpu.memory_space<hbm>>
      tpu.enqueue_indirect_dma source(%dma_start3A_209 : memref<10240x128xf32, #tpu.memory_space<hbm>>) target(%dma_start3A_203 : memref<32x128xf32, #tpu.memory_space<vmem>>) offsets(%dma_start3A_206 : memref<32xi32, #tpu.memory_space<vmem>>) semaphore(%arg12 : memref<!tpu.dma_semaphore, #tpu.memory_space<semaphore_mem>>)
      %dma_wait3A_210 = arith.constant 0 : i32
      %dma_wait3A_211 = arith.constant 0 : i32
      %dma_wait3A_212 = arith.constant 0 : i32
      %dma_wait3A_213 = arith.constant 0 : i32
      %dma_wait3A_214 = tpu.memref_slice %arg9[%dma_wait3A_211, %dma_wait3A_212, %dma_wait3A_213] : memref<2x128x128xf32, #tpu.memory_space<vmem>> -> memref<1x32x128xf32, #tpu.memory_space<vmem>>
      %dma_wait3A_215 = tpu.memref_squeeze %dma_wait3A_214 : memref<1x32x128xf32, #tpu.memory_space<vmem>> -> memref<32x128xf32, #tpu.memory_space<vmem>>
      %dma_wait3A_216 = arith.constant 0 : i32
      %dma_wait3A_217 = tpu.memref_slice %arg7[%rem3A_72, %dma_wait3A_210, %dma_wait3A_216] : memref<2x8x128xi32, #tpu.memory_space<vmem>> -> memref<1x1x32xi32, #tpu.memory_space<vmem>>
      %dma_wait3A_218 = tpu.memref_squeeze %dma_wait3A_217 : memref<1x1x32xi32, #tpu.memory_space<vmem>> -> memref<32xi32, #tpu.memory_space<vmem>>
      %dma_wait3A_219 = arith.constant 0 : i32
      %dma_wait3A_220 = arith.constant 0 : i32
      %dma_wait3A_221 = tpu.memref_slice %arg2[%dma_wait3A_219, %dma_wait3A_220] : memref<10240x128xf32, #tpu.memory_space<hbm>> -> memref<10240x128xf32, #tpu.memory_space<hbm>>
      tpu.wait_indirect_dma semaphore(%arg11 : memref<!tpu.dma_semaphore, #tpu.memory_space<semaphore_mem>>) src(%dma_wait3A_221 : memref<10240x128xf32, #tpu.memory_space<hbm>>) dst(%dma_wait3A_215 : memref<32x128xf32, #tpu.memory_space<vmem>>)
      %dma_wait3A_222 = arith.constant 0 : i32
      %dma_wait3A_223 = arith.constant 0 : i32
      %dma_wait3A_224 = arith.constant 32 : i32
      %dma_wait3A_225 = arith.constant 0 : i32
      %dma_wait3A_226 = tpu.memref_slice %arg9[%dma_wait3A_223, %dma_wait3A_224, %dma_wait3A_225] : memref<2x128x128xf32, #tpu.memory_space<vmem>> -> memref<1x32x128xf32, #tpu.memory_space<vmem>>
      %dma_wait3A_227 = tpu.memref_squeeze %dma_wait3A_226 : memref<1x32x128xf32, #tpu.memory_space<vmem>> -> memref<32x128xf32, #tpu.memory_space<vmem>>
      %dma_wait3A_228 = arith.constant 32 : i32
      %dma_wait3A_229 = tpu.memref_slice %arg7[%rem3A_72, %dma_wait3A_222, %dma_wait3A_228] : memref<2x8x128xi32, #tpu.memory_space<vmem>> -> memref<1x1x32xi32, #tpu.memory_space<vmem>>
      %dma_wait3A_230 = tpu.memref_squeeze %dma_wait3A_229 : memref<1x1x32xi32, #tpu.memory_space<vmem>> -> memref<32xi32, #tpu.memory_space<vmem>>
      %dma_wait3A_231 = arith.constant 0 : i32
      %dma_wait3A_232 = arith.constant 0 : i32
      %dma_wait3A_233 = tpu.memref_slice %arg2[%dma_wait3A_231, %dma_wait3A_232] : memref<10240x128xf32, #tpu.memory_space<hbm>> -> memref<10240x128xf32, #tpu.memory_space<hbm>>
      tpu.wait_indirect_dma semaphore(%arg11 : memref<!tpu.dma_semaphore, #tpu.memory_space<semaphore_mem>>) src(%dma_wait3A_233 : memref<10240x128xf32, #tpu.memory_space<hbm>>) dst(%dma_wait3A_227 : memref<32x128xf32, #tpu.memory_space<vmem>>)
      %dma_wait3A_234 = arith.constant 0 : i32
      %dma_wait3A_235 = arith.constant 0 : i32
      %dma_wait3A_236 = arith.constant 64 : i32
      %dma_wait3A_237 = arith.constant 0 : i32
      %dma_wait3A_238 = tpu.memref_slice %arg9[%dma_wait3A_235, %dma_wait3A_236, %dma_wait3A_237] : memref<2x128x128xf32, #tpu.memory_space<vmem>> -> memref<1x32x128xf32, #tpu.memory_space<vmem>>
      %dma_wait3A_239 = tpu.memref_squeeze %dma_wait3A_238 : memref<1x32x128xf32, #tpu.memory_space<vmem>> -> memref<32x128xf32, #tpu.memory_space<vmem>>
      %dma_wait3A_240 = arith.constant 64 : i32
      %dma_wait3A_241 = tpu.memref_slice %arg7[%rem3A_72, %dma_wait3A_234, %dma_wait3A_240] : memref<2x8x128xi32, #tpu.memory_space<vmem>> -> memref<1x1x32xi32, #tpu.memory_space<vmem>>
      %dma_wait3A_242 = tpu.memref_squeeze %dma_wait3A_241 : memref<1x1x32xi32, #tpu.memory_space<vmem>> -> memref<32xi32, #tpu.memory_space<vmem>>
      %dma_wait3A_243 = arith.constant 0 : i32
      %dma_wait3A_244 = arith.constant 0 : i32
      %dma_wait3A_245 = tpu.memref_slice %arg2[%dma_wait3A_243, %dma_wait3A_244] : memref<10240x128xf32, #tpu.memory_space<hbm>> -> memref<10240x128xf32, #tpu.memory_space<hbm>>
      tpu.wait_indirect_dma semaphore(%arg11 : memref<!tpu.dma_semaphore, #tpu.memory_space<semaphore_mem>>) src(%dma_wait3A_245 : memref<10240x128xf32, #tpu.memory_space<hbm>>) dst(%dma_wait3A_239 : memref<32x128xf32, #tpu.memory_space<vmem>>)
      %dma_wait3A_246 = arith.constant 0 : i32
      %dma_wait3A_247 = arith.constant 0 : i32
      %dma_wait3A_248 = arith.constant 96 : i32
      %dma_wait3A_249 = arith.constant 0 : i32
      %dma_wait3A_250 = tpu.memref_slice %arg9[%dma_wait3A_247, %dma_wait3A_248, %dma_wait3A_249] : memref<2x128x128xf32, #tpu.memory_space<vmem>> -> memref<1x32x128xf32, #tpu.memory_space<vmem>>
      %dma_wait3A_251 = tpu.memref_squeeze %dma_wait3A_250 : memref<1x32x128xf32, #tpu.memory_space<vmem>> -> memref<32x128xf32, #tpu.memory_space<vmem>>
      %dma_wait3A_252 = arith.constant 96 : i32
      %dma_wait3A_253 = tpu.memref_slice %arg7[%rem3A_72, %dma_wait3A_246, %dma_wait3A_252] : memref<2x8x128xi32, #tpu.memory_space<vmem>> -> memref<1x1x32xi32, #tpu.memory_space<vmem>>
      %dma_wait3A_254 = tpu.memref_squeeze %dma_wait3A_253 : memref<1x1x32xi32, #tpu.memory_space<vmem>> -> memref<32xi32, #tpu.memory_space<vmem>>
      %dma_wait3A_255 = arith.constant 0 : i32
      %dma_wait3A_256 = arith.constant 0 : i32
      %dma_wait3A_257 = tpu.memref_slice %arg2[%dma_wait3A_255, %dma_wait3A_256] : memref<10240x128xf32, #tpu.memory_space<hbm>> -> memref<10240x128xf32, #tpu.memory_space<hbm>>
      tpu.wait_indirect_dma semaphore(%arg11 : memref<!tpu.dma_semaphore, #tpu.memory_space<semaphore_mem>>) src(%dma_wait3A_257 : memref<10240x128xf32, #tpu.memory_space<hbm>>) dst(%dma_wait3A_251 : memref<32x128xf32, #tpu.memory_space<vmem>>)
      %dma_start3A_258 = arith.constant 0 : i32
      %dma_start3A_259 = arith.constant 0 : i32
      %dma_start3A_260 = arith.constant 0 : i32
      %dma_start3A_261 = arith.constant 0 : i32
      %dma_start3A_262 = tpu.memref_slice %arg9[%dma_start3A_258, %dma_start3A_260, %dma_start3A_261] : memref<2x128x128xf32, #tpu.memory_space<vmem>> -> memref<1x128x128xf32, #tpu.memory_space<vmem>>
      %dma_start3A_263 = tpu.memref_squeeze %dma_start3A_262 : memref<1x128x128xf32, #tpu.memory_space<vmem>> -> memref<128x128xf32, #tpu.memory_space<vmem>>
      %dma_start3A_264 = arith.constant 0 : i32
      %dma_start3A_265 = tpu.memref_slice %arg8[%rem3A_72, %dma_start3A_259, %dma_start3A_264] : memref<2x8x128xi32, #tpu.memory_space<vmem>> -> memref<1x1x128xi32, #tpu.memory_space<vmem>>
      %dma_start3A_266 = tpu.memref_squeeze %dma_start3A_265 : memref<1x1x128xi32, #tpu.memory_space<vmem>> -> memref<128xi32, #tpu.memory_space<vmem>>
      %dma_start3A_267 = arith.constant 0 : i32
      %dma_start3A_268 = arith.constant 0 : i32
      %dma_start3A_269 = tpu.memref_slice %arg10[%dma_start3A_267, %dma_start3A_268] : memref<10240x128xf32, #tpu.memory_space<vmem_shared>> -> memref<10240x128xf32, #tpu.memory_space<vmem_shared>>
      tpu.enqueue_indirect_dma source(%dma_start3A_263 : memref<128x128xf32, #tpu.memory_space<vmem>>) target(%dma_start3A_269 : memref<10240x128xf32, #tpu.memory_space<vmem_shared>>) offsets(%dma_start3A_266 : memref<128xi32, #tpu.memory_space<vmem>>) semaphore(%arg13 : memref<!tpu.dma_semaphore, #tpu.memory_space<semaphore_mem>>) {add = true}
      %dma_wait3A_270 = arith.constant 0 : i32
      %dma_wait3A_271 = arith.constant 0 : i32
      %dma_wait3A_272 = arith.constant 0 : i32
      %dma_wait3A_273 = arith.constant 0 : i32
      %dma_wait3A_274 = tpu.memref_slice %arg9[%dma_wait3A_270, %dma_wait3A_272, %dma_wait3A_273] : memref<2x128x128xf32, #tpu.memory_space<vmem>> -> memref<1x128x128xf32, #tpu.memory_space<vmem>>
      %dma_wait3A_275 = tpu.memref_squeeze %dma_wait3A_274 : memref<1x128x128xf32, #tpu.memory_space<vmem>> -> memref<128x128xf32, #tpu.memory_space<vmem>>
      %dma_wait3A_276 = arith.constant 0 : i32
      %dma_wait3A_277 = tpu.memref_slice %arg8[%rem3A_72, %dma_wait3A_271, %dma_wait3A_276] : memref<2x8x128xi32, #tpu.memory_space<vmem>> -> memref<1x1x128xi32, #tpu.memory_space<vmem>>
      %dma_wait3A_278 = tpu.memref_squeeze %dma_wait3A_277 : memref<1x1x128xi32, #tpu.memory_space<vmem>> -> memref<128xi32, #tpu.memory_space<vmem>>
      %dma_wait3A_279 = arith.constant 0 : i32
      %dma_wait3A_280 = arith.constant 0 : i32
      %dma_wait3A_281 = tpu.memref_slice %arg10[%dma_wait3A_279, %dma_wait3A_280] : memref<10240x128xf32, #tpu.memory_space<vmem_shared>> -> memref<10240x128xf32, #tpu.memory_space<vmem_shared>>
      tpu.wait_indirect_dma semaphore(%arg13 : memref<!tpu.dma_semaphore, #tpu.memory_space<semaphore_mem>>) src(%dma_wait3A_275 : memref<128x128xf32, #tpu.memory_space<vmem>>) dst(%dma_wait3A_281 : memref<10240x128xf32, #tpu.memory_space<vmem_shared>>)
      %dma_start3A_282 = arith.constant 2 : i32
      %dma_start3A_283 = arith.constant 0 : i32
      %dma_start3A_284 = arith.constant 0 : i32
      %dma_start3A_285 = arith.constant 0 : i32
      %dma_start3A_286 = tpu.memref_slice %arg9[%dma_start3A_283, %dma_start3A_284, %dma_start3A_285] : memref<2x128x128xf32, #tpu.memory_space<vmem>> -> memref<1x32x128xf32, #tpu.memory_space<vmem>>
      %dma_start3A_287 = tpu.memref_squeeze %dma_start3A_286 : memref<1x32x128xf32, #tpu.memory_space<vmem>> -> memref<32x128xf32, #tpu.memory_space<vmem>>
      %dma_start3A_288 = arith.constant 0 : i32
      %dma_start3A_289 = tpu.memref_slice %arg7[%rem3A_72, %dma_start3A_282, %dma_start3A_288] : memref<2x8x128xi32, #tpu.memory_space<vmem>> -> memref<1x1x32xi32, #tpu.memory_space<vmem>>
      %dma_start3A_290 = tpu.memref_squeeze %dma_start3A_289 : memref<1x1x32xi32, #tpu.memory_space<vmem>> -> memref<32xi32, #tpu.memory_space<vmem>>
      %dma_start3A_291 = arith.constant 0 : i32
      %dma_start3A_292 = arith.constant 0 : i32
      %dma_start3A_293 = tpu.memref_slice %arg2[%dma_start3A_291, %dma_start3A_292] : memref<10240x128xf32, #tpu.memory_space<hbm>> -> memref<10240x128xf32, #tpu.memory_space<hbm>>
      tpu.enqueue_indirect_dma source(%dma_start3A_293 : memref<10240x128xf32, #tpu.memory_space<hbm>>) target(%dma_start3A_287 : memref<32x128xf32, #tpu.memory_space<vmem>>) offsets(%dma_start3A_290 : memref<32xi32, #tpu.memory_space<vmem>>) semaphore(%arg11 : memref<!tpu.dma_semaphore, #tpu.memory_space<semaphore_mem>>)
      %dma_start3A_294 = arith.constant 2 : i32
      %dma_start3A_295 = arith.constant 0 : i32
      %dma_start3A_296 = arith.constant 32 : i32
      %dma_start3A_297 = arith.constant 0 : i32
      %dma_start3A_298 = tpu.memref_slice %arg9[%dma_start3A_295, %dma_start3A_296, %dma_start3A_297] : memref<2x128x128xf32, #tpu.memory_space<vmem>> -> memref<1x32x128xf32, #tpu.memory_space<vmem>>
      %dma_start3A_299 = tpu.memref_squeeze %dma_start3A_298 : memref<1x32x128xf32, #tpu.memory_space<vmem>> -> memref<32x128xf32, #tpu.memory_space<vmem>>
      %dma_start3A_300 = arith.constant 32 : i32
      %dma_start3A_301 = tpu.memref_slice %arg7[%rem3A_72, %dma_start3A_294, %dma_start3A_300] : memref<2x8x128xi32, #tpu.memory_space<vmem>> -> memref<1x1x32xi32, #tpu.memory_space<vmem>>
      %dma_start3A_302 = tpu.memref_squeeze %dma_start3A_301 : memref<1x1x32xi32, #tpu.memory_space<vmem>> -> memref<32xi32, #tpu.memory_space<vmem>>
      %dma_start3A_303 = arith.constant 0 : i32
      %dma_start3A_304 = arith.constant 0 : i32
      %dma_start3A_305 = tpu.memref_slice %arg2[%dma_start3A_303, %dma_start3A_304] : memref<10240x128xf32, #tpu.memory_space<hbm>> -> memref<10240x128xf32, #tpu.memory_space<hbm>>
      tpu.enqueue_indirect_dma source(%dma_start3A_305 : memref<10240x128xf32, #tpu.memory_space<hbm>>) target(%dma_start3A_299 : memref<32x128xf32, #tpu.memory_space<vmem>>) offsets(%dma_start3A_302 : memref<32xi32, #tpu.memory_space<vmem>>) semaphore(%arg11 : memref<!tpu.dma_semaphore, #tpu.memory_space<semaphore_mem>>)
      %dma_start3A_306 = arith.constant 2 : i32
      %dma_start3A_307 = arith.constant 0 : i32
      %dma_start3A_308 = arith.constant 64 : i32
      %dma_start3A_309 = arith.constant 0 : i32
      %dma_start3A_310 = tpu.memref_slice %arg9[%dma_start3A_307, %dma_start3A_308, %dma_start3A_309] : memref<2x128x128xf32, #tpu.memory_space<vmem>> -> memref<1x32x128xf32, #tpu.memory_space<vmem>>
      %dma_start3A_311 = tpu.memref_squeeze %dma_start3A_310 : memref<1x32x128xf32, #tpu.memory_space<vmem>> -> memref<32x128xf32, #tpu.memory_space<vmem>>
      %dma_start3A_312 = arith.constant 64 : i32
      %dma_start3A_313 = tpu.memref_slice %arg7[%rem3A_72, %dma_start3A_306, %dma_start3A_312] : memref<2x8x128xi32, #tpu.memory_space<vmem>> -> memref<1x1x32xi32, #tpu.memory_space<vmem>>
      %dma_start3A_314 = tpu.memref_squeeze %dma_start3A_313 : memref<1x1x32xi32, #tpu.memory_space<vmem>> -> memref<32xi32, #tpu.memory_space<vmem>>
      %dma_start3A_315 = arith.constant 0 : i32
      %dma_start3A_316 = arith.constant 0 : i32
      %dma_start3A_317 = tpu.memref_slice %arg2[%dma_start3A_315, %dma_start3A_316] : memref<10240x128xf32, #tpu.memory_space<hbm>> -> memref<10240x128xf32, #tpu.memory_space<hbm>>
      tpu.enqueue_indirect_dma source(%dma_start3A_317 : memref<10240x128xf32, #tpu.memory_space<hbm>>) target(%dma_start3A_311 : memref<32x128xf32, #tpu.memory_space<vmem>>) offsets(%dma_start3A_314 : memref<32xi32, #tpu.memory_space<vmem>>) semaphore(%arg11 : memref<!tpu.dma_semaphore, #tpu.memory_space<semaphore_mem>>)
      %dma_start3A_318 = arith.constant 2 : i32
      %dma_start3A_319 = arith.constant 0 : i32
      %dma_start3A_320 = arith.constant 96 : i32
      %dma_start3A_321 = arith.constant 0 : i32
      %dma_start3A_322 = tpu.memref_slice %arg9[%dma_start3A_319, %dma_start3A_320, %dma_start3A_321] : memref<2x128x128xf32, #tpu.memory_space<vmem>> -> memref<1x32x128xf32, #tpu.memory_space<vmem>>
      %dma_start3A_323 = tpu.memref_squeeze %dma_start3A_322 : memref<1x32x128xf32, #tpu.memory_space<vmem>> -> memref<32x128xf32, #tpu.memory_space<vmem>>
      %dma_start3A_324 = arith.constant 96 : i32
      %dma_start3A_325 = tpu.memref_slice %arg7[%rem3A_72, %dma_start3A_318, %dma_start3A_324] : memref<2x8x128xi32, #tpu.memory_space<vmem>> -> memref<1x1x32xi32, #tpu.memory_space<vmem>>
      %dma_start3A_326 = tpu.memref_squeeze %dma_start3A_325 : memref<1x1x32xi32, #tpu.memory_space<vmem>> -> memref<32xi32, #tpu.memory_space<vmem>>
      %dma_start3A_327 = arith.constant 0 : i32
      %dma_start3A_328 = arith.constant 0 : i32
      %dma_start3A_329 = tpu.memref_slice %arg2[%dma_start3A_327, %dma_start3A_328] : memref<10240x128xf32, #tpu.memory_space<hbm>> -> memref<10240x128xf32, #tpu.memory_space<hbm>>
      tpu.enqueue_indirect_dma source(%dma_start3A_329 : memref<10240x128xf32, #tpu.memory_space<hbm>>) target(%dma_start3A_323 : memref<32x128xf32, #tpu.memory_space<vmem>>) offsets(%dma_start3A_326 : memref<32xi32, #tpu.memory_space<vmem>>) semaphore(%arg11 : memref<!tpu.dma_semaphore, #tpu.memory_space<semaphore_mem>>)
      %dma_wait3A_330 = arith.constant 1 : i32
      %dma_wait3A_331 = arith.constant 1 : i32
      %dma_wait3A_332 = arith.constant 0 : i32
      %dma_wait3A_333 = arith.constant 0 : i32
      %dma_wait3A_334 = tpu.memref_slice %arg9[%dma_wait3A_331, %dma_wait3A_332, %dma_wait3A_333] : memref<2x128x128xf32, #tpu.memory_space<vmem>> -> memref<1x32x128xf32, #tpu.memory_space<vmem>>
      %dma_wait3A_335 = tpu.memref_squeeze %dma_wait3A_334 : memref<1x32x128xf32, #tpu.memory_space<vmem>> -> memref<32x128xf32, #tpu.memory_space<vmem>>
      %dma_wait3A_336 = arith.constant 0 : i32
      %dma_wait3A_337 = tpu.memref_slice %arg7[%rem3A_72, %dma_wait3A_330, %dma_wait3A_336] : memref<2x8x128xi32, #tpu.memory_space<vmem>> -> memref<1x1x32xi32, #tpu.memory_space<vmem>>
      %dma_wait3A_338 = tpu.memref_squeeze %dma_wait3A_337 : memref<1x1x32xi32, #tpu.memory_space<vmem>> -> memref<32xi32, #tpu.memory_space<vmem>>
      %dma_wait3A_339 = arith.constant 0 : i32
      %dma_wait3A_340 = arith.constant 0 : i32
      %dma_wait3A_341 = tpu.memref_slice %arg2[%dma_wait3A_339, %dma_wait3A_340] : memref<10240x128xf32, #tpu.memory_space<hbm>> -> memref<10240x128xf32, #tpu.memory_space<hbm>>
      tpu.wait_indirect_dma semaphore(%arg12 : memref<!tpu.dma_semaphore, #tpu.memory_space<semaphore_mem>>) src(%dma_wait3A_341 : memref<10240x128xf32, #tpu.memory_space<hbm>>) dst(%dma_wait3A_335 : memref<32x128xf32, #tpu.memory_space<vmem>>)
      %dma_wait3A_342 = arith.constant 1 : i32
      %dma_wait3A_343 = arith.constant 1 : i32
      %dma_wait3A_344 = arith.constant 32 : i32
      %dma_wait3A_345 = arith.constant 0 : i32
      %dma_wait3A_346 = tpu.memref_slice %arg9[%dma_wait3A_343, %dma_wait3A_344, %dma_wait3A_345] : memref<2x128x128xf32, #tpu.memory_space<vmem>> -> memref<1x32x128xf32, #tpu.memory_space<vmem>>
      %dma_wait3A_347 = tpu.memref_squeeze %dma_wait3A_346 : memref<1x32x128xf32, #tpu.memory_space<vmem>> -> memref<32x128xf32, #tpu.memory_space<vmem>>
      %dma_wait3A_348 = arith.constant 32 : i32
      %dma_wait3A_349 = tpu.memref_slice %arg7[%rem3A_72, %dma_wait3A_342, %dma_wait3A_348] : memref<2x8x128xi32, #tpu.memory_space<vmem>> -> memref<1x1x32xi32, #tpu.memory_space<vmem>>
      %dma_wait3A_350 = tpu.memref_squeeze %dma_wait3A_349 : memref<1x1x32xi32, #tpu.memory_space<vmem>> -> memref<32xi32, #tpu.memory_space<vmem>>
      %dma_wait3A_351 = arith.constant 0 : i32
      %dma_wait3A_352 = arith.constant 0 : i32
      %dma_wait3A_353 = tpu.memref_slice %arg2[%dma_wait3A_351, %dma_wait3A_352] : memref<10240x128xf32, #tpu.memory_space<hbm>> -> memref<10240x128xf32, #tpu.memory_space<hbm>>
      tpu.wait_indirect_dma semaphore(%arg12 : memref<!tpu.dma_semaphore, #tpu.memory_space<semaphore_mem>>) src(%dma_wait3A_353 : memref<10240x128xf32, #tpu.memory_space<hbm>>) dst(%dma_wait3A_347 : memref<32x128xf32, #tpu.memory_space<vmem>>)
      %dma_wait3A_354 = arith.constant 1 : i32
      %dma_wait3A_355 = arith.constant 1 : i32
      %dma_wait3A_356 = arith.constant 64 : i32
      %dma_wait3A_357 = arith.constant 0 : i32
      %dma_wait3A_358 = tpu.memref_slice %arg9[%dma_wait3A_355, %dma_wait3A_356, %dma_wait3A_357] : memref<2x128x128xf32, #tpu.memory_space<vmem>> -> memref<1x32x128xf32, #tpu.memory_space<vmem>>
      %dma_wait3A_359 = tpu.memref_squeeze %dma_wait3A_358 : memref<1x32x128xf32, #tpu.memory_space<vmem>> -> memref<32x128xf32, #tpu.memory_space<vmem>>
      %dma_wait3A_360 = arith.constant 64 : i32
      %dma_wait3A_361 = tpu.memref_slice %arg7[%rem3A_72, %dma_wait3A_354, %dma_wait3A_360] : memref<2x8x128xi32, #tpu.memory_space<vmem>> -> memref<1x1x32xi32, #tpu.memory_space<vmem>>
      %dma_wait3A_362 = tpu.memref_squeeze %dma_wait3A_361 : memref<1x1x32xi32, #tpu.memory_space<vmem>> -> memref<32xi32, #tpu.memory_space<vmem>>
      %dma_wait3A_363 = arith.constant 0 : i32
      %dma_wait3A_364 = arith.constant 0 : i32
      %dma_wait3A_365 = tpu.memref_slice %arg2[%dma_wait3A_363, %dma_wait3A_364] : memref<10240x128xf32, #tpu.memory_space<hbm>> -> memref<10240x128xf32, #tpu.memory_space<hbm>>
      tpu.wait_indirect_dma semaphore(%arg12 : memref<!tpu.dma_semaphore, #tpu.memory_space<semaphore_mem>>) src(%dma_wait3A_365 : memref<10240x128xf32, #tpu.memory_space<hbm>>) dst(%dma_wait3A_359 : memref<32x128xf32, #tpu.memory_space<vmem>>)
      %dma_wait3A_366 = arith.constant 1 : i32
      %dma_wait3A_367 = arith.constant 1 : i32
      %dma_wait3A_368 = arith.constant 96 : i32
      %dma_wait3A_369 = arith.constant 0 : i32
      %dma_wait3A_370 = tpu.memref_slice %arg9[%dma_wait3A_367, %dma_wait3A_368, %dma_wait3A_369] : memref<2x128x128xf32, #tpu.memory_space<vmem>> -> memref<1x32x128xf32, #tpu.memory_space<vmem>>
      %dma_wait3A_371 = tpu.memref_squeeze %dma_wait3A_370 : memref<1x32x128xf32, #tpu.memory_space<vmem>> -> memref<32x128xf32, #tpu.memory_space<vmem>>
      %dma_wait3A_372 = arith.constant 96 : i32
      %dma_wait3A_373 = tpu.memref_slice %arg7[%rem3A_72, %dma_wait3A_366, %dma_wait3A_372] : memref<2x8x128xi32, #tpu.memory_space<vmem>> -> memref<1x1x32xi32, #tpu.memory_space<vmem>>
      %dma_wait3A_374 = tpu.memref_squeeze %dma_wait3A_373 : memref<1x1x32xi32, #tpu.memory_space<vmem>> -> memref<32xi32, #tpu.memory_space<vmem>>
      %dma_wait3A_375 = arith.constant 0 : i32
      %dma_wait3A_376 = arith.constant 0 : i32
      %dma_wait3A_377 = tpu.memref_slice %arg2[%dma_wait3A_375, %dma_wait3A_376] : memref<10240x128xf32, #tpu.memory_space<hbm>> -> memref<10240x128xf32, #tpu.memory_space<hbm>>
      tpu.wait_indirect_dma semaphore(%arg12 : memref<!tpu.dma_semaphore, #tpu.memory_space<semaphore_mem>>) src(%dma_wait3A_377 : memref<10240x128xf32, #tpu.memory_space<hbm>>) dst(%dma_wait3A_371 : memref<32x128xf32, #tpu.memory_space<vmem>>)
      %dma_start3A_378 = arith.constant 1 : i32
      %dma_start3A_379 = arith.constant 1 : i32
      %dma_start3A_380 = arith.constant 0 : i32
      %dma_start3A_381 = arith.constant 0 : i32
      %dma_start3A_382 = tpu.memref_slice %arg9[%dma_start3A_378, %dma_start3A_380, %dma_start3A_381] : memref<2x128x128xf32, #tpu.memory_space<vmem>> -> memref<1x128x128xf32, #tpu.memory_space<vmem>>
      %dma_start3A_383 = tpu.memref_squeeze %dma_start3A_382 : memref<1x128x128xf32, #tpu.memory_space<vmem>> -> memref<128x128xf32, #tpu.memory_space<vmem>>
      %dma_start3A_384 = arith.constant 0 : i32
      %dma_start3A_385 = tpu.memref_slice %arg8[%rem3A_72, %dma_start3A_379, %dma_start3A_384] : memref<2x8x128xi32, #tpu.memory_space<vmem>> -> memref<1x1x128xi32, #tpu.memory_space<vmem>>
      %dma_start3A_386 = tpu.memref_squeeze %dma_start3A_385 : memref<1x1x128xi32, #tpu.memory_space<vmem>> -> memref<128xi32, #tpu.memory_space<vmem>>
      %dma_start3A_387 = arith.constant 0 : i32
      %dma_start3A_388 = arith.constant 0 : i32
      %dma_start3A_389 = tpu.memref_slice %arg10[%dma_start3A_387, %dma_start3A_388] : memref<10240x128xf32, #tpu.memory_space<vmem_shared>> -> memref<10240x128xf32, #tpu.memory_space<vmem_shared>>
      tpu.enqueue_indirect_dma source(%dma_start3A_383 : memref<128x128xf32, #tpu.memory_space<vmem>>) target(%dma_start3A_389 : memref<10240x128xf32, #tpu.memory_space<vmem_shared>>) offsets(%dma_start3A_386 : memref<128xi32, #tpu.memory_space<vmem>>) semaphore(%arg14 : memref<!tpu.dma_semaphore, #tpu.memory_space<semaphore_mem>>) {add = true}
      %dma_wait3A_390 = arith.constant 1 : i32
      %dma_wait3A_391 = arith.constant 1 : i32
      %dma_wait3A_392 = arith.constant 0 : i32
      %dma_wait3A_393 = arith.constant 0 : i32
      %dma_wait3A_394 = tpu.memref_slice %arg9[%dma_wait3A_390, %dma_wait3A_392, %dma_wait3A_393] : memref<2x128x128xf32, #tpu.memory_space<vmem>> -> memref<1x128x128xf32, #tpu.memory_space<vmem>>
      %dma_wait3A_395 = tpu.memref_squeeze %dma_wait3A_394 : memref<1x128x128xf32, #tpu.memory_space<vmem>> -> memref<128x128xf32, #tpu.memory_space<vmem>>
      %dma_wait3A_396 = arith.constant 0 : i32
      %dma_wait3A_397 = tpu.memref_slice %arg8[%rem3A_72, %dma_wait3A_391, %dma_wait3A_396] : memref<2x8x128xi32, #tpu.memory_space<vmem>> -> memref<1x1x128xi32, #tpu.memory_space<vmem>>
      %dma_wait3A_398 = tpu.memref_squeeze %dma_wait3A_397 : memref<1x1x128xi32, #tpu.memory_space<vmem>> -> memref<128xi32, #tpu.memory_space<vmem>>
      %dma_wait3A_399 = arith.constant 0 : i32
      %dma_wait3A_400 = arith.constant 0 : i32
      %dma_wait3A_401 = tpu.memref_slice %arg10[%dma_wait3A_399, %dma_wait3A_400] : memref<10240x128xf32, #tpu.memory_space<vmem_shared>> -> memref<10240x128xf32, #tpu.memory_space<vmem_shared>>
      tpu.wait_indirect_dma semaphore(%arg14 : memref<!tpu.dma_semaphore, #tpu.memory_space<semaphore_mem>>) src(%dma_wait3A_395 : memref<128x128xf32, #tpu.memory_space<vmem>>) dst(%dma_wait3A_401 : memref<10240x128xf32, #tpu.memory_space<vmem_shared>>)
      %dma_start3A_402 = arith.constant 3 : i32
      %dma_start3A_403 = arith.constant 1 : i32
      %dma_start3A_404 = arith.constant 0 : i32
      %dma_start3A_405 = arith.constant 0 : i32
      %dma_start3A_406 = tpu.memref_slice %arg9[%dma_start3A_403, %dma_start3A_404, %dma_start3A_405] : memref<2x128x128xf32, #tpu.memory_space<vmem>> -> memref<1x32x128xf32, #tpu.memory_space<vmem>>
      %dma_start3A_407 = tpu.memref_squeeze %dma_start3A_406 : memref<1x32x128xf32, #tpu.memory_space<vmem>> -> memref<32x128xf32, #tpu.memory_space<vmem>>
      %dma_start3A_408 = arith.constant 0 : i32
      %dma_start3A_409 = tpu.memref_slice %arg7[%rem3A_72, %dma_start3A_402, %dma_start3A_408] : memref<2x8x128xi32, #tpu.memory_space<vmem>> -> memref<1x1x32xi32, #tpu.memory_space<vmem>>
      %dma_start3A_410 = tpu.memref_squeeze %dma_start3A_409 : memref<1x1x32xi32, #tpu.memory_space<vmem>> -> memref<32xi32, #tpu.memory_space<vmem>>
      %dma_start3A_411 = arith.constant 0 : i32
      %dma_start3A_412 = arith.constant 0 : i32
      %dma_start3A_413 = tpu.memref_slice %arg2[%dma_start3A_411, %dma_start3A_412] : memref<10240x128xf32, #tpu.memory_space<hbm>> -> memref<10240x128xf32, #tpu.memory_space<hbm>>
      tpu.enqueue_indirect_dma source(%dma_start3A_413 : memref<10240x128xf32, #tpu.memory_space<hbm>>) target(%dma_start3A_407 : memref<32x128xf32, #tpu.memory_space<vmem>>) offsets(%dma_start3A_410 : memref<32xi32, #tpu.memory_space<vmem>>) semaphore(%arg12 : memref<!tpu.dma_semaphore, #tpu.memory_space<semaphore_mem>>)
      %dma_start3A_414 = arith.constant 3 : i32
      %dma_start3A_415 = arith.constant 1 : i32
      %dma_start3A_416 = arith.constant 32 : i32
      %dma_start3A_417 = arith.constant 0 : i32
      %dma_start3A_418 = tpu.memref_slice %arg9[%dma_start3A_415, %dma_start3A_416, %dma_start3A_417] : memref<2x128x128xf32, #tpu.memory_space<vmem>> -> memref<1x32x128xf32, #tpu.memory_space<vmem>>
      %dma_start3A_419 = tpu.memref_squeeze %dma_start3A_418 : memref<1x32x128xf32, #tpu.memory_space<vmem>> -> memref<32x128xf32, #tpu.memory_space<vmem>>
      %dma_start3A_420 = arith.constant 32 : i32
      %dma_start3A_421 = tpu.memref_slice %arg7[%rem3A_72, %dma_start3A_414, %dma_start3A_420] : memref<2x8x128xi32, #tpu.memory_space<vmem>> -> memref<1x1x32xi32, #tpu.memory_space<vmem>>
      %dma_start3A_422 = tpu.memref_squeeze %dma_start3A_421 : memref<1x1x32xi32, #tpu.memory_space<vmem>> -> memref<32xi32, #tpu.memory_space<vmem>>
      %dma_start3A_423 = arith.constant 0 : i32
      %dma_start3A_424 = arith.constant 0 : i32
      %dma_start3A_425 = tpu.memref_slice %arg2[%dma_start3A_423, %dma_start3A_424] : memref<10240x128xf32, #tpu.memory_space<hbm>> -> memref<10240x128xf32, #tpu.memory_space<hbm>>
      tpu.enqueue_indirect_dma source(%dma_start3A_425 : memref<10240x128xf32, #tpu.memory_space<hbm>>) target(%dma_start3A_419 : memref<32x128xf32, #tpu.memory_space<vmem>>) offsets(%dma_start3A_422 : memref<32xi32, #tpu.memory_space<vmem>>) semaphore(%arg12 : memref<!tpu.dma_semaphore, #tpu.memory_space<semaphore_mem>>)
      %dma_start3A_426 = arith.constant 3 : i32
      %dma_start3A_427 = arith.constant 1 : i32
      %dma_start3A_428 = arith.constant 64 : i32
      %dma_start3A_429 = arith.constant 0 : i32
      %dma_start3A_430 = tpu.memref_slice %arg9[%dma_start3A_427, %dma_start3A_428, %dma_start3A_429] : memref<2x128x128xf32, #tpu.memory_space<vmem>> -> memref<1x32x128xf32, #tpu.memory_space<vmem>>
      %dma_start3A_431 = tpu.memref_squeeze %dma_start3A_430 : memref<1x32x128xf32, #tpu.memory_space<vmem>> -> memref<32x128xf32, #tpu.memory_space<vmem>>
      %dma_start3A_432 = arith.constant 64 : i32
      %dma_start3A_433 = tpu.memref_slice %arg7[%rem3A_72, %dma_start3A_426, %dma_start3A_432] : memref<2x8x128xi32, #tpu.memory_space<vmem>> -> memref<1x1x32xi32, #tpu.memory_space<vmem>>
      %dma_start3A_434 = tpu.memref_squeeze %dma_start3A_433 : memref<1x1x32xi32, #tpu.memory_space<vmem>> -> memref<32xi32, #tpu.memory_space<vmem>>
      %dma_start3A_435 = arith.constant 0 : i32
      %dma_start3A_436 = arith.constant 0 : i32
      %dma_start3A_437 = tpu.memref_slice %arg2[%dma_start3A_435, %dma_start3A_436] : memref<10240x128xf32, #tpu.memory_space<hbm>> -> memref<10240x128xf32, #tpu.memory_space<hbm>>
      tpu.enqueue_indirect_dma source(%dma_start3A_437 : memref<10240x128xf32, #tpu.memory_space<hbm>>) target(%dma_start3A_431 : memref<32x128xf32, #tpu.memory_space<vmem>>) offsets(%dma_start3A_434 : memref<32xi32, #tpu.memory_space<vmem>>) semaphore(%arg12 : memref<!tpu.dma_semaphore, #tpu.memory_space<semaphore_mem>>)
      %dma_start3A_438 = arith.constant 3 : i32
      %dma_start3A_439 = arith.constant 1 : i32
      %dma_start3A_440 = arith.constant 96 : i32
      %dma_start3A_441 = arith.constant 0 : i32
      %dma_start3A_442 = tpu.memref_slice %arg9[%dma_start3A_439, %dma_start3A_440, %dma_start3A_441] : memref<2x128x128xf32, #tpu.memory_space<vmem>> -> memref<1x32x128xf32, #tpu.memory_space<vmem>>
      %dma_start3A_443 = tpu.memref_squeeze %dma_start3A_442 : memref<1x32x128xf32, #tpu.memory_space<vmem>> -> memref<32x128xf32, #tpu.memory_space<vmem>>
      %dma_start3A_444 = arith.constant 96 : i32
      %dma_start3A_445 = tpu.memref_slice %arg7[%rem3A_72, %dma_start3A_438, %dma_start3A_444] : memref<2x8x128xi32, #tpu.memory_space<vmem>> -> memref<1x1x32xi32, #tpu.memory_space<vmem>>
      %dma_start3A_446 = tpu.memref_squeeze %dma_start3A_445 : memref<1x1x32xi32, #tpu.memory_space<vmem>> -> memref<32xi32, #tpu.memory_space<vmem>>
      %dma_start3A_447 = arith.constant 0 : i32
      %dma_start3A_448 = arith.constant 0 : i32
      %dma_start3A_449 = tpu.memref_slice %arg2[%dma_start3A_447, %dma_start3A_448] : memref<10240x128xf32, #tpu.memory_space<hbm>> -> memref<10240x128xf32, #tpu.memory_space<hbm>>
      tpu.enqueue_indirect_dma source(%dma_start3A_449 : memref<10240x128xf32, #tpu.memory_space<hbm>>) target(%dma_start3A_443 : memref<32x128xf32, #tpu.memory_space<vmem>>) offsets(%dma_start3A_446 : memref<32xi32, #tpu.memory_space<vmem>>) semaphore(%arg12 : memref<!tpu.dma_semaphore, #tpu.memory_space<semaphore_mem>>)
      %dma_wait3A_450 = arith.constant 2 : i32
      %dma_wait3A_451 = arith.constant 0 : i32
      %dma_wait3A_452 = arith.constant 0 : i32
      %dma_wait3A_453 = arith.constant 0 : i32
      %dma_wait3A_454 = tpu.memref_slice %arg9[%dma_wait3A_451, %dma_wait3A_452, %dma_wait3A_453] : memref<2x128x128xf32, #tpu.memory_space<vmem>> -> memref<1x32x128xf32, #tpu.memory_space<vmem>>
      %dma_wait3A_455 = tpu.memref_squeeze %dma_wait3A_454 : memref<1x32x128xf32, #tpu.memory_space<vmem>> -> memref<32x128xf32, #tpu.memory_space<vmem>>
      %dma_wait3A_456 = arith.constant 0 : i32
      %dma_wait3A_457 = tpu.memref_slice %arg7[%rem3A_72, %dma_wait3A_450, %dma_wait3A_456] : memref<2x8x128xi32, #tpu.memory_space<vmem>> -> memref<1x1x32xi32, #tpu.memory_space<vmem>>
      %dma_wait3A_458 = tpu.memref_squeeze %dma_wait3A_457 : memref<1x1x32xi32, #tpu.memory_space<vmem>> -> memref<32xi32, #tpu.memory_space<vmem>>
      %dma_wait3A_459 = arith.constant 0 : i32
      %dma_wait3A_460 = arith.constant 0 : i32
      %dma_wait3A_461 = tpu.memref_slice %arg2[%dma_wait3A_459, %dma_wait3A_460] : memref<10240x128xf32, #tpu.memory_space<hbm>> -> memref<10240x128xf32, #tpu.memory_space<hbm>>
      tpu.wait_indirect_dma semaphore(%arg11 : memref<!tpu.dma_semaphore, #tpu.memory_space<semaphore_mem>>) src(%dma_wait3A_461 : memref<10240x128xf32, #tpu.memory_space<hbm>>) dst(%dma_wait3A_455 : memref<32x128xf32, #tpu.memory_space<vmem>>)
      %dma_wait3A_462 = arith.constant 2 : i32
      %dma_wait3A_463 = arith.constant 0 : i32
      %dma_wait3A_464 = arith.constant 32 : i32
      %dma_wait3A_465 = arith.constant 0 : i32
      %dma_wait3A_466 = tpu.memref_slice %arg9[%dma_wait3A_463, %dma_wait3A_464, %dma_wait3A_465] : memref<2x128x128xf32, #tpu.memory_space<vmem>> -> memref<1x32x128xf32, #tpu.memory_space<vmem>>
      %dma_wait3A_467 = tpu.memref_squeeze %dma_wait3A_466 : memref<1x32x128xf32, #tpu.memory_space<vmem>> -> memref<32x128xf32, #tpu.memory_space<vmem>>
      %dma_wait3A_468 = arith.constant 32 : i32
      %dma_wait3A_469 = tpu.memref_slice %arg7[%rem3A_72, %dma_wait3A_462, %dma_wait3A_468] : memref<2x8x128xi32, #tpu.memory_space<vmem>> -> memref<1x1x32xi32, #tpu.memory_space<vmem>>
      %dma_wait3A_470 = tpu.memref_squeeze %dma_wait3A_469 : memref<1x1x32xi32, #tpu.memory_space<vmem>> -> memref<32xi32, #tpu.memory_space<vmem>>
      %dma_wait3A_471 = arith.constant 0 : i32
      %dma_wait3A_472 = arith.constant 0 : i32
      %dma_wait3A_473 = tpu.memref_slice %arg2[%dma_wait3A_471, %dma_wait3A_472] : memref<10240x128xf32, #tpu.memory_space<hbm>> -> memref<10240x128xf32, #tpu.memory_space<hbm>>
      tpu.wait_indirect_dma semaphore(%arg11 : memref<!tpu.dma_semaphore, #tpu.memory_space<semaphore_mem>>) src(%dma_wait3A_473 : memref<10240x128xf32, #tpu.memory_space<hbm>>) dst(%dma_wait3A_467 : memref<32x128xf32, #tpu.memory_space<vmem>>)
      %dma_wait3A_474 = arith.constant 2 : i32
      %dma_wait3A_475 = arith.constant 0 : i32
      %dma_wait3A_476 = arith.constant 64 : i32
      %dma_wait3A_477 = arith.constant 0 : i32
      %dma_wait3A_478 = tpu.memref_slice %arg9[%dma_wait3A_475, %dma_wait3A_476, %dma_wait3A_477] : memref<2x128x128xf32, #tpu.memory_space<vmem>> -> memref<1x32x128xf32, #tpu.memory_space<vmem>>
      %dma_wait3A_479 = tpu.memref_squeeze %dma_wait3A_478 : memref<1x32x128xf32, #tpu.memory_space<vmem>> -> memref<32x128xf32, #tpu.memory_space<vmem>>
      %dma_wait3A_480 = arith.constant 64 : i32
      %dma_wait3A_481 = tpu.memref_slice %arg7[%rem3A_72, %dma_wait3A_474, %dma_wait3A_480] : memref<2x8x128xi32, #tpu.memory_space<vmem>> -> memref<1x1x32xi32, #tpu.memory_space<vmem>>
      %dma_wait3A_482 = tpu.memref_squeeze %dma_wait3A_481 : memref<1x1x32xi32, #tpu.memory_space<vmem>> -> memref<32xi32, #tpu.memory_space<vmem>>
      %dma_wait3A_483 = arith.constant 0 : i32
      %dma_wait3A_484 = arith.constant 0 : i32
      %dma_wait3A_485 = tpu.memref_slice %arg2[%dma_wait3A_483, %dma_wait3A_484] : memref<10240x128xf32, #tpu.memory_space<hbm>> -> memref<10240x128xf32, #tpu.memory_space<hbm>>
      tpu.wait_indirect_dma semaphore(%arg11 : memref<!tpu.dma_semaphore, #tpu.memory_space<semaphore_mem>>) src(%dma_wait3A_485 : memref<10240x128xf32, #tpu.memory_space<hbm>>) dst(%dma_wait3A_479 : memref<32x128xf32, #tpu.memory_space<vmem>>)
      %dma_wait3A_486 = arith.constant 2 : i32
      %dma_wait3A_487 = arith.constant 0 : i32
      %dma_wait3A_488 = arith.constant 96 : i32
      %dma_wait3A_489 = arith.constant 0 : i32
      %dma_wait3A_490 = tpu.memref_slice %arg9[%dma_wait3A_487, %dma_wait3A_488, %dma_wait3A_489] : memref<2x128x128xf32, #tpu.memory_space<vmem>> -> memref<1x32x128xf32, #tpu.memory_space<vmem>>
      %dma_wait3A_491 = tpu.memref_squeeze %dma_wait3A_490 : memref<1x32x128xf32, #tpu.memory_space<vmem>> -> memref<32x128xf32, #tpu.memory_space<vmem>>
      %dma_wait3A_492 = arith.constant 96 : i32
      %dma_wait3A_493 = tpu.memref_slice %arg7[%rem3A_72, %dma_wait3A_486, %dma_wait3A_492] : memref<2x8x128xi32, #tpu.memory_space<vmem>> -> memref<1x1x32xi32, #tpu.memory_space<vmem>>
      %dma_wait3A_494 = tpu.memref_squeeze %dma_wait3A_493 : memref<1x1x32xi32, #tpu.memory_space<vmem>> -> memref<32xi32, #tpu.memory_space<vmem>>
      %dma_wait3A_495 = arith.constant 0 : i32
      %dma_wait3A_496 = arith.constant 0 : i32
      %dma_wait3A_497 = tpu.memref_slice %arg2[%dma_wait3A_495, %dma_wait3A_496] : memref<10240x128xf32, #tpu.memory_space<hbm>> -> memref<10240x128xf32, #tpu.memory_space<hbm>>
      tpu.wait_indirect_dma semaphore(%arg11 : memref<!tpu.dma_semaphore, #tpu.memory_space<semaphore_mem>>) src(%dma_wait3A_497 : memref<10240x128xf32, #tpu.memory_space<hbm>>) dst(%dma_wait3A_491 : memref<32x128xf32, #tpu.memory_space<vmem>>)
      %dma_start3A_498 = arith.constant 0 : i32
      %dma_start3A_499 = arith.constant 2 : i32
      %dma_start3A_500 = arith.constant 0 : i32
      %dma_start3A_501 = arith.constant 0 : i32
      %dma_start3A_502 = tpu.memref_slice %arg9[%dma_start3A_498, %dma_start3A_500, %dma_start3A_501] : memref<2x128x128xf32, #tpu.memory_space<vmem>> -> memref<1x128x128xf32, #tpu.memory_space<vmem>>
      %dma_start3A_503 = tpu.memref_squeeze %dma_start3A_502 : memref<1x128x128xf32, #tpu.memory_space<vmem>> -> memref<128x128xf32, #tpu.memory_space<vmem>>
      %dma_start3A_504 = arith.constant 0 : i32
      %dma_start3A_505 = tpu.memref_slice %arg8[%rem3A_72, %dma_start3A_499, %dma_start3A_504] : memref<2x8x128xi32, #tpu.memory_space<vmem>> -> memref<1x1x128xi32, #tpu.memory_space<vmem>>
      %dma_start3A_506 = tpu.memref_squeeze %dma_start3A_505 : memref<1x1x128xi32, #tpu.memory_space<vmem>> -> memref<128xi32, #tpu.memory_space<vmem>>
      %dma_start3A_507 = arith.constant 0 : i32
      %dma_start3A_508 = arith.constant 0 : i32
      %dma_start3A_509 = tpu.memref_slice %arg10[%dma_start3A_507, %dma_start3A_508] : memref<10240x128xf32, #tpu.memory_space<vmem_shared>> -> memref<10240x128xf32, #tpu.memory_space<vmem_shared>>
      tpu.enqueue_indirect_dma source(%dma_start3A_503 : memref<128x128xf32, #tpu.memory_space<vmem>>) target(%dma_start3A_509 : memref<10240x128xf32, #tpu.memory_space<vmem_shared>>) offsets(%dma_start3A_506 : memref<128xi32, #tpu.memory_space<vmem>>) semaphore(%arg13 : memref<!tpu.dma_semaphore, #tpu.memory_space<semaphore_mem>>) {add = true}
      %dma_wait3A_510 = arith.constant 0 : i32
      %dma_wait3A_511 = arith.constant 2 : i32
      %dma_wait3A_512 = arith.constant 0 : i32
      %dma_wait3A_513 = arith.constant 0 : i32
      %dma_wait3A_514 = tpu.memref_slice %arg9[%dma_wait3A_510, %dma_wait3A_512, %dma_wait3A_513] : memref<2x128x128xf32, #tpu.memory_space<vmem>> -> memref<1x128x128xf32, #tpu.memory_space<vmem>>
      %dma_wait3A_515 = tpu.memref_squeeze %dma_wait3A_514 : memref<1x128x128xf32, #tpu.memory_space<vmem>> -> memref<128x128xf32, #tpu.memory_space<vmem>>
      %dma_wait3A_516 = arith.constant 0 : i32
      %dma_wait3A_517 = tpu.memref_slice %arg8[%rem3A_72, %dma_wait3A_511, %dma_wait3A_516] : memref<2x8x128xi32, #tpu.memory_space<vmem>> -> memref<1x1x128xi32, #tpu.memory_space<vmem>>
      %dma_wait3A_518 = tpu.memref_squeeze %dma_wait3A_517 : memref<1x1x128xi32, #tpu.memory_space<vmem>> -> memref<128xi32, #tpu.memory_space<vmem>>
      %dma_wait3A_519 = arith.constant 0 : i32
      %dma_wait3A_520 = arith.constant 0 : i32
      %dma_wait3A_521 = tpu.memref_slice %arg10[%dma_wait3A_519, %dma_wait3A_520] : memref<10240x128xf32, #tpu.memory_space<vmem_shared>> -> memref<10240x128xf32, #tpu.memory_space<vmem_shared>>
      tpu.wait_indirect_dma semaphore(%arg13 : memref<!tpu.dma_semaphore, #tpu.memory_space<semaphore_mem>>) src(%dma_wait3A_515 : memref<128x128xf32, #tpu.memory_space<vmem>>) dst(%dma_wait3A_521 : memref<10240x128xf32, #tpu.memory_space<vmem_shared>>)
      %dma_start3A_522 = arith.constant 4 : i32
      %dma_start3A_523 = arith.constant 0 : i32
      %dma_start3A_524 = arith.constant 0 : i32
      %dma_start3A_525 = arith.constant 0 : i32
      %dma_start3A_526 = tpu.memref_slice %arg9[%dma_start3A_523, %dma_start3A_524, %dma_start3A_525] : memref<2x128x128xf32, #tpu.memory_space<vmem>> -> memref<1x32x128xf32, #tpu.memory_space<vmem>>
      %dma_start3A_527 = tpu.memref_squeeze %dma_start3A_526 : memref<1x32x128xf32, #tpu.memory_space<vmem>> -> memref<32x128xf32, #tpu.memory_space<vmem>>
      %dma_start3A_528 = arith.constant 0 : i32
      %dma_start3A_529 = tpu.memref_slice %arg7[%rem3A_72, %dma_start3A_522, %dma_start3A_528] : memref<2x8x128xi32, #tpu.memory_space<vmem>> -> memref<1x1x32xi32, #tpu.memory_space<vmem>>
      %dma_start3A_530 = tpu.memref_squeeze %dma_start3A_529 : memref<1x1x32xi32, #tpu.memory_space<vmem>> -> memref<32xi32, #tpu.memory_space<vmem>>
      %dma_start3A_531 = arith.constant 0 : i32
      %dma_start3A_532 = arith.constant 0 : i32
      %dma_start3A_533 = tpu.memref_slice %arg2[%dma_start3A_531, %dma_start3A_532] : memref<10240x128xf32, #tpu.memory_space<hbm>> -> memref<10240x128xf32, #tpu.memory_space<hbm>>
      tpu.enqueue_indirect_dma source(%dma_start3A_533 : memref<10240x128xf32, #tpu.memory_space<hbm>>) target(%dma_start3A_527 : memref<32x128xf32, #tpu.memory_space<vmem>>) offsets(%dma_start3A_530 : memref<32xi32, #tpu.memory_space<vmem>>) semaphore(%arg11 : memref<!tpu.dma_semaphore, #tpu.memory_space<semaphore_mem>>)
      %dma_start3A_534 = arith.constant 4 : i32
      %dma_start3A_535 = arith.constant 0 : i32
      %dma_start3A_536 = arith.constant 32 : i32
      %dma_start3A_537 = arith.constant 0 : i32
      %dma_start3A_538 = tpu.memref_slice %arg9[%dma_start3A_535, %dma_start3A_536, %dma_start3A_537] : memref<2x128x128xf32, #tpu.memory_space<vmem>> -> memref<1x32x128xf32, #tpu.memory_space<vmem>>
      %dma_start3A_539 = tpu.memref_squeeze %dma_start3A_538 : memref<1x32x128xf32, #tpu.memory_space<vmem>> -> memref<32x128xf32, #tpu.memory_space<vmem>>
      %dma_start3A_540 = arith.constant 32 : i32
      %dma_start3A_541 = tpu.memref_slice %arg7[%rem3A_72, %dma_start3A_534, %dma_start3A_540] : memref<2x8x128xi32, #tpu.memory_space<vmem>> -> memref<1x1x32xi32, #tpu.memory_space<vmem>>
      %dma_start3A_542 = tpu.memref_squeeze %dma_start3A_541 : memref<1x1x32xi32, #tpu.memory_space<vmem>> -> memref<32xi32, #tpu.memory_space<vmem>>
      %dma_start3A_543 = arith.constant 0 : i32
      %dma_start3A_544 = arith.constant 0 : i32
      %dma_start3A_545 = tpu.memref_slice %arg2[%dma_start3A_543, %dma_start3A_544] : memref<10240x128xf32, #tpu.memory_space<hbm>> -> memref<10240x128xf32, #tpu.memory_space<hbm>>
      tpu.enqueue_indirect_dma source(%dma_start3A_545 : memref<10240x128xf32, #tpu.memory_space<hbm>>) target(%dma_start3A_539 : memref<32x128xf32, #tpu.memory_space<vmem>>) offsets(%dma_start3A_542 : memref<32xi32, #tpu.memory_space<vmem>>) semaphore(%arg11 : memref<!tpu.dma_semaphore, #tpu.memory_space<semaphore_mem>>)
      %dma_start3A_546 = arith.constant 4 : i32
      %dma_start3A_547 = arith.constant 0 : i32
      %dma_start3A_548 = arith.constant 64 : i32
      %dma_start3A_549 = arith.constant 0 : i32
      %dma_start3A_550 = tpu.memref_slice %arg9[%dma_start3A_547, %dma_start3A_548, %dma_start3A_549] : memref<2x128x128xf32, #tpu.memory_space<vmem>> -> memref<1x32x128xf32, #tpu.memory_space<vmem>>
      %dma_start3A_551 = tpu.memref_squeeze %dma_start3A_550 : memref<1x32x128xf32, #tpu.memory_space<vmem>> -> memref<32x128xf32, #tpu.memory_space<vmem>>
      %dma_start3A_552 = arith.constant 64 : i32
      %dma_start3A_553 = tpu.memref_slice %arg7[%rem3A_72, %dma_start3A_546, %dma_start3A_552] : memref<2x8x128xi32, #tpu.memory_space<vmem>> -> memref<1x1x32xi32, #tpu.memory_space<vmem>>
      %dma_start3A_554 = tpu.memref_squeeze %dma_start3A_553 : memref<1x1x32xi32, #tpu.memory_space<vmem>> -> memref<32xi32, #tpu.memory_space<vmem>>
      %dma_start3A_555 = arith.constant 0 : i32
      %dma_start3A_556 = arith.constant 0 : i32
      %dma_start3A_557 = tpu.memref_slice %arg2[%dma_start3A_555, %dma_start3A_556] : memref<10240x128xf32, #tpu.memory_space<hbm>> -> memref<10240x128xf32, #tpu.memory_space<hbm>>
      tpu.enqueue_indirect_dma source(%dma_start3A_557 : memref<10240x128xf32, #tpu.memory_space<hbm>>) target(%dma_start3A_551 : memref<32x128xf32, #tpu.memory_space<vmem>>) offsets(%dma_start3A_554 : memref<32xi32, #tpu.memory_space<vmem>>) semaphore(%arg11 : memref<!tpu.dma_semaphore, #tpu.memory_space<semaphore_mem>>)
      %dma_start3A_558 = arith.constant 4 : i32
      %dma_start3A_559 = arith.constant 0 : i32
      %dma_start3A_560 = arith.constant 96 : i32
      %dma_start3A_561 = arith.constant 0 : i32
      %dma_start3A_562 = tpu.memref_slice %arg9[%dma_start3A_559, %dma_start3A_560, %dma_start3A_561] : memref<2x128x128xf32, #tpu.memory_space<vmem>> -> memref<1x32x128xf32, #tpu.memory_space<vmem>>
      %dma_start3A_563 = tpu.memref_squeeze %dma_start3A_562 : memref<1x32x128xf32, #tpu.memory_space<vmem>> -> memref<32x128xf32, #tpu.memory_space<vmem>>
      %dma_start3A_564 = arith.constant 96 : i32
      %dma_start3A_565 = tpu.memref_slice %arg7[%rem3A_72, %dma_start3A_558, %dma_start3A_564] : memref<2x8x128xi32, #tpu.memory_space<vmem>> -> memref<1x1x32xi32, #tpu.memory_space<vmem>>
      %dma_start3A_566 = tpu.memref_squeeze %dma_start3A_565 : memref<1x1x32xi32, #tpu.memory_space<vmem>> -> memref<32xi32, #tpu.memory_space<vmem>>
      %dma_start3A_567 = arith.constant 0 : i32
      %dma_start3A_568 = arith.constant 0 : i32
      %dma_start3A_569 = tpu.memref_slice %arg2[%dma_start3A_567, %dma_start3A_568] : memref<10240x128xf32, #tpu.memory_space<hbm>> -> memref<10240x128xf32, #tpu.memory_space<hbm>>
      tpu.enqueue_indirect_dma source(%dma_start3A_569 : memref<10240x128xf32, #tpu.memory_space<hbm>>) target(%dma_start3A_563 : memref<32x128xf32, #tpu.memory_space<vmem>>) offsets(%dma_start3A_566 : memref<32xi32, #tpu.memory_space<vmem>>) semaphore(%arg11 : memref<!tpu.dma_semaphore, #tpu.memory_space<semaphore_mem>>)
      %dma_wait3A_570 = arith.constant 3 : i32
      %dma_wait3A_571 = arith.constant 1 : i32
      %dma_wait3A_572 = arith.constant 0 : i32
      %dma_wait3A_573 = arith.constant 0 : i32
      %dma_wait3A_574 = tpu.memref_slice %arg9[%dma_wait3A_571, %dma_wait3A_572, %dma_wait3A_573] : memref<2x128x128xf32, #tpu.memory_space<vmem>> -> memref<1x32x128xf32, #tpu.memory_space<vmem>>
      %dma_wait3A_575 = tpu.memref_squeeze %dma_wait3A_574 : memref<1x32x128xf32, #tpu.memory_space<vmem>> -> memref<32x128xf32, #tpu.memory_space<vmem>>
      %dma_wait3A_576 = arith.constant 0 : i32
      %dma_wait3A_577 = tpu.memref_slice %arg7[%rem3A_72, %dma_wait3A_570, %dma_wait3A_576] : memref<2x8x128xi32, #tpu.memory_space<vmem>> -> memref<1x1x32xi32, #tpu.memory_space<vmem>>
      %dma_wait3A_578 = tpu.memref_squeeze %dma_wait3A_577 : memref<1x1x32xi32, #tpu.memory_space<vmem>> -> memref<32xi32, #tpu.memory_space<vmem>>
      %dma_wait3A_579 = arith.constant 0 : i32
      %dma_wait3A_580 = arith.constant 0 : i32
      %dma_wait3A_581 = tpu.memref_slice %arg2[%dma_wait3A_579, %dma_wait3A_580] : memref<10240x128xf32, #tpu.memory_space<hbm>> -> memref<10240x128xf32, #tpu.memory_space<hbm>>
      tpu.wait_indirect_dma semaphore(%arg12 : memref<!tpu.dma_semaphore, #tpu.memory_space<semaphore_mem>>) src(%dma_wait3A_581 : memref<10240x128xf32, #tpu.memory_space<hbm>>) dst(%dma_wait3A_575 : memref<32x128xf32, #tpu.memory_space<vmem>>)
      %dma_wait3A_582 = arith.constant 3 : i32
      %dma_wait3A_583 = arith.constant 1 : i32
      %dma_wait3A_584 = arith.constant 32 : i32
      %dma_wait3A_585 = arith.constant 0 : i32
      %dma_wait3A_586 = tpu.memref_slice %arg9[%dma_wait3A_583, %dma_wait3A_584, %dma_wait3A_585] : memref<2x128x128xf32, #tpu.memory_space<vmem>> -> memref<1x32x128xf32, #tpu.memory_space<vmem>>
      %dma_wait3A_587 = tpu.memref_squeeze %dma_wait3A_586 : memref<1x32x128xf32, #tpu.memory_space<vmem>> -> memref<32x128xf32, #tpu.memory_space<vmem>>
      %dma_wait3A_588 = arith.constant 32 : i32
      %dma_wait3A_589 = tpu.memref_slice %arg7[%rem3A_72, %dma_wait3A_582, %dma_wait3A_588] : memref<2x8x128xi32, #tpu.memory_space<vmem>> -> memref<1x1x32xi32, #tpu.memory_space<vmem>>
      %dma_wait3A_590 = tpu.memref_squeeze %dma_wait3A_589 : memref<1x1x32xi32, #tpu.memory_space<vmem>> -> memref<32xi32, #tpu.memory_space<vmem>>
      %dma_wait3A_591 = arith.constant 0 : i32
      %dma_wait3A_592 = arith.constant 0 : i32
      %dma_wait3A_593 = tpu.memref_slice %arg2[%dma_wait3A_591, %dma_wait3A_592] : memref<10240x128xf32, #tpu.memory_space<hbm>> -> memref<10240x128xf32, #tpu.memory_space<hbm>>
      tpu.wait_indirect_dma semaphore(%arg12 : memref<!tpu.dma_semaphore, #tpu.memory_space<semaphore_mem>>) src(%dma_wait3A_593 : memref<10240x128xf32, #tpu.memory_space<hbm>>) dst(%dma_wait3A_587 : memref<32x128xf32, #tpu.memory_space<vmem>>)
      %dma_wait3A_594 = arith.constant 3 : i32
      %dma_wait3A_595 = arith.constant 1 : i32
      %dma_wait3A_596 = arith.constant 64 : i32
      %dma_wait3A_597 = arith.constant 0 : i32
      %dma_wait3A_598 = tpu.memref_slice %arg9[%dma_wait3A_595, %dma_wait3A_596, %dma_wait3A_597] : memref<2x128x128xf32, #tpu.memory_space<vmem>> -> memref<1x32x128xf32, #tpu.memory_space<vmem>>
      %dma_wait3A_599 = tpu.memref_squeeze %dma_wait3A_598 : memref<1x32x128xf32, #tpu.memory_space<vmem>> -> memref<32x128xf32, #tpu.memory_space<vmem>>
      %dma_wait3A_600 = arith.constant 64 : i32
      %dma_wait3A_601 = tpu.memref_slice %arg7[%rem3A_72, %dma_wait3A_594, %dma_wait3A_600] : memref<2x8x128xi32, #tpu.memory_space<vmem>> -> memref<1x1x32xi32, #tpu.memory_space<vmem>>
      %dma_wait3A_602 = tpu.memref_squeeze %dma_wait3A_601 : memref<1x1x32xi32, #tpu.memory_space<vmem>> -> memref<32xi32, #tpu.memory_space<vmem>>
      %dma_wait3A_603 = arith.constant 0 : i32
      %dma_wait3A_604 = arith.constant 0 : i32
      %dma_wait3A_605 = tpu.memref_slice %arg2[%dma_wait3A_603, %dma_wait3A_604] : memref<10240x128xf32, #tpu.memory_space<hbm>> -> memref<10240x128xf32, #tpu.memory_space<hbm>>
      tpu.wait_indirect_dma semaphore(%arg12 : memref<!tpu.dma_semaphore, #tpu.memory_space<semaphore_mem>>) src(%dma_wait3A_605 : memref<10240x128xf32, #tpu.memory_space<hbm>>) dst(%dma_wait3A_599 : memref<32x128xf32, #tpu.memory_space<vmem>>)
      %dma_wait3A_606 = arith.constant 3 : i32
      %dma_wait3A_607 = arith.constant 1 : i32
      %dma_wait3A_608 = arith.constant 96 : i32
      %dma_wait3A_609 = arith.constant 0 : i32
      %dma_wait3A_610 = tpu.memref_slice %arg9[%dma_wait3A_607, %dma_wait3A_608, %dma_wait3A_609] : memref<2x128x128xf32, #tpu.memory_space<vmem>> -> memref<1x32x128xf32, #tpu.memory_space<vmem>>
      %dma_wait3A_611 = tpu.memref_squeeze %dma_wait3A_610 : memref<1x32x128xf32, #tpu.memory_space<vmem>> -> memref<32x128xf32, #tpu.memory_space<vmem>>
      %dma_wait3A_612 = arith.constant 96 : i32
      %dma_wait3A_613 = tpu.memref_slice %arg7[%rem3A_72, %dma_wait3A_606, %dma_wait3A_612] : memref<2x8x128xi32, #tpu.memory_space<vmem>> -> memref<1x1x32xi32, #tpu.memory_space<vmem>>
      %dma_wait3A_614 = tpu.memref_squeeze %dma_wait3A_613 : memref<1x1x32xi32, #tpu.memory_space<vmem>> -> memref<32xi32, #tpu.memory_space<vmem>>
      %dma_wait3A_615 = arith.constant 0 : i32
      %dma_wait3A_616 = arith.constant 0 : i32
      %dma_wait3A_617 = tpu.memref_slice %arg2[%dma_wait3A_615, %dma_wait3A_616] : memref<10240x128xf32, #tpu.memory_space<hbm>> -> memref<10240x128xf32, #tpu.memory_space<hbm>>
      tpu.wait_indirect_dma semaphore(%arg12 : memref<!tpu.dma_semaphore, #tpu.memory_space<semaphore_mem>>) src(%dma_wait3A_617 : memref<10240x128xf32, #tpu.memory_space<hbm>>) dst(%dma_wait3A_611 : memref<32x128xf32, #tpu.memory_space<vmem>>)
      %dma_start3A_618 = arith.constant 1 : i32
      %dma_start3A_619 = arith.constant 3 : i32
      %dma_start3A_620 = arith.constant 0 : i32
      %dma_start3A_621 = arith.constant 0 : i32
      %dma_start3A_622 = tpu.memref_slice %arg9[%dma_start3A_618, %dma_start3A_620, %dma_start3A_621] : memref<2x128x128xf32, #tpu.memory_space<vmem>> -> memref<1x128x128xf32, #tpu.memory_space<vmem>>
      %dma_start3A_623 = tpu.memref_squeeze %dma_start3A_622 : memref<1x128x128xf32, #tpu.memory_space<vmem>> -> memref<128x128xf32, #tpu.memory_space<vmem>>
      %dma_start3A_624 = arith.constant 0 : i32
      %dma_start3A_625 = tpu.memref_slice %arg8[%rem3A_72, %dma_start3A_619, %dma_start3A_624] : memref<2x8x128xi32, #tpu.memory_space<vmem>> -> memref<1x1x128xi32, #tpu.memory_space<vmem>>
      %dma_start3A_626 = tpu.memref_squeeze %dma_start3A_625 : memref<1x1x128xi32, #tpu.memory_space<vmem>> -> memref<128xi32, #tpu.memory_space<vmem>>
      %dma_start3A_627 = arith.constant 0 : i32
      %dma_start3A_628 = arith.constant 0 : i32
      %dma_start3A_629 = tpu.memref_slice %arg10[%dma_start3A_627, %dma_start3A_628] : memref<10240x128xf32, #tpu.memory_space<vmem_shared>> -> memref<10240x128xf32, #tpu.memory_space<vmem_shared>>
      tpu.enqueue_indirect_dma source(%dma_start3A_623 : memref<128x128xf32, #tpu.memory_space<vmem>>) target(%dma_start3A_629 : memref<10240x128xf32, #tpu.memory_space<vmem_shared>>) offsets(%dma_start3A_626 : memref<128xi32, #tpu.memory_space<vmem>>) semaphore(%arg14 : memref<!tpu.dma_semaphore, #tpu.memory_space<semaphore_mem>>) {add = true}
      %dma_wait3A_630 = arith.constant 1 : i32
      %dma_wait3A_631 = arith.constant 3 : i32
      %dma_wait3A_632 = arith.constant 0 : i32
      %dma_wait3A_633 = arith.constant 0 : i32
      %dma_wait3A_634 = tpu.memref_slice %arg9[%dma_wait3A_630, %dma_wait3A_632, %dma_wait3A_633] : memref<2x128x128xf32, #tpu.memory_space<vmem>> -> memref<1x128x128xf32, #tpu.memory_space<vmem>>
      %dma_wait3A_635 = tpu.memref_squeeze %dma_wait3A_634 : memref<1x128x128xf32, #tpu.memory_space<vmem>> -> memref<128x128xf32, #tpu.memory_space<vmem>>
      %dma_wait3A_636 = arith.constant 0 : i32
      %dma_wait3A_637 = tpu.memref_slice %arg8[%rem3A_72, %dma_wait3A_631, %dma_wait3A_636] : memref<2x8x128xi32, #tpu.memory_space<vmem>> -> memref<1x1x128xi32, #tpu.memory_space<vmem>>
      %dma_wait3A_638 = tpu.memref_squeeze %dma_wait3A_637 : memref<1x1x128xi32, #tpu.memory_space<vmem>> -> memref<128xi32, #tpu.memory_space<vmem>>
      %dma_wait3A_639 = arith.constant 0 : i32
      %dma_wait3A_640 = arith.constant 0 : i32
      %dma_wait3A_641 = tpu.memref_slice %arg10[%dma_wait3A_639, %dma_wait3A_640] : memref<10240x128xf32, #tpu.memory_space<vmem_shared>> -> memref<10240x128xf32, #tpu.memory_space<vmem_shared>>
      tpu.wait_indirect_dma semaphore(%arg14 : memref<!tpu.dma_semaphore, #tpu.memory_space<semaphore_mem>>) src(%dma_wait3A_635 : memref<128x128xf32, #tpu.memory_space<vmem>>) dst(%dma_wait3A_641 : memref<10240x128xf32, #tpu.memory_space<vmem_shared>>)
      %dma_start3A_642 = arith.constant 5 : i32
      %dma_start3A_643 = arith.constant 1 : i32
      %dma_start3A_644 = arith.constant 0 : i32
      %dma_start3A_645 = arith.constant 0 : i32
      %dma_start3A_646 = tpu.memref_slice %arg9[%dma_start3A_643, %dma_start3A_644, %dma_start3A_645] : memref<2x128x128xf32, #tpu.memory_space<vmem>> -> memref<1x32x128xf32, #tpu.memory_space<vmem>>
      %dma_start3A_647 = tpu.memref_squeeze %dma_start3A_646 : memref<1x32x128xf32, #tpu.memory_space<vmem>> -> memref<32x128xf32, #tpu.memory_space<vmem>>
      %dma_start3A_648 = arith.constant 0 : i32
      %dma_start3A_649 = tpu.memref_slice %arg7[%rem3A_72, %dma_start3A_642, %dma_start3A_648] : memref<2x8x128xi32, #tpu.memory_space<vmem>> -> memref<1x1x32xi32, #tpu.memory_space<vmem>>
      %dma_start3A_650 = tpu.memref_squeeze %dma_start3A_649 : memref<1x1x32xi32, #tpu.memory_space<vmem>> -> memref<32xi32, #tpu.memory_space<vmem>>
      %dma_start3A_651 = arith.constant 0 : i32
      %dma_start3A_652 = arith.constant 0 : i32
      %dma_start3A_653 = tpu.memref_slice %arg2[%dma_start3A_651, %dma_start3A_652] : memref<10240x128xf32, #tpu.memory_space<hbm>> -> memref<10240x128xf32, #tpu.memory_space<hbm>>
      tpu.enqueue_indirect_dma source(%dma_start3A_653 : memref<10240x128xf32, #tpu.memory_space<hbm>>) target(%dma_start3A_647 : memref<32x128xf32, #tpu.memory_space<vmem>>) offsets(%dma_start3A_650 : memref<32xi32, #tpu.memory_space<vmem>>) semaphore(%arg12 : memref<!tpu.dma_semaphore, #tpu.memory_space<semaphore_mem>>)
      %dma_start3A_654 = arith.constant 5 : i32
      %dma_start3A_655 = arith.constant 1 : i32
      %dma_start3A_656 = arith.constant 32 : i32
      %dma_start3A_657 = arith.constant 0 : i32
      %dma_start3A_658 = tpu.memref_slice %arg9[%dma_start3A_655, %dma_start3A_656, %dma_start3A_657] : memref<2x128x128xf32, #tpu.memory_space<vmem>> -> memref<1x32x128xf32, #tpu.memory_space<vmem>>
      %dma_start3A_659 = tpu.memref_squeeze %dma_start3A_658 : memref<1x32x128xf32, #tpu.memory_space<vmem>> -> memref<32x128xf32, #tpu.memory_space<vmem>>
      %dma_start3A_660 = arith.constant 32 : i32
      %dma_start3A_661 = tpu.memref_slice %arg7[%rem3A_72, %dma_start3A_654, %dma_start3A_660] : memref<2x8x128xi32, #tpu.memory_space<vmem>> -> memref<1x1x32xi32, #tpu.memory_space<vmem>>
      %dma_start3A_662 = tpu.memref_squeeze %dma_start3A_661 : memref<1x1x32xi32, #tpu.memory_space<vmem>> -> memref<32xi32, #tpu.memory_space<vmem>>
      %dma_start3A_663 = arith.constant 0 : i32
      %dma_start3A_664 = arith.constant 0 : i32
      %dma_start3A_665 = tpu.memref_slice %arg2[%dma_start3A_663, %dma_start3A_664] : memref<10240x128xf32, #tpu.memory_space<hbm>> -> memref<10240x128xf32, #tpu.memory_space<hbm>>
      tpu.enqueue_indirect_dma source(%dma_start3A_665 : memref<10240x128xf32, #tpu.memory_space<hbm>>) target(%dma_start3A_659 : memref<32x128xf32, #tpu.memory_space<vmem>>) offsets(%dma_start3A_662 : memref<32xi32, #tpu.memory_space<vmem>>) semaphore(%arg12 : memref<!tpu.dma_semaphore, #tpu.memory_space<semaphore_mem>>)
      %dma_start3A_666 = arith.constant 5 : i32
      %dma_start3A_667 = arith.constant 1 : i32
      %dma_start3A_668 = arith.constant 64 : i32
      %dma_start3A_669 = arith.constant 0 : i32
      %dma_start3A_670 = tpu.memref_slice %arg9[%dma_start3A_667, %dma_start3A_668, %dma_start3A_669] : memref<2x128x128xf32, #tpu.memory_space<vmem>> -> memref<1x32x128xf32, #tpu.memory_space<vmem>>
      %dma_start3A_671 = tpu.memref_squeeze %dma_start3A_670 : memref<1x32x128xf32, #tpu.memory_space<vmem>> -> memref<32x128xf32, #tpu.memory_space<vmem>>
      %dma_start3A_672 = arith.constant 64 : i32
      %dma_start3A_673 = tpu.memref_slice %arg7[%rem3A_72, %dma_start3A_666, %dma_start3A_672] : memref<2x8x128xi32, #tpu.memory_space<vmem>> -> memref<1x1x32xi32, #tpu.memory_space<vmem>>
      %dma_start3A_674 = tpu.memref_squeeze %dma_start3A_673 : memref<1x1x32xi32, #tpu.memory_space<vmem>> -> memref<32xi32, #tpu.memory_space<vmem>>
      %dma_start3A_675 = arith.constant 0 : i32
      %dma_start3A_676 = arith.constant 0 : i32
      %dma_start3A_677 = tpu.memref_slice %arg2[%dma_start3A_675, %dma_start3A_676] : memref<10240x128xf32, #tpu.memory_space<hbm>> -> memref<10240x128xf32, #tpu.memory_space<hbm>>
      tpu.enqueue_indirect_dma source(%dma_start3A_677 : memref<10240x128xf32, #tpu.memory_space<hbm>>) target(%dma_start3A_671 : memref<32x128xf32, #tpu.memory_space<vmem>>) offsets(%dma_start3A_674 : memref<32xi32, #tpu.memory_space<vmem>>) semaphore(%arg12 : memref<!tpu.dma_semaphore, #tpu.memory_space<semaphore_mem>>)
      %dma_start3A_678 = arith.constant 5 : i32
      %dma_start3A_679 = arith.constant 1 : i32
      %dma_start3A_680 = arith.constant 96 : i32
      %dma_start3A_681 = arith.constant 0 : i32
      %dma_start3A_682 = tpu.memref_slice %arg9[%dma_start3A_679, %dma_start3A_680, %dma_start3A_681] : memref<2x128x128xf32, #tpu.memory_space<vmem>> -> memref<1x32x128xf32, #tpu.memory_space<vmem>>
      %dma_start3A_683 = tpu.memref_squeeze %dma_start3A_682 : memref<1x32x128xf32, #tpu.memory_space<vmem>> -> memref<32x128xf32, #tpu.memory_space<vmem>>
      %dma_start3A_684 = arith.constant 96 : i32
      %dma_start3A_685 = tpu.memref_slice %arg7[%rem3A_72, %dma_start3A_678, %dma_start3A_684] : memref<2x8x128xi32, #tpu.memory_space<vmem>> -> memref<1x1x32xi32, #tpu.memory_space<vmem>>
      %dma_start3A_686 = tpu.memref_squeeze %dma_start3A_685 : memref<1x1x32xi32, #tpu.memory_space<vmem>> -> memref<32xi32, #tpu.memory_space<vmem>>
      %dma_start3A_687 = arith.constant 0 : i32
      %dma_start3A_688 = arith.constant 0 : i32
      %dma_start3A_689 = tpu.memref_slice %arg2[%dma_start3A_687, %dma_start3A_688] : memref<10240x128xf32, #tpu.memory_space<hbm>> -> memref<10240x128xf32, #tpu.memory_space<hbm>>
      tpu.enqueue_indirect_dma source(%dma_start3A_689 : memref<10240x128xf32, #tpu.memory_space<hbm>>) target(%dma_start3A_683 : memref<32x128xf32, #tpu.memory_space<vmem>>) offsets(%dma_start3A_686 : memref<32xi32, #tpu.memory_space<vmem>>) semaphore(%arg12 : memref<!tpu.dma_semaphore, #tpu.memory_space<semaphore_mem>>)
      %dma_wait3A_690 = arith.constant 4 : i32
      %dma_wait3A_691 = arith.constant 0 : i32
      %dma_wait3A_692 = arith.constant 0 : i32
      %dma_wait3A_693 = arith.constant 0 : i32
      %dma_wait3A_694 = tpu.memref_slice %arg9[%dma_wait3A_691, %dma_wait3A_692, %dma_wait3A_693] : memref<2x128x128xf32, #tpu.memory_space<vmem>> -> memref<1x32x128xf32, #tpu.memory_space<vmem>>
      %dma_wait3A_695 = tpu.memref_squeeze %dma_wait3A_694 : memref<1x32x128xf32, #tpu.memory_space<vmem>> -> memref<32x128xf32, #tpu.memory_space<vmem>>
      %dma_wait3A_696 = arith.constant 0 : i32
      %dma_wait3A_697 = tpu.memref_slice %arg7[%rem3A_72, %dma_wait3A_690, %dma_wait3A_696] : memref<2x8x128xi32, #tpu.memory_space<vmem>> -> memref<1x1x32xi32, #tpu.memory_space<vmem>>
      %dma_wait3A_698 = tpu.memref_squeeze %dma_wait3A_697 : memref<1x1x32xi32, #tpu.memory_space<vmem>> -> memref<32xi32, #tpu.memory_space<vmem>>
      %dma_wait3A_699 = arith.constant 0 : i32
      %dma_wait3A_700 = arith.constant 0 : i32
      %dma_wait3A_701 = tpu.memref_slice %arg2[%dma_wait3A_699, %dma_wait3A_700] : memref<10240x128xf32, #tpu.memory_space<hbm>> -> memref<10240x128xf32, #tpu.memory_space<hbm>>
      tpu.wait_indirect_dma semaphore(%arg11 : memref<!tpu.dma_semaphore, #tpu.memory_space<semaphore_mem>>) src(%dma_wait3A_701 : memref<10240x128xf32, #tpu.memory_space<hbm>>) dst(%dma_wait3A_695 : memref<32x128xf32, #tpu.memory_space<vmem>>)
      %dma_wait3A_702 = arith.constant 4 : i32
      %dma_wait3A_703 = arith.constant 0 : i32
      %dma_wait3A_704 = arith.constant 32 : i32
      %dma_wait3A_705 = arith.constant 0 : i32
      %dma_wait3A_706 = tpu.memref_slice %arg9[%dma_wait3A_703, %dma_wait3A_704, %dma_wait3A_705] : memref<2x128x128xf32, #tpu.memory_space<vmem>> -> memref<1x32x128xf32, #tpu.memory_space<vmem>>
      %dma_wait3A_707 = tpu.memref_squeeze %dma_wait3A_706 : memref<1x32x128xf32, #tpu.memory_space<vmem>> -> memref<32x128xf32, #tpu.memory_space<vmem>>
      %dma_wait3A_708 = arith.constant 32 : i32
      %dma_wait3A_709 = tpu.memref_slice %arg7[%rem3A_72, %dma_wait3A_702, %dma_wait3A_708] : memref<2x8x128xi32, #tpu.memory_space<vmem>> -> memref<1x1x32xi32, #tpu.memory_space<vmem>>
      %dma_wait3A_710 = tpu.memref_squeeze %dma_wait3A_709 : memref<1x1x32xi32, #tpu.memory_space<vmem>> -> memref<32xi32, #tpu.memory_space<vmem>>
      %dma_wait3A_711 = arith.constant 0 : i32
      %dma_wait3A_712 = arith.constant 0 : i32
      %dma_wait3A_713 = tpu.memref_slice %arg2[%dma_wait3A_711, %dma_wait3A_712] : memref<10240x128xf32, #tpu.memory_space<hbm>> -> memref<10240x128xf32, #tpu.memory_space<hbm>>
      tpu.wait_indirect_dma semaphore(%arg11 : memref<!tpu.dma_semaphore, #tpu.memory_space<semaphore_mem>>) src(%dma_wait3A_713 : memref<10240x128xf32, #tpu.memory_space<hbm>>) dst(%dma_wait3A_707 : memref<32x128xf32, #tpu.memory_space<vmem>>)
      %dma_wait3A_714 = arith.constant 4 : i32
      %dma_wait3A_715 = arith.constant 0 : i32
      %dma_wait3A_716 = arith.constant 64 : i32
      %dma_wait3A_717 = arith.constant 0 : i32
      %dma_wait3A_718 = tpu.memref_slice %arg9[%dma_wait3A_715, %dma_wait3A_716, %dma_wait3A_717] : memref<2x128x128xf32, #tpu.memory_space<vmem>> -> memref<1x32x128xf32, #tpu.memory_space<vmem>>
      %dma_wait3A_719 = tpu.memref_squeeze %dma_wait3A_718 : memref<1x32x128xf32, #tpu.memory_space<vmem>> -> memref<32x128xf32, #tpu.memory_space<vmem>>
      %dma_wait3A_720 = arith.constant 64 : i32
      %dma_wait3A_721 = tpu.memref_slice %arg7[%rem3A_72, %dma_wait3A_714, %dma_wait3A_720] : memref<2x8x128xi32, #tpu.memory_space<vmem>> -> memref<1x1x32xi32, #tpu.memory_space<vmem>>
      %dma_wait3A_722 = tpu.memref_squeeze %dma_wait3A_721 : memref<1x1x32xi32, #tpu.memory_space<vmem>> -> memref<32xi32, #tpu.memory_space<vmem>>
      %dma_wait3A_723 = arith.constant 0 : i32
      %dma_wait3A_724 = arith.constant 0 : i32
      %dma_wait3A_725 = tpu.memref_slice %arg2[%dma_wait3A_723, %dma_wait3A_724] : memref<10240x128xf32, #tpu.memory_space<hbm>> -> memref<10240x128xf32, #tpu.memory_space<hbm>>
      tpu.wait_indirect_dma semaphore(%arg11 : memref<!tpu.dma_semaphore, #tpu.memory_space<semaphore_mem>>) src(%dma_wait3A_725 : memref<10240x128xf32, #tpu.memory_space<hbm>>) dst(%dma_wait3A_719 : memref<32x128xf32, #tpu.memory_space<vmem>>)
      %dma_wait3A_726 = arith.constant 4 : i32
      %dma_wait3A_727 = arith.constant 0 : i32
      %dma_wait3A_728 = arith.constant 96 : i32
      %dma_wait3A_729 = arith.constant 0 : i32
      %dma_wait3A_730 = tpu.memref_slice %arg9[%dma_wait3A_727, %dma_wait3A_728, %dma_wait3A_729] : memref<2x128x128xf32, #tpu.memory_space<vmem>> -> memref<1x32x128xf32, #tpu.memory_space<vmem>>
      %dma_wait3A_731 = tpu.memref_squeeze %dma_wait3A_730 : memref<1x32x128xf32, #tpu.memory_space<vmem>> -> memref<32x128xf32, #tpu.memory_space<vmem>>
      %dma_wait3A_732 = arith.constant 96 : i32
      %dma_wait3A_733 = tpu.memref_slice %arg7[%rem3A_72, %dma_wait3A_726, %dma_wait3A_732] : memref<2x8x128xi32, #tpu.memory_space<vmem>> -> memref<1x1x32xi32, #tpu.memory_space<vmem>>
      %dma_wait3A_734 = tpu.memref_squeeze %dma_wait3A_733 : memref<1x1x32xi32, #tpu.memory_space<vmem>> -> memref<32xi32, #tpu.memory_space<vmem>>
      %dma_wait3A_735 = arith.constant 0 : i32
      %dma_wait3A_736 = arith.constant 0 : i32
      %dma_wait3A_737 = tpu.memref_slice %arg2[%dma_wait3A_735, %dma_wait3A_736] : memref<10240x128xf32, #tpu.memory_space<hbm>> -> memref<10240x128xf32, #tpu.memory_space<hbm>>
      tpu.wait_indirect_dma semaphore(%arg11 : memref<!tpu.dma_semaphore, #tpu.memory_space<semaphore_mem>>) src(%dma_wait3A_737 : memref<10240x128xf32, #tpu.memory_space<hbm>>) dst(%dma_wait3A_731 : memref<32x128xf32, #tpu.memory_space<vmem>>)
      %dma_start3A_738 = arith.constant 0 : i32
      %dma_start3A_739 = arith.constant 4 : i32
      %dma_start3A_740 = arith.constant 0 : i32
      %dma_start3A_741 = arith.constant 0 : i32
      %dma_start3A_742 = tpu.memref_slice %arg9[%dma_start3A_738, %dma_start3A_740, %dma_start3A_741] : memref<2x128x128xf32, #tpu.memory_space<vmem>> -> memref<1x128x128xf32, #tpu.memory_space<vmem>>
      %dma_start3A_743 = tpu.memref_squeeze %dma_start3A_742 : memref<1x128x128xf32, #tpu.memory_space<vmem>> -> memref<128x128xf32, #tpu.memory_space<vmem>>
      %dma_start3A_744 = arith.constant 0 : i32
      %dma_start3A_745 = tpu.memref_slice %arg8[%rem3A_72, %dma_start3A_739, %dma_start3A_744] : memref<2x8x128xi32, #tpu.memory_space<vmem>> -> memref<1x1x128xi32, #tpu.memory_space<vmem>>
      %dma_start3A_746 = tpu.memref_squeeze %dma_start3A_745 : memref<1x1x128xi32, #tpu.memory_space<vmem>> -> memref<128xi32, #tpu.memory_space<vmem>>
      %dma_start3A_747 = arith.constant 0 : i32
      %dma_start3A_748 = arith.constant 0 : i32
      %dma_start3A_749 = tpu.memref_slice %arg10[%dma_start3A_747, %dma_start3A_748] : memref<10240x128xf32, #tpu.memory_space<vmem_shared>> -> memref<10240x128xf32, #tpu.memory_space<vmem_shared>>
      tpu.enqueue_indirect_dma source(%dma_start3A_743 : memref<128x128xf32, #tpu.memory_space<vmem>>) target(%dma_start3A_749 : memref<10240x128xf32, #tpu.memory_space<vmem_shared>>) offsets(%dma_start3A_746 : memref<128xi32, #tpu.memory_space<vmem>>) semaphore(%arg13 : memref<!tpu.dma_semaphore, #tpu.memory_space<semaphore_mem>>) {add = true}
      %dma_wait3A_750 = arith.constant 0 : i32
      %dma_wait3A_751 = arith.constant 4 : i32
      %dma_wait3A_752 = arith.constant 0 : i32
      %dma_wait3A_753 = arith.constant 0 : i32
      %dma_wait3A_754 = tpu.memref_slice %arg9[%dma_wait3A_750, %dma_wait3A_752, %dma_wait3A_753] : memref<2x128x128xf32, #tpu.memory_space<vmem>> -> memref<1x128x128xf32, #tpu.memory_space<vmem>>
      %dma_wait3A_755 = tpu.memref_squeeze %dma_wait3A_754 : memref<1x128x128xf32, #tpu.memory_space<vmem>> -> memref<128x128xf32, #tpu.memory_space<vmem>>
      %dma_wait3A_756 = arith.constant 0 : i32
      %dma_wait3A_757 = tpu.memref_slice %arg8[%rem3A_72, %dma_wait3A_751, %dma_wait3A_756] : memref<2x8x128xi32, #tpu.memory_space<vmem>> -> memref<1x1x128xi32, #tpu.memory_space<vmem>>
      %dma_wait3A_758 = tpu.memref_squeeze %dma_wait3A_757 : memref<1x1x128xi32, #tpu.memory_space<vmem>> -> memref<128xi32, #tpu.memory_space<vmem>>
      %dma_wait3A_759 = arith.constant 0 : i32
      %dma_wait3A_760 = arith.constant 0 : i32
      %dma_wait3A_761 = tpu.memref_slice %arg10[%dma_wait3A_759, %dma_wait3A_760] : memref<10240x128xf32, #tpu.memory_space<vmem_shared>> -> memref<10240x128xf32, #tpu.memory_space<vmem_shared>>
      tpu.wait_indirect_dma semaphore(%arg13 : memref<!tpu.dma_semaphore, #tpu.memory_space<semaphore_mem>>) src(%dma_wait3A_755 : memref<128x128xf32, #tpu.memory_space<vmem>>) dst(%dma_wait3A_761 : memref<10240x128xf32, #tpu.memory_space<vmem_shared>>)
      %dma_start3A_762 = arith.constant 6 : i32
      %dma_start3A_763 = arith.constant 0 : i32
      %dma_start3A_764 = arith.constant 0 : i32
      %dma_start3A_765 = arith.constant 0 : i32
      %dma_start3A_766 = tpu.memref_slice %arg9[%dma_start3A_763, %dma_start3A_764, %dma_start3A_765] : memref<2x128x128xf32, #tpu.memory_space<vmem>> -> memref<1x32x128xf32, #tpu.memory_space<vmem>>
      %dma_start3A_767 = tpu.memref_squeeze %dma_start3A_766 : memref<1x32x128xf32, #tpu.memory_space<vmem>> -> memref<32x128xf32, #tpu.memory_space<vmem>>
      %dma_start3A_768 = arith.constant 0 : i32
      %dma_start3A_769 = tpu.memref_slice %arg7[%rem3A_72, %dma_start3A_762, %dma_start3A_768] : memref<2x8x128xi32, #tpu.memory_space<vmem>> -> memref<1x1x32xi32, #tpu.memory_space<vmem>>
      %dma_start3A_770 = tpu.memref_squeeze %dma_start3A_769 : memref<1x1x32xi32, #tpu.memory_space<vmem>> -> memref<32xi32, #tpu.memory_space<vmem>>
      %dma_start3A_771 = arith.constant 0 : i32
      %dma_start3A_772 = arith.constant 0 : i32
      %dma_start3A_773 = tpu.memref_slice %arg2[%dma_start3A_771, %dma_start3A_772] : memref<10240x128xf32, #tpu.memory_space<hbm>> -> memref<10240x128xf32, #tpu.memory_space<hbm>>
      tpu.enqueue_indirect_dma source(%dma_start3A_773 : memref<10240x128xf32, #tpu.memory_space<hbm>>) target(%dma_start3A_767 : memref<32x128xf32, #tpu.memory_space<vmem>>) offsets(%dma_start3A_770 : memref<32xi32, #tpu.memory_space<vmem>>) semaphore(%arg11 : memref<!tpu.dma_semaphore, #tpu.memory_space<semaphore_mem>>)
      %dma_start3A_774 = arith.constant 6 : i32
      %dma_start3A_775 = arith.constant 0 : i32
      %dma_start3A_776 = arith.constant 32 : i32
      %dma_start3A_777 = arith.constant 0 : i32
      %dma_start3A_778 = tpu.memref_slice %arg9[%dma_start3A_775, %dma_start3A_776, %dma_start3A_777] : memref<2x128x128xf32, #tpu.memory_space<vmem>> -> memref<1x32x128xf32, #tpu.memory_space<vmem>>
      %dma_start3A_779 = tpu.memref_squeeze %dma_start3A_778 : memref<1x32x128xf32, #tpu.memory_space<vmem>> -> memref<32x128xf32, #tpu.memory_space<vmem>>
      %dma_start3A_780 = arith.constant 32 : i32
      %dma_start3A_781 = tpu.memref_slice %arg7[%rem3A_72, %dma_start3A_774, %dma_start3A_780] : memref<2x8x128xi32, #tpu.memory_space<vmem>> -> memref<1x1x32xi32, #tpu.memory_space<vmem>>
      %dma_start3A_782 = tpu.memref_squeeze %dma_start3A_781 : memref<1x1x32xi32, #tpu.memory_space<vmem>> -> memref<32xi32, #tpu.memory_space<vmem>>
      %dma_start3A_783 = arith.constant 0 : i32
      %dma_start3A_784 = arith.constant 0 : i32
      %dma_start3A_785 = tpu.memref_slice %arg2[%dma_start3A_783, %dma_start3A_784] : memref<10240x128xf32, #tpu.memory_space<hbm>> -> memref<10240x128xf32, #tpu.memory_space<hbm>>
      tpu.enqueue_indirect_dma source(%dma_start3A_785 : memref<10240x128xf32, #tpu.memory_space<hbm>>) target(%dma_start3A_779 : memref<32x128xf32, #tpu.memory_space<vmem>>) offsets(%dma_start3A_782 : memref<32xi32, #tpu.memory_space<vmem>>) semaphore(%arg11 : memref<!tpu.dma_semaphore, #tpu.memory_space<semaphore_mem>>)
      %dma_start3A_786 = arith.constant 6 : i32
      %dma_start3A_787 = arith.constant 0 : i32
      %dma_start3A_788 = arith.constant 64 : i32
      %dma_start3A_789 = arith.constant 0 : i32
      %dma_start3A_790 = tpu.memref_slice %arg9[%dma_start3A_787, %dma_start3A_788, %dma_start3A_789] : memref<2x128x128xf32, #tpu.memory_space<vmem>> -> memref<1x32x128xf32, #tpu.memory_space<vmem>>
      %dma_start3A_791 = tpu.memref_squeeze %dma_start3A_790 : memref<1x32x128xf32, #tpu.memory_space<vmem>> -> memref<32x128xf32, #tpu.memory_space<vmem>>
      %dma_start3A_792 = arith.constant 64 : i32
      %dma_start3A_793 = tpu.memref_slice %arg7[%rem3A_72, %dma_start3A_786, %dma_start3A_792] : memref<2x8x128xi32, #tpu.memory_space<vmem>> -> memref<1x1x32xi32, #tpu.memory_space<vmem>>
      %dma_start3A_794 = tpu.memref_squeeze %dma_start3A_793 : memref<1x1x32xi32, #tpu.memory_space<vmem>> -> memref<32xi32, #tpu.memory_space<vmem>>
      %dma_start3A_795 = arith.constant 0 : i32
      %dma_start3A_796 = arith.constant 0 : i32
      %dma_start3A_797 = tpu.memref_slice %arg2[%dma_start3A_795, %dma_start3A_796] : memref<10240x128xf32, #tpu.memory_space<hbm>> -> memref<10240x128xf32, #tpu.memory_space<hbm>>
      tpu.enqueue_indirect_dma source(%dma_start3A_797 : memref<10240x128xf32, #tpu.memory_space<hbm>>) target(%dma_start3A_791 : memref<32x128xf32, #tpu.memory_space<vmem>>) offsets(%dma_start3A_794 : memref<32xi32, #tpu.memory_space<vmem>>) semaphore(%arg11 : memref<!tpu.dma_semaphore, #tpu.memory_space<semaphore_mem>>)
      %dma_start3A_798 = arith.constant 6 : i32
      %dma_start3A_799 = arith.constant 0 : i32
      %dma_start3A_800 = arith.constant 96 : i32
      %dma_start3A_801 = arith.constant 0 : i32
      %dma_start3A_802 = tpu.memref_slice %arg9[%dma_start3A_799, %dma_start3A_800, %dma_start3A_801] : memref<2x128x128xf32, #tpu.memory_space<vmem>> -> memref<1x32x128xf32, #tpu.memory_space<vmem>>
      %dma_start3A_803 = tpu.memref_squeeze %dma_start3A_802 : memref<1x32x128xf32, #tpu.memory_space<vmem>> -> memref<32x128xf32, #tpu.memory_space<vmem>>
      %dma_start3A_804 = arith.constant 96 : i32
      %dma_start3A_805 = tpu.memref_slice %arg7[%rem3A_72, %dma_start3A_798, %dma_start3A_804] : memref<2x8x128xi32, #tpu.memory_space<vmem>> -> memref<1x1x32xi32, #tpu.memory_space<vmem>>
      %dma_start3A_806 = tpu.memref_squeeze %dma_start3A_805 : memref<1x1x32xi32, #tpu.memory_space<vmem>> -> memref<32xi32, #tpu.memory_space<vmem>>
      %dma_start3A_807 = arith.constant 0 : i32
      %dma_start3A_808 = arith.constant 0 : i32
      %dma_start3A_809 = tpu.memref_slice %arg2[%dma_start3A_807, %dma_start3A_808] : memref<10240x128xf32, #tpu.memory_space<hbm>> -> memref<10240x128xf32, #tpu.memory_space<hbm>>
      tpu.enqueue_indirect_dma source(%dma_start3A_809 : memref<10240x128xf32, #tpu.memory_space<hbm>>) target(%dma_start3A_803 : memref<32x128xf32, #tpu.memory_space<vmem>>) offsets(%dma_start3A_806 : memref<32xi32, #tpu.memory_space<vmem>>) semaphore(%arg11 : memref<!tpu.dma_semaphore, #tpu.memory_space<semaphore_mem>>)
      %dma_wait3A_810 = arith.constant 5 : i32
      %dma_wait3A_811 = arith.constant 1 : i32
      %dma_wait3A_812 = arith.constant 0 : i32
      %dma_wait3A_813 = arith.constant 0 : i32
      %dma_wait3A_814 = tpu.memref_slice %arg9[%dma_wait3A_811, %dma_wait3A_812, %dma_wait3A_813] : memref<2x128x128xf32, #tpu.memory_space<vmem>> -> memref<1x32x128xf32, #tpu.memory_space<vmem>>
      %dma_wait3A_815 = tpu.memref_squeeze %dma_wait3A_814 : memref<1x32x128xf32, #tpu.memory_space<vmem>> -> memref<32x128xf32, #tpu.memory_space<vmem>>
      %dma_wait3A_816 = arith.constant 0 : i32
      %dma_wait3A_817 = tpu.memref_slice %arg7[%rem3A_72, %dma_wait3A_810, %dma_wait3A_816] : memref<2x8x128xi32, #tpu.memory_space<vmem>> -> memref<1x1x32xi32, #tpu.memory_space<vmem>>
      %dma_wait3A_818 = tpu.memref_squeeze %dma_wait3A_817 : memref<1x1x32xi32, #tpu.memory_space<vmem>> -> memref<32xi32, #tpu.memory_space<vmem>>
      %dma_wait3A_819 = arith.constant 0 : i32
      %dma_wait3A_820 = arith.constant 0 : i32
      %dma_wait3A_821 = tpu.memref_slice %arg2[%dma_wait3A_819, %dma_wait3A_820] : memref<10240x128xf32, #tpu.memory_space<hbm>> -> memref<10240x128xf32, #tpu.memory_space<hbm>>
      tpu.wait_indirect_dma semaphore(%arg12 : memref<!tpu.dma_semaphore, #tpu.memory_space<semaphore_mem>>) src(%dma_wait3A_821 : memref<10240x128xf32, #tpu.memory_space<hbm>>) dst(%dma_wait3A_815 : memref<32x128xf32, #tpu.memory_space<vmem>>)
      %dma_wait3A_822 = arith.constant 5 : i32
      %dma_wait3A_823 = arith.constant 1 : i32
      %dma_wait3A_824 = arith.constant 32 : i32
      %dma_wait3A_825 = arith.constant 0 : i32
      %dma_wait3A_826 = tpu.memref_slice %arg9[%dma_wait3A_823, %dma_wait3A_824, %dma_wait3A_825] : memref<2x128x128xf32, #tpu.memory_space<vmem>> -> memref<1x32x128xf32, #tpu.memory_space<vmem>>
      %dma_wait3A_827 = tpu.memref_squeeze %dma_wait3A_826 : memref<1x32x128xf32, #tpu.memory_space<vmem>> -> memref<32x128xf32, #tpu.memory_space<vmem>>
      %dma_wait3A_828 = arith.constant 32 : i32
      %dma_wait3A_829 = tpu.memref_slice %arg7[%rem3A_72, %dma_wait3A_822, %dma_wait3A_828] : memref<2x8x128xi32, #tpu.memory_space<vmem>> -> memref<1x1x32xi32, #tpu.memory_space<vmem>>
      %dma_wait3A_830 = tpu.memref_squeeze %dma_wait3A_829 : memref<1x1x32xi32, #tpu.memory_space<vmem>> -> memref<32xi32, #tpu.memory_space<vmem>>
      %dma_wait3A_831 = arith.constant 0 : i32
      %dma_wait3A_832 = arith.constant 0 : i32
      %dma_wait3A_833 = tpu.memref_slice %arg2[%dma_wait3A_831, %dma_wait3A_832] : memref<10240x128xf32, #tpu.memory_space<hbm>> -> memref<10240x128xf32, #tpu.memory_space<hbm>>
      tpu.wait_indirect_dma semaphore(%arg12 : memref<!tpu.dma_semaphore, #tpu.memory_space<semaphore_mem>>) src(%dma_wait3A_833 : memref<10240x128xf32, #tpu.memory_space<hbm>>) dst(%dma_wait3A_827 : memref<32x128xf32, #tpu.memory_space<vmem>>)
      %dma_wait3A_834 = arith.constant 5 : i32
      %dma_wait3A_835 = arith.constant 1 : i32
      %dma_wait3A_836 = arith.constant 64 : i32
      %dma_wait3A_837 = arith.constant 0 : i32
      %dma_wait3A_838 = tpu.memref_slice %arg9[%dma_wait3A_835, %dma_wait3A_836, %dma_wait3A_837] : memref<2x128x128xf32, #tpu.memory_space<vmem>> -> memref<1x32x128xf32, #tpu.memory_space<vmem>>
      %dma_wait3A_839 = tpu.memref_squeeze %dma_wait3A_838 : memref<1x32x128xf32, #tpu.memory_space<vmem>> -> memref<32x128xf32, #tpu.memory_space<vmem>>
      %dma_wait3A_840 = arith.constant 64 : i32
      %dma_wait3A_841 = tpu.memref_slice %arg7[%rem3A_72, %dma_wait3A_834, %dma_wait3A_840] : memref<2x8x128xi32, #tpu.memory_space<vmem>> -> memref<1x1x32xi32, #tpu.memory_space<vmem>>
      %dma_wait3A_842 = tpu.memref_squeeze %dma_wait3A_841 : memref<1x1x32xi32, #tpu.memory_space<vmem>> -> memref<32xi32, #tpu.memory_space<vmem>>
      %dma_wait3A_843 = arith.constant 0 : i32
      %dma_wait3A_844 = arith.constant 0 : i32
      %dma_wait3A_845 = tpu.memref_slice %arg2[%dma_wait3A_843, %dma_wait3A_844] : memref<10240x128xf32, #tpu.memory_space<hbm>> -> memref<10240x128xf32, #tpu.memory_space<hbm>>
      tpu.wait_indirect_dma semaphore(%arg12 : memref<!tpu.dma_semaphore, #tpu.memory_space<semaphore_mem>>) src(%dma_wait3A_845 : memref<10240x128xf32, #tpu.memory_space<hbm>>) dst(%dma_wait3A_839 : memref<32x128xf32, #tpu.memory_space<vmem>>)
      %dma_wait3A_846 = arith.constant 5 : i32
      %dma_wait3A_847 = arith.constant 1 : i32
      %dma_wait3A_848 = arith.constant 96 : i32
      %dma_wait3A_849 = arith.constant 0 : i32
      %dma_wait3A_850 = tpu.memref_slice %arg9[%dma_wait3A_847, %dma_wait3A_848, %dma_wait3A_849] : memref<2x128x128xf32, #tpu.memory_space<vmem>> -> memref<1x32x128xf32, #tpu.memory_space<vmem>>
      %dma_wait3A_851 = tpu.memref_squeeze %dma_wait3A_850 : memref<1x32x128xf32, #tpu.memory_space<vmem>> -> memref<32x128xf32, #tpu.memory_space<vmem>>
      %dma_wait3A_852 = arith.constant 96 : i32
      %dma_wait3A_853 = tpu.memref_slice %arg7[%rem3A_72, %dma_wait3A_846, %dma_wait3A_852] : memref<2x8x128xi32, #tpu.memory_space<vmem>> -> memref<1x1x32xi32, #tpu.memory_space<vmem>>
      %dma_wait3A_854 = tpu.memref_squeeze %dma_wait3A_853 : memref<1x1x32xi32, #tpu.memory_space<vmem>> -> memref<32xi32, #tpu.memory_space<vmem>>
      %dma_wait3A_855 = arith.constant 0 : i32
      %dma_wait3A_856 = arith.constant 0 : i32
      %dma_wait3A_857 = tpu.memref_slice %arg2[%dma_wait3A_855, %dma_wait3A_856] : memref<10240x128xf32, #tpu.memory_space<hbm>> -> memref<10240x128xf32, #tpu.memory_space<hbm>>
      tpu.wait_indirect_dma semaphore(%arg12 : memref<!tpu.dma_semaphore, #tpu.memory_space<semaphore_mem>>) src(%dma_wait3A_857 : memref<10240x128xf32, #tpu.memory_space<hbm>>) dst(%dma_wait3A_851 : memref<32x128xf32, #tpu.memory_space<vmem>>)
      %dma_start3A_858 = arith.constant 1 : i32
      %dma_start3A_859 = arith.constant 5 : i32
      %dma_start3A_860 = arith.constant 0 : i32
      %dma_start3A_861 = arith.constant 0 : i32
      %dma_start3A_862 = tpu.memref_slice %arg9[%dma_start3A_858, %dma_start3A_860, %dma_start3A_861] : memref<2x128x128xf32, #tpu.memory_space<vmem>> -> memref<1x128x128xf32, #tpu.memory_space<vmem>>
      %dma_start3A_863 = tpu.memref_squeeze %dma_start3A_862 : memref<1x128x128xf32, #tpu.memory_space<vmem>> -> memref<128x128xf32, #tpu.memory_space<vmem>>
      %dma_start3A_864 = arith.constant 0 : i32
      %dma_start3A_865 = tpu.memref_slice %arg8[%rem3A_72, %dma_start3A_859, %dma_start3A_864] : memref<2x8x128xi32, #tpu.memory_space<vmem>> -> memref<1x1x128xi32, #tpu.memory_space<vmem>>
      %dma_start3A_866 = tpu.memref_squeeze %dma_start3A_865 : memref<1x1x128xi32, #tpu.memory_space<vmem>> -> memref<128xi32, #tpu.memory_space<vmem>>
      %dma_start3A_867 = arith.constant 0 : i32
      %dma_start3A_868 = arith.constant 0 : i32
      %dma_start3A_869 = tpu.memref_slice %arg10[%dma_start3A_867, %dma_start3A_868] : memref<10240x128xf32, #tpu.memory_space<vmem_shared>> -> memref<10240x128xf32, #tpu.memory_space<vmem_shared>>
      tpu.enqueue_indirect_dma source(%dma_start3A_863 : memref<128x128xf32, #tpu.memory_space<vmem>>) target(%dma_start3A_869 : memref<10240x128xf32, #tpu.memory_space<vmem_shared>>) offsets(%dma_start3A_866 : memref<128xi32, #tpu.memory_space<vmem>>) semaphore(%arg14 : memref<!tpu.dma_semaphore, #tpu.memory_space<semaphore_mem>>) {add = true}
      %dma_wait3A_870 = arith.constant 1 : i32
      %dma_wait3A_871 = arith.constant 5 : i32
      %dma_wait3A_872 = arith.constant 0 : i32
      %dma_wait3A_873 = arith.constant 0 : i32
      %dma_wait3A_874 = tpu.memref_slice %arg9[%dma_wait3A_870, %dma_wait3A_872, %dma_wait3A_873] : memref<2x128x128xf32, #tpu.memory_space<vmem>> -> memref<1x128x128xf32, #tpu.memory_space<vmem>>
      %dma_wait3A_875 = tpu.memref_squeeze %dma_wait3A_874 : memref<1x128x128xf32, #tpu.memory_space<vmem>> -> memref<128x128xf32, #tpu.memory_space<vmem>>
      %dma_wait3A_876 = arith.constant 0 : i32
      %dma_wait3A_877 = tpu.memref_slice %arg8[%rem3A_72, %dma_wait3A_871, %dma_wait3A_876] : memref<2x8x128xi32, #tpu.memory_space<vmem>> -> memref<1x1x128xi32, #tpu.memory_space<vmem>>
      %dma_wait3A_878 = tpu.memref_squeeze %dma_wait3A_877 : memref<1x1x128xi32, #tpu.memory_space<vmem>> -> memref<128xi32, #tpu.memory_space<vmem>>
      %dma_wait3A_879 = arith.constant 0 : i32
      %dma_wait3A_880 = arith.constant 0 : i32
      %dma_wait3A_881 = tpu.memref_slice %arg10[%dma_wait3A_879, %dma_wait3A_880] : memref<10240x128xf32, #tpu.memory_space<vmem_shared>> -> memref<10240x128xf32, #tpu.memory_space<vmem_shared>>
      tpu.wait_indirect_dma semaphore(%arg14 : memref<!tpu.dma_semaphore, #tpu.memory_space<semaphore_mem>>) src(%dma_wait3A_875 : memref<128x128xf32, #tpu.memory_space<vmem>>) dst(%dma_wait3A_881 : memref<10240x128xf32, #tpu.memory_space<vmem_shared>>)
      %dma_start3A_882 = arith.constant 7 : i32
      %dma_start3A_883 = arith.constant 1 : i32
      %dma_start3A_884 = arith.constant 0 : i32
      %dma_start3A_885 = arith.constant 0 : i32
      %dma_start3A_886 = tpu.memref_slice %arg9[%dma_start3A_883, %dma_start3A_884, %dma_start3A_885] : memref<2x128x128xf32, #tpu.memory_space<vmem>> -> memref<1x32x128xf32, #tpu.memory_space<vmem>>
      %dma_start3A_887 = tpu.memref_squeeze %dma_start3A_886 : memref<1x32x128xf32, #tpu.memory_space<vmem>> -> memref<32x128xf32, #tpu.memory_space<vmem>>
      %dma_start3A_888 = arith.constant 0 : i32
      %dma_start3A_889 = tpu.memref_slice %arg7[%rem3A_72, %dma_start3A_882, %dma_start3A_888] : memref<2x8x128xi32, #tpu.memory_space<vmem>> -> memref<1x1x32xi32, #tpu.memory_space<vmem>>
      %dma_start3A_890 = tpu.memref_squeeze %dma_start3A_889 : memref<1x1x32xi32, #tpu.memory_space<vmem>> -> memref<32xi32, #tpu.memory_space<vmem>>
      %dma_start3A_891 = arith.constant 0 : i32
      %dma_start3A_892 = arith.constant 0 : i32
      %dma_start3A_893 = tpu.memref_slice %arg2[%dma_start3A_891, %dma_start3A_892] : memref<10240x128xf32, #tpu.memory_space<hbm>> -> memref<10240x128xf32, #tpu.memory_space<hbm>>
      tpu.enqueue_indirect_dma source(%dma_start3A_893 : memref<10240x128xf32, #tpu.memory_space<hbm>>) target(%dma_start3A_887 : memref<32x128xf32, #tpu.memory_space<vmem>>) offsets(%dma_start3A_890 : memref<32xi32, #tpu.memory_space<vmem>>) semaphore(%arg12 : memref<!tpu.dma_semaphore, #tpu.memory_space<semaphore_mem>>)
      %dma_start3A_894 = arith.constant 7 : i32
      %dma_start3A_895 = arith.constant 1 : i32
      %dma_start3A_896 = arith.constant 32 : i32
      %dma_start3A_897 = arith.constant 0 : i32
      %dma_start3A_898 = tpu.memref_slice %arg9[%dma_start3A_895, %dma_start3A_896, %dma_start3A_897] : memref<2x128x128xf32, #tpu.memory_space<vmem>> -> memref<1x32x128xf32, #tpu.memory_space<vmem>>
      %dma_start3A_899 = tpu.memref_squeeze %dma_start3A_898 : memref<1x32x128xf32, #tpu.memory_space<vmem>> -> memref<32x128xf32, #tpu.memory_space<vmem>>
      %dma_start3A_900 = arith.constant 32 : i32
      %dma_start3A_901 = tpu.memref_slice %arg7[%rem3A_72, %dma_start3A_894, %dma_start3A_900] : memref<2x8x128xi32, #tpu.memory_space<vmem>> -> memref<1x1x32xi32, #tpu.memory_space<vmem>>
      %dma_start3A_902 = tpu.memref_squeeze %dma_start3A_901 : memref<1x1x32xi32, #tpu.memory_space<vmem>> -> memref<32xi32, #tpu.memory_space<vmem>>
      %dma_start3A_903 = arith.constant 0 : i32
      %dma_start3A_904 = arith.constant 0 : i32
      %dma_start3A_905 = tpu.memref_slice %arg2[%dma_start3A_903, %dma_start3A_904] : memref<10240x128xf32, #tpu.memory_space<hbm>> -> memref<10240x128xf32, #tpu.memory_space<hbm>>
      tpu.enqueue_indirect_dma source(%dma_start3A_905 : memref<10240x128xf32, #tpu.memory_space<hbm>>) target(%dma_start3A_899 : memref<32x128xf32, #tpu.memory_space<vmem>>) offsets(%dma_start3A_902 : memref<32xi32, #tpu.memory_space<vmem>>) semaphore(%arg12 : memref<!tpu.dma_semaphore, #tpu.memory_space<semaphore_mem>>)
      %dma_start3A_906 = arith.constant 7 : i32
      %dma_start3A_907 = arith.constant 1 : i32
      %dma_start3A_908 = arith.constant 64 : i32
      %dma_start3A_909 = arith.constant 0 : i32
      %dma_start3A_910 = tpu.memref_slice %arg9[%dma_start3A_907, %dma_start3A_908, %dma_start3A_909] : memref<2x128x128xf32, #tpu.memory_space<vmem>> -> memref<1x32x128xf32, #tpu.memory_space<vmem>>
      %dma_start3A_911 = tpu.memref_squeeze %dma_start3A_910 : memref<1x32x128xf32, #tpu.memory_space<vmem>> -> memref<32x128xf32, #tpu.memory_space<vmem>>
      %dma_start3A_912 = arith.constant 64 : i32
      %dma_start3A_913 = tpu.memref_slice %arg7[%rem3A_72, %dma_start3A_906, %dma_start3A_912] : memref<2x8x128xi32, #tpu.memory_space<vmem>> -> memref<1x1x32xi32, #tpu.memory_space<vmem>>
      %dma_start3A_914 = tpu.memref_squeeze %dma_start3A_913 : memref<1x1x32xi32, #tpu.memory_space<vmem>> -> memref<32xi32, #tpu.memory_space<vmem>>
      %dma_start3A_915 = arith.constant 0 : i32
      %dma_start3A_916 = arith.constant 0 : i32
      %dma_start3A_917 = tpu.memref_slice %arg2[%dma_start3A_915, %dma_start3A_916] : memref<10240x128xf32, #tpu.memory_space<hbm>> -> memref<10240x128xf32, #tpu.memory_space<hbm>>
      tpu.enqueue_indirect_dma source(%dma_start3A_917 : memref<10240x128xf32, #tpu.memory_space<hbm>>) target(%dma_start3A_911 : memref<32x128xf32, #tpu.memory_space<vmem>>) offsets(%dma_start3A_914 : memref<32xi32, #tpu.memory_space<vmem>>) semaphore(%arg12 : memref<!tpu.dma_semaphore, #tpu.memory_space<semaphore_mem>>)
      %dma_start3A_918 = arith.constant 7 : i32
      %dma_start3A_919 = arith.constant 1 : i32
      %dma_start3A_920 = arith.constant 96 : i32
      %dma_start3A_921 = arith.constant 0 : i32
      %dma_start3A_922 = tpu.memref_slice %arg9[%dma_start3A_919, %dma_start3A_920, %dma_start3A_921] : memref<2x128x128xf32, #tpu.memory_space<vmem>> -> memref<1x32x128xf32, #tpu.memory_space<vmem>>
      %dma_start3A_923 = tpu.memref_squeeze %dma_start3A_922 : memref<1x32x128xf32, #tpu.memory_space<vmem>> -> memref<32x128xf32, #tpu.memory_space<vmem>>
      %dma_start3A_924 = arith.constant 96 : i32
      %dma_start3A_925 = tpu.memref_slice %arg7[%rem3A_72, %dma_start3A_918, %dma_start3A_924] : memref<2x8x128xi32, #tpu.memory_space<vmem>> -> memref<1x1x32xi32, #tpu.memory_space<vmem>>
      %dma_start3A_926 = tpu.memref_squeeze %dma_start3A_925 : memref<1x1x32xi32, #tpu.memory_space<vmem>> -> memref<32xi32, #tpu.memory_space<vmem>>
      %dma_start3A_927 = arith.constant 0 : i32
      %dma_start3A_928 = arith.constant 0 : i32
      %dma_start3A_929 = tpu.memref_slice %arg2[%dma_start3A_927, %dma_start3A_928] : memref<10240x128xf32, #tpu.memory_space<hbm>> -> memref<10240x128xf32, #tpu.memory_space<hbm>>
      tpu.enqueue_indirect_dma source(%dma_start3A_929 : memref<10240x128xf32, #tpu.memory_space<hbm>>) target(%dma_start3A_923 : memref<32x128xf32, #tpu.memory_space<vmem>>) offsets(%dma_start3A_926 : memref<32xi32, #tpu.memory_space<vmem>>) semaphore(%arg12 : memref<!tpu.dma_semaphore, #tpu.memory_space<semaphore_mem>>)
      %dma_wait3A_930 = arith.constant 6 : i32
      %dma_wait3A_931 = arith.constant 0 : i32
      %dma_wait3A_932 = arith.constant 0 : i32
      %dma_wait3A_933 = arith.constant 0 : i32
      %dma_wait3A_934 = tpu.memref_slice %arg9[%dma_wait3A_931, %dma_wait3A_932, %dma_wait3A_933] : memref<2x128x128xf32, #tpu.memory_space<vmem>> -> memref<1x32x128xf32, #tpu.memory_space<vmem>>
      %dma_wait3A_935 = tpu.memref_squeeze %dma_wait3A_934 : memref<1x32x128xf32, #tpu.memory_space<vmem>> -> memref<32x128xf32, #tpu.memory_space<vmem>>
      %dma_wait3A_936 = arith.constant 0 : i32
      %dma_wait3A_937 = tpu.memref_slice %arg7[%rem3A_72, %dma_wait3A_930, %dma_wait3A_936] : memref<2x8x128xi32, #tpu.memory_space<vmem>> -> memref<1x1x32xi32, #tpu.memory_space<vmem>>
      %dma_wait3A_938 = tpu.memref_squeeze %dma_wait3A_937 : memref<1x1x32xi32, #tpu.memory_space<vmem>> -> memref<32xi32, #tpu.memory_space<vmem>>
      %dma_wait3A_939 = arith.constant 0 : i32
      %dma_wait3A_940 = arith.constant 0 : i32
      %dma_wait3A_941 = tpu.memref_slice %arg2[%dma_wait3A_939, %dma_wait3A_940] : memref<10240x128xf32, #tpu.memory_space<hbm>> -> memref<10240x128xf32, #tpu.memory_space<hbm>>
      tpu.wait_indirect_dma semaphore(%arg11 : memref<!tpu.dma_semaphore, #tpu.memory_space<semaphore_mem>>) src(%dma_wait3A_941 : memref<10240x128xf32, #tpu.memory_space<hbm>>) dst(%dma_wait3A_935 : memref<32x128xf32, #tpu.memory_space<vmem>>)
      %dma_wait3A_942 = arith.constant 6 : i32
      %dma_wait3A_943 = arith.constant 0 : i32
      %dma_wait3A_944 = arith.constant 32 : i32
      %dma_wait3A_945 = arith.constant 0 : i32
      %dma_wait3A_946 = tpu.memref_slice %arg9[%dma_wait3A_943, %dma_wait3A_944, %dma_wait3A_945] : memref<2x128x128xf32, #tpu.memory_space<vmem>> -> memref<1x32x128xf32, #tpu.memory_space<vmem>>
      %dma_wait3A_947 = tpu.memref_squeeze %dma_wait3A_946 : memref<1x32x128xf32, #tpu.memory_space<vmem>> -> memref<32x128xf32, #tpu.memory_space<vmem>>
      %dma_wait3A_948 = arith.constant 32 : i32
      %dma_wait3A_949 = tpu.memref_slice %arg7[%rem3A_72, %dma_wait3A_942, %dma_wait3A_948] : memref<2x8x128xi32, #tpu.memory_space<vmem>> -> memref<1x1x32xi32, #tpu.memory_space<vmem>>
      %dma_wait3A_950 = tpu.memref_squeeze %dma_wait3A_949 : memref<1x1x32xi32, #tpu.memory_space<vmem>> -> memref<32xi32, #tpu.memory_space<vmem>>
      %dma_wait3A_951 = arith.constant 0 : i32
      %dma_wait3A_952 = arith.constant 0 : i32
      %dma_wait3A_953 = tpu.memref_slice %arg2[%dma_wait3A_951, %dma_wait3A_952] : memref<10240x128xf32, #tpu.memory_space<hbm>> -> memref<10240x128xf32, #tpu.memory_space<hbm>>
      tpu.wait_indirect_dma semaphore(%arg11 : memref<!tpu.dma_semaphore, #tpu.memory_space<semaphore_mem>>) src(%dma_wait3A_953 : memref<10240x128xf32, #tpu.memory_space<hbm>>) dst(%dma_wait3A_947 : memref<32x128xf32, #tpu.memory_space<vmem>>)
      %dma_wait3A_954 = arith.constant 6 : i32
      %dma_wait3A_955 = arith.constant 0 : i32
      %dma_wait3A_956 = arith.constant 64 : i32
      %dma_wait3A_957 = arith.constant 0 : i32
      %dma_wait3A_958 = tpu.memref_slice %arg9[%dma_wait3A_955, %dma_wait3A_956, %dma_wait3A_957] : memref<2x128x128xf32, #tpu.memory_space<vmem>> -> memref<1x32x128xf32, #tpu.memory_space<vmem>>
      %dma_wait3A_959 = tpu.memref_squeeze %dma_wait3A_958 : memref<1x32x128xf32, #tpu.memory_space<vmem>> -> memref<32x128xf32, #tpu.memory_space<vmem>>
      %dma_wait3A_960 = arith.constant 64 : i32
      %dma_wait3A_961 = tpu.memref_slice %arg7[%rem3A_72, %dma_wait3A_954, %dma_wait3A_960] : memref<2x8x128xi32, #tpu.memory_space<vmem>> -> memref<1x1x32xi32, #tpu.memory_space<vmem>>
      %dma_wait3A_962 = tpu.memref_squeeze %dma_wait3A_961 : memref<1x1x32xi32, #tpu.memory_space<vmem>> -> memref<32xi32, #tpu.memory_space<vmem>>
      %dma_wait3A_963 = arith.constant 0 : i32
      %dma_wait3A_964 = arith.constant 0 : i32
      %dma_wait3A_965 = tpu.memref_slice %arg2[%dma_wait3A_963, %dma_wait3A_964] : memref<10240x128xf32, #tpu.memory_space<hbm>> -> memref<10240x128xf32, #tpu.memory_space<hbm>>
      tpu.wait_indirect_dma semaphore(%arg11 : memref<!tpu.dma_semaphore, #tpu.memory_space<semaphore_mem>>) src(%dma_wait3A_965 : memref<10240x128xf32, #tpu.memory_space<hbm>>) dst(%dma_wait3A_959 : memref<32x128xf32, #tpu.memory_space<vmem>>)
      %dma_wait3A_966 = arith.constant 6 : i32
      %dma_wait3A_967 = arith.constant 0 : i32
      %dma_wait3A_968 = arith.constant 96 : i32
      %dma_wait3A_969 = arith.constant 0 : i32
      %dma_wait3A_970 = tpu.memref_slice %arg9[%dma_wait3A_967, %dma_wait3A_968, %dma_wait3A_969] : memref<2x128x128xf32, #tpu.memory_space<vmem>> -> memref<1x32x128xf32, #tpu.memory_space<vmem>>
      %dma_wait3A_971 = tpu.memref_squeeze %dma_wait3A_970 : memref<1x32x128xf32, #tpu.memory_space<vmem>> -> memref<32x128xf32, #tpu.memory_space<vmem>>
      %dma_wait3A_972 = arith.constant 96 : i32
      %dma_wait3A_973 = tpu.memref_slice %arg7[%rem3A_72, %dma_wait3A_966, %dma_wait3A_972] : memref<2x8x128xi32, #tpu.memory_space<vmem>> -> memref<1x1x32xi32, #tpu.memory_space<vmem>>
      %dma_wait3A_974 = tpu.memref_squeeze %dma_wait3A_973 : memref<1x1x32xi32, #tpu.memory_space<vmem>> -> memref<32xi32, #tpu.memory_space<vmem>>
      %dma_wait3A_975 = arith.constant 0 : i32
      %dma_wait3A_976 = arith.constant 0 : i32
      %dma_wait3A_977 = tpu.memref_slice %arg2[%dma_wait3A_975, %dma_wait3A_976] : memref<10240x128xf32, #tpu.memory_space<hbm>> -> memref<10240x128xf32, #tpu.memory_space<hbm>>
      tpu.wait_indirect_dma semaphore(%arg11 : memref<!tpu.dma_semaphore, #tpu.memory_space<semaphore_mem>>) src(%dma_wait3A_977 : memref<10240x128xf32, #tpu.memory_space<hbm>>) dst(%dma_wait3A_971 : memref<32x128xf32, #tpu.memory_space<vmem>>)
      %dma_start3A_978 = arith.constant 0 : i32
      %dma_start3A_979 = arith.constant 6 : i32
      %dma_start3A_980 = arith.constant 0 : i32
      %dma_start3A_981 = arith.constant 0 : i32
      %dma_start3A_982 = tpu.memref_slice %arg9[%dma_start3A_978, %dma_start3A_980, %dma_start3A_981] : memref<2x128x128xf32, #tpu.memory_space<vmem>> -> memref<1x128x128xf32, #tpu.memory_space<vmem>>
      %dma_start3A_983 = tpu.memref_squeeze %dma_start3A_982 : memref<1x128x128xf32, #tpu.memory_space<vmem>> -> memref<128x128xf32, #tpu.memory_space<vmem>>
      %dma_start3A_984 = arith.constant 0 : i32
      %dma_start3A_985 = tpu.memref_slice %arg8[%rem3A_72, %dma_start3A_979, %dma_start3A_984] : memref<2x8x128xi32, #tpu.memory_space<vmem>> -> memref<1x1x128xi32, #tpu.memory_space<vmem>>
      %dma_start3A_986 = tpu.memref_squeeze %dma_start3A_985 : memref<1x1x128xi32, #tpu.memory_space<vmem>> -> memref<128xi32, #tpu.memory_space<vmem>>
      %dma_start3A_987 = arith.constant 0 : i32
      %dma_start3A_988 = arith.constant 0 : i32
      %dma_start3A_989 = tpu.memref_slice %arg10[%dma_start3A_987, %dma_start3A_988] : memref<10240x128xf32, #tpu.memory_space<vmem_shared>> -> memref<10240x128xf32, #tpu.memory_space<vmem_shared>>
      tpu.enqueue_indirect_dma source(%dma_start3A_983 : memref<128x128xf32, #tpu.memory_space<vmem>>) target(%dma_start3A_989 : memref<10240x128xf32, #tpu.memory_space<vmem_shared>>) offsets(%dma_start3A_986 : memref<128xi32, #tpu.memory_space<vmem>>) semaphore(%arg13 : memref<!tpu.dma_semaphore, #tpu.memory_space<semaphore_mem>>) {add = true}
      %dma_wait3A_990 = arith.constant 7 : i32
      %dma_wait3A_991 = arith.constant 1 : i32
      %dma_wait3A_992 = arith.constant 0 : i32
      %dma_wait3A_993 = arith.constant 0 : i32
      %dma_wait3A_994 = tpu.memref_slice %arg9[%dma_wait3A_991, %dma_wait3A_992, %dma_wait3A_993] : memref<2x128x128xf32, #tpu.memory_space<vmem>> -> memref<1x32x128xf32, #tpu.memory_space<vmem>>
      %dma_wait3A_995 = tpu.memref_squeeze %dma_wait3A_994 : memref<1x32x128xf32, #tpu.memory_space<vmem>> -> memref<32x128xf32, #tpu.memory_space<vmem>>
      %dma_wait3A_996 = arith.constant 0 : i32
      %dma_wait3A_997 = tpu.memref_slice %arg7[%rem3A_72, %dma_wait3A_990, %dma_wait3A_996] : memref<2x8x128xi32, #tpu.memory_space<vmem>> -> memref<1x1x32xi32, #tpu.memory_space<vmem>>
      %dma_wait3A_998 = tpu.memref_squeeze %dma_wait3A_997 : memref<1x1x32xi32, #tpu.memory_space<vmem>> -> memref<32xi32, #tpu.memory_space<vmem>>
      %dma_wait3A_999 = arith.constant 0 : i32
      %dma_wait3A_1000 = arith.constant 0 : i32
      %dma_wait3A_1001 = tpu.memref_slice %arg2[%dma_wait3A_999, %dma_wait3A_1000] : memref<10240x128xf32, #tpu.memory_space<hbm>> -> memref<10240x128xf32, #tpu.memory_space<hbm>>
      tpu.wait_indirect_dma semaphore(%arg12 : memref<!tpu.dma_semaphore, #tpu.memory_space<semaphore_mem>>) src(%dma_wait3A_1001 : memref<10240x128xf32, #tpu.memory_space<hbm>>) dst(%dma_wait3A_995 : memref<32x128xf32, #tpu.memory_space<vmem>>)
      %dma_wait3A_1002 = arith.constant 7 : i32
      %dma_wait3A_1003 = arith.constant 1 : i32
      %dma_wait3A_1004 = arith.constant 32 : i32
      %dma_wait3A_1005 = arith.constant 0 : i32
      %dma_wait3A_1006 = tpu.memref_slice %arg9[%dma_wait3A_1003, %dma_wait3A_1004, %dma_wait3A_1005] : memref<2x128x128xf32, #tpu.memory_space<vmem>> -> memref<1x32x128xf32, #tpu.memory_space<vmem>>
      %dma_wait3A_1007 = tpu.memref_squeeze %dma_wait3A_1006 : memref<1x32x128xf32, #tpu.memory_space<vmem>> -> memref<32x128xf32, #tpu.memory_space<vmem>>
      %dma_wait3A_1008 = arith.constant 32 : i32
      %dma_wait3A_1009 = tpu.memref_slice %arg7[%rem3A_72, %dma_wait3A_1002, %dma_wait3A_1008] : memref<2x8x128xi32, #tpu.memory_space<vmem>> -> memref<1x1x32xi32, #tpu.memory_space<vmem>>
      %dma_wait3A_1010 = tpu.memref_squeeze %dma_wait3A_1009 : memref<1x1x32xi32, #tpu.memory_space<vmem>> -> memref<32xi32, #tpu.memory_space<vmem>>
      %dma_wait3A_1011 = arith.constant 0 : i32
      %dma_wait3A_1012 = arith.constant 0 : i32
      %dma_wait3A_1013 = tpu.memref_slice %arg2[%dma_wait3A_1011, %dma_wait3A_1012] : memref<10240x128xf32, #tpu.memory_space<hbm>> -> memref<10240x128xf32, #tpu.memory_space<hbm>>
      tpu.wait_indirect_dma semaphore(%arg12 : memref<!tpu.dma_semaphore, #tpu.memory_space<semaphore_mem>>) src(%dma_wait3A_1013 : memref<10240x128xf32, #tpu.memory_space<hbm>>) dst(%dma_wait3A_1007 : memref<32x128xf32, #tpu.memory_space<vmem>>)
      %dma_wait3A_1014 = arith.constant 7 : i32
      %dma_wait3A_1015 = arith.constant 1 : i32
      %dma_wait3A_1016 = arith.constant 64 : i32
      %dma_wait3A_1017 = arith.constant 0 : i32
      %dma_wait3A_1018 = tpu.memref_slice %arg9[%dma_wait3A_1015, %dma_wait3A_1016, %dma_wait3A_1017] : memref<2x128x128xf32, #tpu.memory_space<vmem>> -> memref<1x32x128xf32, #tpu.memory_space<vmem>>
      %dma_wait3A_1019 = tpu.memref_squeeze %dma_wait3A_1018 : memref<1x32x128xf32, #tpu.memory_space<vmem>> -> memref<32x128xf32, #tpu.memory_space<vmem>>
      %dma_wait3A_1020 = arith.constant 64 : i32
      %dma_wait3A_1021 = tpu.memref_slice %arg7[%rem3A_72, %dma_wait3A_1014, %dma_wait3A_1020] : memref<2x8x128xi32, #tpu.memory_space<vmem>> -> memref<1x1x32xi32, #tpu.memory_space<vmem>>
      %dma_wait3A_1022 = tpu.memref_squeeze %dma_wait3A_1021 : memref<1x1x32xi32, #tpu.memory_space<vmem>> -> memref<32xi32, #tpu.memory_space<vmem>>
      %dma_wait3A_1023 = arith.constant 0 : i32
      %dma_wait3A_1024 = arith.constant 0 : i32
      %dma_wait3A_1025 = tpu.memref_slice %arg2[%dma_wait3A_1023, %dma_wait3A_1024] : memref<10240x128xf32, #tpu.memory_space<hbm>> -> memref<10240x128xf32, #tpu.memory_space<hbm>>
      tpu.wait_indirect_dma semaphore(%arg12 : memref<!tpu.dma_semaphore, #tpu.memory_space<semaphore_mem>>) src(%dma_wait3A_1025 : memref<10240x128xf32, #tpu.memory_space<hbm>>) dst(%dma_wait3A_1019 : memref<32x128xf32, #tpu.memory_space<vmem>>)
      %dma_wait3A_1026 = arith.constant 7 : i32
      %dma_wait3A_1027 = arith.constant 1 : i32
      %dma_wait3A_1028 = arith.constant 96 : i32
      %dma_wait3A_1029 = arith.constant 0 : i32
      %dma_wait3A_1030 = tpu.memref_slice %arg9[%dma_wait3A_1027, %dma_wait3A_1028, %dma_wait3A_1029] : memref<2x128x128xf32, #tpu.memory_space<vmem>> -> memref<1x32x128xf32, #tpu.memory_space<vmem>>
      %dma_wait3A_1031 = tpu.memref_squeeze %dma_wait3A_1030 : memref<1x32x128xf32, #tpu.memory_space<vmem>> -> memref<32x128xf32, #tpu.memory_space<vmem>>
      %dma_wait3A_1032 = arith.constant 96 : i32
      %dma_wait3A_1033 = tpu.memref_slice %arg7[%rem3A_72, %dma_wait3A_1026, %dma_wait3A_1032] : memref<2x8x128xi32, #tpu.memory_space<vmem>> -> memref<1x1x32xi32, #tpu.memory_space<vmem>>
      %dma_wait3A_1034 = tpu.memref_squeeze %dma_wait3A_1033 : memref<1x1x32xi32, #tpu.memory_space<vmem>> -> memref<32xi32, #tpu.memory_space<vmem>>
      %dma_wait3A_1035 = arith.constant 0 : i32
      %dma_wait3A_1036 = arith.constant 0 : i32
      %dma_wait3A_1037 = tpu.memref_slice %arg2[%dma_wait3A_1035, %dma_wait3A_1036] : memref<10240x128xf32, #tpu.memory_space<hbm>> -> memref<10240x128xf32, #tpu.memory_space<hbm>>
      tpu.wait_indirect_dma semaphore(%arg12 : memref<!tpu.dma_semaphore, #tpu.memory_space<semaphore_mem>>) src(%dma_wait3A_1037 : memref<10240x128xf32, #tpu.memory_space<hbm>>) dst(%dma_wait3A_1031 : memref<32x128xf32, #tpu.memory_space<vmem>>)
      %dma_start3A_1038 = arith.constant 1 : i32
      %dma_start3A_1039 = arith.constant 7 : i32
      %dma_start3A_1040 = arith.constant 0 : i32
      %dma_start3A_1041 = arith.constant 0 : i32
      %dma_start3A_1042 = tpu.memref_slice %arg9[%dma_start3A_1038, %dma_start3A_1040, %dma_start3A_1041] : memref<2x128x128xf32, #tpu.memory_space<vmem>> -> memref<1x128x128xf32, #tpu.memory_space<vmem>>
      %dma_start3A_1043 = tpu.memref_squeeze %dma_start3A_1042 : memref<1x128x128xf32, #tpu.memory_space<vmem>> -> memref<128x128xf32, #tpu.memory_space<vmem>>
      %dma_start3A_1044 = arith.constant 0 : i32
      %dma_start3A_1045 = tpu.memref_slice %arg8[%rem3A_72, %dma_start3A_1039, %dma_start3A_1044] : memref<2x8x128xi32, #tpu.memory_space<vmem>> -> memref<1x1x128xi32, #tpu.memory_space<vmem>>
      %dma_start3A_1046 = tpu.memref_squeeze %dma_start3A_1045 : memref<1x1x128xi32, #tpu.memory_space<vmem>> -> memref<128xi32, #tpu.memory_space<vmem>>
      %dma_start3A_1047 = arith.constant 0 : i32
      %dma_start3A_1048 = arith.constant 0 : i32
      %dma_start3A_1049 = tpu.memref_slice %arg10[%dma_start3A_1047, %dma_start3A_1048] : memref<10240x128xf32, #tpu.memory_space<vmem_shared>> -> memref<10240x128xf32, #tpu.memory_space<vmem_shared>>
      tpu.enqueue_indirect_dma source(%dma_start3A_1043 : memref<128x128xf32, #tpu.memory_space<vmem>>) target(%dma_start3A_1049 : memref<10240x128xf32, #tpu.memory_space<vmem_shared>>) offsets(%dma_start3A_1046 : memref<128xi32, #tpu.memory_space<vmem>>) semaphore(%arg14 : memref<!tpu.dma_semaphore, #tpu.memory_space<semaphore_mem>>) {add = true}
    }
    %scan3A_40 = arith.constant 10 : i32
    %dma_wait3A = arith.constant 0 : i32
    %dma_wait3A_41 = arith.constant 0 : i32
    %dma_wait3A_42 = arith.constant 0 : i32
    %dma_wait3A_43 = arith.constant 0 : i32
    %dma_wait3A_44 = arith.constant 0 : i32
    %dma_wait3A_45 = tpu.memref_slice %arg9[%dma_wait3A, %dma_wait3A_43, %dma_wait3A_44] : memref<2x128x128xf32, #tpu.memory_space<vmem>> -> memref<1x128x128xf32, #tpu.memory_space<vmem>>
    %dma_wait3A_46 = tpu.memref_squeeze %dma_wait3A_45 : memref<1x128x128xf32, #tpu.memory_space<vmem>> -> memref<128x128xf32, #tpu.memory_space<vmem>>
    %dma_wait3A_47 = arith.constant 0 : i32
    %dma_wait3A_48 = tpu.memref_slice %arg8[%dma_wait3A_41, %dma_wait3A_42, %dma_wait3A_47] : memref<2x8x128xi32, #tpu.memory_space<vmem>> -> memref<1x1x128xi32, #tpu.memory_space<vmem>>
    %dma_wait3A_49 = tpu.memref_squeeze %dma_wait3A_48 : memref<1x1x128xi32, #tpu.memory_space<vmem>> -> memref<128xi32, #tpu.memory_space<vmem>>
    %dma_wait3A_50 = arith.constant 0 : i32
    %dma_wait3A_51 = arith.constant 0 : i32
    %dma_wait3A_52 = tpu.memref_slice %arg10[%dma_wait3A_50, %dma_wait3A_51] : memref<10240x128xf32, #tpu.memory_space<vmem_shared>> -> memref<10240x128xf32, #tpu.memory_space<vmem_shared>>
    tpu.wait_indirect_dma semaphore(%arg13 : memref<!tpu.dma_semaphore, #tpu.memory_space<semaphore_mem>>) src(%dma_wait3A_46 : memref<128x128xf32, #tpu.memory_space<vmem>>) dst(%dma_wait3A_52 : memref<10240x128xf32, #tpu.memory_space<vmem_shared>>)
    %dma_wait3A_53 = arith.constant 1 : i32
    %dma_wait3A_54 = arith.constant 1 : i32
    %dma_wait3A_55 = arith.constant 0 : i32
    %dma_wait3A_56 = arith.constant 0 : i32
    %dma_wait3A_57 = arith.constant 0 : i32
    %dma_wait3A_58 = tpu.memref_slice %arg9[%dma_wait3A_53, %dma_wait3A_56, %dma_wait3A_57] : memref<2x128x128xf32, #tpu.memory_space<vmem>> -> memref<1x128x128xf32, #tpu.memory_space<vmem>>
    %dma_wait3A_59 = tpu.memref_squeeze %dma_wait3A_58 : memref<1x128x128xf32, #tpu.memory_space<vmem>> -> memref<128x128xf32, #tpu.memory_space<vmem>>
    %dma_wait3A_60 = arith.constant 0 : i32
    %dma_wait3A_61 = tpu.memref_slice %arg8[%dma_wait3A_54, %dma_wait3A_55, %dma_wait3A_60] : memref<2x8x128xi32, #tpu.memory_space<vmem>> -> memref<1x1x128xi32, #tpu.memory_space<vmem>>
    %dma_wait3A_62 = tpu.memref_squeeze %dma_wait3A_61 : memref<1x1x128xi32, #tpu.memory_space<vmem>> -> memref<128xi32, #tpu.memory_space<vmem>>
    %dma_wait3A_63 = arith.constant 0 : i32
    %dma_wait3A_64 = arith.constant 0 : i32
    %dma_wait3A_65 = tpu.memref_slice %arg10[%dma_wait3A_63, %dma_wait3A_64] : memref<10240x128xf32, #tpu.memory_space<vmem_shared>> -> memref<10240x128xf32, #tpu.memory_space<vmem_shared>>
    tpu.wait_indirect_dma semaphore(%arg14 : memref<!tpu.dma_semaphore, #tpu.memory_space<semaphore_mem>>) src(%dma_wait3A_59 : memref<128x128xf32, #tpu.memory_space<vmem>>) dst(%dma_wait3A_65 : memref<10240x128xf32, #tpu.memory_space<vmem_shared>>)
    %barrier3A_66 = arith.constant 0 : index
    tpu.barrier barrier_id(%barrier3A_66)
    %mul3A_67 = arith.constant 640 : i32
    %mul3A_68 = arith.muli %arg1, %mul3A_67 : i32
    %mul3A_69 = arith.constant 640 : i32
    %mul3A_70 = arith.muli %arg1, %mul3A_69 : i32
    "tpu.region"() ({
      %run_scoped3A = tpu.sem_alloc : memref<!tpu.dma_semaphore, #tpu.memory_space<semaphore_mem>>
      %dma_start3A_71 = arith.constant 0 : i32
      %dma_start3A_72 = tpu.memref_slice %arg6[%arg0, %mul3A_70, %dma_start3A_71] : memref<2x10240x128xf32, #tpu.memory_space<hbm>> -> memref<1x640x128xf32, #tpu.memory_space<hbm>>
      %dma_start3A_73 = tpu.memref_squeeze %dma_start3A_72 : memref<1x640x128xf32, #tpu.memory_space<hbm>> -> memref<640x128xf32, #tpu.memory_space<hbm>>
      %dma_start3A_74 = arith.constant 0 : i32
      %dma_start3A_75 = tpu.memref_slice %arg10[%mul3A_68, %dma_start3A_74] : memref<10240x128xf32, #tpu.memory_space<vmem_shared>> -> memref<640x128xf32, #tpu.memory_space<vmem_shared>>
      tpu.enqueue_dma source(%dma_start3A_75 : memref<640x128xf32, #tpu.memory_space<vmem_shared>>) target(%dma_start3A_73 : memref<640x128xf32, #tpu.memory_space<hbm>>) target_semaphore(%run_scoped3A : memref<!tpu.dma_semaphore, #tpu.memory_space<semaphore_mem>>)
      %dma_wait3A_76 = arith.constant 0 : i32
      %dma_wait3A_77 = tpu.memref_slice %arg6[%arg0, %mul3A_70, %dma_wait3A_76] : memref<2x10240x128xf32, #tpu.memory_space<hbm>> -> memref<1x640x128xf32, #tpu.memory_space<hbm>>
      %dma_wait3A_78 = tpu.memref_squeeze %dma_wait3A_77 : memref<1x640x128xf32, #tpu.memory_space<hbm>> -> memref<640x128xf32, #tpu.memory_space<hbm>>
      %dma_wait3A_79 = arith.constant 0 : i32
      %dma_wait3A_80 = tpu.memref_slice %arg10[%mul3A_68, %dma_wait3A_79] : memref<10240x128xf32, #tpu.memory_space<vmem_shared>> -> memref<640x128xf32, #tpu.memory_space<vmem_shared>>
      tpu.wait_dma2 semaphore(%run_scoped3A : memref<!tpu.dma_semaphore, #tpu.memory_space<semaphore_mem>>) src(%dma_wait3A_80 : memref<640x128xf32, #tpu.memory_space<vmem_shared>>) dst(%dma_wait3A_78 : memref<640x128xf32, #tpu.memory_space<hbm>>)
      tpu.yield
    }) : () -> ()
    return
  }
}

module attributes {stable_mosaic.version = 14 : i64} {
  func.func @_stage_a_body(%arg0: i32, %arg1: memref<1000x1xf32, #tpu.memory_space<vmem>>, %arg2: memref<1000x128xf32, #tpu.memory_space<vmem>>, %arg3: memref<128x128xf32, #tpu.memory_space<vmem>>, %arg4: memref<1000x128xf32, #tpu.memory_space<vmem>>) attributes {dimension_semantics = [#tpu.dimension_semantics<arbitrary>], iteration_bounds = array<i64: 10>, scalar_prefetch = 0 : i64, scratch_operands = 0 : i64, tpu.core_type = #tpu.core_type<tc>, window_params = [{transform_indices = @transform_0, window_bounds = array<i64: 1000, 1>}, {transform_indices = @transform_1, window_bounds = array<i64: 1000, 128>}, {pipeline_mode = #tpu.pipeline_mode<synchronous>, transform_indices = @transform_2, window_bounds = array<i64: 128, 128>}, {transform_indices = @transform_3, window_bounds = array<i64: 1000, 128>}]} {
    %get3A = arith.constant 0 : index
    %get3A_0 = arith.constant 0 : index
    %get3A_1 = vector.load %arg2[%get3A, %get3A_0] : memref<1000x128xf32, #tpu.memory_space<vmem>>, vector<1000x128xf32>
    %get3A_2 = arith.constant 0 : index
    %get3A_3 = arith.constant 0 : index
    %get3A_4 = vector.load %arg1[%get3A_2, %get3A_3] : memref<1000x1xf32, #tpu.memory_space<vmem>>, vector<1000x1xf32>
    %mul3A = vector.broadcast %get3A_4 : vector<1000x1xf32> to vector<1000x128xf32>
    %mul3A_5 = arith.mulf %get3A_1, %mul3A : vector<1000x128xf32>
    %get3A_6 = arith.constant 0 : index
    %get3A_7 = arith.constant 0 : index
    %get3A_8 = vector.load %arg3[%get3A_6, %get3A_7] : memref<128x128xf32, #tpu.memory_space<vmem>>, vector<128x128xf32>
    %dot_general3A = arith.constant dense<0.000000e+00> : vector<1000x128xf32>
    %dot_general3A_9 = tpu.matmul %mul3A_5, %get3A_8, %dot_general3A {dimension_numbers = #tpu.dot_dimension_numbers<[1], [0], [0], [1], [0, 0, 1, 1], [], []>, transpose_lhs_hint = false} : vector<1000x128xf32>, vector<128x128xf32>, vector<1000x128xf32> -> vector<1000x128xf32>
    %swap3A = arith.constant 0 : index
    %swap3A_10 = arith.constant 0 : index
    %swap3A_11 = vector.load %arg4[%swap3A, %swap3A_10] : memref<1000x128xf32, #tpu.memory_space<vmem>>, vector<1000x128xf32>
    tpu.vector_store %arg4[%swap3A, %swap3A_10], %dot_general3A_9 {strides = array<i32>} : memref<1000x128xf32, #tpu.memory_space<vmem>>, vector<1000x128xf32>,
    return
  }
  func.func @transform_0(%arg0: i32) -> (i32, i32) {
    %c0_i32 = arith.constant 0 : i32
    %c0_i32_0 = arith.constant 0 : i32
    return %arg0, %c0_i32 : i32, i32
  }
  func.func @transform_1(%arg0: i32) -> (i32, i32) {
    %c0_i32 = arith.constant 0 : i32
    %c0_i32_0 = arith.constant 0 : i32
    return %arg0, %c0_i32 : i32, i32
  }
  func.func @transform_2(%arg0: i32) -> (i32, i32) {
    %c0_i32 = arith.constant 0 : i32
    %c0_i32_0 = arith.constant 0 : i32
    %c0_i32_1 = arith.constant 0 : i32
    return %c0_i32, %c0_i32_0 : i32, i32
  }
  func.func @transform_3(%arg0: i32) -> (i32, i32) {
    %c0_i32 = arith.constant 0 : i32
    %c0_i32_0 = arith.constant 0 : i32
    return %arg0, %c0_i32 : i32, i32
  }
}

module attributes {stable_mosaic.version = 14 : i64} {
  func.func @_stage_b_body(%arg0: i32, %arg1: i32, %arg2: memref<2x1000x128xf32, #tpu.memory_space<vmem>>, %arg3: memref<1000x1xf32, #tpu.memory_space<vmem>>, %arg4: memref<1x128xf32, #tpu.memory_space<vmem>>, %arg5: memref<1x128xf32, #tpu.memory_space<vmem>>, %arg6: memref<1x128xf32, #tpu.memory_space<vmem>>, %arg7: memref<1000x1xf32, #tpu.memory_space<vmem>>, %arg8: memref<128x128xf32, #tpu.memory_space<vmem>>, %arg9: memref<1000x128xf32, #tpu.memory_space<vmem>>, %arg10: memref<10x1000x128xf32, #tpu.memory_space<vmem>>, %arg11: memref<8x128xf32, #tpu.memory_space<vmem>>) attributes {dimension_semantics = [#tpu.dimension_semantics<arbitrary>, #tpu.dimension_semantics<arbitrary>], iteration_bounds = array<i64: 2, 10>, scalar_prefetch = 0 : i64, scratch_operands = 2 : i64, tpu.core_type = #tpu.core_type<tc>, window_params = [{transform_indices = @transform_0, window_bounds = array<i64: 2, 1000, 128>}, {transform_indices = @transform_1, window_bounds = array<i64: 1000, 1>}, {pipeline_mode = #tpu.pipeline_mode<synchronous>, transform_indices = @transform_2, window_bounds = array<i64: 1, 128>}, {pipeline_mode = #tpu.pipeline_mode<synchronous>, transform_indices = @transform_3, window_bounds = array<i64: 1, 128>}, {pipeline_mode = #tpu.pipeline_mode<synchronous>, transform_indices = @transform_4, window_bounds = array<i64: 1, 128>}, {transform_indices = @transform_5, window_bounds = array<i64: 1000, 1>}, {pipeline_mode = #tpu.pipeline_mode<synchronous>, transform_indices = @transform_6, window_bounds = array<i64: 128, 128>}, {transform_indices = @transform_7, window_bounds = array<i64: 1000, 128>}]} {
    %eq3A = arith.constant 0 : i32
    %eq3A_0 = arith.cmpi eq, %arg0, %eq3A : i32
    %convert_element_type3A = arith.extui %eq3A_0 : i1 to i32
    %cond3A = arith.constant 0 : i32
    %cond3A_1 = arith.cmpi ne, %convert_element_type3A, %cond3A : i32
    scf.if %cond3A_1 {
      %get3A = arith.constant 0 : index
      %get3A_7 = arith.constant 0 : index
      %get3A_8 = arith.constant 0 : index
      %get3A_9 = vector.load %arg2[%get3A, %get3A_7, %get3A_8] : memref<2x1000x128xf32, #tpu.memory_space<vmem>>, vector<1x1000x128xf32>
      %get3A_10 = vector.shape_cast %get3A_9 : vector<1x1000x128xf32> to vector<1000x128xf32>
      %get3A_11 = arith.constant 1 : index
      %get3A_12 = arith.constant 0 : index
      %get3A_13 = arith.constant 0 : index
      %get3A_14 = vector.load %arg2[%get3A_11, %get3A_12, %get3A_13] : memref<2x1000x128xf32, #tpu.memory_space<vmem>>, vector<1x1000x128xf32>
      %get3A_15 = vector.shape_cast %get3A_14 : vector<1x1000x128xf32> to vector<1000x128xf32>
      %add3A = arith.addf %get3A_10, %get3A_15 : vector<1000x128xf32>
      %get3A_16 = arith.constant 0 : index
      %get3A_17 = arith.constant 0 : index
      %get3A_18 = vector.load %arg3[%get3A_16, %get3A_17] : memref<1000x1xf32, #tpu.memory_space<vmem>>, vector<1000x1xf32>
      %mul3A = vector.broadcast %get3A_18 : vector<1000x1xf32> to vector<1000x128xf32>
      %mul3A_19 = arith.mulf %add3A, %mul3A : vector<1000x128xf32>
      %get3A_20 = arith.constant 0 : index
      %get3A_21 = arith.constant 0 : index
      %get3A_22 = vector.load %arg4[%get3A_20, %get3A_21] : memref<1x128xf32, #tpu.memory_space<vmem>>, vector<1x128xf32>
      %add3A_23 = vector.broadcast %get3A_22 : vector<1x128xf32> to vector<1000x128xf32>
      %add3A_24 = arith.addf %mul3A_19, %add3A_23 : vector<1000x128xf32>
      %swap3A = arith.index_cast %arg1 : i32 to index
      %swap3A_25 = arith.constant 0 : index
      %swap3A_26 = arith.constant 0 : index
      %swap3A_27 = vector.load %arg10[%swap3A, %swap3A_25, %swap3A_26] : memref<10x1000x128xf32, #tpu.memory_space<vmem>>, vector<1x1000x128xf32>
      %swap3A_28 = vector.shape_cast %swap3A_27 : vector<1x1000x128xf32> to vector<1000x128xf32>
      %swap3A_29 = vector.shape_cast %add3A_24 : vector<1000x128xf32> to vector<1x1000x128xf32>
      tpu.vector_store %arg10[%swap3A, %swap3A_25, %swap3A_26], %swap3A_29 {strides = array<i32>} : memref<10x1000x128xf32, #tpu.memory_space<vmem>>, vector<1x1000x128xf32>,
      %reduce_sum3A = arith.constant dense<0.000000e+00> : vector<128xf32>
      %reduce_sum3A_30 = vector.multi_reduction <add>, %add3A_24, %reduce_sum3A [0] : vector<1000x128xf32> to vector<128xf32>
      %broadcast_in_dim3A = vector.shape_cast %reduce_sum3A_30 : vector<128xf32> to vector<1x128xf32>
      %mul3A_31 = arith.mulf %add3A_24, %add3A_24 : vector<1000x128xf32>
      %reduce_sum3A_32 = arith.constant dense<0.000000e+00> : vector<128xf32>
      %reduce_sum3A_33 = vector.multi_reduction <add>, %mul3A_31, %reduce_sum3A_32 [0] : vector<1000x128xf32> to vector<128xf32>
      %broadcast_in_dim3A_34 = vector.shape_cast %reduce_sum3A_33 : vector<128xf32> to vector<1x128xf32>
      %eq3A_35 = arith.constant 0 : i32
      %eq3A_36 = arith.cmpi eq, %arg1, %eq3A_35 : i32
      %convert_element_type3A_37 = arith.extui %eq3A_36 : i1 to i32
      %cond3A_38 = arith.constant 0 : i32
      %cond3A_39 = arith.cmpi ne, %convert_element_type3A_37, %cond3A_38 : i32
      scf.if %cond3A_39 {
        %swap3A_44 = arith.constant 0 : index
        %swap3A_45 = arith.constant 0 : index
        %swap3A_46 = vector.load %arg11[%swap3A_44, %swap3A_45] : memref<8x128xf32, #tpu.memory_space<vmem>>, vector<1x128xf32>
        tpu.vector_store %arg11[%swap3A_44, %swap3A_45], %broadcast_in_dim3A {strides = array<i32>} : memref<8x128xf32, #tpu.memory_space<vmem>>, vector<1x128xf32>,
        %swap3A_47 = arith.constant 1 : index
        %swap3A_48 = arith.constant 0 : index
        %swap3A_49 = vector.load %arg11[%swap3A_47, %swap3A_48] : memref<8x128xf32, #tpu.memory_space<vmem>>, vector<1x128xf32>
        tpu.vector_store %arg11[%swap3A_47, %swap3A_48], %broadcast_in_dim3A_34 {strides = array<i32>} : memref<8x128xf32, #tpu.memory_space<vmem>>, vector<1x128xf32>,
      } else {
      }
      %gt3A = arith.constant 0 : i32
      %gt3A_40 = arith.cmpi sgt, %arg1, %gt3A : i32
      %convert_element_type3A_41 = arith.extui %gt3A_40 : i1 to i32
      %cond3A_42 = arith.constant 0 : i32
      %cond3A_43 = arith.cmpi ne, %convert_element_type3A_41, %cond3A_42 : i32
      scf.if %cond3A_43 {
        %get3A_44 = arith.constant 0 : index
        %get3A_45 = arith.constant 0 : index
        %get3A_46 = vector.load %arg11[%get3A_44, %get3A_45] : memref<8x128xf32, #tpu.memory_space<vmem>>, vector<1x128xf32>
        %add3A_47 = arith.addf %get3A_46, %broadcast_in_dim3A : vector<1x128xf32>
        %swap3A_48 = arith.constant 0 : index
        %swap3A_49 = arith.constant 0 : index
        %swap3A_50 = vector.load %arg11[%swap3A_48, %swap3A_49] : memref<8x128xf32, #tpu.memory_space<vmem>>, vector<1x128xf32>
        tpu.vector_store %arg11[%swap3A_48, %swap3A_49], %add3A_47 {strides = array<i32>} : memref<8x128xf32, #tpu.memory_space<vmem>>, vector<1x128xf32>,
        %get3A_51 = arith.constant 1 : index
        %get3A_52 = arith.constant 0 : index
        %get3A_53 = vector.load %arg11[%get3A_51, %get3A_52] : memref<8x128xf32, #tpu.memory_space<vmem>>, vector<1x128xf32>
        %add3A_54 = arith.addf %get3A_53, %broadcast_in_dim3A_34 : vector<1x128xf32>
        %swap3A_55 = arith.constant 1 : index
        %swap3A_56 = arith.constant 0 : index
        %swap3A_57 = vector.load %arg11[%swap3A_55, %swap3A_56] : memref<8x128xf32, #tpu.memory_space<vmem>>, vector<1x128xf32>
        tpu.vector_store %arg11[%swap3A_55, %swap3A_56], %add3A_54 {strides = array<i32>} : memref<8x128xf32, #tpu.memory_space<vmem>>, vector<1x128xf32>,
      } else {
      }
    } else {
    }
    %eq3A_2 = arith.constant 1 : i32
    %eq3A_3 = arith.cmpi eq, %arg0, %eq3A_2 : i32
    %convert_element_type3A_4 = arith.extui %eq3A_3 : i1 to i32
    %cond3A_5 = arith.constant 0 : i32
    %cond3A_6 = arith.cmpi ne, %convert_element_type3A_4, %cond3A_5 : i32
    scf.if %cond3A_6 {
      %get3A = arith.constant 0 : index
      %get3A_7 = arith.constant 0 : index
      %get3A_8 = vector.load %arg11[%get3A, %get3A_7] : memref<8x128xf32, #tpu.memory_space<vmem>>, vector<1x128xf32>
      %mul3A = arith.constant 9.99999974E-5 : f32
      %mul3A_9 = vector.broadcast %mul3A : f32 to vector<1x128xf32>
      %mul3A_10 = arith.mulf %get3A_8, %mul3A_9 : vector<1x128xf32>
      %get3A_11 = arith.constant 1 : index
      %get3A_12 = arith.constant 0 : index
      %get3A_13 = vector.load %arg11[%get3A_11, %get3A_12] : memref<8x128xf32, #tpu.memory_space<vmem>>, vector<1x128xf32>
      %mul3A_14 = arith.constant 9.99999974E-5 : f32
      %mul3A_15 = vector.broadcast %mul3A_14 : f32 to vector<1x128xf32>
      %mul3A_16 = arith.mulf %get3A_13, %mul3A_15 : vector<1x128xf32>
      %mul3A_17 = arith.mulf %mul3A_10, %mul3A_10 : vector<1x128xf32>
      %sub3A = arith.subf %mul3A_16, %mul3A_17 : vector<1x128xf32>
      %get3A_18 = arith.index_cast %arg1 : i32 to index
      %get3A_19 = arith.constant 0 : index
      %get3A_20 = arith.constant 0 : index
      %get3A_21 = vector.load %arg10[%get3A_18, %get3A_19, %get3A_20] : memref<10x1000x128xf32, #tpu.memory_space<vmem>>, vector<1x1000x128xf32>
      %get3A_22 = vector.shape_cast %get3A_21 : vector<1x1000x128xf32> to vector<1000x128xf32>
      %sub3A_23 = vector.broadcast %mul3A_10 : vector<1x128xf32> to vector<1000x128xf32>
      %sub3A_24 = arith.subf %get3A_22, %sub3A_23 : vector<1000x128xf32>
      %add3A = arith.constant 9.99999974E-6 : f32
      %add3A_25 = vector.broadcast %add3A : f32 to vector<1x128xf32>
      %add3A_26 = arith.addf %sub3A, %add3A_25 : vector<1x128xf32>
      %rsqrt3A = math.rsqrt %add3A_26 : vector<1x128xf32>
      %mul3A_27 = vector.broadcast %rsqrt3A : vector<1x128xf32> to vector<1000x128xf32>
      %mul3A_28 = arith.mulf %sub3A_24, %mul3A_27 : vector<1000x128xf32>
      %get3A_29 = arith.constant 0 : index
      %get3A_30 = arith.constant 0 : index
      %get3A_31 = vector.load %arg5[%get3A_29, %get3A_30] : memref<1x128xf32, #tpu.memory_space<vmem>>, vector<1x128xf32>
      %mul3A_32 = vector.broadcast %get3A_31 : vector<1x128xf32> to vector<1000x128xf32>
      %mul3A_33 = arith.mulf %mul3A_28, %mul3A_32 : vector<1000x128xf32>
      %get3A_34 = arith.constant 0 : index
      %get3A_35 = arith.constant 0 : index
      %get3A_36 = vector.load %arg6[%get3A_34, %get3A_35] : memref<1x128xf32, #tpu.memory_space<vmem>>, vector<1x128xf32>
      %add3A_37 = vector.broadcast %get3A_36 : vector<1x128xf32> to vector<1000x128xf32>
      %add3A_38 = arith.addf %mul3A_33, %add3A_37 : vector<1000x128xf32>
      %max3A = arith.constant 0.000000e+00 : f32
      %max3A_39 = vector.broadcast %max3A : f32 to vector<1000x128xf32>
      %max3A_40 = arith.maximumf %add3A_38, %max3A_39 : vector<1000x128xf32>
      %get3A_41 = arith.constant 0 : index
      %get3A_42 = arith.constant 0 : index
      %get3A_43 = vector.load %arg7[%get3A_41, %get3A_42] : memref<1000x1xf32, #tpu.memory_space<vmem>>, vector<1000x1xf32>
      %mul3A_44 = vector.broadcast %get3A_43 : vector<1000x1xf32> to vector<1000x128xf32>
      %mul3A_45 = arith.mulf %max3A_40, %mul3A_44 : vector<1000x128xf32>
      %get3A_46 = arith.constant 0 : index
      %get3A_47 = arith.constant 0 : index
      %get3A_48 = vector.load %arg8[%get3A_46, %get3A_47] : memref<128x128xf32, #tpu.memory_space<vmem>>, vector<128x128xf32>
      %dot_general3A = arith.constant dense<0.000000e+00> : vector<1000x128xf32>
      %dot_general3A_49 = tpu.matmul %mul3A_45, %get3A_48, %dot_general3A {dimension_numbers = #tpu.dot_dimension_numbers<[1], [0], [0], [1], [0, 0, 1, 1], [], []>, transpose_lhs_hint = false} : vector<1000x128xf32>, vector<128x128xf32>, vector<1000x128xf32> -> vector<1000x128xf32>
      %swap3A = arith.constant 0 : index
      %swap3A_50 = arith.constant 0 : index
      %swap3A_51 = vector.load %arg9[%swap3A, %swap3A_50] : memref<1000x128xf32, #tpu.memory_space<vmem>>, vector<1000x128xf32>
      tpu.vector_store %arg9[%swap3A, %swap3A_50], %dot_general3A_49 {strides = array<i32>} : memref<1000x128xf32, #tpu.memory_space<vmem>>, vector<1000x128xf32>,
    } else {
    }
    return
  }
  func.func @transform_0(%arg0: i32, %arg1: i32) -> (i32, i32, i32) {
    %sub3A = arith.constant 1 : i32
    %sub3A_0 = arith.subi %sub3A, %arg0 : i32
    %mul3A = arith.muli %arg1, %sub3A_0 : i32
    %c0_i32 = arith.constant 0 : i32
    %c0_i32_1 = arith.constant 0 : i32
    %c0_i32_2 = arith.constant 0 : i32
    return %c0_i32, %mul3A, %c0_i32_1 : i32, i32, i32
  }
  func.func @transform_1(%arg0: i32, %arg1: i32) -> (i32, i32) {
    %c0_i32 = arith.constant 0 : i32
    %c0_i32_0 = arith.constant 0 : i32
    return %arg1, %c0_i32 : i32, i32
  }
  func.func @transform_2(%arg0: i32, %arg1: i32) -> (i32, i32) {
    %c0_i32 = arith.constant 0 : i32
    %c0_i32_0 = arith.constant 0 : i32
    %c0_i32_1 = arith.constant 0 : i32
    return %c0_i32, %c0_i32_0 : i32, i32
  }
  func.func @transform_3(%arg0: i32, %arg1: i32) -> (i32, i32) {
    %c0_i32 = arith.constant 0 : i32
    %c0_i32_0 = arith.constant 0 : i32
    %c0_i32_1 = arith.constant 0 : i32
    return %c0_i32, %c0_i32_0 : i32, i32
  }
  func.func @transform_4(%arg0: i32, %arg1: i32) -> (i32, i32) {
    %c0_i32 = arith.constant 0 : i32
    %c0_i32_0 = arith.constant 0 : i32
    %c0_i32_1 = arith.constant 0 : i32
    return %c0_i32, %c0_i32_0 : i32, i32
  }
  func.func @transform_5(%arg0: i32, %arg1: i32) -> (i32, i32) {
    %c0_i32 = arith.constant 0 : i32
    %c0_i32_0 = arith.constant 0 : i32
    return %arg1, %c0_i32 : i32, i32
  }
  func.func @transform_6(%arg0: i32, %arg1: i32) -> (i32, i32) {
    %c0_i32 = arith.constant 0 : i32
    %c0_i32_0 = arith.constant 0 : i32
    %c0_i32_1 = arith.constant 0 : i32
    return %c0_i32, %c0_i32_0 : i32, i32
  }
  func.func @transform_7(%arg0: i32, %arg1: i32) -> (i32, i32) {
    %mul3A = arith.muli %arg1, %arg0 : i32
    %c0_i32 = arith.constant 0 : i32
    %c0_i32_0 = arith.constant 0 : i32
    return %mul3A, %c0_i32 : i32, i32
  }
}

module attributes {stable_mosaic.version = 14 : i64} {
  func.func @_stage_c_body(%arg0: i32, %arg1: memref<2x1000x128xf32, #tpu.memory_space<vmem>>, %arg2: memref<1000x1xf32, #tpu.memory_space<vmem>>, %arg3: memref<1x128xf32, #tpu.memory_space<vmem>>, %arg4: memref<1000x128xf32, #tpu.memory_space<vmem>>) attributes {dimension_semantics = [#tpu.dimension_semantics<arbitrary>], iteration_bounds = array<i64: 10>, scalar_prefetch = 0 : i64, scratch_operands = 0 : i64, tpu.core_type = #tpu.core_type<tc>, window_params = [{transform_indices = @transform_0, window_bounds = array<i64: 2, 1000, 128>}, {transform_indices = @transform_1, window_bounds = array<i64: 1000, 1>}, {pipeline_mode = #tpu.pipeline_mode<synchronous>, transform_indices = @transform_2, window_bounds = array<i64: 1, 128>}, {transform_indices = @transform_3, window_bounds = array<i64: 1000, 128>}]} {
    %get3A = arith.constant 0 : index
    %get3A_0 = arith.constant 0 : index
    %get3A_1 = arith.constant 0 : index
    %get3A_2 = vector.load %arg1[%get3A, %get3A_0, %get3A_1] : memref<2x1000x128xf32, #tpu.memory_space<vmem>>, vector<1x1000x128xf32>
    %get3A_3 = vector.shape_cast %get3A_2 : vector<1x1000x128xf32> to vector<1000x128xf32>
    %get3A_4 = arith.constant 1 : index
    %get3A_5 = arith.constant 0 : index
    %get3A_6 = arith.constant 0 : index
    %get3A_7 = vector.load %arg1[%get3A_4, %get3A_5, %get3A_6] : memref<2x1000x128xf32, #tpu.memory_space<vmem>>, vector<1x1000x128xf32>
    %get3A_8 = vector.shape_cast %get3A_7 : vector<1x1000x128xf32> to vector<1000x128xf32>
    %add3A = arith.addf %get3A_3, %get3A_8 : vector<1000x128xf32>
    %get3A_9 = arith.constant 0 : index
    %get3A_10 = arith.constant 0 : index
    %get3A_11 = vector.load %arg2[%get3A_9, %get3A_10] : memref<1000x1xf32, #tpu.memory_space<vmem>>, vector<1000x1xf32>
    %mul3A = vector.broadcast %get3A_11 : vector<1000x1xf32> to vector<1000x128xf32>
    %mul3A_12 = arith.mulf %add3A, %mul3A : vector<1000x128xf32>
    %get3A_13 = arith.constant 0 : index
    %get3A_14 = arith.constant 0 : index
    %get3A_15 = vector.load %arg3[%get3A_13, %get3A_14] : memref<1x128xf32, #tpu.memory_space<vmem>>, vector<1x128xf32>
    %add3A_16 = vector.broadcast %get3A_15 : vector<1x128xf32> to vector<1000x128xf32>
    %add3A_17 = arith.addf %mul3A_12, %add3A_16 : vector<1000x128xf32>
    %swap3A = arith.constant 0 : index
    %swap3A_18 = arith.constant 0 : index
    %swap3A_19 = vector.load %arg4[%swap3A, %swap3A_18] : memref<1000x128xf32, #tpu.memory_space<vmem>>, vector<1000x128xf32>
    tpu.vector_store %arg4[%swap3A, %swap3A_18], %add3A_17 {strides = array<i32>} : memref<1000x128xf32, #tpu.memory_space<vmem>>, vector<1000x128xf32>,
    return
  }
  func.func @transform_0(%arg0: i32) -> (i32, i32, i32) {
    %c0_i32 = arith.constant 0 : i32
    %c0_i32_0 = arith.constant 0 : i32
    %c0_i32_1 = arith.constant 0 : i32
    return %c0_i32, %arg0, %c0_i32_0 : i32, i32, i32
  }
  func.func @transform_1(%arg0: i32) -> (i32, i32) {
    %c0_i32 = arith.constant 0 : i32
    %c0_i32_0 = arith.constant 0 : i32
    return %arg0, %c0_i32 : i32, i32
  }
  func.func @transform_2(%arg0: i32) -> (i32, i32) {
    %c0_i32 = arith.constant 0 : i32
    %c0_i32_0 = arith.constant 0 : i32
    %c0_i32_1 = arith.constant 0 : i32
    return %c0_i32, %c0_i32_0 : i32, i32
  }
  func.func @transform_3(%arg0: i32) -> (i32, i32) {
    %c0_i32 = arith.constant 0 : i32
    %c0_i32_0 = arith.constant 0 : i32
    return %arg0, %c0_i32 : i32, i32
  }
}

</mosaic_0001>

<sc_bundles>
// kernel: kernel.11.cloned.1.call-start
scs
__scs_entry_jumppad:
0x0: {  	(pc) =	sbr.rel $0x88, $3  }
0x1: {  	(tag) =	ssettag $0x0;
	lr =	simm.s32 $0x1  }
0x2: {  	[smem:$0x3F99] =	sst lr;
	_ =	strace $0xD0000000  }
0x3: {  	_ = 	snop  }
0x4: {  	_ = 	snop  }
0x5: {  	_ = 	snop  }
0x6: {  	_ = 	snop  }
0x7: {  	_ = 	snop  }
__scs_overlays_trampoline_lowered:
0x8: {  	[smem:$0x3FA8] =	sst s0  }
0x9: {  	[smem:$0x3FA9] =	sst s1  }
0xa: {  	[smem:$0x3FAA] =	sst s2  }
0xb: {  	[smem:$0x3FAB] =	sst s3  }
0xc: {  	[smem:$0x3FAC] =	sst s4  }
0xd: {  	[smem:$0x3FAD] =	sst s5  }
0xe: {  	[smem:$0x3FAE] =	sst s6  }
0xf: {  	[smem:$0x3FAF] =	sst s7  }
0x10: {  	[smem:$0x3FB0] =	sst s8  }
0x11: {  	[smem:$0x3FB1] =	sst s9;
	s0 =	simm.s32 @!p0 $0x0  }
0x12: {  	s1 =	sld [smem:$0x3F97];
	s0 =	simm.s32 @p0 $0x1  }
0x13: {  	[smem:$0x3FB2] =	sst s0;
	s0 =	simm.s32 @!p1 $0x0  }
0x14: {  	s2 =	sld [smem:$0x3F96];
	s0 =	simm.s32 @p1 $0x1  }
0x15: {  	[smem:$0x3FB3] =	sst s0;
	s0 =	simm.s32 @!p2 $0x0  }
0x16: {  	s3 =	sld [smem:$0x3FDB];
	s0 =	simm.s32 @p2 $0x1  }
0x17: {  	s4 =	simm.s32 $0x1BF5;
	[smem:$0x3FB5] =	sst s0  }
0x18: {  	s0 =	sld [smem:$0x3F98];
	_ =	swait.ge [sflag:s4], $0x0  }
0x19: {  	s7 =	sld [smem:$0x3F99]  }
0x1a: {  	s8 =	sadd.s32 $0xFFFFE003, lr  }
0x1b: {  	s9 =	sadd.s32 $0xFFFFFEF7, lr;
	s5 =	simm.s32 $0xFFFFFFFF;
	p2 =	slt.u32 s8, $0xFFFFF086  }
0x1c: {  	p1 =	slt.u32 s9, $0xF7A;
	s5 =	simm.s32 @!p2 $0x0  }
0x1d: {  	s5 =	simm.s32 @p1 $0x1;
	p0 =	seq.s32 s7, s2  }
0x1e: {  	s7 =	smul.u32 @!p0 $0xF7A, s2;
	p2 =	seq.s32 @!p0 s5, $0x0  }
0x1f: {  	s9 =	smul.u32 $0xF7A, s1;
	s8 =	simm.s32 @!p0 $0x1BF5;
	p2 =	por !p2, p0  }
0x20: {  	[sflag:s8] =	ssyncset.s32 @!p0 $0xFFFFF086;
	s6 =	sadd.s32 @!p0 s3, s7;
	s7 =	simm.s32 @!p0 $0x108  }
0x21: {  	s3 =	sadd.s32 s3, s9;
	s6 =	sadd.s32 @!p0 $0x88, s6;
	s7 =	simm.s32 @p2 $0x1082  }
0x22: {  	[simem:s7], [sflag:s8] =	dma.local @!p0 [hbm:s6], $0xF7A  }
0x23: {  	s9 =	sor.u32 $0xD0000000, s2;
	s6 =	simm.s32 $0x108;
	_ =	swait.ge @!p0 [sflag:s8], $0x0  }
0x24: {  	s3 =	sadd.s32 $0x88, s3;
	s6 =	simm.s32 @!p1 $0x1082;
	[sflag:s4] =	ssyncset.s32 $0xFFFFF086  }
0x25: {  	[simem:s6], [sflag:s4] =	dma.local [hbm:s3], $0xF7A  }
0x26: {  	[smem:$0x3F99] =	sst s1;
	(tag) =	ssettag s2;
	_ =	strace s9  }
0x27: {  	s1 =	sld [smem:$0x3FA9]  }
0x28: {  	s2 =	sld [smem:$0x3FAA]  }
0x29: {  	s4 =	sld [smem:$0x3FAC]  }
0x2a: {  	p0 =	seq.s32 s5, $0x0;
	s5 =	sld [smem:$0x3FAD]  }
0x2b: {  	s6 =	sld [smem:$0x3FAE]  }
0x2c: {  	s7 =	sld [smem:$0x3FAF]  }
0x2d: {  	s3 =	simm.s32 $0x108;
	s8 =	sld [smem:$0x3FB0]  }
0x2e: {  	s3 =	simm.s32 @!p0 $0x1082;
	s9 =	sld [smem:$0x3FB1]  }
0x2f: {  	lr =	sadd.s32 s0, s3;
	s0 =	sld [smem:$0x3FA8]  }
0x30: {  	s3 =	sld [smem:$0x3FAB]  }
0x31: {  	[smem:$0x3FB4] =	sst s10  }
0x32: {  	s10 =	sld [smem:$0x3FB2];
	_ =	sdelay $0x3  }
0x33: {  	p0 =	seq.s32 s10, $0x1;
	s10 =	sld [smem:$0x3FB4];
	_ =	sdelay $0x3  }
0x34: {  	[smem:$0x3FB4] =	sst s10  }
0x35: {  	s10 =	sld [smem:$0x3FB3];
	_ =	sdelay $0x3  }
0x36: {  	p1 =	seq.s32 s10, $0x1;
	s10 =	sld [smem:$0x3FB4];
	_ =	sdelay $0x3  }
0x37: {  	[smem:$0x3FB4] =	sst s10  }
0x38: {  	s10 =	sld [smem:$0x3FB5]  }
0x39: {  	_ = 	snop;
	(pc) =	sbr.ind lr, $3  }
0x3a: {  	_ = 	snop  }
0x3b: {  	_ = 	snop  }
0x3c: {  	p2 =	seq.s32 s10, $0x1;
	s10 =	sld [smem:$0x3FB4]  }
0x3d: {  	_ =	shalt  }
0x3e: {  	_ =	shalt  }
0x3f: {  	_ =	shalt  }
0x40: {  	_ =	shalt  }
0x41: {  	_ =	shalt  }
0x42: {  	_ =	shalt  }
0x43: {  	_ =	shalt  }
0x44: {  	_ =	shalt  }
0x45: {  	_ =	shalt  }
0x46: {  	_ =	shalt  }
0x47: {  	_ =	shalt  }
0x48: {  	_ =	shalt  }
0x49: {  	_ =	shalt  }
0x4a: {  	_ =	shalt  }
0x4b: {  	_ =	shalt  }
0x4c: {  	_ =	shalt  }
0x4d: {  	_ =	shalt  }
0x4e: {  	_ =	shalt  }
0x4f: {  	_ =	shalt  }
0x50: {  	_ =	shalt  }
0x51: {  	_ =	shalt  }
0x52: {  	_ =	shalt  }
0x53: {  	_ =	shalt  }
0x54: {  	_ =	shalt  }
0x55: {  	_ =	shalt  }
0x56: {  	_ =	shalt  }
0x57: {  	_ =	shalt  }
0x58: {  	_ =	shalt  }
0x59: {  	_ =	shalt  }
0x5a: {  	_ =	shalt  }
0x5b: {  	_ =	shalt  }
0x5c: {  	_ =	shalt  }
0x5d: {  	_ =	shalt  }
0x5e: {  	_ =	shalt  }
0x5f: {  	_ =	shalt  }
0x60: {  	_ =	shalt  }
0x61: {  	_ =	shalt  }
0x62: {  	_ =	shalt  }
0x63: {  	_ =	shalt  }
0x64: {  	_ =	shalt  }
0x65: {  	_ =	shalt  }
0x66: {  	_ =	shalt  }
0x67: {  	_ =	shalt  }
0x68: {  	_ =	shalt  }
0x69: {  	_ =	shalt  }
0x6a: {  	_ =	shalt  }
0x6b: {  	_ =	shalt  }
0x6c: {  	_ =	shalt  }
0x6d: {  	_ =	shalt  }
0x6e: {  	_ =	shalt  }
0x6f: {  	_ =	shalt  }
0x70: {  	_ =	shalt  }
0x71: {  	_ =	shalt  }
0x72: {  	_ =	shalt  }
0x73: {  	_ =	shalt  }
0x74: {  	_ =	shalt  }
0x75: {  	_ =	shalt  }
0x76: {  	_ =	shalt  }
0x77: {  	_ =	shalt  }
0x78: {  	_ =	shalt  }
0x79: {  	_ =	shalt  }
0x7a: {  	_ =	shalt  }
0x7b: {  	_ =	shalt  }
0x7c: {  	_ =	shalt  }
0x7d: {  	_ =	shalt  }
0x7e: {  	_ =	shalt  }
0x7f: {  	_ =	shalt  }
0x80: {  	_ =	shalt  }
0x81: {  	_ =	shalt  }
0x82: {  	_ =	shalt  }
0x83: {  	_ =	shalt  }
0x84: {  	_ =	shalt  }
0x85: {  	_ =	shalt  }
0x86: {  	_ =	shalt  }
0x87: {  	_ =	shalt  }
.Lfunc_end0:
.L_simem_size_0:
called_computation.1_lowered:
.L_overlay_start_0:
0x88: {  	s2 =	sld [smem:$0x3FD9]  }
0x89: {  	s3 =	sld [smem:$0x3FFE];
	_ =	sdelay $0x1  }
0x8a: {  	s1 =	srdreg.scid  }
0x8b: {  	s0 =	sand.u32 $0x1, s1  }
0x8c: {  	s17 =	sshll.u32 s0, $0xA;
	s2 =	sadd.s32 s3, s2  }
0x8d: {  	s2 =	sadd.s32 s2, s17  }
0x8e: {  	[smem:$0x3FC0] =	sst s2  }
0x8f: {  	_ = 	snop  }
0x90: {  	s2 =	sld [smem:$0x3FD0];
	(tm) =	ssettm $0x1  }
0x91: {  	s18 =	sld [smem:$0x3FFB];
	_ =	sdelay $0x3  }
0x92: {  	_ =	strace s18  }
0x93: {  	s3 =	sld [smem:$0x3FFC];
	_ =	sdelay $0x3  }
0x94: {  	_ =	strace s3  }
0x95: {  	s3 =	sld [smem:$0x3FFD];
	_ =	sdelay $0x3  }
0x96: {  	_ =	strace s3  }
0x97: {  	_ =	strace $0x8FFFFFFF  }
0x98: {  	s19 =	sld [smem:$0x3FDB];
	_ =	sdelay $0x1  }
0x99: {  	s4 =	simm.s32 $_scs_section_size  }
0x9a: {  	s5 =	simm.s32 $_size__tile_overlayer_lowered;
	s6 =	simm.s32 $_tile_overlayer_lowered  }
0x9b: {  	s22 =	simm.s32 $0x1BFF;
	s21 =	sshll.u32 s6, $0x1;
	s3 =	sadd.s32 s4, s19  }
0x9c: {  	s7 =	simm.s32 $0x0;
	s20 =	sshll.u32 s5, $0x1;
	s5 =	sadd.s32 s21, s3  }
0x9d: {  	[timem:s7], [sflag:s22] =	dma.local [hbm:s5], s20  }
0x9e: {  	_ =	swait.ge [sflag:s22], s20  }
0x9f: {  	s4 =	ssub.s32 $0x0, s20;
	[sflag:s22] =	ssyncset.done $0x0  }
0xa0: {  	[sflag:s22] =	ssyncadd.s32 s4;
	_ =	sdelay $0x1  }
0xa1: {  	s23 =	simm.s32 $0x1B8B  }
0xa2: {  	_ =	swait.ge [sflag:s23], $0x1  }
0xa3: {  	[sflag:s23] =	ssyncset.done $0x0  }
0xa4: {  	s25 =	simm.s32 $0x1B8E;
	s24 =	sld [smem:$0x3FFE];
	[sflag:s23] =	ssyncadd.s32 $0xFFFFFFFF  }
0xa5: {  	s26 =	simm.s32 $execute0_lowered;
	[smem:$0x3FD2] =	sst s25  }
0xa6: {  	s5 =	sshll.u32 s26, $0x1;
	_ =	strace $0x80000049;
	[dreg:$0x1] =	wrdreg $0xFFFFFFFF  }
0xa7: {  	s28 =	simm.s32 $_size_execute0_lowered;
	s3 =	sadd.s32 s3, s5;
	[dreg:$0x0] =	wrdreg $0x0  }
0xa8: {  	s5 =	sshll.u32 s28, $0x1;
	[dreg:$0x2] =	wrdreg s3  }
0xa9: {  	[dreg:$0x3] =	wrdreg s5  }
0xaa: {  	[dreg:$0x4] =	wrdreg $0xC0  }
0xab: {  	_ =	task [dreg:s7], $0x5FFFF  }
0xac: {  	[dreg:$0x1] =	wrdreg $0xFFFFFFFF  }
0xad: {  	[dreg:$0x0] =	wrdreg $0x60  }
0xae: {  	[dreg:$0x2] =	wrdreg s24  }
0xaf: {  	[dreg:$0x3] =	wrdreg s2  }
0xb0: {  	[dreg:$0x4] =	wrdreg $0x90000  }
0xb1: {  	[dreg:$0x5] =	wrdreg $0x9  }
0xb2: {  	_ =	task.clear_ibuf [dreg:s7], $0x6FFFF;
	_ =	strace $0x90000049  }
0xb3: {  	s29 =	simm.s32 $0x9;
	_ =	strace $0x8000004B  }
0xb4: {  	_ =	swait.ge [sflag:s29], $0x1  }
0xb5: {  	[sflag:s29] =	ssyncadd.s32 $0xFFFFFFFF  }
0xb6: {  	_ =	strace $0x9000004B  }
0xb7: {  	_ =	sfence  }
0xb8: {  	s30 =	sld [smem:$0x0];
	_ =	sdelay $0x2  }
0xb9: {  	s31 =	sshll.u32 s1, $0xD;
	s1 =	sshrl.u32 s1, $0x2  }
0xba: {  	s3 =	sand.u32 $0x4000, s31;
	s1 =	sadd.s32 s1, s30  }
0xbb: {  	s0 =	sor.u32 s3, s0;
	s1 =	sshll.u32 s1, $0x11  }
0xbc: {  	s0 =	sor.u32 s1, s0  }
0xbd: {  	s0 =	sadd.s32 $0x8F2B, s0  }
0xbe: {  	[sflag:s0] =	ssyncadd.remote.s32 $0x1  }
0xbf: {  	_ =	sfence.sel $0xFFFF  }
0xc0: {  	[dreg:$0x0] =	wrdreg $0xFFFFFFFF;
	(pc) =	sbr.abs _section_cstart, $3  }
0xc1: {  	[dreg:$0x1] =	wrdreg $0xFFFFFFFF  }
0xc2: {  	_ =	task.clear_ibuf [dreg:s7], $0x2FFFF;
	_ =	strace $0x9FFFFFFF  }
0xc3: {  	(tm) =	ssettm $0x7FFFFFFF  }
tec
execute0_lowered:
.L_overlay_start_1:
0x0: {  	(tag) =	ssettag $0x1  }
0x1: {  	s0 =	rddreg [dreg:$0x0]  }
0x2: {  	s2 =	rddreg [dreg:$0x1]  }
0x3: {  	s3 =	rddreg [dreg:$0x2];
	s12 =	stileid.u32  }
0x4: {  	s1 =	srdreg.scid;
	s4 =	simm.s32 $0x0;
	s15 =	simm.s32 $0x6  }
0x5: {  	s28 =	simm.s32 $0x8000;
	s29 =	simm.s32 $0x80;
	s30 =	simm.s32 $0x3  }
0x6: {  	s31 =	simm.s32 $0x2;
	s7 =	smul.u32 $0x2800, s12;
	s1 =	sand.u32 $0x1, s1  }
0x7: {  	[smem:$0x7FF] =	sst s4;
	s9 =	smul.u32 $0x14000, s12;
	s5 =	sadd.s32 $0xC200, s0  }
0x8: {  	s6 =	sadd.s32 $0x2200, s0;
	s18 =	smul.u32 $0x50000, s12;
	s23 =	sshll.u32 s12, $0x6  }
0x9: {  	s8 =	smul.u32 $0x140000, s1;
	_ =	strace $0x8000004A;
	s19 =	sshll.u32 s1, $0x4  }
0xa: {  	s1 =	ssub.s32 $0x2, s1;
	s10 =	sadd.s32 s7, s0;
	s20 =	sor.u32 s12, s19  }
0xb: {  	s21 =	sshrl.u32 s1, $0x1;
	s19 =	simm.s32 $0x20;
	s17 =	sadd.s32 s9, s8  }
0xc: {  	s8 =	sshrl.u32 s18, $0x2;
	s7 =	smul.u32 $0x2800, s20;
	s1 =	ssub.s32 s1, s21  }
0xd: {  	s22 =	sadd.s32 $0x34200, s10;
	s9 =	sor.u32 $0x1C06, s23;
	s18 =	simm.s32 $0x1  }
0xe: {  	s20 =	simm.s32 $0x1000;
	s21 =	simm.s32 $0x2000;
	s23 =	simm.s32 $0x4000  }
0xf: {  	s11 =	sshrl.u32 s17, $0x3;
	s8 =	sadd.s32 s8, s3;
	[dreg:$0x4] =	wrdreg s22  }
0x10: {  	s13 =	smax.u32 s1, $0x1;
	s17 =	simm.s32 $0x5;
	s24 =	sshrl.u32 s7, $0x3  }
.Ltmp0:
0x11: {  	s22 =	simm.s32 $0x3000;
	s25 =	sadd.s32 s2, s24;
	(pc) =	sbr.rel .LBB2_1-.Ltmp0, $4  }
0x12: {  	s0 =	sadd.s32 s11, s0;
	s26 =	sadd.s32 s6, s24;
	[dreg:$0x5] =	wrdreg s25  }
0x13: {  	s1 =	simm.s32 $0x0;
	s0 =	sadd.s32 $0x5C200, s0;
	[dreg:$0x6] =	wrdreg s26  }
0x14: {  	s14 =	sshrl.u32 s8, $0x3;
	s24 =	simm.s32 $0x5000;
	[dreg:$0x7] =	wrdreg s0  }
0x15: {  	s25 =	simm.s32 $0x6000;
	s26 =	simm.s32 $0x7000;
	s0 =	simm.s32 $0x4  }
.LBB2_6:
0x16: {  	_ =	swait.ge [sflag:s30], $0x4000  }
0x17: {  	[sflag:s30] =	ssyncset.done $0x0  }
0x18: {  	[sflag:s30] =	ssyncadd.s32 $0xFFFFC000  }
0x19: {  	_ =	swait.ge [sflag:s0], $0x4000  }
0x1a: {  	[sflag:s0] =	ssyncset.done $0x0  }
0x1b: {  	s1 =	sadd.s32 $0x1, s1;
	[sflag:s0] =	ssyncadd.s32 $0xFFFFC000  }
0x1c: {  	p0 =	sne.s32 s1, s13;
	[bflag:$0x0] =	sbarrier.arrive $0xFFFF  }
.Ltmp1:
0x1d: {  	s8 =	rddreg [dreg:$0x7];
	(pc) =	sbr.rel @!p0 .LBB2_7-.Ltmp1, $4  }
0x1e: {  	[hbm:s8], [sflag:s9] =	dma.local [spmem:s14], $0x2800  }
0x1f: {  	_ =	swait.ge [sflag:s15], $0x2800  }
0x20: {  	[sflag:s15] =	ssyncset.done $0x0  }
0x21: {  	[sflag:s15] =	ssyncadd.s32 $0xFFFFD800  }
.LBB2_1:
0x22: {  	s8 =	rddreg [dreg:$0x4]  }
0x23: {  	[spmem:s14], [sflag:s9] =	dma.local [hbm:s8], $0x2800  }
0x24: {  	_ =	swait.ge [sflag:s15], $0x2800  }
0x25: {  	[sflag:s15] =	ssyncset.done $0x0  }
0x26: {  	s12 =	rddreg [dreg:$0x5];
	[sflag:s15] =	ssyncadd.s32 $0xFFFFD800  }
0x27: {  	[tilespmem:s4], [sflag:$0x5] =	stream.linear.gather [hbm4b:s12+s4], $0x400, $0x38;
	[tilespmem:$0x1D000] =	vst v63  }
.Ltmp2:
0x28: {  	_ = 	snop;
	(pc) =	sbr.rel .LBB2_2-.Ltmp2, $4  }
0x29: {  	s10 =	simm.s32 $0x800;
	s16 =	rddreg [dreg:$0x6]  }
0x2a: {  	[tilespmem:s10], [sflag:$0x5] =	stream.linear.gather [hbm4b:s16+s4], $0x400, $0x38;
	[tilespmem:$0x1D000] =	vst v63  }
0x2b: {  	[bflag:$0x0] =	sbarrier.arrive $0xFFFF  }
0x2c: {  	s10 =	simm.s32 $0x0  }
.LBB2_4:
0x2d: {  	s16 =	sadd.s32 @!p0 $0x1, s10  }
0x2e: {  	s16 =	simm.s32 @p0 $0x1  }
0x2f: {  	s8 =	sshll.u32 s16, $0xA  }
0x30: {  	s10 =	sshll.u32 s10, $0xA;
	s11 =	sadd.s32 s7, s8  }
0x31: {  	s8 =	sand.u32 $0x400, s10;
	s10 =	sshrl.u32 s11, $0x3  }
0x32: {  	s11 =	sxor.u32 $0x400, s8;
	s12 =	sadd.s32 s2, s10  }
0x33: {  	[tilespmem:s11], [sflag:$0x5] =	stream.linear.gather [hbm4b:s12+s4], $0x400, $0x38;
	[tilespmem:$0x1D000] =	vst v63  }
0x34: {  	s10 =	sadd.s32 s6, s10;
	s12 =	sxor.u32 $0xC00, s8  }
0x35: {  	[tilespmem:s12], [sflag:$0x5] =	stream.linear.gather [hbm4b:s10+s4], $0x400, $0x38;
	[tilespmem:$0x1D000] =	vst v63  }
0x36: {  	s10 =	smov.u32 s16  }
.LBB2_5:
0x37: {  	[tilespmem:s20], [sflag:$0x1] =	stream.indirect.gather [hbm4b:s5+s19], $0x80, s8, s19, $0xb8;
	[tilespmem:$0x1D000] =	vst v63  }
0x38: {  	s11 =	sadd.s32 $0x20, s8  }
0x39: {  	[tilespmem:s21], [sflag:$0x1] =	stream.indirect.gather [hbm4b:s5+s19], $0x80, s11, s19, $0xb8;
	[tilespmem:$0x1D000] =	vst v63  }
0x3a: {  	s12 =	sadd.s32 $0x40, s8  }
0x3b: {  	[tilespmem:s22], [sflag:$0x1] =	stream.indirect.gather [hbm4b:s5+s19], $0x80, s12, s19, $0xb8;
	[tilespmem:$0x1D000] =	vst v63  }
0x3c: {  	s16 =	sadd.s32 $0x60, s8  }
0x3d: {  	[tilespmem:s23], [sflag:$0x1] =	stream.indirect.gather [hbm4b:s5+s19], $0x80, s16, s19, $0xb8;
	[tilespmem:$0x1D000] =	vst v63  }
0x3e: {  	s12 =	sor.u32 $0x80, s8  }
0x3f: {  	[tilespmem:s24], [sflag:$0x2] =	stream.indirect.gather [hbm4b:s5+s19], $0x80, s12, s19, $0xb8;
	[tilespmem:$0x1D000] =	vst v63  }
0x40: {  	s16 =	sadd.s32 $0xA0, s8  }
0x41: {  	[tilespmem:s25], [sflag:$0x2] =	stream.indirect.gather [hbm4b:s5+s19], $0x80, s16, s19, $0xb8;
	[tilespmem:$0x1D000] =	vst v63  }
0x42: {  	s12 =	sadd.s32 $0xC0, s8  }
0x43: {  	[tilespmem:s26], [sflag:$0x2] =	stream.indirect.gather [hbm4b:s5+s19], $0x80, s12, s19, $0xb8;
	[tilespmem:$0x1D000] =	vst v63  }
0x44: {  	s16 =	sadd.s32 $0xE0, s8  }
0x45: {  	[tilespmem:s28], [sflag:$0x2] =	stream.indirect.gather [hbm4b:s5+s19], $0x80, s16, s19, $0xb8;
	[tilespmem:$0x1D000] =	vst v63  }
0x46: {  	_ =	swait.ge [sflag:s18], $0x1000  }
0x47: {  	[sflag:s18] =	ssyncset.done $0x0  }
0x48: {  	[sflag:s18] =	ssyncadd.s32 $0xFFFFF000  }
0x49: {  	_ =	swait.ge [sflag:s18], $0x1000  }
0x4a: {  	[sflag:s18] =	ssyncset.done $0x0  }
0x4b: {  	[sflag:s18] =	ssyncadd.s32 $0xFFFFF000  }
0x4c: {  	_ =	swait.ge [sflag:s18], $0x1000  }
0x4d: {  	[sflag:s18] =	ssyncset.done $0x0  }
0x4e: {  	[sflag:s18] =	ssyncadd.s32 $0xFFFFF000  }
0x4f: {  	_ =	swait.ge [sflag:s18], $0x1000  }
0x50: {  	[sflag:s18] =	ssyncset.done $0x0  }
0x51: {  	s12 =	sor.u32 $0x800, s8;
	[sflag:s18] =	ssyncadd.s32 $0xFFFFF000  }
0x52: {  	[spmem:s3] =	stream.indirect.scatter.add.f32 [tilespmem:s20], [sflag:$0x3], $0x80, s12, s29, $0xb8;
	[tilespmem:$0x1D000] =	vst v63  }
0x53: {  	_ =	swait.ge [sflag:s30], $0x4000  }
0x54: {  	[sflag:s30] =	ssyncset.done $0x0  }
0x55: {  	s16 =	sor.u32 $0x100, s8;
	[sflag:s30] =	ssyncadd.s32 $0xFFFFC000  }
0x56: {  	[tilespmem:s20], [sflag:$0x1] =	stream.indirect.gather [hbm4b:s5+s19], $0x80, s16, s19, $0xb8;
	[tilespmem:$0x1D000] =	vst v63  }
0x57: {  	s12 =	sadd.s32 $0x120, s8  }
0x58: {  	[tilespmem:s21], [sflag:$0x1] =	stream.indirect.gather [hbm4b:s5+s19], $0x80, s12, s19, $0xb8;
	[tilespmem:$0x1D000] =	vst v63  }
0x59: {  	s16 =	sadd.s32 $0x140, s8  }
0x5a: {  	[tilespmem:s22], [sflag:$0x1] =	stream.indirect.gather [hbm4b:s5+s19], $0x80, s16, s19, $0xb8;
	[tilespmem:$0x1D000] =	vst v63  }
0x5b: {  	s12 =	sadd.s32 $0x160, s8  }
0x5c: {  	[tilespmem:s23], [sflag:$0x1] =	stream.indirect.gather [hbm4b:s5+s19], $0x80, s12, s19, $0xb8;
	[tilespmem:$0x1D000] =	vst v63  }
0x5d: {  	_ =	swait.ge [sflag:s31], $0x1000  }
0x5e: {  	[sflag:s31] =	ssyncset.done $0x0  }
0x5f: {  	[sflag:s31] =	ssyncadd.s32 $0xFFFFF000  }
0x60: {  	_ =	swait.ge [sflag:s31], $0x1000  }
0x61: {  	[sflag:s31] =	ssyncset.done $0x0  }
0x62: {  	[sflag:s31] =	ssyncadd.s32 $0xFFFFF000  }
0x63: {  	_ =	swait.ge [sflag:s31], $0x1000  }
0x64: {  	[sflag:s31] =	ssyncset.done $0x0  }
0x65: {  	[sflag:s31] =	ssyncadd.s32 $0xFFFFF000  }
0x66: {  	_ =	swait.ge [sflag:s31], $0x1000  }
0x67: {  	[sflag:s31] =	ssyncset.done $0x0  }
0x68: {  	s16 =	sor.u32 $0x880, s8;
	[sflag:s31] =	ssyncadd.s32 $0xFFFFF000  }
0x69: {  	[spmem:s3] =	stream.indirect.scatter.add.f32 [tilespmem:s24], [sflag:$0x4], $0x80, s16, s29, $0xb8;
	[tilespmem:$0x1D000] =	vst v63  }
0x6a: {  	_ =	swait.ge [sflag:s0], $0x4000  }
0x6b: {  	[sflag:s0] =	ssyncset.done $0x0  }
0x6c: {  	s12 =	sor.u32 $0x180, s8;
	[sflag:s0] =	ssyncadd.s32 $0xFFFFC000  }
0x6d: {  	[tilespmem:s24], [sflag:$0x2] =	stream.indirect.gather [hbm4b:s5+s19], $0x80, s12, s19, $0xb8;
	[tilespmem:$0x1D000] =	vst v63  }
0x6e: {  	s16 =	sadd.s32 $0x1A0, s8  }
0x6f: {  	[tilespmem:s25], [sflag:$0x2] =	stream.indirect.gather [hbm4b:s5+s19], $0x80, s16, s19, $0xb8;
	[tilespmem:$0x1D000] =	vst v63  }
0x70: {  	s12 =	sadd.s32 $0x1C0, s8  }
0x71: {  	[tilespmem:s26], [sflag:$0x2] =	stream.indirect.gather [hbm4b:s5+s19], $0x80, s12, s19, $0xb8;
	[tilespmem:$0x1D000] =	vst v63  }
0x72: {  	s16 =	sadd.s32 $0x1E0, s8  }
0x73: {  	[tilespmem:s28], [sflag:$0x2] =	stream.indirect.gather [hbm4b:s5+s19], $0x80, s16, s19, $0xb8;
	[tilespmem:$0x1D000] =	vst v63  }
0x74: {  	_ =	swait.ge [sflag:s18], $0x1000  }
0x75: {  	[sflag:s18] =	ssyncset.done $0x0  }
0x76: {  	[sflag:s18] =	ssyncadd.s32 $0xFFFFF000  }
0x77: {  	_ =	swait.ge [sflag:s18], $0x1000  }
0x78: {  	[sflag:s18] =	ssyncset.done $0x0  }
0x79: {  	[sflag:s18] =	ssyncadd.s32 $0xFFFFF000  }
0x7a: {  	_ =	swait.ge [sflag:s18], $0x1000  }
0x7b: {  	[sflag:s18] =	ssyncset.done $0x0  }
0x7c: {  	[sflag:s18] =	ssyncadd.s32 $0xFFFFF000  }
0x7d: {  	_ =	swait.ge [sflag:s18], $0x1000  }
0x7e: {  	[sflag:s18] =	ssyncset.done $0x0  }
0x7f: {  	s12 =	sor.u32 $0x900, s8;
	[sflag:s18] =	ssyncadd.s32 $0xFFFFF000  }
0x80: {  	[spmem:s3] =	stream.indirect.scatter.add.f32 [tilespmem:s20], [sflag:$0x3], $0x80, s12, s29, $0xb8;
	[tilespmem:$0x1D000] =	vst v63  }
0x81: {  	_ =	swait.ge [sflag:s30], $0x4000  }
0x82: {  	[sflag:s30] =	ssyncset.done $0x0  }
0x83: {  	s16 =	sor.u32 $0x200, s8;
	[sflag:s30] =	ssyncadd.s32 $0xFFFFC000  }
0x84: {  	[tilespmem:s20], [sflag:$0x1] =	stream.indirect.gather [hbm4b:s5+s19], $0x80, s16, s19, $0xb8;
	[tilespmem:$0x1D000] =	vst v63  }
0x85: {  	s12 =	sadd.s32 $0x220, s8  }
0x86: {  	[tilespmem:s21], [sflag:$0x1] =	stream.indirect.gather [hbm4b:s5+s19], $0x80, s12, s19, $0xb8;
	[tilespmem:$0x1D000] =	vst v63  }
0x87: {  	s16 =	sadd.s32 $0x240, s8  }
0x88: {  	[tilespmem:s22], [sflag:$0x1] =	stream.indirect.gather [hbm4b:s5+s19], $0x80, s16, s19, $0xb8;
	[tilespmem:$0x1D000] =	vst v63  }
0x89: {  	s12 =	sadd.s32 $0x260, s8  }
0x8a: {  	[tilespmem:s23], [sflag:$0x1] =	stream.indirect.gather [hbm4b:s5+s19], $0x80, s12, s19, $0xb8;
	[tilespmem:$0x1D000] =	vst v63  }
0x8b: {  	_ =	swait.ge [sflag:s31], $0x1000  }
0x8c: {  	[sflag:s31] =	ssyncset.done $0x0  }
0x8d: {  	[sflag:s31] =	ssyncadd.s32 $0xFFFFF000  }
0x8e: {  	_ =	swait.ge [sflag:s31], $0x1000  }
0x8f: {  	[sflag:s31] =	ssyncset.done $0x0  }
0x90: {  	[sflag:s31] =	ssyncadd.s32 $0xFFFFF000  }
0x91: {  	_ =	swait.ge [sflag:s31], $0x1000  }
0x92: {  	[sflag:s31] =	ssyncset.done $0x0  }
0x93: {  	[sflag:s31] =	ssyncadd.s32 $0xFFFFF000  }
0x94: {  	_ =	swait.ge [sflag:s31], $0x1000  }
0x95: {  	[sflag:s31] =	ssyncset.done $0x0  }
0x96: {  	s16 =	sor.u32 $0x980, s8;
	[sflag:s31] =	ssyncadd.s32 $0xFFFFF000  }
0x97: {  	[spmem:s3] =	stream.indirect.scatter.add.f32 [tilespmem:s24], [sflag:$0x4], $0x80, s16, s29, $0xb8;
	[tilespmem:$0x1D000] =	vst v63  }
0x98: {  	_ =	swait.ge [sflag:s0], $0x4000  }
0x99: {  	[sflag:s0] =	ssyncset.done $0x0  }
0x9a: {  	s12 =	sor.u32 $0x280, s8;
	[sflag:s0] =	ssyncadd.s32 $0xFFFFC000  }
0x9b: {  	[tilespmem:s24], [sflag:$0x2] =	stream.indirect.gather [hbm4b:s5+s19], $0x80, s12, s19, $0xb8;
	[tilespmem:$0x1D000] =	vst v63  }
0x9c: {  	s16 =	sadd.s32 $0x2A0, s8  }
0x9d: {  	[tilespmem:s25], [sflag:$0x2] =	stream.indirect.gather [hbm4b:s5+s19], $0x80, s16, s19, $0xb8;
	[tilespmem:$0x1D000] =	vst v63  }
0x9e: {  	s12 =	sadd.s32 $0x2C0, s8  }
0x9f: {  	[tilespmem:s26], [sflag:$0x2] =	stream.indirect.gather [hbm4b:s5+s19], $0x80, s12, s19, $0xb8;
	[tilespmem:$0x1D000] =	vst v63  }
0xa0: {  	s16 =	sadd.s32 $0x2E0, s8  }
0xa1: {  	[tilespmem:s28], [sflag:$0x2] =	stream.indirect.gather [hbm4b:s5+s19], $0x80, s16, s19, $0xb8;
	[tilespmem:$0x1D000] =	vst v63  }
0xa2: {  	_ =	swait.ge [sflag:s18], $0x1000  }
0xa3: {  	[sflag:s18] =	ssyncset.done $0x0  }
0xa4: {  	[sflag:s18] =	ssyncadd.s32 $0xFFFFF000  }
0xa5: {  	_ =	swait.ge [sflag:s18], $0x1000  }
0xa6: {  	[sflag:s18] =	ssyncset.done $0x0  }
0xa7: {  	[sflag:s18] =	ssyncadd.s32 $0xFFFFF000  }
0xa8: {  	_ =	swait.ge [sflag:s18], $0x1000  }
0xa9: {  	[sflag:s18] =	ssyncset.done $0x0  }
0xaa: {  	[sflag:s18] =	ssyncadd.s32 $0xFFFFF000  }
0xab: {  	_ =	swait.ge [sflag:s18], $0x1000  }
0xac: {  	[sflag:s18] =	ssyncset.done $0x0  }
0xad: {  	s12 =	sor.u32 $0xA00, s8;
	[sflag:s18] =	ssyncadd.s32 $0xFFFFF000  }
0xae: {  	[spmem:s3] =	stream.indirect.scatter.add.f32 [tilespmem:s20], [sflag:$0x3], $0x80, s12, s29, $0xb8;
	[tilespmem:$0x1D000] =	vst v63  }
0xaf: {  	_ =	swait.ge [sflag:s30], $0x4000  }
0xb0: {  	[sflag:s30] =	ssyncset.done $0x0  }
0xb1: {  	s16 =	sor.u32 $0x300, s8;
	[sflag:s30] =	ssyncadd.s32 $0xFFFFC000  }
0xb2: {  	[tilespmem:s20], [sflag:$0x1] =	stream.indirect.gather [hbm4b:s5+s19], $0x80, s16, s19, $0xb8;
	[tilespmem:$0x1D000] =	vst v63  }
0xb3: {  	s12 =	sadd.s32 $0x320, s8  }
0xb4: {  	[tilespmem:s21], [sflag:$0x1] =	stream.indirect.gather [hbm4b:s5+s19], $0x80, s12, s19, $0xb8;
	[tilespmem:$0x1D000] =	vst v63  }
0xb5: {  	s16 =	sadd.s32 $0x340, s8  }
0xb6: {  	[tilespmem:s22], [sflag:$0x1] =	stream.indirect.gather [hbm4b:s5+s19], $0x80, s16, s19, $0xb8;
	[tilespmem:$0x1D000] =	vst v63  }
0xb7: {  	s12 =	sadd.s32 $0x360, s8  }
0xb8: {  	[tilespmem:s23], [sflag:$0x1] =	stream.indirect.gather [hbm4b:s5+s19], $0x80, s12, s19, $0xb8;
	[tilespmem:$0x1D000] =	vst v63  }
0xb9: {  	_ =	swait.ge [sflag:s31], $0x1000  }
0xba: {  	[sflag:s31] =	ssyncset.done $0x0  }
0xbb: {  	[sflag:s31] =	ssyncadd.s32 $0xFFFFF000  }
0xbc: {  	_ =	swait.ge [sflag:s31], $0x1000  }
0xbd: {  	[sflag:s31] =	ssyncset.done $0x0  }
0xbe: {  	[sflag:s31] =	ssyncadd.s32 $0xFFFFF000  }
0xbf: {  	_ =	swait.ge [sflag:s31], $0x1000  }
0xc0: {  	[sflag:s31] =	ssyncset.done $0x0  }
0xc1: {  	[sflag:s31] =	ssyncadd.s32 $0xFFFFF000  }
0xc2: {  	_ =	swait.ge [sflag:s31], $0x1000  }
0xc3: {  	[sflag:s31] =	ssyncset.done $0x0  }
0xc4: {  	s16 =	sor.u32 $0xA80, s8;
	[sflag:s31] =	ssyncadd.s32 $0xFFFFF000  }
0xc5: {  	[spmem:s3] =	stream.indirect.scatter.add.f32 [tilespmem:s24], [sflag:$0x4], $0x80, s16, s29, $0xb8;
	[tilespmem:$0x1D000] =	vst v63  }
0xc6: {  	_ =	swait.ge [sflag:s0], $0x4000  }
0xc7: {  	[sflag:s0] =	ssyncset.done $0x0  }
0xc8: {  	s12 =	sor.u32 $0x380, s8;
	[sflag:s0] =	ssyncadd.s32 $0xFFFFC000  }
0xc9: {  	[tilespmem:s24], [sflag:$0x2] =	stream.indirect.gather [hbm4b:s5+s19], $0x80, s12, s19, $0xb8;
	[tilespmem:$0x1D000] =	vst v63  }
0xca: {  	s16 =	sadd.s32 $0x3A0, s8  }
0xcb: {  	[tilespmem:s25], [sflag:$0x2] =	stream.indirect.gather [hbm4b:s5+s19], $0x80, s16, s19, $0xb8;
	[tilespmem:$0x1D000] =	vst v63  }
0xcc: {  	s12 =	sadd.s32 $0x3C0, s8  }
0xcd: {  	[tilespmem:s26], [sflag:$0x2] =	stream.indirect.gather [hbm4b:s5+s19], $0x80, s12, s19, $0xb8;
	[tilespmem:$0x1D000] =	vst v63  }
0xce: {  	s16 =	sadd.s32 $0x3E0, s8  }
0xcf: {  	[tilespmem:s28], [sflag:$0x2] =	stream.indirect.gather [hbm4b:s5+s19], $0x80, s16, s19, $0xb8;
	[tilespmem:$0x1D000] =	vst v63  }
0xd0: {  	_ =	swait.ge [sflag:s18], $0x1000  }
0xd1: {  	[sflag:s18] =	ssyncset.done $0x0  }
0xd2: {  	[sflag:s18] =	ssyncadd.s32 $0xFFFFF000  }
0xd3: {  	_ =	swait.ge [sflag:s18], $0x1000  }
0xd4: {  	[sflag:s18] =	ssyncset.done $0x0  }
0xd5: {  	[sflag:s18] =	ssyncadd.s32 $0xFFFFF000  }
0xd6: {  	_ =	swait.ge [sflag:s18], $0x1000  }
0xd7: {  	[sflag:s18] =	ssyncset.done $0x0  }
0xd8: {  	[sflag:s18] =	ssyncadd.s32 $0xFFFFF000  }
0xd9: {  	_ =	swait.ge [sflag:s18], $0x1000  }
0xda: {  	[sflag:s18] =	ssyncset.done $0x0  }
0xdb: {  	s12 =	sor.u32 $0xB00, s8;
	[sflag:s18] =	ssyncadd.s32 $0xFFFFF000  }
0xdc: {  	[spmem:s3] =	stream.indirect.scatter.add.f32 [tilespmem:s20], [sflag:$0x3], $0x80, s12, s29, $0xb8;
	[tilespmem:$0x1D000] =	vst v63  }
0xdd: {  	_ =	swait.ge [sflag:s31], $0x1000  }
0xde: {  	[sflag:s31] =	ssyncset.done $0x0  }
0xdf: {  	[sflag:s31] =	ssyncadd.s32 $0xFFFFF000  }
0xe0: {  	_ =	swait.ge [sflag:s31], $0x1000  }
0xe1: {  	[sflag:s31] =	ssyncset.done $0x0  }
0xe2: {  	[sflag:s31] =	ssyncadd.s32 $0xFFFFF000  }
0xe3: {  	_ =	swait.ge [sflag:s31], $0x1000  }
0xe4: {  	p0 =	slt.u32 s10, $0xA;
	[sflag:s31] =	ssyncset.done $0x0  }
.Ltmp3:
0xe5: {  	[sflag:s31] =	ssyncadd.s32 $0xFFFFF000;
	(pc) =	sbr.rel @!p0 .LBB2_6-.Ltmp3, $4  }
0xe6: {  	_ =	swait.ge [sflag:s31], $0x1000  }
0xe7: {  	[sflag:s31] =	ssyncset.done $0x0  }
0xe8: {  	s16 =	sor.u32 $0xB80, s8;
	[sflag:s31] =	ssyncadd.s32 $0xFFFFF000  }
0xe9: {  	[spmem:s3] =	stream.indirect.scatter.add.f32 [tilespmem:s24], [sflag:$0x4], $0x80, s16, s29, $0xb8;
	[tilespmem:$0x1D000] =	vst v63  }
.LBB2_2:
0xea: {  	_ =	swait.ge [sflag:s17], $0x400  }
0xeb: {  	[sflag:s17] =	ssyncset.done $0x0  }
0xec: {  	[sflag:s17] =	ssyncadd.s32 $0xFFFFFC00  }
0xed: {  	_ =	swait.ge [sflag:s17], $0x400  }
0xee: {  	p0 =	seq.s32 s10, $0x0;
	[sflag:s17] =	ssyncset.done $0x0  }
0xef: {  	s8 =	simm.s32 @!p0 $0x3;
	p1 =	seq.s32 @!p0 s10, $0x9;
	[sflag:s17] =	ssyncadd.s32 $0xFFFFFC00  }
0xf0: {  	p1 =	por p0, !p1;
	_ =	swait.ge @!p0 [sflag:s8], $0x4000  }
.Ltmp4:
0xf1: {  	[sflag:s8] =	ssyncset.done @!p0 $0x0;
	(pc) =	sbr.rel @p1 .LBB2_4-.Ltmp4, $4  }
0xf2: {  	[sflag:s8] =	ssyncadd.s32 @!p0 $0xFFFFC000;
	s8 =	simm.s32 @!p0 $0x4  }
0xf3: {  	_ =	swait.ge @!p0 [sflag:s8], $0x4000  }
0xf4: {  	[sflag:s8] =	ssyncset.done @!p0 $0x0  }
0xf5: {  	[sflag:s8] =	ssyncadd.s32 @!p0 $0xFFFFC000  }
.Ltmp5:
0xf6: {  	(pc) =	sbr.rel .LBB2_5-.Ltmp5, $2  }
0xf7: {  	_ =	sdelay $0x2  }
0xf8: {  	s10 =	simm.s32 @!p0 $0xA;
	s8 =	simm.s32 @!p0 $0x400  }
.LBB2_7:
0xf9: {  	_ =	sfence.sel $0x180000  }
0xfa: {  	[bflag:$0x0] =	sbarrier.arrive $0xFFFF  }
0xfb: {  	_ =	strace $0x9000004A  }
0xfc: {  	s0 =	stileid.u32;
	[bflag:$0x2] =	sbarrier.arrive $0xFFFF  }
0xfd: {  	p0 =	sne.s32 s0, $0x0;
	s0 =	rddreg [dreg:$0x3]  }
0xfe: {  	s0 =	sadd.s32 @!p0 $0x100000, s0  }
0xff: {  	[sflag:s0] =	ssyncadd.tile.s32 @!p0 $0x1;
	_ =	shalt  }
.Lfunc_end2:
_tile_overlayer_lowered:
.L_overlay_start_2:
0x100: {  	(tag) =	ssettag $0x2  }
0x101: {  	s0 =	rddreg [dreg:$0x0];
	s2 =	stileid.u32  }
0x102: {  	s1 =	rddreg [dreg:$0x1];
	p0 =	sne.s32 s2, $0x0  }
0x103: {  	s3 =	rddreg [dreg:$0x2];
	[bflag:$0x3] =	sbarrier.arrive $0xFFFF;
	s2 =	simm.s32 @!p0 $0x1C06  }
0x104: {  	[timem:s3], [sflag:s2] =	dma.local @!p0 [hbm:s0], s1  }
0x105: {  	s0 =	simm.s32 @!p0 $0x6  }
0x106: {  	_ =	swait.ge @!p0 [sflag:s0], s1  }
0x107: {  	s1 =	ssub.s32 @!p0 $0x0, s1;
	[sflag:s0] =	ssyncset.done @!p0 $0x0  }
0x108: {  	[sflag:s0] =	ssyncadd.s32 @!p0 s1  }
0x109: {  	[bflag:$0x3] =	sbarrier.arrive $0xFFFF  }
0x10a: {  	_ =	shalt  }

// kernel: kernel.14.cloned.1.call-start
scs
__scs_entry_jumppad:
0x0: {  	(pc) =	sbr.rel $0x88, $3  }
0x1: {  	(tag) =	ssettag $0x0;
	lr =	simm.s32 $0x1  }
0x2: {  	[smem:$0x3F99] =	sst lr;
	_ =	strace $0xD0000000  }
0x3: {  	_ = 	snop  }
0x4: {  	_ = 	snop  }
0x5: {  	_ = 	snop  }
0x6: {  	_ = 	snop  }
0x7: {  	_ = 	snop  }
__scs_overlays_trampoline_lowered:
0x8: {  	[smem:$0x3FA8] =	sst s0  }
0x9: {  	[smem:$0x3FA9] =	sst s1  }
0xa: {  	[smem:$0x3FAA] =	sst s2  }
0xb: {  	[smem:$0x3FAB] =	sst s3  }
0xc: {  	[smem:$0x3FAC] =	sst s4  }
0xd: {  	[smem:$0x3FAD] =	sst s5  }
0xe: {  	[smem:$0x3FAE] =	sst s6  }
0xf: {  	[smem:$0x3FAF] =	sst s7  }
0x10: {  	[smem:$0x3FB0] =	sst s8  }
0x11: {  	[smem:$0x3FB1] =	sst s9;
	s0 =	simm.s32 @!p0 $0x0  }
0x12: {  	s1 =	sld [smem:$0x3F97];
	s0 =	simm.s32 @p0 $0x1  }
0x13: {  	[smem:$0x3FB2] =	sst s0;
	s0 =	simm.s32 @!p1 $0x0  }
0x14: {  	s2 =	sld [smem:$0x3F96];
	s0 =	simm.s32 @p1 $0x1  }
0x15: {  	[smem:$0x3FB3] =	sst s0;
	s0 =	simm.s32 @!p2 $0x0  }
0x16: {  	s3 =	sld [smem:$0x3FDB];
	s0 =	simm.s32 @p2 $0x1  }
0x17: {  	s4 =	simm.s32 $0x1BF5;
	[smem:$0x3FB5] =	sst s0  }
0x18: {  	s0 =	sld [smem:$0x3F98];
	_ =	swait.ge [sflag:s4], $0x0  }
0x19: {  	s7 =	sld [smem:$0x3F99]  }
0x1a: {  	s8 =	sadd.s32 $0xFFFFE003, lr  }
0x1b: {  	s9 =	sadd.s32 $0xFFFFFEF7, lr;
	s5 =	simm.s32 $0xFFFFFFFF;
	p2 =	slt.u32 s8, $0xFFFFF086  }
0x1c: {  	p1 =	slt.u32 s9, $0xF7A;
	s5 =	simm.s32 @!p2 $0x0  }
0x1d: {  	s5 =	simm.s32 @p1 $0x1;
	p0 =	seq.s32 s7, s2  }
0x1e: {  	s7 =	smul.u32 @!p0 $0xF7A, s2;
	p2 =	seq.s32 @!p0 s5, $0x0  }
0x1f: {  	s9 =	smul.u32 $0xF7A, s1;
	s8 =	simm.s32 @!p0 $0x1BF5;
	p2 =	por !p2, p0  }
0x20: {  	[sflag:s8] =	ssyncset.s32 @!p0 $0xFFFFF086;
	s6 =	sadd.s32 @!p0 s3, s7;
	s7 =	simm.s32 @!p0 $0x108  }
0x21: {  	s3 =	sadd.s32 s3, s9;
	s6 =	sadd.s32 @!p0 $0x88, s6;
	s7 =	simm.s32 @p2 $0x1082  }
0x22: {  	[simem:s7], [sflag:s8] =	dma.local @!p0 [hbm:s6], $0xF7A  }
0x23: {  	s9 =	sor.u32 $0xD0000000, s2;
	s6 =	simm.s32 $0x108;
	_ =	swait.ge @!p0 [sflag:s8], $0x0  }
0x24: {  	s3 =	sadd.s32 $0x88, s3;
	s6 =	simm.s32 @!p1 $0x1082;
	[sflag:s4] =	ssyncset.s32 $0xFFFFF086  }
0x25: {  	[simem:s6], [sflag:s4] =	dma.local [hbm:s3], $0xF7A  }
0x26: {  	[smem:$0x3F99] =	sst s1;
	(tag) =	ssettag s2;
	_ =	strace s9  }
0x27: {  	s1 =	sld [smem:$0x3FA9]  }
0x28: {  	s2 =	sld [smem:$0x3FAA]  }
0x29: {  	s4 =	sld [smem:$0x3FAC]  }
0x2a: {  	p0 =	seq.s32 s5, $0x0;
	s5 =	sld [smem:$0x3FAD]  }
0x2b: {  	s6 =	sld [smem:$0x3FAE]  }
0x2c: {  	s7 =	sld [smem:$0x3FAF]  }
0x2d: {  	s3 =	simm.s32 $0x108;
	s8 =	sld [smem:$0x3FB0]  }
0x2e: {  	s3 =	simm.s32 @!p0 $0x1082;
	s9 =	sld [smem:$0x3FB1]  }
0x2f: {  	lr =	sadd.s32 s0, s3;
	s0 =	sld [smem:$0x3FA8]  }
0x30: {  	s3 =	sld [smem:$0x3FAB]  }
0x31: {  	[smem:$0x3FB4] =	sst s10  }
0x32: {  	s10 =	sld [smem:$0x3FB2];
	_ =	sdelay $0x3  }
0x33: {  	p0 =	seq.s32 s10, $0x1;
	s10 =	sld [smem:$0x3FB4];
	_ =	sdelay $0x3  }
0x34: {  	[smem:$0x3FB4] =	sst s10  }
0x35: {  	s10 =	sld [smem:$0x3FB3];
	_ =	sdelay $0x3  }
0x36: {  	p1 =	seq.s32 s10, $0x1;
	s10 =	sld [smem:$0x3FB4];
	_ =	sdelay $0x3  }
0x37: {  	[smem:$0x3FB4] =	sst s10  }
0x38: {  	s10 =	sld [smem:$0x3FB5]  }
0x39: {  	_ = 	snop;
	(pc) =	sbr.ind lr, $3  }
0x3a: {  	_ = 	snop  }
0x3b: {  	_ = 	snop  }
0x3c: {  	p2 =	seq.s32 s10, $0x1;
	s10 =	sld [smem:$0x3FB4]  }
0x3d: {  	_ =	shalt  }
0x3e: {  	_ =	shalt  }
0x3f: {  	_ =	shalt  }
0x40: {  	_ =	shalt  }
0x41: {  	_ =	shalt  }
0x42: {  	_ =	shalt  }
0x43: {  	_ =	shalt  }
0x44: {  	_ =	shalt  }
0x45: {  	_ =	shalt  }
0x46: {  	_ =	shalt  }
0x47: {  	_ =	shalt  }
0x48: {  	_ =	shalt  }
0x49: {  	_ =	shalt  }
0x4a: {  	_ =	shalt  }
0x4b: {  	_ =	shalt  }
0x4c: {  	_ =	shalt  }
0x4d: {  	_ =	shalt  }
0x4e: {  	_ =	shalt  }
0x4f: {  	_ =	shalt  }
0x50: {  	_ =	shalt  }
0x51: {  	_ =	shalt  }
0x52: {  	_ =	shalt  }
0x53: {  	_ =	shalt  }
0x54: {  	_ =	shalt  }
0x55: {  	_ =	shalt  }
0x56: {  	_ =	shalt  }
0x57: {  	_ =	shalt  }
0x58: {  	_ =	shalt  }
0x59: {  	_ =	shalt  }
0x5a: {  	_ =	shalt  }
0x5b: {  	_ =	shalt  }
0x5c: {  	_ =	shalt  }
0x5d: {  	_ =	shalt  }
0x5e: {  	_ =	shalt  }
0x5f: {  	_ =	shalt  }
0x60: {  	_ =	shalt  }
0x61: {  	_ =	shalt  }
0x62: {  	_ =	shalt  }
0x63: {  	_ =	shalt  }
0x64: {  	_ =	shalt  }
0x65: {  	_ =	shalt  }
0x66: {  	_ =	shalt  }
0x67: {  	_ =	shalt  }
0x68: {  	_ =	shalt  }
0x69: {  	_ =	shalt  }
0x6a: {  	_ =	shalt  }
0x6b: {  	_ =	shalt  }
0x6c: {  	_ =	shalt  }
0x6d: {  	_ =	shalt  }
0x6e: {  	_ =	shalt  }
0x6f: {  	_ =	shalt  }
0x70: {  	_ =	shalt  }
0x71: {  	_ =	shalt  }
0x72: {  	_ =	shalt  }
0x73: {  	_ =	shalt  }
0x74: {  	_ =	shalt  }
0x75: {  	_ =	shalt  }
0x76: {  	_ =	shalt  }
0x77: {  	_ =	shalt  }
0x78: {  	_ =	shalt  }
0x79: {  	_ =	shalt  }
0x7a: {  	_ =	shalt  }
0x7b: {  	_ =	shalt  }
0x7c: {  	_ =	shalt  }
0x7d: {  	_ =	shalt  }
0x7e: {  	_ =	shalt  }
0x7f: {  	_ =	shalt  }
0x80: {  	_ =	shalt  }
0x81: {  	_ =	shalt  }
0x82: {  	_ =	shalt  }
0x83: {  	_ =	shalt  }
0x84: {  	_ =	shalt  }
0x85: {  	_ =	shalt  }
0x86: {  	_ =	shalt  }
0x87: {  	_ =	shalt  }
.Lfunc_end0:
.L_simem_size_0:
called_computation.2_lowered:
.L_overlay_start_0:
0x88: {  	s2 =	sld [smem:$0x3FD9]  }
0x89: {  	s3 =	sld [smem:$0x3FFE];
	_ =	sdelay $0x1  }
0x8a: {  	s1 =	srdreg.scid  }
0x8b: {  	s0 =	sand.u32 $0x1, s1  }
0x8c: {  	s17 =	sshll.u32 s0, $0xA;
	s2 =	sadd.s32 s3, s2  }
0x8d: {  	s2 =	sadd.s32 s2, s17  }
0x8e: {  	[smem:$0x3FC0] =	sst s2  }
0x8f: {  	_ = 	snop  }
0x90: {  	s2 =	sld [smem:$0x3FD0];
	(tm) =	ssettm $0x1  }
0x91: {  	s18 =	sld [smem:$0x3FFB];
	_ =	sdelay $0x3  }
0x92: {  	_ =	strace s18  }
0x93: {  	s3 =	sld [smem:$0x3FFC];
	_ =	sdelay $0x3  }
0x94: {  	_ =	strace s3  }
0x95: {  	s3 =	sld [smem:$0x3FFD];
	_ =	sdelay $0x3  }
0x96: {  	_ =	strace s3  }
0x97: {  	_ =	strace $0x8FFFFFFF  }
0x98: {  	s19 =	sld [smem:$0x3FDB];
	_ =	sdelay $0x1  }
0x99: {  	s4 =	simm.s32 $_scs_section_size  }
0x9a: {  	s5 =	simm.s32 $_size__tile_overlayer_lowered;
	s6 =	simm.s32 $_tile_overlayer_lowered  }
0x9b: {  	s22 =	simm.s32 $0x1BFF;
	s21 =	sshll.u32 s6, $0x1;
	s3 =	sadd.s32 s4, s19  }
0x9c: {  	s7 =	simm.s32 $0x0;
	s20 =	sshll.u32 s5, $0x1;
	s5 =	sadd.s32 s21, s3  }
0x9d: {  	[timem:s7], [sflag:s22] =	dma.local [hbm:s5], s20  }
0x9e: {  	_ =	swait.ge [sflag:s22], s20  }
0x9f: {  	s4 =	ssub.s32 $0x0, s20;
	[sflag:s22] =	ssyncset.done $0x0  }
0xa0: {  	[sflag:s22] =	ssyncadd.s32 s4;
	_ =	sdelay $0x1  }
0xa1: {  	s23 =	simm.s32 $0x1B8B  }
0xa2: {  	_ =	swait.ge [sflag:s23], $0x1  }
0xa3: {  	[sflag:s23] =	ssyncset.done $0x0  }
0xa4: {  	s25 =	simm.s32 $0x1B8E;
	s24 =	sld [smem:$0x3FFE];
	[sflag:s23] =	ssyncadd.s32 $0xFFFFFFFF  }
0xa5: {  	s26 =	simm.s32 $execute0_lowered;
	[smem:$0x3FD2] =	sst s25  }
0xa6: {  	s5 =	sshll.u32 s26, $0x1;
	_ =	strace $0x8000004C;
	[dreg:$0x1] =	wrdreg $0xFFFFFFFF  }
0xa7: {  	s28 =	simm.s32 $_size_execute0_lowered;
	s3 =	sadd.s32 s3, s5;
	[dreg:$0x0] =	wrdreg $0x0  }
0xa8: {  	s5 =	sshll.u32 s28, $0x1;
	[dreg:$0x2] =	wrdreg s3  }
0xa9: {  	[dreg:$0x3] =	wrdreg s5  }
0xaa: {  	[dreg:$0x4] =	wrdreg $0xC0  }
0xab: {  	_ =	task [dreg:s7], $0x5FFFF  }
0xac: {  	[dreg:$0x1] =	wrdreg $0xFFFFFFFF  }
0xad: {  	[dreg:$0x0] =	wrdreg $0x60  }
0xae: {  	[dreg:$0x2] =	wrdreg s24  }
0xaf: {  	[dreg:$0x3] =	wrdreg s2  }
0xb0: {  	[dreg:$0x4] =	wrdreg $0x90000  }
0xb1: {  	[dreg:$0x5] =	wrdreg $0x9  }
0xb2: {  	_ =	task.clear_ibuf [dreg:s7], $0x6FFFF;
	_ =	strace $0x9000004C  }
0xb3: {  	s29 =	simm.s32 $0x9;
	_ =	strace $0x8000004E  }
0xb4: {  	_ =	swait.ge [sflag:s29], $0x1  }
0xb5: {  	[sflag:s29] =	ssyncadd.s32 $0xFFFFFFFF  }
0xb6: {  	_ =	strace $0x9000004E  }
0xb7: {  	_ =	sfence  }
0xb8: {  	s30 =	sld [smem:$0x0];
	_ =	sdelay $0x2  }
0xb9: {  	s31 =	sshll.u32 s1, $0xD;
	s1 =	sshrl.u32 s1, $0x2  }
0xba: {  	s3 =	sand.u32 $0x4000, s31;
	s1 =	sadd.s32 s1, s30  }
0xbb: {  	s0 =	sor.u32 s3, s0;
	s1 =	sshll.u32 s1, $0x11  }
0xbc: {  	s0 =	sor.u32 s1, s0  }
0xbd: {  	s0 =	sadd.s32 $0x8F2B, s0  }
0xbe: {  	[sflag:s0] =	ssyncadd.remote.s32 $0x1  }
0xbf: {  	_ =	sfence.sel $0xFFFF  }
0xc0: {  	[dreg:$0x0] =	wrdreg $0xFFFFFFFF;
	(pc) =	sbr.abs _section_cstart, $3  }
0xc1: {  	[dreg:$0x1] =	wrdreg $0xFFFFFFFF  }
0xc2: {  	_ =	task.clear_ibuf [dreg:s7], $0x2FFFF;
	_ =	strace $0x9FFFFFFF  }
0xc3: {  	(tm) =	ssettm $0x7FFFFFFF  }
tec
execute0_lowered:
.L_overlay_start_1:
0x0: {  	(tag) =	ssettag $0x1  }
0x1: {  	s0 =	rddreg [dreg:$0x0]  }
0x2: {  	s2 =	rddreg [dreg:$0x1]  }
0x3: {  	s3 =	rddreg [dreg:$0x2];
	s12 =	stileid.u32  }
0x4: {  	s1 =	srdreg.scid;
	s4 =	simm.s32 $0x0;
	s15 =	simm.s32 $0x6  }
0x5: {  	s28 =	simm.s32 $0x8000;
	s29 =	simm.s32 $0x80;
	s30 =	simm.s32 $0x3  }
0x6: {  	s31 =	simm.s32 $0x2;
	s7 =	smul.u32 $0x2800, s12;
	s1 =	sand.u32 $0x1, s1  }
0x7: {  	[smem:$0x7FF] =	sst s4;
	s9 =	smul.u32 $0x14000, s12;
	s5 =	sadd.s32 $0xC200, s0  }
0x8: {  	s6 =	sadd.s32 $0x2200, s0;
	s18 =	smul.u32 $0x50000, s12;
	s23 =	sshll.u32 s12, $0x6  }
0x9: {  	s8 =	smul.u32 $0x140000, s1;
	_ =	strace $0x8000004D;
	s19 =	sshll.u32 s1, $0x4  }
0xa: {  	s1 =	ssub.s32 $0x2, s1;
	s10 =	sadd.s32 s7, s0;
	s20 =	sor.u32 s12, s19  }
0xb: {  	s21 =	sshrl.u32 s1, $0x1;
	s19 =	simm.s32 $0x20;
	s17 =	sadd.s32 s9, s8  }
0xc: {  	s8 =	sshrl.u32 s18, $0x2;
	s7 =	smul.u32 $0x2800, s20;
	s1 =	ssub.s32 s1, s21  }
0xd: {  	s22 =	sadd.s32 $0x34200, s10;
	s9 =	sor.u32 $0x1C06, s23;
	s18 =	simm.s32 $0x1  }
0xe: {  	s20 =	simm.s32 $0x1000;
	s21 =	simm.s32 $0x2000;
	s23 =	simm.s32 $0x4000  }
0xf: {  	s11 =	sshrl.u32 s17, $0x3;
	s8 =	sadd.s32 s8, s3;
	[dreg:$0x4] =	wrdreg s22  }
0x10: {  	s13 =	smax.u32 s1, $0x1;
	s17 =	simm.s32 $0x5;
	s24 =	sshrl.u32 s7, $0x3  }
.Ltmp0:
0x11: {  	s22 =	simm.s32 $0x3000;
	s25 =	sadd.s32 s2, s24;
	(pc) =	sbr.rel .LBB2_1-.Ltmp0, $4  }
0x12: {  	s0 =	sadd.s32 s11, s0;
	s26 =	sadd.s32 s6, s24;
	[dreg:$0x5] =	wrdreg s25  }
0x13: {  	s1 =	simm.s32 $0x0;
	s0 =	sadd.s32 $0x5C200, s0;
	[dreg:$0x6] =	wrdreg s26  }
0x14: {  	s14 =	sshrl.u32 s8, $0x3;
	s24 =	simm.s32 $0x5000;
	[dreg:$0x7] =	wrdreg s0  }
0x15: {  	s25 =	simm.s32 $0x6000;
	s26 =	simm.s32 $0x7000;
	s0 =	simm.s32 $0x4  }
.LBB2_6:
0x16: {  	_ =	swait.ge [sflag:s30], $0x4000  }
0x17: {  	[sflag:s30] =	ssyncset.done $0x0  }
0x18: {  	[sflag:s30] =	ssyncadd.s32 $0xFFFFC000  }
0x19: {  	_ =	swait.ge [sflag:s0], $0x4000  }
0x1a: {  	[sflag:s0] =	ssyncset.done $0x0  }
0x1b: {  	s1 =	sadd.s32 $0x1, s1;
	[sflag:s0] =	ssyncadd.s32 $0xFFFFC000  }
0x1c: {  	p0 =	sne.s32 s1, s13;
	[bflag:$0x0] =	sbarrier.arrive $0xFFFF  }
.Ltmp1:
0x1d: {  	s8 =	rddreg [dreg:$0x7];
	(pc) =	sbr.rel @!p0 .LBB2_7-.Ltmp1, $4  }
0x1e: {  	[hbm:s8], [sflag:s9] =	dma.local [spmem:s14], $0x2800  }
0x1f: {  	_ =	swait.ge [sflag:s15], $0x2800  }
0x20: {  	[sflag:s15] =	ssyncset.done $0x0  }
0x21: {  	[sflag:s15] =	ssyncadd.s32 $0xFFFFD800  }
.LBB2_1:
0x22: {  	s8 =	rddreg [dreg:$0x4]  }
0x23: {  	[spmem:s14], [sflag:s9] =	dma.local [hbm:s8], $0x2800  }
0x24: {  	_ =	swait.ge [sflag:s15], $0x2800  }
0x25: {  	[sflag:s15] =	ssyncset.done $0x0  }
0x26: {  	s12 =	rddreg [dreg:$0x5];
	[sflag:s15] =	ssyncadd.s32 $0xFFFFD800  }
0x27: {  	[tilespmem:s4], [sflag:$0x5] =	stream.linear.gather [hbm4b:s12+s4], $0x400, $0x38;
	[tilespmem:$0x1D000] =	vst v63  }
.Ltmp2:
0x28: {  	_ = 	snop;
	(pc) =	sbr.rel .LBB2_2-.Ltmp2, $4  }
0x29: {  	s10 =	simm.s32 $0x800;
	s16 =	rddreg [dreg:$0x6]  }
0x2a: {  	[tilespmem:s10], [sflag:$0x5] =	stream.linear.gather [hbm4b:s16+s4], $0x400, $0x38;
	[tilespmem:$0x1D000] =	vst v63  }
0x2b: {  	[bflag:$0x0] =	sbarrier.arrive $0xFFFF  }
0x2c: {  	s10 =	simm.s32 $0x0  }
.LBB2_4:
0x2d: {  	s16 =	sadd.s32 @!p0 $0x1, s10  }
0x2e: {  	s16 =	simm.s32 @p0 $0x1  }
0x2f: {  	s8 =	sshll.u32 s16, $0xA  }
0x30: {  	s10 =	sshll.u32 s10, $0xA;
	s11 =	sadd.s32 s7, s8  }
0x31: {  	s8 =	sand.u32 $0x400, s10;
	s10 =	sshrl.u32 s11, $0x3  }
0x32: {  	s11 =	sxor.u32 $0x400, s8;
	s12 =	sadd.s32 s2, s10  }
0x33: {  	[tilespmem:s11], [sflag:$0x5] =	stream.linear.gather [hbm4b:s12+s4], $0x400, $0x38;
	[tilespmem:$0x1D000] =	vst v63  }
0x34: {  	s10 =	sadd.s32 s6, s10;
	s12 =	sxor.u32 $0xC00, s8  }
0x35: {  	[tilespmem:s12], [sflag:$0x5] =	stream.linear.gather [hbm4b:s10+s4], $0x400, $0x38;
	[tilespmem:$0x1D000] =	vst v63  }
0x36: {  	s10 =	smov.u32 s16  }
.LBB2_5:
0x37: {  	[tilespmem:s20], [sflag:$0x1] =	stream.indirect.gather [hbm4b:s5+s19], $0x80, s8, s19, $0xb8;
	[tilespmem:$0x1D000] =	vst v63  }
0x38: {  	s11 =	sadd.s32 $0x20, s8  }
0x39: {  	[tilespmem:s21], [sflag:$0x1] =	stream.indirect.gather [hbm4b:s5+s19], $0x80, s11, s19, $0xb8;
	[tilespmem:$0x1D000] =	vst v63  }
0x3a: {  	s12 =	sadd.s32 $0x40, s8  }
0x3b: {  	[tilespmem:s22], [sflag:$0x1] =	stream.indirect.gather [hbm4b:s5+s19], $0x80, s12, s19, $0xb8;
	[tilespmem:$0x1D000] =	vst v63  }
0x3c: {  	s16 =	sadd.s32 $0x60, s8  }
0x3d: {  	[tilespmem:s23], [sflag:$0x1] =	stream.indirect.gather [hbm4b:s5+s19], $0x80, s16, s19, $0xb8;
	[tilespmem:$0x1D000] =	vst v63  }
0x3e: {  	s12 =	sor.u32 $0x80, s8  }
0x3f: {  	[tilespmem:s24], [sflag:$0x2] =	stream.indirect.gather [hbm4b:s5+s19], $0x80, s12, s19, $0xb8;
	[tilespmem:$0x1D000] =	vst v63  }
0x40: {  	s16 =	sadd.s32 $0xA0, s8  }
0x41: {  	[tilespmem:s25], [sflag:$0x2] =	stream.indirect.gather [hbm4b:s5+s19], $0x80, s16, s19, $0xb8;
	[tilespmem:$0x1D000] =	vst v63  }
0x42: {  	s12 =	sadd.s32 $0xC0, s8  }
0x43: {  	[tilespmem:s26], [sflag:$0x2] =	stream.indirect.gather [hbm4b:s5+s19], $0x80, s12, s19, $0xb8;
	[tilespmem:$0x1D000] =	vst v63  }
0x44: {  	s16 =	sadd.s32 $0xE0, s8  }
0x45: {  	[tilespmem:s28], [sflag:$0x2] =	stream.indirect.gather [hbm4b:s5+s19], $0x80, s16, s19, $0xb8;
	[tilespmem:$0x1D000] =	vst v63  }
0x46: {  	_ =	swait.ge [sflag:s18], $0x1000  }
0x47: {  	[sflag:s18] =	ssyncset.done $0x0  }
0x48: {  	[sflag:s18] =	ssyncadd.s32 $0xFFFFF000  }
0x49: {  	_ =	swait.ge [sflag:s18], $0x1000  }
0x4a: {  	[sflag:s18] =	ssyncset.done $0x0  }
0x4b: {  	[sflag:s18] =	ssyncadd.s32 $0xFFFFF000  }
0x4c: {  	_ =	swait.ge [sflag:s18], $0x1000  }
0x4d: {  	[sflag:s18] =	ssyncset.done $0x0  }
0x4e: {  	[sflag:s18] =	ssyncadd.s32 $0xFFFFF000  }
0x4f: {  	_ =	swait.ge [sflag:s18], $0x1000  }
0x50: {  	[sflag:s18] =	ssyncset.done $0x0  }
0x51: {  	s12 =	sor.u32 $0x800, s8;
	[sflag:s18] =	ssyncadd.s32 $0xFFFFF000  }
0x52: {  	[spmem:s3] =	stream.indirect.scatter.add.f32 [tilespmem:s20], [sflag:$0x3], $0x80, s12, s29, $0xb8;
	[tilespmem:$0x1D000] =	vst v63  }
0x53: {  	_ =	swait.ge [sflag:s30], $0x4000  }
0x54: {  	[sflag:s30] =	ssyncset.done $0x0  }
0x55: {  	s16 =	sor.u32 $0x100, s8;
	[sflag:s30] =	ssyncadd.s32 $0xFFFFC000  }
0x56: {  	[tilespmem:s20], [sflag:$0x1] =	stream.indirect.gather [hbm4b:s5+s19], $0x80, s16, s19, $0xb8;
	[tilespmem:$0x1D000] =	vst v63  }
0x57: {  	s12 =	sadd.s32 $0x120, s8  }
0x58: {  	[tilespmem:s21], [sflag:$0x1] =	stream.indirect.gather [hbm4b:s5+s19], $0x80, s12, s19, $0xb8;
	[tilespmem:$0x1D000] =	vst v63  }
0x59: {  	s16 =	sadd.s32 $0x140, s8  }
0x5a: {  	[tilespmem:s22], [sflag:$0x1] =	stream.indirect.gather [hbm4b:s5+s19], $0x80, s16, s19, $0xb8;
	[tilespmem:$0x1D000] =	vst v63  }
0x5b: {  	s12 =	sadd.s32 $0x160, s8  }
0x5c: {  	[tilespmem:s23], [sflag:$0x1] =	stream.indirect.gather [hbm4b:s5+s19], $0x80, s12, s19, $0xb8;
	[tilespmem:$0x1D000] =	vst v63  }
0x5d: {  	_ =	swait.ge [sflag:s31], $0x1000  }
0x5e: {  	[sflag:s31] =	ssyncset.done $0x0  }
0x5f: {  	[sflag:s31] =	ssyncadd.s32 $0xFFFFF000  }
0x60: {  	_ =	swait.ge [sflag:s31], $0x1000  }
0x61: {  	[sflag:s31] =	ssyncset.done $0x0  }
0x62: {  	[sflag:s31] =	ssyncadd.s32 $0xFFFFF000  }
0x63: {  	_ =	swait.ge [sflag:s31], $0x1000  }
0x64: {  	[sflag:s31] =	ssyncset.done $0x0  }
0x65: {  	[sflag:s31] =	ssyncadd.s32 $0xFFFFF000  }
0x66: {  	_ =	swait.ge [sflag:s31], $0x1000  }
0x67: {  	[sflag:s31] =	ssyncset.done $0x0  }
0x68: {  	s16 =	sor.u32 $0x880, s8;
	[sflag:s31] =	ssyncadd.s32 $0xFFFFF000  }
0x69: {  	[spmem:s3] =	stream.indirect.scatter.add.f32 [tilespmem:s24], [sflag:$0x4], $0x80, s16, s29, $0xb8;
	[tilespmem:$0x1D000] =	vst v63  }
0x6a: {  	_ =	swait.ge [sflag:s0], $0x4000  }
0x6b: {  	[sflag:s0] =	ssyncset.done $0x0  }
0x6c: {  	s12 =	sor.u32 $0x180, s8;
	[sflag:s0] =	ssyncadd.s32 $0xFFFFC000  }
0x6d: {  	[tilespmem:s24], [sflag:$0x2] =	stream.indirect.gather [hbm4b:s5+s19], $0x80, s12, s19, $0xb8;
	[tilespmem:$0x1D000] =	vst v63  }
0x6e: {  	s16 =	sadd.s32 $0x1A0, s8  }
0x6f: {  	[tilespmem:s25], [sflag:$0x2] =	stream.indirect.gather [hbm4b:s5+s19], $0x80, s16, s19, $0xb8;
	[tilespmem:$0x1D000] =	vst v63  }
0x70: {  	s12 =	sadd.s32 $0x1C0, s8  }
0x71: {  	[tilespmem:s26], [sflag:$0x2] =	stream.indirect.gather [hbm4b:s5+s19], $0x80, s12, s19, $0xb8;
	[tilespmem:$0x1D000] =	vst v63  }
0x72: {  	s16 =	sadd.s32 $0x1E0, s8  }
0x73: {  	[tilespmem:s28], [sflag:$0x2] =	stream.indirect.gather [hbm4b:s5+s19], $0x80, s16, s19, $0xb8;
	[tilespmem:$0x1D000] =	vst v63  }
0x74: {  	_ =	swait.ge [sflag:s18], $0x1000  }
0x75: {  	[sflag:s18] =	ssyncset.done $0x0  }
0x76: {  	[sflag:s18] =	ssyncadd.s32 $0xFFFFF000  }
0x77: {  	_ =	swait.ge [sflag:s18], $0x1000  }
0x78: {  	[sflag:s18] =	ssyncset.done $0x0  }
0x79: {  	[sflag:s18] =	ssyncadd.s32 $0xFFFFF000  }
0x7a: {  	_ =	swait.ge [sflag:s18], $0x1000  }
0x7b: {  	[sflag:s18] =	ssyncset.done $0x0  }
0x7c: {  	[sflag:s18] =	ssyncadd.s32 $0xFFFFF000  }
0x7d: {  	_ =	swait.ge [sflag:s18], $0x1000  }
0x7e: {  	[sflag:s18] =	ssyncset.done $0x0  }
0x7f: {  	s12 =	sor.u32 $0x900, s8;
	[sflag:s18] =	ssyncadd.s32 $0xFFFFF000  }
0x80: {  	[spmem:s3] =	stream.indirect.scatter.add.f32 [tilespmem:s20], [sflag:$0x3], $0x80, s12, s29, $0xb8;
	[tilespmem:$0x1D000] =	vst v63  }
0x81: {  	_ =	swait.ge [sflag:s30], $0x4000  }
0x82: {  	[sflag:s30] =	ssyncset.done $0x0  }
0x83: {  	s16 =	sor.u32 $0x200, s8;
	[sflag:s30] =	ssyncadd.s32 $0xFFFFC000  }
0x84: {  	[tilespmem:s20], [sflag:$0x1] =	stream.indirect.gather [hbm4b:s5+s19], $0x80, s16, s19, $0xb8;
	[tilespmem:$0x1D000] =	vst v63  }
0x85: {  	s12 =	sadd.s32 $0x220, s8  }
0x86: {  	[tilespmem:s21], [sflag:$0x1] =	stream.indirect.gather [hbm4b:s5+s19], $0x80, s12, s19, $0xb8;
	[tilespmem:$0x1D000] =	vst v63  }
0x87: {  	s16 =	sadd.s32 $0x240, s8  }
0x88: {  	[tilespmem:s22], [sflag:$0x1] =	stream.indirect.gather [hbm4b:s5+s19], $0x80, s16, s19, $0xb8;
	[tilespmem:$0x1D000] =	vst v63  }
0x89: {  	s12 =	sadd.s32 $0x260, s8  }
0x8a: {  	[tilespmem:s23], [sflag:$0x1] =	stream.indirect.gather [hbm4b:s5+s19], $0x80, s12, s19, $0xb8;
	[tilespmem:$0x1D000] =	vst v63  }
0x8b: {  	_ =	swait.ge [sflag:s31], $0x1000  }
0x8c: {  	[sflag:s31] =	ssyncset.done $0x0  }
0x8d: {  	[sflag:s31] =	ssyncadd.s32 $0xFFFFF000  }
0x8e: {  	_ =	swait.ge [sflag:s31], $0x1000  }
0x8f: {  	[sflag:s31] =	ssyncset.done $0x0  }
0x90: {  	[sflag:s31] =	ssyncadd.s32 $0xFFFFF000  }
0x91: {  	_ =	swait.ge [sflag:s31], $0x1000  }
0x92: {  	[sflag:s31] =	ssyncset.done $0x0  }
0x93: {  	[sflag:s31] =	ssyncadd.s32 $0xFFFFF000  }
0x94: {  	_ =	swait.ge [sflag:s31], $0x1000  }
0x95: {  	[sflag:s31] =	ssyncset.done $0x0  }
0x96: {  	s16 =	sor.u32 $0x980, s8;
	[sflag:s31] =	ssyncadd.s32 $0xFFFFF000  }
0x97: {  	[spmem:s3] =	stream.indirect.scatter.add.f32 [tilespmem:s24], [sflag:$0x4], $0x80, s16, s29, $0xb8;
	[tilespmem:$0x1D000] =	vst v63  }
0x98: {  	_ =	swait.ge [sflag:s0], $0x4000  }
0x99: {  	[sflag:s0] =	ssyncset.done $0x0  }
0x9a: {  	s12 =	sor.u32 $0x280, s8;
	[sflag:s0] =	ssyncadd.s32 $0xFFFFC000  }
0x9b: {  	[tilespmem:s24], [sflag:$0x2] =	stream.indirect.gather [hbm4b:s5+s19], $0x80, s12, s19, $0xb8;
	[tilespmem:$0x1D000] =	vst v63  }
0x9c: {  	s16 =	sadd.s32 $0x2A0, s8  }
0x9d: {  	[tilespmem:s25], [sflag:$0x2] =	stream.indirect.gather [hbm4b:s5+s19], $0x80, s16, s19, $0xb8;
	[tilespmem:$0x1D000] =	vst v63  }
0x9e: {  	s12 =	sadd.s32 $0x2C0, s8  }
0x9f: {  	[tilespmem:s26], [sflag:$0x2] =	stream.indirect.gather [hbm4b:s5+s19], $0x80, s12, s19, $0xb8;
	[tilespmem:$0x1D000] =	vst v63  }
0xa0: {  	s16 =	sadd.s32 $0x2E0, s8  }
0xa1: {  	[tilespmem:s28], [sflag:$0x2] =	stream.indirect.gather [hbm4b:s5+s19], $0x80, s16, s19, $0xb8;
	[tilespmem:$0x1D000] =	vst v63  }
0xa2: {  	_ =	swait.ge [sflag:s18], $0x1000  }
0xa3: {  	[sflag:s18] =	ssyncset.done $0x0  }
0xa4: {  	[sflag:s18] =	ssyncadd.s32 $0xFFFFF000  }
0xa5: {  	_ =	swait.ge [sflag:s18], $0x1000  }
0xa6: {  	[sflag:s18] =	ssyncset.done $0x0  }
0xa7: {  	[sflag:s18] =	ssyncadd.s32 $0xFFFFF000  }
0xa8: {  	_ =	swait.ge [sflag:s18], $0x1000  }
0xa9: {  	[sflag:s18] =	ssyncset.done $0x0  }
0xaa: {  	[sflag:s18] =	ssyncadd.s32 $0xFFFFF000  }
0xab: {  	_ =	swait.ge [sflag:s18], $0x1000  }
0xac: {  	[sflag:s18] =	ssyncset.done $0x0  }
0xad: {  	s12 =	sor.u32 $0xA00, s8;
	[sflag:s18] =	ssyncadd.s32 $0xFFFFF000  }
0xae: {  	[spmem:s3] =	stream.indirect.scatter.add.f32 [tilespmem:s20], [sflag:$0x3], $0x80, s12, s29, $0xb8;
	[tilespmem:$0x1D000] =	vst v63  }
0xaf: {  	_ =	swait.ge [sflag:s30], $0x4000  }
0xb0: {  	[sflag:s30] =	ssyncset.done $0x0  }
0xb1: {  	s16 =	sor.u32 $0x300, s8;
	[sflag:s30] =	ssyncadd.s32 $0xFFFFC000  }
0xb2: {  	[tilespmem:s20], [sflag:$0x1] =	stream.indirect.gather [hbm4b:s5+s19], $0x80, s16, s19, $0xb8;
	[tilespmem:$0x1D000] =	vst v63  }
0xb3: {  	s12 =	sadd.s32 $0x320, s8  }
0xb4: {  	[tilespmem:s21], [sflag:$0x1] =	stream.indirect.gather [hbm4b:s5+s19], $0x80, s12, s19, $0xb8;
	[tilespmem:$0x1D000] =	vst v63  }
0xb5: {  	s16 =	sadd.s32 $0x340, s8  }
0xb6: {  	[tilespmem:s22], [sflag:$0x1] =	stream.indirect.gather [hbm4b:s5+s19], $0x80, s16, s19, $0xb8;
	[tilespmem:$0x1D000] =	vst v63  }
0xb7: {  	s12 =	sadd.s32 $0x360, s8  }
0xb8: {  	[tilespmem:s23], [sflag:$0x1] =	stream.indirect.gather [hbm4b:s5+s19], $0x80, s12, s19, $0xb8;
	[tilespmem:$0x1D000] =	vst v63  }
0xb9: {  	_ =	swait.ge [sflag:s31], $0x1000  }
0xba: {  	[sflag:s31] =	ssyncset.done $0x0  }
0xbb: {  	[sflag:s31] =	ssyncadd.s32 $0xFFFFF000  }
0xbc: {  	_ =	swait.ge [sflag:s31], $0x1000  }
0xbd: {  	[sflag:s31] =	ssyncset.done $0x0  }
0xbe: {  	[sflag:s31] =	ssyncadd.s32 $0xFFFFF000  }
0xbf: {  	_ =	swait.ge [sflag:s31], $0x1000  }
0xc0: {  	[sflag:s31] =	ssyncset.done $0x0  }
0xc1: {  	[sflag:s31] =	ssyncadd.s32 $0xFFFFF000  }
0xc2: {  	_ =	swait.ge [sflag:s31], $0x1000  }
0xc3: {  	[sflag:s31] =	ssyncset.done $0x0  }
0xc4: {  	s16 =	sor.u32 $0xA80, s8;
	[sflag:s31] =	ssyncadd.s32 $0xFFFFF000  }
0xc5: {  	[spmem:s3] =	stream.indirect.scatter.add.f32 [tilespmem:s24], [sflag:$0x4], $0x80, s16, s29, $0xb8;
	[tilespmem:$0x1D000] =	vst v63  }
0xc6: {  	_ =	swait.ge [sflag:s0], $0x4000  }
0xc7: {  	[sflag:s0] =	ssyncset.done $0x0  }
0xc8: {  	s12 =	sor.u32 $0x380, s8;
	[sflag:s0] =	ssyncadd.s32 $0xFFFFC000  }
0xc9: {  	[tilespmem:s24], [sflag:$0x2] =	stream.indirect.gather [hbm4b:s5+s19], $0x80, s12, s19, $0xb8;
	[tilespmem:$0x1D000] =	vst v63  }
0xca: {  	s16 =	sadd.s32 $0x3A0, s8  }
0xcb: {  	[tilespmem:s25], [sflag:$0x2] =	stream.indirect.gather [hbm4b:s5+s19], $0x80, s16, s19, $0xb8;
	[tilespmem:$0x1D000] =	vst v63  }
0xcc: {  	s12 =	sadd.s32 $0x3C0, s8  }
0xcd: {  	[tilespmem:s26], [sflag:$0x2] =	stream.indirect.gather [hbm4b:s5+s19], $0x80, s12, s19, $0xb8;
	[tilespmem:$0x1D000] =	vst v63  }
0xce: {  	s16 =	sadd.s32 $0x3E0, s8  }
0xcf: {  	[tilespmem:s28], [sflag:$0x2] =	stream.indirect.gather [hbm4b:s5+s19], $0x80, s16, s19, $0xb8;
	[tilespmem:$0x1D000] =	vst v63  }
0xd0: {  	_ =	swait.ge [sflag:s18], $0x1000  }
0xd1: {  	[sflag:s18] =	ssyncset.done $0x0  }
0xd2: {  	[sflag:s18] =	ssyncadd.s32 $0xFFFFF000  }
0xd3: {  	_ =	swait.ge [sflag:s18], $0x1000  }
0xd4: {  	[sflag:s18] =	ssyncset.done $0x0  }
0xd5: {  	[sflag:s18] =	ssyncadd.s32 $0xFFFFF000  }
0xd6: {  	_ =	swait.ge [sflag:s18], $0x1000  }
0xd7: {  	[sflag:s18] =	ssyncset.done $0x0  }
0xd8: {  	[sflag:s18] =	ssyncadd.s32 $0xFFFFF000  }
0xd9: {  	_ =	swait.ge [sflag:s18], $0x1000  }
0xda: {  	[sflag:s18] =	ssyncset.done $0x0  }
0xdb: {  	s12 =	sor.u32 $0xB00, s8;
	[sflag:s18] =	ssyncadd.s32 $0xFFFFF000  }
0xdc: {  	[spmem:s3] =	stream.indirect.scatter.add.f32 [tilespmem:s20], [sflag:$0x3], $0x80, s12, s29, $0xb8;
	[tilespmem:$0x1D000] =	vst v63  }
0xdd: {  	_ =	swait.ge [sflag:s31], $0x1000  }
0xde: {  	[sflag:s31] =	ssyncset.done $0x0  }
0xdf: {  	[sflag:s31] =	ssyncadd.s32 $0xFFFFF000  }
0xe0: {  	_ =	swait.ge [sflag:s31], $0x1000  }
0xe1: {  	[sflag:s31] =	ssyncset.done $0x0  }
0xe2: {  	[sflag:s31] =	ssyncadd.s32 $0xFFFFF000  }
0xe3: {  	_ =	swait.ge [sflag:s31], $0x1000  }
0xe4: {  	p0 =	slt.u32 s10, $0xA;
	[sflag:s31] =	ssyncset.done $0x0  }
.Ltmp3:
0xe5: {  	[sflag:s31] =	ssyncadd.s32 $0xFFFFF000;
	(pc) =	sbr.rel @!p0 .LBB2_6-.Ltmp3, $4  }
0xe6: {  	_ =	swait.ge [sflag:s31], $0x1000  }
0xe7: {  	[sflag:s31] =	ssyncset.done $0x0  }
0xe8: {  	s16 =	sor.u32 $0xB80, s8;
	[sflag:s31] =	ssyncadd.s32 $0xFFFFF000  }
0xe9: {  	[spmem:s3] =	stream.indirect.scatter.add.f32 [tilespmem:s24], [sflag:$0x4], $0x80, s16, s29, $0xb8;
	[tilespmem:$0x1D000] =	vst v63  }
.LBB2_2:
0xea: {  	_ =	swait.ge [sflag:s17], $0x400  }
0xeb: {  	[sflag:s17] =	ssyncset.done $0x0  }
0xec: {  	[sflag:s17] =	ssyncadd.s32 $0xFFFFFC00  }
0xed: {  	_ =	swait.ge [sflag:s17], $0x400  }
0xee: {  	p0 =	seq.s32 s10, $0x0;
	[sflag:s17] =	ssyncset.done $0x0  }
0xef: {  	s8 =	simm.s32 @!p0 $0x3;
	p1 =	seq.s32 @!p0 s10, $0x9;
	[sflag:s17] =	ssyncadd.s32 $0xFFFFFC00  }
0xf0: {  	p1 =	por p0, !p1;
	_ =	swait.ge @!p0 [sflag:s8], $0x4000  }
.Ltmp4:
0xf1: {  	[sflag:s8] =	ssyncset.done @!p0 $0x0;
	(pc) =	sbr.rel @p1 .LBB2_4-.Ltmp4, $4  }
0xf2: {  	[sflag:s8] =	ssyncadd.s32 @!p0 $0xFFFFC000;
	s8 =	simm.s32 @!p0 $0x4  }
0xf3: {  	_ =	swait.ge @!p0 [sflag:s8], $0x4000  }
0xf4: {  	[sflag:s8] =	ssyncset.done @!p0 $0x0  }
0xf5: {  	[sflag:s8] =	ssyncadd.s32 @!p0 $0xFFFFC000  }
.Ltmp5:
0xf6: {  	(pc) =	sbr.rel .LBB2_5-.Ltmp5, $2  }
0xf7: {  	_ =	sdelay $0x2  }
0xf8: {  	s10 =	simm.s32 @!p0 $0xA;
	s8 =	simm.s32 @!p0 $0x400  }
.LBB2_7:
0xf9: {  	_ =	sfence.sel $0x180000  }
0xfa: {  	[bflag:$0x0] =	sbarrier.arrive $0xFFFF  }
0xfb: {  	_ =	strace $0x9000004D  }
0xfc: {  	s0 =	stileid.u32;
	[bflag:$0x2] =	sbarrier.arrive $0xFFFF  }
0xfd: {  	p0 =	sne.s32 s0, $0x0;
	s0 =	rddreg [dreg:$0x3]  }
0xfe: {  	s0 =	sadd.s32 @!p0 $0x100000, s0  }
0xff: {  	[sflag:s0] =	ssyncadd.tile.s32 @!p0 $0x1;
	_ =	shalt  }
.Lfunc_end2:
_tile_overlayer_lowered:
.L_overlay_start_2:
0x100: {  	(tag) =	ssettag $0x2  }
0x101: {  	s0 =	rddreg [dreg:$0x0];
	s2 =	stileid.u32  }
0x102: {  	s1 =	rddreg [dreg:$0x1];
	p0 =	sne.s32 s2, $0x0  }
0x103: {  	s3 =	rddreg [dreg:$0x2];
	[bflag:$0x3] =	sbarrier.arrive $0xFFFF;
	s2 =	simm.s32 @!p0 $0x1C06  }
0x104: {  	[timem:s3], [sflag:s2] =	dma.local @!p0 [hbm:s0], s1  }
0x105: {  	s0 =	simm.s32 @!p0 $0x6  }
0x106: {  	_ =	swait.ge @!p0 [sflag:s0], s1  }
0x107: {  	s1 =	ssub.s32 @!p0 $0x0, s1;
	[sflag:s0] =	ssyncset.done @!p0 $0x0  }
0x108: {  	[sflag:s0] =	ssyncadd.s32 @!p0 s1  }
0x109: {  	[bflag:$0x3] =	sbarrier.arrive $0xFFFF  }
0x10a: {  	_ =	shalt  }

// kernel: kernel.8.cloned.1.call-start
scs
__scs_entry_jumppad:
0x0: {  	(pc) =	sbr.rel $0x88, $3  }
0x1: {  	(tag) =	ssettag $0x0;
	lr =	simm.s32 $0x1  }
0x2: {  	[smem:$0x3F99] =	sst lr;
	_ =	strace $0xD0000000  }
0x3: {  	_ = 	snop  }
0x4: {  	_ = 	snop  }
0x5: {  	_ = 	snop  }
0x6: {  	_ = 	snop  }
0x7: {  	_ = 	snop  }
__scs_overlays_trampoline_lowered:
0x8: {  	[smem:$0x3FA8] =	sst s0  }
0x9: {  	[smem:$0x3FA9] =	sst s1  }
0xa: {  	[smem:$0x3FAA] =	sst s2  }
0xb: {  	[smem:$0x3FAB] =	sst s3  }
0xc: {  	[smem:$0x3FAC] =	sst s4  }
0xd: {  	[smem:$0x3FAD] =	sst s5  }
0xe: {  	[smem:$0x3FAE] =	sst s6  }
0xf: {  	[smem:$0x3FAF] =	sst s7  }
0x10: {  	[smem:$0x3FB0] =	sst s8  }
0x11: {  	[smem:$0x3FB1] =	sst s9;
	s0 =	simm.s32 @!p0 $0x0  }
0x12: {  	s1 =	sld [smem:$0x3F97];
	s0 =	simm.s32 @p0 $0x1  }
0x13: {  	[smem:$0x3FB2] =	sst s0;
	s0 =	simm.s32 @!p1 $0x0  }
0x14: {  	s2 =	sld [smem:$0x3F96];
	s0 =	simm.s32 @p1 $0x1  }
0x15: {  	[smem:$0x3FB3] =	sst s0;
	s0 =	simm.s32 @!p2 $0x0  }
0x16: {  	s3 =	sld [smem:$0x3FDB];
	s0 =	simm.s32 @p2 $0x1  }
0x17: {  	s4 =	simm.s32 $0x1BF5;
	[smem:$0x3FB5] =	sst s0  }
0x18: {  	s0 =	sld [smem:$0x3F98];
	_ =	swait.ge [sflag:s4], $0x0  }
0x19: {  	s7 =	sld [smem:$0x3F99]  }
0x1a: {  	s8 =	sadd.s32 $0xFFFFE003, lr  }
0x1b: {  	s9 =	sadd.s32 $0xFFFFFEF7, lr;
	s5 =	simm.s32 $0xFFFFFFFF;
	p2 =	slt.u32 s8, $0xFFFFF086  }
0x1c: {  	p1 =	slt.u32 s9, $0xF7A;
	s5 =	simm.s32 @!p2 $0x0  }
0x1d: {  	s5 =	simm.s32 @p1 $0x1;
	p0 =	seq.s32 s7, s2  }
0x1e: {  	s7 =	smul.u32 @!p0 $0xF7A, s2;
	p2 =	seq.s32 @!p0 s5, $0x0  }
0x1f: {  	s9 =	smul.u32 $0xF7A, s1;
	s8 =	simm.s32 @!p0 $0x1BF5;
	p2 =	por !p2, p0  }
0x20: {  	[sflag:s8] =	ssyncset.s32 @!p0 $0xFFFFF086;
	s6 =	sadd.s32 @!p0 s3, s7;
	s7 =	simm.s32 @!p0 $0x108  }
0x21: {  	s3 =	sadd.s32 s3, s9;
	s6 =	sadd.s32 @!p0 $0x88, s6;
	s7 =	simm.s32 @p2 $0x1082  }
0x22: {  	[simem:s7], [sflag:s8] =	dma.local @!p0 [hbm:s6], $0xF7A  }
0x23: {  	s9 =	sor.u32 $0xD0000000, s2;
	s6 =	simm.s32 $0x108;
	_ =	swait.ge @!p0 [sflag:s8], $0x0  }
0x24: {  	s3 =	sadd.s32 $0x88, s3;
	s6 =	simm.s32 @!p1 $0x1082;
	[sflag:s4] =	ssyncset.s32 $0xFFFFF086  }
0x25: {  	[simem:s6], [sflag:s4] =	dma.local [hbm:s3], $0xF7A  }
0x26: {  	[smem:$0x3F99] =	sst s1;
	(tag) =	ssettag s2;
	_ =	strace s9  }
0x27: {  	s1 =	sld [smem:$0x3FA9]  }
0x28: {  	s2 =	sld [smem:$0x3FAA]  }
0x29: {  	s4 =	sld [smem:$0x3FAC]  }
0x2a: {  	p0 =	seq.s32 s5, $0x0;
	s5 =	sld [smem:$0x3FAD]  }
0x2b: {  	s6 =	sld [smem:$0x3FAE]  }
0x2c: {  	s7 =	sld [smem:$0x3FAF]  }
0x2d: {  	s3 =	simm.s32 $0x108;
	s8 =	sld [smem:$0x3FB0]  }
0x2e: {  	s3 =	simm.s32 @!p0 $0x1082;
	s9 =	sld [smem:$0x3FB1]  }
0x2f: {  	lr =	sadd.s32 s0, s3;
	s0 =	sld [smem:$0x3FA8]  }
0x30: {  	s3 =	sld [smem:$0x3FAB]  }
0x31: {  	[smem:$0x3FB4] =	sst s10  }
0x32: {  	s10 =	sld [smem:$0x3FB2];
	_ =	sdelay $0x3  }
0x33: {  	p0 =	seq.s32 s10, $0x1;
	s10 =	sld [smem:$0x3FB4];
	_ =	sdelay $0x3  }
0x34: {  	[smem:$0x3FB4] =	sst s10  }
0x35: {  	s10 =	sld [smem:$0x3FB3];
	_ =	sdelay $0x3  }
0x36: {  	p1 =	seq.s32 s10, $0x1;
	s10 =	sld [smem:$0x3FB4];
	_ =	sdelay $0x3  }
0x37: {  	[smem:$0x3FB4] =	sst s10  }
0x38: {  	s10 =	sld [smem:$0x3FB5]  }
0x39: {  	_ = 	snop;
	(pc) =	sbr.ind lr, $3  }
0x3a: {  	_ = 	snop  }
0x3b: {  	_ = 	snop  }
0x3c: {  	p2 =	seq.s32 s10, $0x1;
	s10 =	sld [smem:$0x3FB4]  }
0x3d: {  	_ =	shalt  }
0x3e: {  	_ =	shalt  }
0x3f: {  	_ =	shalt  }
0x40: {  	_ =	shalt  }
0x41: {  	_ =	shalt  }
0x42: {  	_ =	shalt  }
0x43: {  	_ =	shalt  }
0x44: {  	_ =	shalt  }
0x45: {  	_ =	shalt  }
0x46: {  	_ =	shalt  }
0x47: {  	_ =	shalt  }
0x48: {  	_ =	shalt  }
0x49: {  	_ =	shalt  }
0x4a: {  	_ =	shalt  }
0x4b: {  	_ =	shalt  }
0x4c: {  	_ =	shalt  }
0x4d: {  	_ =	shalt  }
0x4e: {  	_ =	shalt  }
0x4f: {  	_ =	shalt  }
0x50: {  	_ =	shalt  }
0x51: {  	_ =	shalt  }
0x52: {  	_ =	shalt  }
0x53: {  	_ =	shalt  }
0x54: {  	_ =	shalt  }
0x55: {  	_ =	shalt  }
0x56: {  	_ =	shalt  }
0x57: {  	_ =	shalt  }
0x58: {  	_ =	shalt  }
0x59: {  	_ =	shalt  }
0x5a: {  	_ =	shalt  }
0x5b: {  	_ =	shalt  }
0x5c: {  	_ =	shalt  }
0x5d: {  	_ =	shalt  }
0x5e: {  	_ =	shalt  }
0x5f: {  	_ =	shalt  }
0x60: {  	_ =	shalt  }
0x61: {  	_ =	shalt  }
0x62: {  	_ =	shalt  }
0x63: {  	_ =	shalt  }
0x64: {  	_ =	shalt  }
0x65: {  	_ =	shalt  }
0x66: {  	_ =	shalt  }
0x67: {  	_ =	shalt  }
0x68: {  	_ =	shalt  }
0x69: {  	_ =	shalt  }
0x6a: {  	_ =	shalt  }
0x6b: {  	_ =	shalt  }
0x6c: {  	_ =	shalt  }
0x6d: {  	_ =	shalt  }
0x6e: {  	_ =	shalt  }
0x6f: {  	_ =	shalt  }
0x70: {  	_ =	shalt  }
0x71: {  	_ =	shalt  }
0x72: {  	_ =	shalt  }
0x73: {  	_ =	shalt  }
0x74: {  	_ =	shalt  }
0x75: {  	_ =	shalt  }
0x76: {  	_ =	shalt  }
0x77: {  	_ =	shalt  }
0x78: {  	_ =	shalt  }
0x79: {  	_ =	shalt  }
0x7a: {  	_ =	shalt  }
0x7b: {  	_ =	shalt  }
0x7c: {  	_ =	shalt  }
0x7d: {  	_ =	shalt  }
0x7e: {  	_ =	shalt  }
0x7f: {  	_ =	shalt  }
0x80: {  	_ =	shalt  }
0x81: {  	_ =	shalt  }
0x82: {  	_ =	shalt  }
0x83: {  	_ =	shalt  }
0x84: {  	_ =	shalt  }
0x85: {  	_ =	shalt  }
0x86: {  	_ =	shalt  }
0x87: {  	_ =	shalt  }
.Lfunc_end0:
.L_simem_size_0:
called_computation_lowered:
.L_overlay_start_0:
0x88: {  	s2 =	sld [smem:$0x3FD9]  }
0x89: {  	s3 =	sld [smem:$0x3FFE];
	_ =	sdelay $0x1  }
0x8a: {  	s1 =	srdreg.scid  }
0x8b: {  	s0 =	sand.u32 $0x1, s1  }
0x8c: {  	s17 =	sshll.u32 s0, $0xA;
	s2 =	sadd.s32 s3, s2  }
0x8d: {  	s2 =	sadd.s32 s2, s17  }
0x8e: {  	[smem:$0x3FC0] =	sst s2  }
0x8f: {  	_ = 	snop  }
0x90: {  	s2 =	sld [smem:$0x3FD0];
	(tm) =	ssettm $0x1  }
0x91: {  	s18 =	sld [smem:$0x3FFB];
	_ =	sdelay $0x3  }
0x92: {  	_ =	strace s18  }
0x93: {  	s3 =	sld [smem:$0x3FFC];
	_ =	sdelay $0x3  }
0x94: {  	_ =	strace s3  }
0x95: {  	s3 =	sld [smem:$0x3FFD];
	_ =	sdelay $0x3  }
0x96: {  	_ =	strace s3  }
0x97: {  	_ =	strace $0x8FFFFFFF  }
0x98: {  	s19 =	sld [smem:$0x3FDB];
	_ =	sdelay $0x1  }
0x99: {  	s4 =	simm.s32 $_scs_section_size  }
0x9a: {  	s5 =	simm.s32 $_size__tile_overlayer_lowered;
	s6 =	simm.s32 $_tile_overlayer_lowered  }
0x9b: {  	s22 =	simm.s32 $0x1BFF;
	s21 =	sshll.u32 s6, $0x1;
	s3 =	sadd.s32 s4, s19  }
0x9c: {  	s7 =	simm.s32 $0x0;
	s20 =	sshll.u32 s5, $0x1;
	s5 =	sadd.s32 s21, s3  }
0x9d: {  	[timem:s7], [sflag:s22] =	dma.local [hbm:s5], s20  }
0x9e: {  	_ =	swait.ge [sflag:s22], s20  }
0x9f: {  	s4 =	ssub.s32 $0x0, s20;
	[sflag:s22] =	ssyncset.done $0x0  }
0xa0: {  	[sflag:s22] =	ssyncadd.s32 s4;
	_ =	sdelay $0x1  }
0xa1: {  	s23 =	simm.s32 $0x1B8B  }
0xa2: {  	_ =	swait.ge [sflag:s23], $0x1  }
0xa3: {  	[sflag:s23] =	ssyncset.done $0x0  }
0xa4: {  	s25 =	simm.s32 $0x1B8E;
	s24 =	sld [smem:$0x3FFE];
	[sflag:s23] =	ssyncadd.s32 $0xFFFFFFFF  }
0xa5: {  	s26 =	simm.s32 $execute0_lowered;
	[smem:$0x3FD2] =	sst s25  }
0xa6: {  	s5 =	sshll.u32 s26, $0x1;
	_ =	strace $0x80000046;
	[dreg:$0x1] =	wrdreg $0xFFFFFFFF  }
0xa7: {  	s28 =	simm.s32 $_size_execute0_lowered;
	s3 =	sadd.s32 s3, s5;
	[dreg:$0x0] =	wrdreg $0x0  }
0xa8: {  	s5 =	sshll.u32 s28, $0x1;
	[dreg:$0x2] =	wrdreg s3  }
0xa9: {  	[dreg:$0x3] =	wrdreg s5  }
0xaa: {  	[dreg:$0x4] =	wrdreg $0xC0  }
0xab: {  	_ =	task [dreg:s7], $0x5FFFF  }
0xac: {  	[dreg:$0x1] =	wrdreg $0xFFFFFFFF  }
0xad: {  	[dreg:$0x0] =	wrdreg $0x60  }
0xae: {  	[dreg:$0x2] =	wrdreg s2  }
0xaf: {  	[dreg:$0x3] =	wrdreg s24  }
0xb0: {  	[dreg:$0x4] =	wrdreg $0x50800  }
0xb1: {  	[dreg:$0x5] =	wrdreg $0x53000  }
0xb2: {  	[dreg:$0x6] =	wrdreg $0x9  }
0xb3: {  	_ =	task.clear_ibuf [dreg:s7], $0x7FFFF;
	_ =	strace $0x90000046  }
0xb4: {  	s29 =	simm.s32 $0x9;
	_ =	strace $0x80000048  }
0xb5: {  	_ =	swait.ge [sflag:s29], $0x1  }
0xb6: {  	[sflag:s29] =	ssyncadd.s32 $0xFFFFFFFF  }
0xb7: {  	_ =	strace $0x90000048  }
0xb8: {  	_ =	sfence  }
0xb9: {  	s30 =	sld [smem:$0x0];
	_ =	sdelay $0x2  }
0xba: {  	s31 =	sshll.u32 s1, $0xD;
	s1 =	sshrl.u32 s1, $0x2  }
0xbb: {  	s3 =	sand.u32 $0x4000, s31;
	s1 =	sadd.s32 s1, s30  }
0xbc: {  	s0 =	sor.u32 s3, s0;
	s1 =	sshll.u32 s1, $0x11  }
0xbd: {  	s0 =	sor.u32 s1, s0  }
0xbe: {  	s0 =	sadd.s32 $0x8F2B, s0  }
0xbf: {  	[sflag:s0] =	ssyncadd.remote.s32 $0x1  }
0xc0: {  	_ =	sfence.sel $0xFFFF  }
0xc1: {  	[dreg:$0x0] =	wrdreg $0xFFFFFFFF;
	(pc) =	sbr.abs _section_cstart, $3  }
0xc2: {  	[dreg:$0x1] =	wrdreg $0xFFFFFFFF  }
0xc3: {  	_ =	task.clear_ibuf [dreg:s7], $0x2FFFF;
	_ =	strace $0x9FFFFFFF  }
0xc4: {  	(tm) =	ssettm $0x7FFFFFFF  }
0xc5: {  	_ =	shalt  }
tec
execute0_lowered:
.L_overlay_start_1:
0x0: {  	(tag) =	ssettag $0x1  }
0x1: {  	s7 =	rddreg [dreg:$0x0]  }
0x2: {  	s6 =	rddreg [dreg:$0x1]  }
0x3: {  	s1 =	rddreg [dreg:$0x2]  }
0x4: {  	s2 =	rddreg [dreg:$0x3];
	s3 =	srdreg.scid  }
0x5: {  	s0 =	rddreg [dreg:$0x4];
	s4 =	simm.s32 $0x0;
	s14 =	simm.s32 $0x3  }
0x6: {  	s15 =	simm.s32 $0x2800;
	s16 =	simm.s32 $0x80;
	s17 =	simm.s32 $0x5000  }
0x7: {  	s18 =	simm.s32 $0x1;
	s19 =	simm.s32 $0x2;
	s21 =	simm.s32 $0x20  }
0x8: {  	s22 =	simm.s32 $0x10;
	s5 =	sand.u32 $0x1, s3;
	s3 =	stileid.u32  }
0x9: {  	s24 =	simm.s32 $0x0;
	[smem:$0x7FF] =	sst s4;
	s9 =	smul.u32 $0x5000, s5  }
0xa: {  	s8 =	sshll.u32 s5, $0x4;
	s10 =	smul.u32 $0x500, s3;
	_ =	strace $0x80000047  }
0xb: {  	s11 =	ssub.s32 $0x2, s5;
	s5 =	sadd.s32 $0xC200, s6;
	s13 =	smul.u32 $0x280, s3  }
0xc: {  	p0 =	sne.s32 s3, $0x0;
	s8 =	sor.u32 s3, s8;
	s31 =	sshrl.u32 s11, $0x1  }
0xd: {  	s8 =	smul.u32 $0x500, s8;
	s9 =	sadd.s32 s10, s9;
	s11 =	ssub.s32 s11, s31  }
0xe: {  	s20 =	sadd.s32 s13, s1;
	s23 =	sadd.s32 s13, s2;
	s13 =	sshrl.u32 @!p0 s2, $0x3  }
0xf: {  	s9 =	sshrl.u32 s9, $0x3;
	s11 =	smax.u32 s11, $0x1;
	s20 =	sshrl.u32 s20, $0x3  }
0x10: {  	s23 =	sshrl.u32 s23, $0x3;
	s30 =	sadd.s32 s8, s6;
	s12 =	sadd.s32 s9, s6  }
0x11: {  	s6 =	sadd.s32 $0xC210, s6;
	s7 =	sadd.s32 s7, s8;
	s8 =	sadd.s32 $0x2200, s30  }
0x12: {  	v0 =	vimm.f32 $1.000000000e+00;
	s9 =	sadd.s32 $0xCC00, s12;
	s10 =	sadd.s32 $0xCC10, s12;
	s12 =	sshrl.u32 @!p0 s1, $0x3  }
.LBB2_1:
0x13: {  	[tilespmem:$0x5000] =	vst v0  }
0x14: {  	[tilespmem:$0x5010] =	vst v0  }
0x15: {  	[tilespmem:$0x5020] =	vst v0  }
0x16: {  	[tilespmem:$0x5030] =	vst v0  }
0x17: {  	[tilespmem:$0x5040] =	vst v0  }
0x18: {  	[tilespmem:$0x5050] =	vst v0  }
0x19: {  	[tilespmem:$0x5060] =	vst v0;
	s25 =	simm.s32 @!p0 $0x1;
	s26 =	simm.s32 @!p0 $0x10  }
0x1a: {  	[tilespmem:$0x5070] =	vst v0;
	s28 =	simm.s32 @!p0 $0x20;
	s29 =	simm.s32 @!p0 $0x1C03;
	s30 =	simm.s32 @!p0 $0x3  }
0x1b: {  	[spmem:s12@s26], [sflag:s29] =	dma.strided @!p0 [hbm:s5@s28], $0x500, s25, $0x10   }
0x1c: {  	_ =	swait.ge @!p0 [sflag:s30], $0x500  }
0x1d: {  	[sflag:s30] =	ssyncset.done @!p0 $0x0  }
0x1e: {  	[sflag:s30] =	ssyncadd.s32 @!p0 $0xFFFFFB00  }
0x1f: {  	[spmem:s13@s26], [sflag:s29] =	dma.strided @!p0 [hbm:s6@s28], $0x500, s25, $0x10   }
0x20: {  	_ =	swait.ge @!p0 [sflag:s30], $0x500  }
0x21: {  	[sflag:s30] =	ssyncset.done @!p0 $0x0  }
0x22: {  	[sflag:s30] =	ssyncadd.s32 @!p0 $0xFFFFFB00  }
0x23: {  	[tilespmem:s4], [sflag:$0x3] =	stream.linear.gather [hbm4b:s7+s4], $0x2800, $0x38;
	[tilespmem:$0x5580] =	vst v63  }
0x24: {  	_ =	swait.ge [sflag:s14], $0x2800  }
0x25: {  	[sflag:s14] =	ssyncset.done $0x0  }
0x26: {  	[sflag:s14] =	ssyncadd.s32 $0xFFFFD800  }
0x27: {  	[tilespmem:s15], [sflag:$0x3] =	stream.linear.gather [hbm4b:s8+s4], $0x2800, $0x38;
	[tilespmem:$0x5580] =	vst v63  }
0x28: {  	_ =	swait.ge [sflag:s14], $0x2800  }
0x29: {  	[sflag:s14] =	ssyncset.done $0x0  }
0x2a: {  	[sflag:s14] =	ssyncadd.s32 $0xFFFFD800  }
0x2b: {  	s26 =	simm.s32 $0x0;
	[bflag:$0x0] =	sbarrier.arrive $0xFFFF  }
0x2c: {  	[spmem:s1] =	stream.indirect.scatter.add.f32 [tilespmem:s17], [sflag:$0x1], $0x1, s26, s16, $0xb8;
	[tilespmem:$0x5580] =	vst v63  }
0x2d: {  	s29 =	simm.s32 $0x2800  }
0x2e: {  	[spmem:s2] =	stream.indirect.scatter.add.f32 [tilespmem:s17], [sflag:$0x2], $0x1, s29, s16, $0xb8;
	[tilespmem:$0x5580] =	vst v63  }
0x2f: {  	s30 =	simm.s32 $0x80  }
0x30: {  	[spmem:s1] =	stream.indirect.scatter.add.f32 [tilespmem:s17], [sflag:$0x1], $0x1, s30, s16, $0xb8;
	[tilespmem:$0x5580] =	vst v63  }
0x31: {  	s31 =	simm.s32 $0x2880  }
0x32: {  	[spmem:s2] =	stream.indirect.scatter.add.f32 [tilespmem:s17], [sflag:$0x2], $0x1, s31, s16, $0xb8;
	[tilespmem:$0x5580] =	vst v63  }
0x33: {  	s26 =	simm.s32 $0x100  }
0x34: {  	[spmem:s1] =	stream.indirect.scatter.add.f32 [tilespmem:s17], [sflag:$0x1], $0x1, s26, s16, $0xb8;
	[tilespmem:$0x5580] =	vst v63  }
0x35: {  	s29 =	simm.s32 $0x2900  }
0x36: {  	[spmem:s2] =	stream.indirect.scatter.add.f32 [tilespmem:s17], [sflag:$0x2], $0x1, s29, s16, $0xb8;
	[tilespmem:$0x5580] =	vst v63  }
0x37: {  	s30 =	simm.s32 $0x180  }
0x38: {  	[spmem:s1] =	stream.indirect.scatter.add.f32 [tilespmem:s17], [sflag:$0x1], $0x1, s30, s16, $0xb8;
	[tilespmem:$0x5580] =	vst v63  }
0x39: {  	s31 =	simm.s32 $0x2980  }
0x3a: {  	[spmem:s2] =	stream.indirect.scatter.add.f32 [tilespmem:s17], [sflag:$0x2], $0x1, s31, s16, $0xb8;
	[tilespmem:$0x5580] =	vst v63  }
0x3b: {  	_ =	swait.ge [sflag:s18], $0x80  }
0x3c: {  	[sflag:s18] =	ssyncset.done $0x0  }
0x3d: {  	[sflag:s18] =	ssyncadd.s32 $0xFFFFFF80  }
0x3e: {  	_ =	swait.ge [sflag:s19], $0x80  }
0x3f: {  	[sflag:s19] =	ssyncset.done $0x0  }
0x40: {  	[sflag:s19] =	ssyncadd.s32 $0xFFFFFF80  }
0x41: {  	_ =	swait.ge [sflag:s18], $0x80  }
0x42: {  	[sflag:s18] =	ssyncset.done $0x0  }
0x43: {  	[sflag:s18] =	ssyncadd.s32 $0xFFFFFF80  }
0x44: {  	_ =	swait.ge [sflag:s19], $0x80  }
0x45: {  	[sflag:s19] =	ssyncset.done $0x0  }
0x46: {  	[sflag:s19] =	ssyncadd.s32 $0xFFFFFF80  }
0x47: {  	_ =	swait.ge [sflag:s18], $0x80  }
0x48: {  	[sflag:s18] =	ssyncset.done $0x0  }
0x49: {  	[sflag:s18] =	ssyncadd.s32 $0xFFFFFF80  }
0x4a: {  	_ =	swait.ge [sflag:s19], $0x80  }
0x4b: {  	[sflag:s19] =	ssyncset.done $0x0  }
0x4c: {  	[sflag:s19] =	ssyncadd.s32 $0xFFFFFF80  }
0x4d: {  	_ =	swait.ge [sflag:s18], $0x80  }
0x4e: {  	[sflag:s18] =	ssyncset.done $0x0  }
0x4f: {  	[sflag:s18] =	ssyncadd.s32 $0xFFFFFF80  }
0x50: {  	_ =	swait.ge [sflag:s19], $0x80  }
0x51: {  	s25 =	simm.s32 $0x800;
	s28 =	simm.s32 $0x1000;
	[sflag:s19] =	ssyncset.done $0x0  }
.LBB2_2:
0x52: {  	s29 =	sshra.s32 s25, $0x2  }
0x53: {  	[sflag:s19] =	ssyncadd.s32 $0xFFFFFF80;
	s25 =	smov.u32 s28;
	s26 =	sadd.s32 $0x800, s28  }
0x54: {  	[spmem:s1] =	stream.indirect.scatter.add.f32 [tilespmem:s17], [sflag:$0x1], $0x1, s29, s16, $0xb8;
	[tilespmem:$0x5580] =	vst v63  }
0x55: {  	p1 =	sne.s32 s28, $0x9800;
	s28 =	sadd.s32 $0x2800, s29  }
0x56: {  	[spmem:s2] =	stream.indirect.scatter.add.f32 [tilespmem:s17], [sflag:$0x2], $0x1, s28, s16, $0xb8;
	[tilespmem:$0x5580] =	vst v63  }
0x57: {  	s28 =	sadd.s32 $0x80, s29  }
0x58: {  	[spmem:s1] =	stream.indirect.scatter.add.f32 [tilespmem:s17], [sflag:$0x1], $0x1, s28, s16, $0xb8;
	[tilespmem:$0x5580] =	vst v63  }
0x59: {  	s28 =	sadd.s32 $0x2880, s29  }
0x5a: {  	[spmem:s2] =	stream.indirect.scatter.add.f32 [tilespmem:s17], [sflag:$0x2], $0x1, s28, s16, $0xb8;
	[tilespmem:$0x5580] =	vst v63  }
0x5b: {  	s28 =	sadd.s32 $0x100, s29  }
0x5c: {  	[spmem:s1] =	stream.indirect.scatter.add.f32 [tilespmem:s17], [sflag:$0x1], $0x1, s28, s16, $0xb8;
	[tilespmem:$0x5580] =	vst v63  }
0x5d: {  	s28 =	sadd.s32 $0x2900, s29  }
0x5e: {  	[spmem:s2] =	stream.indirect.scatter.add.f32 [tilespmem:s17], [sflag:$0x2], $0x1, s28, s16, $0xb8;
	[tilespmem:$0x5580] =	vst v63  }
0x5f: {  	s28 =	sadd.s32 $0x180, s29  }
0x60: {  	[spmem:s1] =	stream.indirect.scatter.add.f32 [tilespmem:s17], [sflag:$0x1], $0x1, s28, s16, $0xb8;
	[tilespmem:$0x5580] =	vst v63  }
0x61: {  	s28 =	sadd.s32 $0x2980, s29  }
0x62: {  	[spmem:s2] =	stream.indirect.scatter.add.f32 [tilespmem:s17], [sflag:$0x2], $0x1, s28, s16, $0xb8;
	[tilespmem:$0x5580] =	vst v63  }
0x63: {  	_ =	swait.ge [sflag:s18], $0x80  }
0x64: {  	[sflag:s18] =	ssyncset.done $0x0  }
0x65: {  	[sflag:s18] =	ssyncadd.s32 $0xFFFFFF80  }
0x66: {  	_ =	swait.ge [sflag:s19], $0x80  }
0x67: {  	[sflag:s19] =	ssyncset.done $0x0  }
0x68: {  	[sflag:s19] =	ssyncadd.s32 $0xFFFFFF80  }
0x69: {  	_ =	swait.ge [sflag:s18], $0x80  }
0x6a: {  	[sflag:s18] =	ssyncset.done $0x0  }
0x6b: {  	[sflag:s18] =	ssyncadd.s32 $0xFFFFFF80  }
0x6c: {  	_ =	swait.ge [sflag:s19], $0x80  }
0x6d: {  	[sflag:s19] =	ssyncset.done $0x0  }
0x6e: {  	[sflag:s19] =	ssyncadd.s32 $0xFFFFFF80  }
0x6f: {  	_ =	swait.ge [sflag:s18], $0x80  }
0x70: {  	[sflag:s18] =	ssyncset.done $0x0  }
0x71: {  	[sflag:s18] =	ssyncadd.s32 $0xFFFFFF80  }
0x72: {  	_ =	swait.ge [sflag:s19], $0x80  }
0x73: {  	[sflag:s19] =	ssyncset.done $0x0  }
0x74: {  	[sflag:s19] =	ssyncadd.s32 $0xFFFFFF80  }
.Ltmp0:
0x75: {  	_ =	swait.ge [sflag:s18], $0x80;
	(pc) =	sbr.rel @p1 .LBB2_2-.Ltmp0, $4  }
0x76: {  	[sflag:s18] =	ssyncset.done $0x0  }
0x77: {  	[sflag:s18] =	ssyncadd.s32 $0xFFFFFF80  }
0x78: {  	_ =	swait.ge [sflag:s19], $0x80  }
0x79: {  	s28 =	smov.u32 s26;
	[sflag:s19] =	ssyncset.done $0x0  }
0x7a: {  	s25 =	sshra.s32 s25, $0x2;
	[sflag:s19] =	ssyncadd.s32 $0xFFFFFF80  }
0x7b: {  	[spmem:s1] =	stream.indirect.scatter.add.f32 [tilespmem:s17], [sflag:$0x1], $0x1, s25, s16, $0xb8;
	[tilespmem:$0x5580] =	vst v63  }
0x7c: {  	s26 =	sadd.s32 $0x2800, s25  }
0x7d: {  	[spmem:s2] =	stream.indirect.scatter.add.f32 [tilespmem:s17], [sflag:$0x2], $0x1, s26, s16, $0xb8;
	[tilespmem:$0x5580] =	vst v63  }
0x7e: {  	s30 =	sadd.s32 $0x80, s25  }
0x7f: {  	[spmem:s1] =	stream.indirect.scatter.add.f32 [tilespmem:s17], [sflag:$0x1], $0x1, s30, s16, $0xb8;
	[tilespmem:$0x5580] =	vst v63  }
0x80: {  	s31 =	sadd.s32 $0x2880, s25  }
0x81: {  	[spmem:s2] =	stream.indirect.scatter.add.f32 [tilespmem:s17], [sflag:$0x2], $0x1, s31, s16, $0xb8;
	[tilespmem:$0x5580] =	vst v63  }
0x82: {  	s28 =	sadd.s32 $0x100, s25  }
0x83: {  	[spmem:s1] =	stream.indirect.scatter.add.f32 [tilespmem:s17], [sflag:$0x1], $0x1, s28, s16, $0xb8;
	[tilespmem:$0x5580] =	vst v63  }
0x84: {  	s29 =	sadd.s32 $0x2900, s25  }
0x85: {  	[spmem:s2] =	stream.indirect.scatter.add.f32 [tilespmem:s17], [sflag:$0x2], $0x1, s29, s16, $0xb8;
	[tilespmem:$0x5580] =	vst v63  }
0x86: {  	s30 =	sadd.s32 $0x180, s25  }
0x87: {  	[spmem:s1] =	stream.indirect.scatter.add.f32 [tilespmem:s17], [sflag:$0x1], $0x1, s30, s16, $0xb8;
	[tilespmem:$0x5580] =	vst v63  }
0x88: {  	s25 =	sadd.s32 $0x2980, s25  }
0x89: {  	[spmem:s2] =	stream.indirect.scatter.add.f32 [tilespmem:s17], [sflag:$0x2], $0x1, s25, s16, $0xb8;
	[tilespmem:$0x5580] =	vst v63  }
0x8a: {  	_ =	swait.ge [sflag:s18], $0x80  }
0x8b: {  	[sflag:s18] =	ssyncset.done $0x0  }
0x8c: {  	[sflag:s18] =	ssyncadd.s32 $0xFFFFFF80  }
0x8d: {  	_ =	swait.ge [sflag:s19], $0x80  }
0x8e: {  	[sflag:s19] =	ssyncset.done $0x0  }
0x8f: {  	[sflag:s19] =	ssyncadd.s32 $0xFFFFFF80  }
0x90: {  	_ =	swait.ge [sflag:s18], $0x80  }
0x91: {  	[sflag:s18] =	ssyncset.done $0x0  }
0x92: {  	[sflag:s18] =	ssyncadd.s32 $0xFFFFFF80  }
0x93: {  	_ =	swait.ge [sflag:s19], $0x80  }
0x94: {  	[sflag:s19] =	ssyncset.done $0x0  }
0x95: {  	[sflag:s19] =	ssyncadd.s32 $0xFFFFFF80  }
0x96: {  	_ =	swait.ge [sflag:s18], $0x80  }
0x97: {  	[sflag:s18] =	ssyncset.done $0x0  }
0x98: {  	[sflag:s18] =	ssyncadd.s32 $0xFFFFFF80  }
0x99: {  	_ =	swait.ge [sflag:s19], $0x80  }
0x9a: {  	[sflag:s19] =	ssyncset.done $0x0  }
0x9b: {  	[sflag:s19] =	ssyncadd.s32 $0xFFFFFF80  }
0x9c: {  	_ =	swait.ge [sflag:s18], $0x80  }
0x9d: {  	[sflag:s18] =	ssyncset.done $0x0  }
0x9e: {  	[sflag:s18] =	ssyncadd.s32 $0xFFFFFF80  }
0x9f: {  	_ =	swait.ge [sflag:s19], $0x80  }
0xa0: {  	[sflag:s19] =	ssyncset.done $0x0  }
0xa1: {  	s31 =	sshll.u32 s3, $0x6;
	[sflag:s19] =	ssyncadd.s32 $0xFFFFFF80  }
0xa2: {  	s25 =	sor.u32 $0x1C03, s31;
	[bflag:$0x0] =	sbarrier.arrive $0xFFFF  }
0xa3: {  	[hbm:s9@s21], [sflag:s25] =	dma.strided [spmem:s20@s22], $0x50, s18, $0x10   }
0xa4: {  	s24 =	sadd.s32 $0x1, s24;
	_ =	swait.ge [sflag:s14], $0x50  }
0xa5: {  	p1 =	sne.s32 s24, s11;
	[sflag:s14] =	ssyncset.done $0x0  }
.Ltmp1:
0xa6: {  	[sflag:s14] =	ssyncadd.s32 $0xFFFFFFB0;
	(pc) =	sbr.rel @p1 .LBB2_1-.Ltmp1, $4  }
0xa7: {  	[hbm:s10@s21], [sflag:s25] =	dma.strided [spmem:s23@s22], $0x50, s18, $0x10   }
0xa8: {  	_ =	swait.ge [sflag:s14], $0x50  }
0xa9: {  	[sflag:s14] =	ssyncset.done $0x0  }
0xaa: {  	[sflag:s14] =	ssyncadd.s32 $0xFFFFFFB0  }
0xab: {  	_ =	sfence.sel $0x180000  }
0xac: {  	[bflag:$0x0] =	sbarrier.arrive $0xFFFF  }
0xad: {  	_ =	strace $0x90000047  }
0xae: {  	s0 =	sadd.s32 @!p0 $0x100000, s0;
	[bflag:$0x2] =	sbarrier.arrive $0xFFFF  }
0xaf: {  	[sflag:s0] =	ssyncadd.tile.s32 @!p0 $0x1;
	_ =	shalt  }
.Lfunc_end2:
_tile_overlayer_lowered:
.L_overlay_start_2:
0xb0: {  	(tag) =	ssettag $0x2  }
0xb1: {  	s0 =	rddreg [dreg:$0x0];
	s2 =	stileid.u32  }
0xb2: {  	s1 =	rddreg [dreg:$0x1];
	p0 =	sne.s32 s2, $0x0  }
0xb3: {  	s3 =	rddreg [dreg:$0x2];
	[bflag:$0x3] =	sbarrier.arrive $0xFFFF;
	s2 =	simm.s32 @!p0 $0x1C03  }
0xb4: {  	[timem:s3], [sflag:s2] =	dma.local @!p0 [hbm:s0], s1  }
0xb5: {  	s0 =	simm.s32 @!p0 $0x3  }
0xb6: {  	_ =	swait.ge @!p0 [sflag:s0], s1  }
0xb7: {  	s1 =	ssub.s32 @!p0 $0x0, s1;
	[sflag:s0] =	ssyncset.done @!p0 $0x0  }
0xb8: {  	[sflag:s0] =	ssyncadd.s32 @!p0 s1  }
0xb9: {  	[bflag:$0x3] =	sbarrier.arrive $0xFFFF  }
0xba: {  	_ =	shalt  }

</sc_bundles>
